<compile_context>
chip_gen: v7x
topology: tpu7x:2x2x1
jax: 0.10.2.dev20260603
libtpu: 0.0.44.dev20260713+nightly
codegen_flags: <defaults>
</compile_context>

<pallas_src>
import functools

import jax
import jax.numpy as jnp
from jax import lax
from jax.experimental import pallas as pl
from jax.experimental.pallas import tpu as pltpu
from jax.experimental.pallas import tpu_sc as plsc

N_NODES = 10000
D = 128
N_PAD = 10112
N_DEG = 10240
NW = 32
EC = 128
NCHUNK = 80
E_PAD = NW * NCHUNK * EC
NPT = N_PAD // 16
TRASH = N_NODES

NC0 = 80
NC1 = 80
assert NC0 + NC1 == 2 * NCHUNK and NC0 % 4 == 0 and NC1 % 4 == 0

_mesh = plsc.VectorSubcoreMesh(core_axis_name="c", subcore_axis_name="s")


@functools.partial(
    pl.kernel,
    mesh=_mesh,
    out_type=jax.ShapeDtypeStruct((2, N_DEG), jnp.float32),
    scratch_types=[
        pltpu.VMEM((EC,), jnp.int32),
        pltpu.VMEM((EC,), jnp.int32),
        pltpu.VMEM((EC,), jnp.int32),
        pltpu.VMEM((EC,), jnp.int32),
        pltpu.VMEM((EC,), jnp.float32),
        pltpu.VMEM((N_DEG // 16,), jnp.float32),
        pltpu.VMEM_SHARED((N_DEG,), jnp.float32),
        pltpu.SemaphoreType.DMA,
        pltpu.SemaphoreType.DMA,
    ],
)
def _deg_kernel(dsts_hbm, out_hbm, db0, db1, db2, db3,
                ones_v, zb_v, acc_sh, dsem, ssem):
    c = lax.axis_index("c")
    s = lax.axis_index("s")
    base = jnp.where(c == 0, s * NC0, 16 * NC0 + s * NC1)
    nch = jnp.where(c == 0, NC0, NC1)
    npt = N_DEG // 16
    dstb = (db0, db1, db2, db3)

    def fill_ones(i, carry):
        ones_v[pl.ds(i * 16, 16)] = jnp.ones((16,), jnp.float32)
        return carry

    lax.fori_loop(0, EC // 16, fill_ones, 0)

    def fill_zero(i, carry):
        zb_v[pl.ds(i * 16, 16)] = jnp.zeros((16,), jnp.float32)
        return carry

    lax.fori_loop(0, npt // 16, fill_zero, 0)

    pltpu.sync_copy(zb_v, acc_sh.at[pl.ds(s * npt, npt)])
    plsc.subcore_barrier()

    for t in range(4):
        pltpu.async_copy(dsts_hbm.at[base + t], dstb[t], dsem)

    def quad(q, carry):
        for t in range(4):
            cc = q * 4 + t
            db = dstb[t]
            pltpu.make_async_copy(dsts_hbm.at[base + cc], db, dsem).wait()
            pltpu.async_copy(ones_v, acc_sh.at[db], ssem, add=True)

            @pl.when(jnp.logical_and(cc >= 3, cc + 1 < nch))
            def _retire_and_refill():
                nb = dstb[(t + 1) % 4]
                pltpu.make_async_copy(ones_v, acc_sh.at[nb], ssem).wait()
                pltpu.async_copy(dsts_hbm.at[base + cc + 1], nb, dsem)

        return carry

    lax.fori_loop(0, nch // 4, quad, 0)

    for t in range(4):
        pltpu.make_async_copy(ones_v, acc_sh.at[dstb[t]], ssem).wait()

    plsc.subcore_barrier()
    pltpu.sync_copy(acc_sh.at[pl.ds(s * npt, npt)],
                    out_hbm.at[c, pl.ds(s * npt, npt)])


@functools.partial(
    pl.kernel,
    mesh=_mesh,
    out_type=[jax.ShapeDtypeStruct((N_PAD, D), jnp.float32),
              jax.ShapeDtypeStruct((N_PAD, D), jnp.float32)],
    scratch_types=[
        pltpu.VMEM((EC,), jnp.int32),
        pltpu.VMEM((EC,), jnp.int32),
        pltpu.VMEM((EC,), jnp.int32),
        pltpu.VMEM((EC,), jnp.int32),
        pltpu.VMEM((EC,), jnp.int32),
        pltpu.VMEM((EC,), jnp.int32),
        pltpu.VMEM((EC,), jnp.int32),
        pltpu.VMEM((EC,), jnp.int32),
        pltpu.VMEM((EC, D), jnp.float32),
        pltpu.VMEM((EC, D), jnp.float32),
        pltpu.VMEM_SHARED((N_PAD, D), jnp.float32),
        pltpu.SemaphoreType.DMA,
        pltpu.SemaphoreType.DMA,
        pltpu.SemaphoreType.DMA,
    ],
)
def _agg_kernel(g_hbm, srcs_hbm, dsts_hbm, out0_hbm, out1_hbm,
                sb0, sb1, sb2, sb3, db0, db1, db2, db3,
                rows0, rows1, acc_sh, isem, dsem, gsem):
    c = lax.axis_index("c")
    s = lax.axis_index("s")
    base = jnp.where(c == 0, s * NC0, 16 * NC0 + s * NC1)
    nch = jnp.where(c == 0, NC0, NC1)
    srcb = (sb0, sb1, sb2, sb3)
    dstb = (db0, db1, db2, db3)
    rowsb = (rows0, rows1)

    def zero_row(i, carry):
        def zero_lane(k, inner):
            rows0[i, pl.ds(k * 16, 16)] = jnp.zeros((16,), jnp.float32)
            return inner

        lax.fori_loop(0, D // 16, zero_lane, 0)
        return carry

    lax.fori_loop(0, EC, zero_row, 0)

    for k in range(NPT // EC):
        pltpu.sync_copy(rows0, acc_sh.at[pl.ds(s * NPT + k * EC, EC)])
    rem = NPT % EC
    if rem:
        pltpu.sync_copy(rows0.at[pl.ds(0, rem)],
                        acc_sh.at[pl.ds(s * NPT + (NPT // EC) * EC, rem)])
    plsc.subcore_barrier()

    for t in range(4):
        pltpu.async_copy(srcs_hbm.at[base + t], srcb[t], isem)
        pltpu.async_copy(dsts_hbm.at[base + t], dstb[t], dsem)
    for t in range(2):
        pltpu.make_async_copy(srcs_hbm.at[base + t], srcb[t], isem).wait()
        pltpu.async_copy(g_hbm.at[srcb[t]], rowsb[t], gsem)

    def quad(q, carry):
        for t in range(4):
            cc = q * 4 + t
            sb, db, rb = srcb[t], dstb[t], rowsb[t % 2]
            pltpu.make_async_copy(dsts_hbm.at[base + cc], db, dsem).wait()
            pltpu.make_async_copy(g_hbm.at[sb], rb, gsem).wait()
            pltpu.sync_copy(rb, acc_sh.at[db], add=True)

            @pl.when(cc + 2 < nch)
            def _fire_gather():
                sbn = srcb[(t + 2) % 4]
                pltpu.make_async_copy(srcs_hbm.at[base + cc + 2],
                                      sbn, isem).wait()
                pltpu.async_copy(g_hbm.at[sbn], rb, gsem)

            @pl.when(cc + 4 < nch)
            def _refill_idx():
                pltpu.async_copy(srcs_hbm.at[base + cc + 4], sb, isem)
                pltpu.async_copy(dsts_hbm.at[base + cc + 4], db, dsem)

        return carry

    lax.fori_loop(0, nch // 4, quad, 0)
    plsc.subcore_barrier()

    @pl.when(c == 0)
    def _wb0():
        pltpu.sync_copy(acc_sh.at[pl.ds(s * NPT, NPT)],
                        out0_hbm.at[pl.ds(s * NPT, NPT)])

    @pl.when(c == 1)
    def _wb1():
        pltpu.sync_copy(acc_sh.at[pl.ds(s * NPT, NPT)],
                        out1_hbm.at[pl.ds(s * NPT, NPT)])


BLK = 512
_GRID = (N_PAD + BLK - 1) // BLK


def _tc0_body(x_ref, w_ref, sup_ref):
    sup_ref[...] = jnp.dot(x_ref[...], w_ref[...],
                           preferred_element_type=jnp.float32,
                           precision=lax.Precision.HIGHEST)


_tc0 = pl.pallas_call(
    _tc0_body,
    grid=(_GRID,),
    in_specs=[
        pl.BlockSpec((BLK, D), lambda i: (i, 0)),
        pl.BlockSpec((D, D), lambda i: (0, 0)),
    ],
    out_specs=pl.BlockSpec((BLK, D), lambda i: (i, 0)),
    out_shape=jax.ShapeDtypeStruct((N_PAD, D), jnp.float32),
)


def _tc1_body(sup_ref, d0_ref, d1_ref, g_ref, dinv_ref):
    deg = d0_ref[...] + d1_ref[...] + 1.0
    dinv = lax.rsqrt(jnp.maximum(deg, 1.0))
    g_ref[...] = sup_ref[...] * dinv
    dinv_ref[...] = dinv


_tc1 = pl.pallas_call(
    _tc1_body,
    grid=(_GRID,),
    in_specs=[
        pl.BlockSpec((BLK, D), lambda i: (i, 0)),
        pl.BlockSpec((BLK, 1), lambda i: (i, 0)),
        pl.BlockSpec((BLK, 1), lambda i: (i, 0)),
    ],
    out_specs=[
        pl.BlockSpec((BLK, D), lambda i: (i, 0)),
        pl.BlockSpec((BLK, 1), lambda i: (i, 0)),
    ],
    out_shape=[
        jax.ShapeDtypeStruct((N_PAD, D), jnp.float32),
        jax.ShapeDtypeStruct((N_PAD, 1), jnp.float32),
    ],
)


def _tc2_body(p0_ref, p1_ref, g1_ref, dinv_ref, w_ref, g2_ref):
    acc = p0_ref[...] + p1_ref[...] + g1_ref[...]
    h = jnp.maximum(acc * dinv_ref[...], 0.0)
    sup = jnp.dot(h, w_ref[...],
                  preferred_element_type=jnp.float32,
                  precision=lax.Precision.HIGHEST)
    g2_ref[...] = sup * dinv_ref[...]


_tc2 = pl.pallas_call(
    _tc2_body,
    grid=(_GRID,),
    in_specs=[
        pl.BlockSpec((BLK, D), lambda i: (i, 0)),
        pl.BlockSpec((BLK, D), lambda i: (i, 0)),
        pl.BlockSpec((BLK, D), lambda i: (i, 0)),
        pl.BlockSpec((BLK, 1), lambda i: (i, 0)),
        pl.BlockSpec((D, D), lambda i: (0, 0)),
    ],
    out_specs=pl.BlockSpec((BLK, D), lambda i: (i, 0)),
    out_shape=jax.ShapeDtypeStruct((N_PAD, D), jnp.float32),
)


def _tc3_body(p0_ref, p1_ref, g2_ref, dinv_ref, out_ref):
    acc = p0_ref[...] + p1_ref[...] + g2_ref[...]
    out_ref[...] = acc * dinv_ref[...]


_tc3 = pl.pallas_call(
    _tc3_body,
    grid=(_GRID,),
    in_specs=[
        pl.BlockSpec((BLK, D), lambda i: (i, 0)),
        pl.BlockSpec((BLK, D), lambda i: (i, 0)),
        pl.BlockSpec((BLK, D), lambda i: (i, 0)),
        pl.BlockSpec((BLK, 1), lambda i: (i, 0)),
    ],
    out_specs=pl.BlockSpec((BLK, D), lambda i: (i, 0)),
    out_shape=jax.ShapeDtypeStruct((N_NODES, D), jnp.float32),
)


def kernel(x, edge_index, W1, W2):
    src = edge_index[0].astype(jnp.int32)
    dst = edge_index[1].astype(jnp.int32)
    npad_e = E_PAD - src.shape[0]
    fill = TRASH + (jnp.arange(npad_e, dtype=jnp.int32) % (N_PAD - TRASH))
    srcs = jnp.concatenate([src, fill]).reshape(NW * NCHUNK, EC)
    dsts = jnp.concatenate([dst, fill]).reshape(NW * NCHUNK, EC)

    degp = _deg_kernel(dsts)
    sup1 = _tc0(x, W1)
    d0 = degp[0, :N_PAD].reshape(N_PAD, 1)
    d1 = degp[1, :N_PAD].reshape(N_PAD, 1)

    g1, dinv = _tc1(sup1, d0, d1)
    p0, p1 = _agg_kernel(g1, srcs, dsts)
    g2 = _tc2(p0, p1, g1, dinv, W2)
    q0, q1 = _agg_kernel(g2, srcs, dsts)
    return _tc3(q0, q1, g2, dinv)

# --- scband reference (transcript-rebuilt; emitter-appended) ---
"""Pipeline reference for scband-gcn-39058432590069 (READ-ONLY COPY).

The authoritative reference and input builder live on the scoring server;
editing this copy changes nothing except your own understanding.
"""

import jax, jax.numpy as jnp
import numpy as np

N_NODES = 10000
N_EDGES = 320000
D_IN = 128
HIDDEN = [128, 128]


def _xavier_uniform(key, shape):
    fan_in, fan_out = shape[0], shape[1]
    limit = float(np.sqrt(6.0 / (fan_in + fan_out)))
    return jax.random.uniform(key, shape, jnp.float32, -limit, limit)


def setup_inputs(seed: int = 0) -> dict:
    key = jax.random.key(seed)
    k1, k2, k3, k4 = jax.random.split(key, 4)
    x = jax.random.normal(k1, (N_NODES, D_IN), dtype=jnp.float32)
    edge_index = jax.random.randint(k2, (2, N_EDGES), 0, N_NODES)
    W1 = _xavier_uniform(k3, (D_IN, HIDDEN[0]))
    W2 = _xavier_uniform(k4, (HIDDEN[0], HIDDEN[1]))
    return {"x": x, "edge_index": edge_index, "W1": W1, "W2": W2}


def _gcn_layer(x, W, src, dst, num_nodes):
    # support = x @ W
    support = jnp.dot(x, W)
    # add self loops
    loop = jnp.arange(num_nodes, dtype=src.dtype)
    s = jnp.concatenate([src, loop])
    d = jnp.concatenate([dst, loop])
    # symmetric normalization D^{-1/2} (A + I) D^{-1/2}
    deg = jax.ops.segment_sum(jnp.ones(s.shape[0], jnp.float32), d, num_segments=num_nodes)
    dinv = 1.0 / jnp.sqrt(jnp.clip(deg, 1.0))
    vals = dinv[s] * dinv[d]
    # sparse mm: gather rows of support by src, scale, scatter-add to dst
    msg = vals[:, None] * jnp.take(support, s, axis=0)
    return jax.ops.segment_sum(msg, d, num_segments=num_nodes)


def reference(x, edge_index, W1, W2):
    src = edge_index[0]
    dst = edge_index[1]
    h = jax.nn.relu(_gcn_layer(x, W1, src, dst, N_NODES))
    # dropout p=0.0 -> identity
    logits = _gcn_layer(h, W2, src, dst, N_NODES)
    return logits

if __name__ == "__main__":
    import jax
    _d = setup_inputs()
    print(jax.jit(kernel)(*tuple(_d.values())))

</pallas_src>

<mosaic_0001>
#map = affine_map<(d0, d1) -> (0, 0)>
module attributes {stable_mosaic.version = 14 : i64} {
  func.func @_deg_kernel(%arg0: i32, %arg1: i32, %arg2: memref<2560x128xi32, #tpu.memory_space<hbm>>, %arg3: memref<2x10240xf32, #tpu.memory_space<hbm>>, %arg4: memref<128xi32, #tpu.memory_space<vmem>>, %arg5: memref<128xi32, #tpu.memory_space<vmem>>, %arg6: memref<128xi32, #tpu.memory_space<vmem>>, %arg7: memref<128xi32, #tpu.memory_space<vmem>>, %arg8: memref<128xf32, #tpu.memory_space<vmem>>, %arg9: memref<640xf32, #tpu.memory_space<vmem>>, %arg10: memref<10240xf32, #tpu.memory_space<vmem_shared>>, %arg11: memref<!tpu.dma_semaphore, #tpu.memory_space<semaphore_mem>>, %arg12: memref<!tpu.dma_semaphore, #tpu.memory_space<semaphore_mem>>) attributes {dimension_semantics = [#tpu.dimension_semantics<core_parallel>, #tpu.dimension_semantics<subcore_parallel>], iteration_bounds = array<i64: 2, 16>, scalar_prefetch = 0 : i64, scratch_operands = 9 : i64, tpu.core_type = #tpu.core_type<sc_vector_subcore>, window_params = [{transform_indices = #map}, {transform_indices = #map}]} {
    %eq3A = arith.constant 0 : i32
    %eq3A_0 = arith.cmpi eq, %arg0, %eq3A : i32
    %mul3A = arith.constant 80 : i32
    %mul3A_1 = arith.muli %arg1, %mul3A : i32
    %mul3A_2 = arith.constant 80 : i32
    %mul3A_3 = arith.muli %arg1, %mul3A_2 : i32
    %add3A = arith.constant 1280 : i32
    %add3A_4 = arith.addi %add3A, %mul3A_3 : i32
    %select_n3A = arith.select %eq3A_0, %mul3A_1, %add3A_4 : i32
    %eq3A_5 = arith.constant 0 : i32
    %eq3A_6 = arith.cmpi eq, %arg0, %eq3A_5 : i32
    %jit3A = arith.constant 80 : i32
    %jit3A_7 = arith.constant 80 : i32
    %select_n3A_8 = arith.select %eq3A_6, %jit3A, %jit3A_7 : i32
    %scan3A = arith.constant 0 : i32
    %scan3A_9 = arith.constant 0 : i32
    %scan3A_10 = arith.constant 8 : i32
    %scan3A_11 = arith.addi %scan3A_9, %scan3A_10 : i32
    %scan3A_12 = arith.constant 1 : i32
    scf.for %scan3A_92 = %scan3A_9 to %scan3A_11 step %scan3A_12  : i32 {
      %broadcast_in_dim3A = arith.constant 1.000000e+00 : f32
      %broadcast_in_dim3A_93 = vector.broadcast %broadcast_in_dim3A : f32 to vector<16xf32>
      %mul3A_94 = arith.constant 16 : i32
      %mul3A_95 = arith.muli %scan3A_92, %mul3A_94 : i32
      %swap3A = arith.index_cast %mul3A_95 : i32 to index
      %swap3A_96 = tpu.vector_load %arg8[%swap3A] {strides = array<i32>} : memref<128xf32, #tpu.memory_space<vmem>>, vector<16xf32>,
      %swap3A_97 = vector.shape_cast %swap3A_96 : vector<16xf32> to vector<16xf32>
      %swap3A_98 = vector.shape_cast %broadcast_in_dim3A_93 : vector<16xf32> to vector<16xf32>
      tpu.vector_store %arg8[%swap3A], %swap3A_98 {strides = array<i32>} : memref<128xf32, #tpu.memory_space<vmem>>, vector<16xf32>,
    }
    %scan3A_13 = arith.constant 8 : i32
    %scan3A_14 = arith.constant 0 : i32
    %scan3A_15 = arith.constant 0 : i32
    %scan3A_16 = arith.constant 40 : i32
    %scan3A_17 = arith.addi %scan3A_15, %scan3A_16 : i32
    %scan3A_18 = arith.constant 1 : i32
    scf.for %scan3A_92 = %scan3A_15 to %scan3A_17 step %scan3A_18  : i32 {
      %broadcast_in_dim3A = arith.constant 0.000000e+00 : f32
      %broadcast_in_dim3A_93 = vector.broadcast %broadcast_in_dim3A : f32 to vector<16xf32>
      %mul3A_94 = arith.constant 16 : i32
      %mul3A_95 = arith.muli %scan3A_92, %mul3A_94 : i32
      %swap3A = arith.index_cast %mul3A_95 : i32 to index
      %swap3A_96 = tpu.vector_load %arg9[%swap3A] {strides = array<i32>} : memref<640xf32, #tpu.memory_space<vmem>>, vector<16xf32>,
      %swap3A_97 = vector.shape_cast %swap3A_96 : vector<16xf32> to vector<16xf32>
      %swap3A_98 = vector.shape_cast %broadcast_in_dim3A_93 : vector<16xf32> to vector<16xf32>
      tpu.vector_store %arg9[%swap3A], %swap3A_98 {strides = array<i32>} : memref<640xf32, #tpu.memory_space<vmem>>, vector<16xf32>,
    }
    %scan3A_19 = arith.constant 40 : i32
    %mul3A_20 = arith.constant 640 : i32
    %mul3A_21 = arith.muli %arg1, %mul3A_20 : i32
    "tpu.region"() ({
      %run_scoped3A = tpu.sem_alloc : memref<!tpu.dma_semaphore, #tpu.memory_space<semaphore_mem>>
      %dma_start3A_92 = tpu.memref_slice %arg10[%mul3A_21] : memref<10240xf32, #tpu.memory_space<vmem_shared>> -> memref<640xf32, #tpu.memory_space<vmem_shared>>
      %dma_start3A_93 = tpu.memref_slice %arg10[%mul3A_21] : memref<10240xf32, #tpu.memory_space<vmem_shared>> -> memref<640xf32, #tpu.memory_space<vmem_shared>>
      tpu.enqueue_dma source(%arg9 : memref<640xf32, #tpu.memory_space<vmem>>) target(%dma_start3A_93 : memref<640xf32, #tpu.memory_space<vmem_shared>>) target_semaphore(%run_scoped3A : memref<!tpu.dma_semaphore, #tpu.memory_space<semaphore_mem>>)
      %dma_wait3A_94 = tpu.memref_slice %arg10[%mul3A_21] : memref<10240xf32, #tpu.memory_space<vmem_shared>> -> memref<640xf32, #tpu.memory_space<vmem_shared>>
      %dma_wait3A_95 = tpu.memref_slice %arg10[%mul3A_21] : memref<10240xf32, #tpu.memory_space<vmem_shared>> -> memref<640xf32, #tpu.memory_space<vmem_shared>>
      tpu.wait_dma2 semaphore(%run_scoped3A : memref<!tpu.dma_semaphore, #tpu.memory_space<semaphore_mem>>) src(%arg9 : memref<640xf32, #tpu.memory_space<vmem>>) dst(%dma_wait3A_95 : memref<640xf32, #tpu.memory_space<vmem_shared>>)
      tpu.yield
    }) : () -> ()
    %barrier3A = arith.constant 0 : index
    tpu.barrier barrier_id(%barrier3A)
    %add3A_22 = arith.constant 0 : i32
    %add3A_23 = arith.addi %select_n3A, %add3A_22 : i32
    %dma_start3A = arith.constant 0 : i32
    %dma_start3A_24 = tpu.memref_slice %arg2[%add3A_23, %dma_start3A] : memref<2560x128xi32, #tpu.memory_space<hbm>> -> memref<1x128xi32, #tpu.memory_space<hbm>>
    %dma_start3A_25 = tpu.memref_squeeze %dma_start3A_24 : memref<1x128xi32, #tpu.memory_space<hbm>> -> memref<128xi32, #tpu.memory_space<hbm>>
    %dma_start3A_26 = arith.constant 0 : i32
    %dma_start3A_27 = tpu.memref_slice %arg2[%add3A_23, %dma_start3A_26] : memref<2560x128xi32, #tpu.memory_space<hbm>> -> memref<1x128xi32, #tpu.memory_space<hbm>>
    %dma_start3A_28 = tpu.memref_squeeze %dma_start3A_27 : memref<1x128xi32, #tpu.memory_space<hbm>> -> memref<128xi32, #tpu.memory_space<hbm>>
    tpu.enqueue_dma source(%dma_start3A_28 : memref<128xi32, #tpu.memory_space<hbm>>) target(%arg4 : memref<128xi32, #tpu.memory_space<vmem>>) target_semaphore(%arg11 : memref<!tpu.dma_semaphore, #tpu.memory_space<semaphore_mem>>)
    %add3A_29 = arith.constant 1 : i32
    %add3A_30 = arith.addi %select_n3A, %add3A_29 : i32
    %dma_start3A_31 = arith.constant 0 : i32
    %dma_start3A_32 = tpu.memref_slice %arg2[%add3A_30, %dma_start3A_31] : memref<2560x128xi32, #tpu.memory_space<hbm>> -> memref<1x128xi32, #tpu.memory_space<hbm>>
    %dma_start3A_33 = tpu.memref_squeeze %dma_start3A_32 : memref<1x128xi32, #tpu.memory_space<hbm>> -> memref<128xi32, #tpu.memory_space<hbm>>
    %dma_start3A_34 = arith.constant 0 : i32
    %dma_start3A_35 = tpu.memref_slice %arg2[%add3A_30, %dma_start3A_34] : memref<2560x128xi32, #tpu.memory_space<hbm>> -> memref<1x128xi32, #tpu.memory_space<hbm>>
    %dma_start3A_36 = tpu.memref_squeeze %dma_start3A_35 : memref<1x128xi32, #tpu.memory_space<hbm>> -> memref<128xi32, #tpu.memory_space<hbm>>
    tpu.enqueue_dma source(%dma_start3A_36 : memref<128xi32, #tpu.memory_space<hbm>>) target(%arg5 : memref<128xi32, #tpu.memory_space<vmem>>) target_semaphore(%arg11 : memref<!tpu.dma_semaphore, #tpu.memory_space<semaphore_mem>>)
    %add3A_37 = arith.constant 2 : i32
    %add3A_38 = arith.addi %select_n3A, %add3A_37 : i32
    %dma_start3A_39 = arith.constant 0 : i32
    %dma_start3A_40 = tpu.memref_slice %arg2[%add3A_38, %dma_start3A_39] : memref<2560x128xi32, #tpu.memory_space<hbm>> -> memref<1x128xi32, #tpu.memory_space<hbm>>
    %dma_start3A_41 = tpu.memref_squeeze %dma_start3A_40 : memref<1x128xi32, #tpu.memory_space<hbm>> -> memref<128xi32, #tpu.memory_space<hbm>>
    %dma_start3A_42 = arith.constant 0 : i32
    %dma_start3A_43 = tpu.memref_slice %arg2[%add3A_38, %dma_start3A_42] : memref<2560x128xi32, #tpu.memory_space<hbm>> -> memref<1x128xi32, #tpu.memory_space<hbm>>
    %dma_start3A_44 = tpu.memref_squeeze %dma_start3A_43 : memref<1x128xi32, #tpu.memory_space<hbm>> -> memref<128xi32, #tpu.memory_space<hbm>>
    tpu.enqueue_dma source(%dma_start3A_44 : memref<128xi32, #tpu.memory_space<hbm>>) target(%arg6 : memref<128xi32, #tpu.memory_space<vmem>>) target_semaphore(%arg11 : memref<!tpu.dma_semaphore, #tpu.memory_space<semaphore_mem>>)
    %add3A_45 = arith.constant 3 : i32
    %add3A_46 = arith.addi %select_n3A, %add3A_45 : i32
    %dma_start3A_47 = arith.constant 0 : i32
    %dma_start3A_48 = tpu.memref_slice %arg2[%add3A_46, %dma_start3A_47] : memref<2560x128xi32, #tpu.memory_space<hbm>> -> memref<1x128xi32, #tpu.memory_space<hbm>>
    %dma_start3A_49 = tpu.memref_squeeze %dma_start3A_48 : memref<1x128xi32, #tpu.memory_space<hbm>> -> memref<128xi32, #tpu.memory_space<hbm>>
    %dma_start3A_50 = arith.constant 0 : i32
    %dma_start3A_51 = tpu.memref_slice %arg2[%add3A_46, %dma_start3A_50] : memref<2560x128xi32, #tpu.memory_space<hbm>> -> memref<1x128xi32, #tpu.memory_space<hbm>>
    %dma_start3A_52 = tpu.memref_squeeze %dma_start3A_51 : memref<1x128xi32, #tpu.memory_space<hbm>> -> memref<128xi32, #tpu.memory_space<hbm>>
    tpu.enqueue_dma source(%dma_start3A_52 : memref<128xi32, #tpu.memory_space<hbm>>) target(%arg7 : memref<128xi32, #tpu.memory_space<vmem>>) target_semaphore(%arg11 : memref<!tpu.dma_semaphore, #tpu.memory_space<semaphore_mem>>)
    %jit3A_53 = arith.constant 4 : i32
    %div3A = arith.divsi %select_n3A_8, %jit3A_53 : i32
    %sign3A = arith.constant 0 : i32
    %sign3A_54 = arith.cmpi sgt, %select_n3A_8, %sign3A : i32
    %sign3A_55 = arith.extui %sign3A_54 : i1 to i32
    %sign3A_56 = arith.constant 0 : i32
    %sign3A_57 = arith.cmpi slt, %select_n3A_8, %sign3A_56 : i32
    %sign3A_58 = arith.extui %sign3A_57 : i1 to i32
    %sign3A_59 = arith.subi %sign3A_55, %sign3A_58 : i32
    %sign3A_60 = arith.constant 0 : i32
    %sign3A_61 = arith.cmpi sgt, %jit3A_53, %sign3A_60 : i32
    %sign3A_62 = arith.extui %sign3A_61 : i1 to i32
    %sign3A_63 = arith.constant 0 : i32
    %sign3A_64 = arith.cmpi slt, %jit3A_53, %sign3A_63 : i32
    %sign3A_65 = arith.extui %sign3A_64 : i1 to i32
    %sign3A_66 = arith.subi %sign3A_62, %sign3A_65 : i32
    %ne3A = arith.cmpi ne, %sign3A_59, %sign3A_66 : i32
    %rem3A = arith.remsi %select_n3A_8, %jit3A_53 : i32
    %ne3A_67 = arith.constant 0 : i32
    %ne3A_68 = arith.cmpi ne, %rem3A, %ne3A_67 : i32
    %and3A = arith.andi %ne3A, %ne3A_68 : i1
    %sub3A = arith.constant 1 : i32
    %sub3A_69 = arith.subi %div3A, %sub3A : i32
    %select_n3A_70 = arith.select %and3A, %sub3A_69, %div3A : i32
    %while3A = arith.constant 0 : i32
    %while3A_71 = arith.constant 0 : i32
    %while3A_72 = arith.subi %select_n3A_70, %while3A_71 : i32
    %while3A_73 = arith.addi %while3A_71, %while3A_72 : i32
    %while3A_74 = arith.constant 1 : i32
    %while3A_75 = arith.divsi %while3A_72, %while3A_74 : i32
    %while3A_76 = arith.muli %while3A_75, %while3A_74 : i32
    %while3A_77 = arith.addi %while3A_71, %while3A_76 : i32
    %while3A_78 = arith.constant 1 : i32
    scf.for %while3A_92 = %while3A_71 to %while3A_77 step %while3A_78  : i32 {
      %mul3A_93 = arith.constant 4 : i32
      %mul3A_94 = arith.muli %while3A_92, %mul3A_93 : i32
      %add3A_95 = arith.constant 0 : i32
      %add3A_96 = arith.addi %mul3A_94, %add3A_95 : i32
      %add3A_97 = arith.addi %select_n3A, %add3A_96 : i32
      %dma_wait3A_98 = arith.constant 0 : i32
      %dma_wait3A_99 = tpu.memref_slice %arg2[%add3A_97, %dma_wait3A_98] : memref<2560x128xi32, #tpu.memory_space<hbm>> -> memref<1x128xi32, #tpu.memory_space<hbm>>
      %dma_wait3A_100 = tpu.memref_squeeze %dma_wait3A_99 : memref<1x128xi32, #tpu.memory_space<hbm>> -> memref<128xi32, #tpu.memory_space<hbm>>
      %dma_wait3A_101 = arith.constant 0 : i32
      %dma_wait3A_102 = tpu.memref_slice %arg2[%add3A_97, %dma_wait3A_101] : memref<2560x128xi32, #tpu.memory_space<hbm>> -> memref<1x128xi32, #tpu.memory_space<hbm>>
      %dma_wait3A_103 = tpu.memref_squeeze %dma_wait3A_102 : memref<1x128xi32, #tpu.memory_space<hbm>> -> memref<128xi32, #tpu.memory_space<hbm>>
      tpu.wait_dma2 semaphore(%arg11 : memref<!tpu.dma_semaphore, #tpu.memory_space<semaphore_mem>>) src(%dma_wait3A_103 : memref<128xi32, #tpu.memory_space<hbm>>) dst(%arg4 : memref<128xi32, #tpu.memory_space<vmem>>)
      %dma_start3A_104 = arith.constant 0 : i32
      %dma_start3A_105 = tpu.memref_slice %arg10[%dma_start3A_104] : memref<10240xf32, #tpu.memory_space<vmem_shared>> -> memref<10240xf32, #tpu.memory_space<vmem_shared>>
      tpu.enqueue_indirect_dma source(%arg8 : memref<128xf32, #tpu.memory_space<vmem>>) target(%dma_start3A_105 : memref<10240xf32, #tpu.memory_space<vmem_shared>>) offsets(%arg4 : memref<128xi32, #tpu.memory_space<vmem>>) semaphore(%arg12 : memref<!tpu.dma_semaphore, #tpu.memory_space<semaphore_mem>>) {add = true}
      %ge3A = arith.constant 3 : i32
      %ge3A_106 = arith.cmpi sge, %add3A_96, %ge3A : i32
      %add3A_107 = arith.constant 1 : i32
      %add3A_108 = arith.addi %add3A_96, %add3A_107 : i32
      %lt3A = arith.cmpi slt, %add3A_108, %select_n3A_8 : i32
      %and3A_109 = arith.andi %ge3A_106, %lt3A : i1
      %convert_element_type3A = arith.extui %and3A_109 : i1 to i32
      %cond3A = arith.constant 0 : i32
      %cond3A_110 = arith.cmpi ne, %convert_element_type3A, %cond3A : i32
      scf.if %cond3A_110 {
        %dma_wait3A_177 = arith.constant 0 : i32
        %dma_wait3A_178 = tpu.memref_slice %arg10[%dma_wait3A_177] : memref<10240xf32, #tpu.memory_space<vmem_shared>> -> memref<10240xf32, #tpu.memory_space<vmem_shared>>
        tpu.wait_indirect_dma semaphore(%arg12 : memref<!tpu.dma_semaphore, #tpu.memory_space<semaphore_mem>>) src(%arg8 : memref<128xf32, #tpu.memory_space<vmem>>) dst(%dma_wait3A_178 : memref<10240xf32, #tpu.memory_space<vmem_shared>>)
        %add3A_179 = arith.addi %select_n3A, %add3A_96 : i32
        %add3A_180 = arith.constant 1 : i32
        %add3A_181 = arith.addi %add3A_179, %add3A_180 : i32
        %dma_start3A_182 = arith.constant 0 : i32
        %dma_start3A_183 = tpu.memref_slice %arg2[%add3A_181, %dma_start3A_182] : memref<2560x128xi32, #tpu.memory_space<hbm>> -> memref<1x128xi32, #tpu.memory_space<hbm>>
        %dma_start3A_184 = tpu.memref_squeeze %dma_start3A_183 : memref<1x128xi32, #tpu.memory_space<hbm>> -> memref<128xi32, #tpu.memory_space<hbm>>
        %dma_start3A_185 = arith.constant 0 : i32
        %dma_start3A_186 = tpu.memref_slice %arg2[%add3A_181, %dma_start3A_185] : memref<2560x128xi32, #tpu.memory_space<hbm>> -> memref<1x128xi32, #tpu.memory_space<hbm>>
        %dma_start3A_187 = tpu.memref_squeeze %dma_start3A_186 : memref<1x128xi32, #tpu.memory_space<hbm>> -> memref<128xi32, #tpu.memory_space<hbm>>
        tpu.enqueue_dma source(%dma_start3A_187 : memref<128xi32, #tpu.memory_space<hbm>>) target(%arg5 : memref<128xi32, #tpu.memory_space<vmem>>) target_semaphore(%arg11 : memref<!tpu.dma_semaphore, #tpu.memory_space<semaphore_mem>>)
      } else {
      }
      %mul3A_111 = arith.constant 4 : i32
      %mul3A_112 = arith.muli %while3A_92, %mul3A_111 : i32
      %add3A_113 = arith.constant 1 : i32
      %add3A_114 = arith.addi %mul3A_112, %add3A_113 : i32
      %add3A_115 = arith.addi %select_n3A, %add3A_114 : i32
      %dma_wait3A_116 = arith.constant 0 : i32
      %dma_wait3A_117 = tpu.memref_slice %arg2[%add3A_115, %dma_wait3A_116] : memref<2560x128xi32, #tpu.memory_space<hbm>> -> memref<1x128xi32, #tpu.memory_space<hbm>>
      %dma_wait3A_118 = tpu.memref_squeeze %dma_wait3A_117 : memref<1x128xi32, #tpu.memory_space<hbm>> -> memref<128xi32, #tpu.memory_space<hbm>>
      %dma_wait3A_119 = arith.constant 0 : i32
      %dma_wait3A_120 = tpu.memref_slice %arg2[%add3A_115, %dma_wait3A_119] : memref<2560x128xi32, #tpu.memory_space<hbm>> -> memref<1x128xi32, #tpu.memory_space<hbm>>
      %dma_wait3A_121 = tpu.memref_squeeze %dma_wait3A_120 : memref<1x128xi32, #tpu.memory_space<hbm>> -> memref<128xi32, #tpu.memory_space<hbm>>
      tpu.wait_dma2 semaphore(%arg11 : memref<!tpu.dma_semaphore, #tpu.memory_space<semaphore_mem>>) src(%dma_wait3A_121 : memref<128xi32, #tpu.memory_space<hbm>>) dst(%arg5 : memref<128xi32, #tpu.memory_space<vmem>>)
      %dma_start3A_122 = arith.constant 0 : i32
      %dma_start3A_123 = tpu.memref_slice %arg10[%dma_start3A_122] : memref<10240xf32, #tpu.memory_space<vmem_shared>> -> memref<10240xf32, #tpu.memory_space<vmem_shared>>
      tpu.enqueue_indirect_dma source(%arg8 : memref<128xf32, #tpu.memory_space<vmem>>) target(%dma_start3A_123 : memref<10240xf32, #tpu.memory_space<vmem_shared>>) offsets(%arg5 : memref<128xi32, #tpu.memory_space<vmem>>) semaphore(%arg12 : memref<!tpu.dma_semaphore, #tpu.memory_space<semaphore_mem>>) {add = true}
      %ge3A_124 = arith.constant 3 : i32
      %ge3A_125 = arith.cmpi sge, %add3A_114, %ge3A_124 : i32
      %add3A_126 = arith.constant 1 : i32
      %add3A_127 = arith.addi %add3A_114, %add3A_126 : i32
      %lt3A_128 = arith.cmpi slt, %add3A_127, %select_n3A_8 : i32
      %and3A_129 = arith.andi %ge3A_125, %lt3A_128 : i1
      %convert_element_type3A_130 = arith.extui %and3A_129 : i1 to i32
      %cond3A_131 = arith.constant 0 : i32
      %cond3A_132 = arith.cmpi ne, %convert_element_type3A_130, %cond3A_131 : i32
      scf.if %cond3A_132 {
        %dma_wait3A_177 = arith.constant 0 : i32
        %dma_wait3A_178 = tpu.memref_slice %arg10[%dma_wait3A_177] : memref<10240xf32, #tpu.memory_space<vmem_shared>> -> memref<10240xf32, #tpu.memory_space<vmem_shared>>
        tpu.wait_indirect_dma semaphore(%arg12 : memref<!tpu.dma_semaphore, #tpu.memory_space<semaphore_mem>>) src(%arg8 : memref<128xf32, #tpu.memory_space<vmem>>) dst(%dma_wait3A_178 : memref<10240xf32, #tpu.memory_space<vmem_shared>>)
        %add3A_179 = arith.addi %select_n3A, %add3A_114 : i32
        %add3A_180 = arith.constant 1 : i32
        %add3A_181 = arith.addi %add3A_179, %add3A_180 : i32
        %dma_start3A_182 = arith.constant 0 : i32
        %dma_start3A_183 = tpu.memref_slice %arg2[%add3A_181, %dma_start3A_182] : memref<2560x128xi32, #tpu.memory_space<hbm>> -> memref<1x128xi32, #tpu.memory_space<hbm>>
        %dma_start3A_184 = tpu.memref_squeeze %dma_start3A_183 : memref<1x128xi32, #tpu.memory_space<hbm>> -> memref<128xi32, #tpu.memory_space<hbm>>
        %dma_start3A_185 = arith.constant 0 : i32
        %dma_start3A_186 = tpu.memref_slice %arg2[%add3A_181, %dma_start3A_185] : memref<2560x128xi32, #tpu.memory_space<hbm>> -> memref<1x128xi32, #tpu.memory_space<hbm>>
        %dma_start3A_187 = tpu.memref_squeeze %dma_start3A_186 : memref<1x128xi32, #tpu.memory_space<hbm>> -> memref<128xi32, #tpu.memory_space<hbm>>
        tpu.enqueue_dma source(%dma_start3A_187 : memref<128xi32, #tpu.memory_space<hbm>>) target(%arg6 : memref<128xi32, #tpu.memory_space<vmem>>) target_semaphore(%arg11 : memref<!tpu.dma_semaphore, #tpu.memory_space<semaphore_mem>>)
      } else {
      }
      %mul3A_133 = arith.constant 4 : i32
      %mul3A_134 = arith.muli %while3A_92, %mul3A_133 : i32
      %add3A_135 = arith.constant 2 : i32
      %add3A_136 = arith.addi %mul3A_134, %add3A_135 : i32
      %add3A_137 = arith.addi %select_n3A, %add3A_136 : i32
      %dma_wait3A_138 = arith.constant 0 : i32
      %dma_wait3A_139 = tpu.memref_slice %arg2[%add3A_137, %dma_wait3A_138] : memref<2560x128xi32, #tpu.memory_space<hbm>> -> memref<1x128xi32, #tpu.memory_space<hbm>>
      %dma_wait3A_140 = tpu.memref_squeeze %dma_wait3A_139 : memref<1x128xi32, #tpu.memory_space<hbm>> -> memref<128xi32, #tpu.memory_space<hbm>>
      %dma_wait3A_141 = arith.constant 0 : i32
      %dma_wait3A_142 = tpu.memref_slice %arg2[%add3A_137, %dma_wait3A_141] : memref<2560x128xi32, #tpu.memory_space<hbm>> -> memref<1x128xi32, #tpu.memory_space<hbm>>
      %dma_wait3A_143 = tpu.memref_squeeze %dma_wait3A_142 : memref<1x128xi32, #tpu.memory_space<hbm>> -> memref<128xi32, #tpu.memory_space<hbm>>
      tpu.wait_dma2 semaphore(%arg11 : memref<!tpu.dma_semaphore, #tpu.memory_space<semaphore_mem>>) src(%dma_wait3A_143 : memref<128xi32, #tpu.memory_space<hbm>>) dst(%arg6 : memref<128xi32, #tpu.memory_space<vmem>>)
      %dma_start3A_144 = arith.constant 0 : i32
      %dma_start3A_145 = tpu.memref_slice %arg10[%dma_start3A_144] : memref<10240xf32, #tpu.memory_space<vmem_shared>> -> memref<10240xf32, #tpu.memory_space<vmem_shared>>
      tpu.enqueue_indirect_dma source(%arg8 : memref<128xf32, #tpu.memory_space<vmem>>) target(%dma_start3A_145 : memref<10240xf32, #tpu.memory_space<vmem_shared>>) offsets(%arg6 : memref<128xi32, #tpu.memory_space<vmem>>) semaphore(%arg12 : memref<!tpu.dma_semaphore, #tpu.memory_space<semaphore_mem>>) {add = true}
      %ge3A_146 = arith.constant 3 : i32
      %ge3A_147 = arith.cmpi sge, %add3A_136, %ge3A_146 : i32
      %add3A_148 = arith.constant 1 : i32
      %add3A_149 = arith.addi %add3A_136, %add3A_148 : i32
      %lt3A_150 = arith.cmpi slt, %add3A_149, %select_n3A_8 : i32
      %and3A_151 = arith.andi %ge3A_147, %lt3A_150 : i1
      %convert_element_type3A_152 = arith.extui %and3A_151 : i1 to i32
      %cond3A_153 = arith.constant 0 : i32
      %cond3A_154 = arith.cmpi ne, %convert_element_type3A_152, %cond3A_153 : i32
      scf.if %cond3A_154 {
        %dma_wait3A_177 = arith.constant 0 : i32
        %dma_wait3A_178 = tpu.memref_slice %arg10[%dma_wait3A_177] : memref<10240xf32, #tpu.memory_space<vmem_shared>> -> memref<10240xf32, #tpu.memory_space<vmem_shared>>
        tpu.wait_indirect_dma semaphore(%arg12 : memref<!tpu.dma_semaphore, #tpu.memory_space<semaphore_mem>>) src(%arg8 : memref<128xf32, #tpu.memory_space<vmem>>) dst(%dma_wait3A_178 : memref<10240xf32, #tpu.memory_space<vmem_shared>>)
        %add3A_179 = arith.addi %select_n3A, %add3A_136 : i32
        %add3A_180 = arith.constant 1 : i32
        %add3A_181 = arith.addi %add3A_179, %add3A_180 : i32
        %dma_start3A_182 = arith.constant 0 : i32
        %dma_start3A_183 = tpu.memref_slice %arg2[%add3A_181, %dma_start3A_182] : memref<2560x128xi32, #tpu.memory_space<hbm>> -> memref<1x128xi32, #tpu.memory_space<hbm>>
        %dma_start3A_184 = tpu.memref_squeeze %dma_start3A_183 : memref<1x128xi32, #tpu.memory_space<hbm>> -> memref<128xi32, #tpu.memory_space<hbm>>
        %dma_start3A_185 = arith.constant 0 : i32
        %dma_start3A_186 = tpu.memref_slice %arg2[%add3A_181, %dma_start3A_185] : memref<2560x128xi32, #tpu.memory_space<hbm>> -> memref<1x128xi32, #tpu.memory_space<hbm>>
        %dma_start3A_187 = tpu.memref_squeeze %dma_start3A_186 : memref<1x128xi32, #tpu.memory_space<hbm>> -> memref<128xi32, #tpu.memory_space<hbm>>
        tpu.enqueue_dma source(%dma_start3A_187 : memref<128xi32, #tpu.memory_space<hbm>>) target(%arg7 : memref<128xi32, #tpu.memory_space<vmem>>) target_semaphore(%arg11 : memref<!tpu.dma_semaphore, #tpu.memory_space<semaphore_mem>>)
      } else {
      }
      %mul3A_155 = arith.constant 4 : i32
      %mul3A_156 = arith.muli %while3A_92, %mul3A_155 : i32
      %add3A_157 = arith.constant 3 : i32
      %add3A_158 = arith.addi %mul3A_156, %add3A_157 : i32
      %add3A_159 = arith.addi %select_n3A, %add3A_158 : i32
      %dma_wait3A_160 = arith.constant 0 : i32
      %dma_wait3A_161 = tpu.memref_slice %arg2[%add3A_159, %dma_wait3A_160] : memref<2560x128xi32, #tpu.memory_space<hbm>> -> memref<1x128xi32, #tpu.memory_space<hbm>>
      %dma_wait3A_162 = tpu.memref_squeeze %dma_wait3A_161 : memref<1x128xi32, #tpu.memory_space<hbm>> -> memref<128xi32, #tpu.memory_space<hbm>>
      %dma_wait3A_163 = arith.constant 0 : i32
      %dma_wait3A_164 = tpu.memref_slice %arg2[%add3A_159, %dma_wait3A_163] : memref<2560x128xi32, #tpu.memory_space<hbm>> -> memref<1x128xi32, #tpu.memory_space<hbm>>
      %dma_wait3A_165 = tpu.memref_squeeze %dma_wait3A_164 : memref<1x128xi32, #tpu.memory_space<hbm>> -> memref<128xi32, #tpu.memory_space<hbm>>
      tpu.wait_dma2 semaphore(%arg11 : memref<!tpu.dma_semaphore, #tpu.memory_space<semaphore_mem>>) src(%dma_wait3A_165 : memref<128xi32, #tpu.memory_space<hbm>>) dst(%arg7 : memref<128xi32, #tpu.memory_space<vmem>>)
      %dma_start3A_166 = arith.constant 0 : i32
      %dma_start3A_167 = tpu.memref_slice %arg10[%dma_start3A_166] : memref<10240xf32, #tpu.memory_space<vmem_shared>> -> memref<10240xf32, #tpu.memory_space<vmem_shared>>
      tpu.enqueue_indirect_dma source(%arg8 : memref<128xf32, #tpu.memory_space<vmem>>) target(%dma_start3A_167 : memref<10240xf32, #tpu.memory_space<vmem_shared>>) offsets(%arg7 : memref<128xi32, #tpu.memory_space<vmem>>) semaphore(%arg12 : memref<!tpu.dma_semaphore, #tpu.memory_space<semaphore_mem>>) {add = true}
      %ge3A_168 = arith.constant 3 : i32
      %ge3A_169 = arith.cmpi sge, %add3A_158, %ge3A_168 : i32
      %add3A_170 = arith.constant 1 : i32
      %add3A_171 = arith.addi %add3A_158, %add3A_170 : i32
      %lt3A_172 = arith.cmpi slt, %add3A_171, %select_n3A_8 : i32
      %and3A_173 = arith.andi %ge3A_169, %lt3A_172 : i1
      %convert_element_type3A_174 = arith.extui %and3A_173 : i1 to i32
      %cond3A_175 = arith.constant 0 : i32
      %cond3A_176 = arith.cmpi ne, %convert_element_type3A_174, %cond3A_175 : i32
      scf.if %cond3A_176 {
        %dma_wait3A_177 = arith.constant 0 : i32
        %dma_wait3A_178 = tpu.memref_slice %arg10[%dma_wait3A_177] : memref<10240xf32, #tpu.memory_space<vmem_shared>> -> memref<10240xf32, #tpu.memory_space<vmem_shared>>
        tpu.wait_indirect_dma semaphore(%arg12 : memref<!tpu.dma_semaphore, #tpu.memory_space<semaphore_mem>>) src(%arg8 : memref<128xf32, #tpu.memory_space<vmem>>) dst(%dma_wait3A_178 : memref<10240xf32, #tpu.memory_space<vmem_shared>>)
        %add3A_179 = arith.addi %select_n3A, %add3A_158 : i32
        %add3A_180 = arith.constant 1 : i32
        %add3A_181 = arith.addi %add3A_179, %add3A_180 : i32
        %dma_start3A_182 = arith.constant 0 : i32
        %dma_start3A_183 = tpu.memref_slice %arg2[%add3A_181, %dma_start3A_182] : memref<2560x128xi32, #tpu.memory_space<hbm>> -> memref<1x128xi32, #tpu.memory_space<hbm>>
        %dma_start3A_184 = tpu.memref_squeeze %dma_start3A_183 : memref<1x128xi32, #tpu.memory_space<hbm>> -> memref<128xi32, #tpu.memory_space<hbm>>
        %dma_start3A_185 = arith.constant 0 : i32
        %dma_start3A_186 = tpu.memref_slice %arg2[%add3A_181, %dma_start3A_185] : memref<2560x128xi32, #tpu.memory_space<hbm>> -> memref<1x128xi32, #tpu.memory_space<hbm>>
        %dma_start3A_187 = tpu.memref_squeeze %dma_start3A_186 : memref<1x128xi32, #tpu.memory_space<hbm>> -> memref<128xi32, #tpu.memory_space<hbm>>
        tpu.enqueue_dma source(%dma_start3A_187 : memref<128xi32, #tpu.memory_space<hbm>>) target(%arg4 : memref<128xi32, #tpu.memory_space<vmem>>) target_semaphore(%arg11 : memref<!tpu.dma_semaphore, #tpu.memory_space<semaphore_mem>>)
      } else {
      }
    }
    %while3A_79 = arith.constant 1 : i32
    scf.for %while3A_92 = %while3A_77 to %while3A_73 step %while3A_79  : i32 {
      %mul3A_93 = arith.constant 4 : i32
      %mul3A_94 = arith.muli %while3A_92, %mul3A_93 : i32
      %add3A_95 = arith.constant 0 : i32
      %add3A_96 = arith.addi %mul3A_94, %add3A_95 : i32
      %add3A_97 = arith.addi %select_n3A, %add3A_96 : i32
      %dma_wait3A_98 = arith.constant 0 : i32
      %dma_wait3A_99 = tpu.memref_slice %arg2[%add3A_97, %dma_wait3A_98] : memref<2560x128xi32, #tpu.memory_space<hbm>> -> memref<1x128xi32, #tpu.memory_space<hbm>>
      %dma_wait3A_100 = tpu.memref_squeeze %dma_wait3A_99 : memref<1x128xi32, #tpu.memory_space<hbm>> -> memref<128xi32, #tpu.memory_space<hbm>>
      %dma_wait3A_101 = arith.constant 0 : i32
      %dma_wait3A_102 = tpu.memref_slice %arg2[%add3A_97, %dma_wait3A_101] : memref<2560x128xi32, #tpu.memory_space<hbm>> -> memref<1x128xi32, #tpu.memory_space<hbm>>
      %dma_wait3A_103 = tpu.memref_squeeze %dma_wait3A_102 : memref<1x128xi32, #tpu.memory_space<hbm>> -> memref<128xi32, #tpu.memory_space<hbm>>
      tpu.wait_dma2 semaphore(%arg11 : memref<!tpu.dma_semaphore, #tpu.memory_space<semaphore_mem>>) src(%dma_wait3A_103 : memref<128xi32, #tpu.memory_space<hbm>>) dst(%arg4 : memref<128xi32, #tpu.memory_space<vmem>>)
      %dma_start3A_104 = arith.constant 0 : i32
      %dma_start3A_105 = tpu.memref_slice %arg10[%dma_start3A_104] : memref<10240xf32, #tpu.memory_space<vmem_shared>> -> memref<10240xf32, #tpu.memory_space<vmem_shared>>
      tpu.enqueue_indirect_dma source(%arg8 : memref<128xf32, #tpu.memory_space<vmem>>) target(%dma_start3A_105 : memref<10240xf32, #tpu.memory_space<vmem_shared>>) offsets(%arg4 : memref<128xi32, #tpu.memory_space<vmem>>) semaphore(%arg12 : memref<!tpu.dma_semaphore, #tpu.memory_space<semaphore_mem>>) {add = true}
      %ge3A = arith.constant 3 : i32
      %ge3A_106 = arith.cmpi sge, %add3A_96, %ge3A : i32
      %add3A_107 = arith.constant 1 : i32
      %add3A_108 = arith.addi %add3A_96, %add3A_107 : i32
      %lt3A = arith.cmpi slt, %add3A_108, %select_n3A_8 : i32
      %and3A_109 = arith.andi %ge3A_106, %lt3A : i1
      %convert_element_type3A = arith.extui %and3A_109 : i1 to i32
      %cond3A = arith.constant 0 : i32
      %cond3A_110 = arith.cmpi ne, %convert_element_type3A, %cond3A : i32
      scf.if %cond3A_110 {
        %dma_wait3A_177 = arith.constant 0 : i32
        %dma_wait3A_178 = tpu.memref_slice %arg10[%dma_wait3A_177] : memref<10240xf32, #tpu.memory_space<vmem_shared>> -> memref<10240xf32, #tpu.memory_space<vmem_shared>>
        tpu.wait_indirect_dma semaphore(%arg12 : memref<!tpu.dma_semaphore, #tpu.memory_space<semaphore_mem>>) src(%arg8 : memref<128xf32, #tpu.memory_space<vmem>>) dst(%dma_wait3A_178 : memref<10240xf32, #tpu.memory_space<vmem_shared>>)
        %add3A_179 = arith.addi %select_n3A, %add3A_96 : i32
        %add3A_180 = arith.constant 1 : i32
        %add3A_181 = arith.addi %add3A_179, %add3A_180 : i32
        %dma_start3A_182 = arith.constant 0 : i32
        %dma_start3A_183 = tpu.memref_slice %arg2[%add3A_181, %dma_start3A_182] : memref<2560x128xi32, #tpu.memory_space<hbm>> -> memref<1x128xi32, #tpu.memory_space<hbm>>
        %dma_start3A_184 = tpu.memref_squeeze %dma_start3A_183 : memref<1x128xi32, #tpu.memory_space<hbm>> -> memref<128xi32, #tpu.memory_space<hbm>>
        %dma_start3A_185 = arith.constant 0 : i32
        %dma_start3A_186 = tpu.memref_slice %arg2[%add3A_181, %dma_start3A_185] : memref<2560x128xi32, #tpu.memory_space<hbm>> -> memref<1x128xi32, #tpu.memory_space<hbm>>
        %dma_start3A_187 = tpu.memref_squeeze %dma_start3A_186 : memref<1x128xi32, #tpu.memory_space<hbm>> -> memref<128xi32, #tpu.memory_space<hbm>>
        tpu.enqueue_dma source(%dma_start3A_187 : memref<128xi32, #tpu.memory_space<hbm>>) target(%arg5 : memref<128xi32, #tpu.memory_space<vmem>>) target_semaphore(%arg11 : memref<!tpu.dma_semaphore, #tpu.memory_space<semaphore_mem>>)
      } else {
      }
      %mul3A_111 = arith.constant 4 : i32
      %mul3A_112 = arith.muli %while3A_92, %mul3A_111 : i32
      %add3A_113 = arith.constant 1 : i32
      %add3A_114 = arith.addi %mul3A_112, %add3A_113 : i32
      %add3A_115 = arith.addi %select_n3A, %add3A_114 : i32
      %dma_wait3A_116 = arith.constant 0 : i32
      %dma_wait3A_117 = tpu.memref_slice %arg2[%add3A_115, %dma_wait3A_116] : memref<2560x128xi32, #tpu.memory_space<hbm>> -> memref<1x128xi32, #tpu.memory_space<hbm>>
      %dma_wait3A_118 = tpu.memref_squeeze %dma_wait3A_117 : memref<1x128xi32, #tpu.memory_space<hbm>> -> memref<128xi32, #tpu.memory_space<hbm>>
      %dma_wait3A_119 = arith.constant 0 : i32
      %dma_wait3A_120 = tpu.memref_slice %arg2[%add3A_115, %dma_wait3A_119] : memref<2560x128xi32, #tpu.memory_space<hbm>> -> memref<1x128xi32, #tpu.memory_space<hbm>>
      %dma_wait3A_121 = tpu.memref_squeeze %dma_wait3A_120 : memref<1x128xi32, #tpu.memory_space<hbm>> -> memref<128xi32, #tpu.memory_space<hbm>>
      tpu.wait_dma2 semaphore(%arg11 : memref<!tpu.dma_semaphore, #tpu.memory_space<semaphore_mem>>) src(%dma_wait3A_121 : memref<128xi32, #tpu.memory_space<hbm>>) dst(%arg5 : memref<128xi32, #tpu.memory_space<vmem>>)
      %dma_start3A_122 = arith.constant 0 : i32
      %dma_start3A_123 = tpu.memref_slice %arg10[%dma_start3A_122] : memref<10240xf32, #tpu.memory_space<vmem_shared>> -> memref<10240xf32, #tpu.memory_space<vmem_shared>>
      tpu.enqueue_indirect_dma source(%arg8 : memref<128xf32, #tpu.memory_space<vmem>>) target(%dma_start3A_123 : memref<10240xf32, #tpu.memory_space<vmem_shared>>) offsets(%arg5 : memref<128xi32, #tpu.memory_space<vmem>>) semaphore(%arg12 : memref<!tpu.dma_semaphore, #tpu.memory_space<semaphore_mem>>) {add = true}
      %ge3A_124 = arith.constant 3 : i32
      %ge3A_125 = arith.cmpi sge, %add3A_114, %ge3A_124 : i32
      %add3A_126 = arith.constant 1 : i32
      %add3A_127 = arith.addi %add3A_114, %add3A_126 : i32
      %lt3A_128 = arith.cmpi slt, %add3A_127, %select_n3A_8 : i32
      %and3A_129 = arith.andi %ge3A_125, %lt3A_128 : i1
      %convert_element_type3A_130 = arith.extui %and3A_129 : i1 to i32
      %cond3A_131 = arith.constant 0 : i32
      %cond3A_132 = arith.cmpi ne, %convert_element_type3A_130, %cond3A_131 : i32
      scf.if %cond3A_132 {
        %dma_wait3A_177 = arith.constant 0 : i32
        %dma_wait3A_178 = tpu.memref_slice %arg10[%dma_wait3A_177] : memref<10240xf32, #tpu.memory_space<vmem_shared>> -> memref<10240xf32, #tpu.memory_space<vmem_shared>>
        tpu.wait_indirect_dma semaphore(%arg12 : memref<!tpu.dma_semaphore, #tpu.memory_space<semaphore_mem>>) src(%arg8 : memref<128xf32, #tpu.memory_space<vmem>>) dst(%dma_wait3A_178 : memref<10240xf32, #tpu.memory_space<vmem_shared>>)
        %add3A_179 = arith.addi %select_n3A, %add3A_114 : i32
        %add3A_180 = arith.constant 1 : i32
        %add3A_181 = arith.addi %add3A_179, %add3A_180 : i32
        %dma_start3A_182 = arith.constant 0 : i32
        %dma_start3A_183 = tpu.memref_slice %arg2[%add3A_181, %dma_start3A_182] : memref<2560x128xi32, #tpu.memory_space<hbm>> -> memref<1x128xi32, #tpu.memory_space<hbm>>
        %dma_start3A_184 = tpu.memref_squeeze %dma_start3A_183 : memref<1x128xi32, #tpu.memory_space<hbm>> -> memref<128xi32, #tpu.memory_space<hbm>>
        %dma_start3A_185 = arith.constant 0 : i32
        %dma_start3A_186 = tpu.memref_slice %arg2[%add3A_181, %dma_start3A_185] : memref<2560x128xi32, #tpu.memory_space<hbm>> -> memref<1x128xi32, #tpu.memory_space<hbm>>
        %dma_start3A_187 = tpu.memref_squeeze %dma_start3A_186 : memref<1x128xi32, #tpu.memory_space<hbm>> -> memref<128xi32, #tpu.memory_space<hbm>>
        tpu.enqueue_dma source(%dma_start3A_187 : memref<128xi32, #tpu.memory_space<hbm>>) target(%arg6 : memref<128xi32, #tpu.memory_space<vmem>>) target_semaphore(%arg11 : memref<!tpu.dma_semaphore, #tpu.memory_space<semaphore_mem>>)
      } else {
      }
      %mul3A_133 = arith.constant 4 : i32
      %mul3A_134 = arith.muli %while3A_92, %mul3A_133 : i32
      %add3A_135 = arith.constant 2 : i32
      %add3A_136 = arith.addi %mul3A_134, %add3A_135 : i32
      %add3A_137 = arith.addi %select_n3A, %add3A_136 : i32
      %dma_wait3A_138 = arith.constant 0 : i32
      %dma_wait3A_139 = tpu.memref_slice %arg2[%add3A_137, %dma_wait3A_138] : memref<2560x128xi32, #tpu.memory_space<hbm>> -> memref<1x128xi32, #tpu.memory_space<hbm>>
      %dma_wait3A_140 = tpu.memref_squeeze %dma_wait3A_139 : memref<1x128xi32, #tpu.memory_space<hbm>> -> memref<128xi32, #tpu.memory_space<hbm>>
      %dma_wait3A_141 = arith.constant 0 : i32
      %dma_wait3A_142 = tpu.memref_slice %arg2[%add3A_137, %dma_wait3A_141] : memref<2560x128xi32, #tpu.memory_space<hbm>> -> memref<1x128xi32, #tpu.memory_space<hbm>>
      %dma_wait3A_143 = tpu.memref_squeeze %dma_wait3A_142 : memref<1x128xi32, #tpu.memory_space<hbm>> -> memref<128xi32, #tpu.memory_space<hbm>>
      tpu.wait_dma2 semaphore(%arg11 : memref<!tpu.dma_semaphore, #tpu.memory_space<semaphore_mem>>) src(%dma_wait3A_143 : memref<128xi32, #tpu.memory_space<hbm>>) dst(%arg6 : memref<128xi32, #tpu.memory_space<vmem>>)
      %dma_start3A_144 = arith.constant 0 : i32
      %dma_start3A_145 = tpu.memref_slice %arg10[%dma_start3A_144] : memref<10240xf32, #tpu.memory_space<vmem_shared>> -> memref<10240xf32, #tpu.memory_space<vmem_shared>>
      tpu.enqueue_indirect_dma source(%arg8 : memref<128xf32, #tpu.memory_space<vmem>>) target(%dma_start3A_145 : memref<10240xf32, #tpu.memory_space<vmem_shared>>) offsets(%arg6 : memref<128xi32, #tpu.memory_space<vmem>>) semaphore(%arg12 : memref<!tpu.dma_semaphore, #tpu.memory_space<semaphore_mem>>) {add = true}
      %ge3A_146 = arith.constant 3 : i32
      %ge3A_147 = arith.cmpi sge, %add3A_136, %ge3A_146 : i32
      %add3A_148 = arith.constant 1 : i32
      %add3A_149 = arith.addi %add3A_136, %add3A_148 : i32
      %lt3A_150 = arith.cmpi slt, %add3A_149, %select_n3A_8 : i32
      %and3A_151 = arith.andi %ge3A_147, %lt3A_150 : i1
      %convert_element_type3A_152 = arith.extui %and3A_151 : i1 to i32
      %cond3A_153 = arith.constant 0 : i32
      %cond3A_154 = arith.cmpi ne, %convert_element_type3A_152, %cond3A_153 : i32
      scf.if %cond3A_154 {
        %dma_wait3A_177 = arith.constant 0 : i32
        %dma_wait3A_178 = tpu.memref_slice %arg10[%dma_wait3A_177] : memref<10240xf32, #tpu.memory_space<vmem_shared>> -> memref<10240xf32, #tpu.memory_space<vmem_shared>>
        tpu.wait_indirect_dma semaphore(%arg12 : memref<!tpu.dma_semaphore, #tpu.memory_space<semaphore_mem>>) src(%arg8 : memref<128xf32, #tpu.memory_space<vmem>>) dst(%dma_wait3A_178 : memref<10240xf32, #tpu.memory_space<vmem_shared>>)
        %add3A_179 = arith.addi %select_n3A, %add3A_136 : i32
        %add3A_180 = arith.constant 1 : i32
        %add3A_181 = arith.addi %add3A_179, %add3A_180 : i32
        %dma_start3A_182 = arith.constant 0 : i32
        %dma_start3A_183 = tpu.memref_slice %arg2[%add3A_181, %dma_start3A_182] : memref<2560x128xi32, #tpu.memory_space<hbm>> -> memref<1x128xi32, #tpu.memory_space<hbm>>
        %dma_start3A_184 = tpu.memref_squeeze %dma_start3A_183 : memref<1x128xi32, #tpu.memory_space<hbm>> -> memref<128xi32, #tpu.memory_space<hbm>>
        %dma_start3A_185 = arith.constant 0 : i32
        %dma_start3A_186 = tpu.memref_slice %arg2[%add3A_181, %dma_start3A_185] : memref<2560x128xi32, #tpu.memory_space<hbm>> -> memref<1x128xi32, #tpu.memory_space<hbm>>
        %dma_start3A_187 = tpu.memref_squeeze %dma_start3A_186 : memref<1x128xi32, #tpu.memory_space<hbm>> -> memref<128xi32, #tpu.memory_space<hbm>>
        tpu.enqueue_dma source(%dma_start3A_187 : memref<128xi32, #tpu.memory_space<hbm>>) target(%arg7 : memref<128xi32, #tpu.memory_space<vmem>>) target_semaphore(%arg11 : memref<!tpu.dma_semaphore, #tpu.memory_space<semaphore_mem>>)
      } else {
      }
      %mul3A_155 = arith.constant 4 : i32
      %mul3A_156 = arith.muli %while3A_92, %mul3A_155 : i32
      %add3A_157 = arith.constant 3 : i32
      %add3A_158 = arith.addi %mul3A_156, %add3A_157 : i32
      %add3A_159 = arith.addi %select_n3A, %add3A_158 : i32
      %dma_wait3A_160 = arith.constant 0 : i32
      %dma_wait3A_161 = tpu.memref_slice %arg2[%add3A_159, %dma_wait3A_160] : memref<2560x128xi32, #tpu.memory_space<hbm>> -> memref<1x128xi32, #tpu.memory_space<hbm>>
      %dma_wait3A_162 = tpu.memref_squeeze %dma_wait3A_161 : memref<1x128xi32, #tpu.memory_space<hbm>> -> memref<128xi32, #tpu.memory_space<hbm>>
      %dma_wait3A_163 = arith.constant 0 : i32
      %dma_wait3A_164 = tpu.memref_slice %arg2[%add3A_159, %dma_wait3A_163] : memref<2560x128xi32, #tpu.memory_space<hbm>> -> memref<1x128xi32, #tpu.memory_space<hbm>>
      %dma_wait3A_165 = tpu.memref_squeeze %dma_wait3A_164 : memref<1x128xi32, #tpu.memory_space<hbm>> -> memref<128xi32, #tpu.memory_space<hbm>>
      tpu.wait_dma2 semaphore(%arg11 : memref<!tpu.dma_semaphore, #tpu.memory_space<semaphore_mem>>) src(%dma_wait3A_165 : memref<128xi32, #tpu.memory_space<hbm>>) dst(%arg7 : memref<128xi32, #tpu.memory_space<vmem>>)
      %dma_start3A_166 = arith.constant 0 : i32
      %dma_start3A_167 = tpu.memref_slice %arg10[%dma_start3A_166] : memref<10240xf32, #tpu.memory_space<vmem_shared>> -> memref<10240xf32, #tpu.memory_space<vmem_shared>>
      tpu.enqueue_indirect_dma source(%arg8 : memref<128xf32, #tpu.memory_space<vmem>>) target(%dma_start3A_167 : memref<10240xf32, #tpu.memory_space<vmem_shared>>) offsets(%arg7 : memref<128xi32, #tpu.memory_space<vmem>>) semaphore(%arg12 : memref<!tpu.dma_semaphore, #tpu.memory_space<semaphore_mem>>) {add = true}
      %ge3A_168 = arith.constant 3 : i32
      %ge3A_169 = arith.cmpi sge, %add3A_158, %ge3A_168 : i32
      %add3A_170 = arith.constant 1 : i32
      %add3A_171 = arith.addi %add3A_158, %add3A_170 : i32
      %lt3A_172 = arith.cmpi slt, %add3A_171, %select_n3A_8 : i32
      %and3A_173 = arith.andi %ge3A_169, %lt3A_172 : i1
      %convert_element_type3A_174 = arith.extui %and3A_173 : i1 to i32
      %cond3A_175 = arith.constant 0 : i32
      %cond3A_176 = arith.cmpi ne, %convert_element_type3A_174, %cond3A_175 : i32
      scf.if %cond3A_176 {
        %dma_wait3A_177 = arith.constant 0 : i32
        %dma_wait3A_178 = tpu.memref_slice %arg10[%dma_wait3A_177] : memref<10240xf32, #tpu.memory_space<vmem_shared>> -> memref<10240xf32, #tpu.memory_space<vmem_shared>>
        tpu.wait_indirect_dma semaphore(%arg12 : memref<!tpu.dma_semaphore, #tpu.memory_space<semaphore_mem>>) src(%arg8 : memref<128xf32, #tpu.memory_space<vmem>>) dst(%dma_wait3A_178 : memref<10240xf32, #tpu.memory_space<vmem_shared>>)
        %add3A_179 = arith.addi %select_n3A, %add3A_158 : i32
        %add3A_180 = arith.constant 1 : i32
        %add3A_181 = arith.addi %add3A_179, %add3A_180 : i32
        %dma_start3A_182 = arith.constant 0 : i32
        %dma_start3A_183 = tpu.memref_slice %arg2[%add3A_181, %dma_start3A_182] : memref<2560x128xi32, #tpu.memory_space<hbm>> -> memref<1x128xi32, #tpu.memory_space<hbm>>
        %dma_start3A_184 = tpu.memref_squeeze %dma_start3A_183 : memref<1x128xi32, #tpu.memory_space<hbm>> -> memref<128xi32, #tpu.memory_space<hbm>>
        %dma_start3A_185 = arith.constant 0 : i32
        %dma_start3A_186 = tpu.memref_slice %arg2[%add3A_181, %dma_start3A_185] : memref<2560x128xi32, #tpu.memory_space<hbm>> -> memref<1x128xi32, #tpu.memory_space<hbm>>
        %dma_start3A_187 = tpu.memref_squeeze %dma_start3A_186 : memref<1x128xi32, #tpu.memory_space<hbm>> -> memref<128xi32, #tpu.memory_space<hbm>>
        tpu.enqueue_dma source(%dma_start3A_187 : memref<128xi32, #tpu.memory_space<hbm>>) target(%arg4 : memref<128xi32, #tpu.memory_space<vmem>>) target_semaphore(%arg11 : memref<!tpu.dma_semaphore, #tpu.memory_space<semaphore_mem>>)
      } else {
      }
    }
    %dma_wait3A = arith.constant 0 : i32
    %dma_wait3A_80 = tpu.memref_slice %arg10[%dma_wait3A] : memref<10240xf32, #tpu.memory_space<vmem_shared>> -> memref<10240xf32, #tpu.memory_space<vmem_shared>>
    tpu.wait_indirect_dma semaphore(%arg12 : memref<!tpu.dma_semaphore, #tpu.memory_space<semaphore_mem>>) src(%arg8 : memref<128xf32, #tpu.memory_space<vmem>>) dst(%dma_wait3A_80 : memref<10240xf32, #tpu.memory_space<vmem_shared>>)
    %dma_wait3A_81 = arith.constant 0 : i32
    %dma_wait3A_82 = tpu.memref_slice %arg10[%dma_wait3A_81] : memref<10240xf32, #tpu.memory_space<vmem_shared>> -> memref<10240xf32, #tpu.memory_space<vmem_shared>>
    tpu.wait_indirect_dma semaphore(%arg12 : memref<!tpu.dma_semaphore, #tpu.memory_space<semaphore_mem>>) src(%arg8 : memref<128xf32, #tpu.memory_space<vmem>>) dst(%dma_wait3A_82 : memref<10240xf32, #tpu.memory_space<vmem_shared>>)
    %dma_wait3A_83 = arith.constant 0 : i32
    %dma_wait3A_84 = tpu.memref_slice %arg10[%dma_wait3A_83] : memref<10240xf32, #tpu.memory_space<vmem_shared>> -> memref<10240xf32, #tpu.memory_space<vmem_shared>>
    tpu.wait_indirect_dma semaphore(%arg12 : memref<!tpu.dma_semaphore, #tpu.memory_space<semaphore_mem>>) src(%arg8 : memref<128xf32, #tpu.memory_space<vmem>>) dst(%dma_wait3A_84 : memref<10240xf32, #tpu.memory_space<vmem_shared>>)
    %dma_wait3A_85 = arith.constant 0 : i32
    %dma_wait3A_86 = tpu.memref_slice %arg10[%dma_wait3A_85] : memref<10240xf32, #tpu.memory_space<vmem_shared>> -> memref<10240xf32, #tpu.memory_space<vmem_shared>>
    tpu.wait_indirect_dma semaphore(%arg12 : memref<!tpu.dma_semaphore, #tpu.memory_space<semaphore_mem>>) src(%arg8 : memref<128xf32, #tpu.memory_space<vmem>>) dst(%dma_wait3A_86 : memref<10240xf32, #tpu.memory_space<vmem_shared>>)
    %barrier3A_87 = arith.constant 0 : index
    tpu.barrier barrier_id(%barrier3A_87)
    %mul3A_88 = arith.constant 640 : i32
    %mul3A_89 = arith.muli %arg1, %mul3A_88 : i32
    %mul3A_90 = arith.constant 640 : i32
    %mul3A_91 = arith.muli %arg1, %mul3A_90 : i32
    "tpu.region"() ({
      %run_scoped3A = tpu.sem_alloc : memref<!tpu.dma_semaphore, #tpu.memory_space<semaphore_mem>>
      %dma_start3A_92 = tpu.memref_slice %arg3[%arg0, %mul3A_91] : memref<2x10240xf32, #tpu.memory_space<hbm>> -> memref<1x640xf32, #tpu.memory_space<hbm>>
      %dma_start3A_93 = tpu.memref_squeeze %dma_start3A_92 : memref<1x640xf32, #tpu.memory_space<hbm>> -> memref<640xf32, #tpu.memory_space<hbm>>
      %dma_start3A_94 = tpu.memref_slice %arg10[%mul3A_89] : memref<10240xf32, #tpu.memory_space<vmem_shared>> -> memref<640xf32, #tpu.memory_space<vmem_shared>>
      tpu.enqueue_dma source(%dma_start3A_94 : memref<640xf32, #tpu.memory_space<vmem_shared>>) target(%dma_start3A_93 : memref<640xf32, #tpu.memory_space<hbm>>) target_semaphore(%run_scoped3A : memref<!tpu.dma_semaphore, #tpu.memory_space<semaphore_mem>>)
      %dma_wait3A_95 = tpu.memref_slice %arg3[%arg0, %mul3A_91] : memref<2x10240xf32, #tpu.memory_space<hbm>> -> memref<1x640xf32, #tpu.memory_space<hbm>>
      %dma_wait3A_96 = tpu.memref_squeeze %dma_wait3A_95 : memref<1x640xf32, #tpu.memory_space<hbm>> -> memref<640xf32, #tpu.memory_space<hbm>>
      %dma_wait3A_97 = tpu.memref_slice %arg10[%mul3A_89] : memref<10240xf32, #tpu.memory_space<vmem_shared>> -> memref<640xf32, #tpu.memory_space<vmem_shared>>
      tpu.wait_dma2 semaphore(%run_scoped3A : memref<!tpu.dma_semaphore, #tpu.memory_space<semaphore_mem>>) src(%dma_wait3A_97 : memref<640xf32, #tpu.memory_space<vmem_shared>>) dst(%dma_wait3A_96 : memref<640xf32, #tpu.memory_space<hbm>>)
      tpu.yield
    }) : () -> ()
    return
  }
}

#map = affine_map<(d0, d1) -> (0, 0)>
module attributes {stable_mosaic.version = 14 : i64} {
  func.func @_agg_kernel(%arg0: i32, %arg1: i32, %arg2: memref<10112x128xf32, #tpu.memory_space<hbm>>, %arg3: memref<2560x128xi32, #tpu.memory_space<hbm>>, %arg4: memref<2560x128xi32, #tpu.memory_space<hbm>>, %arg5: memref<10112x128xf32, #tpu.memory_space<hbm>>, %arg6: memref<10112x128xf32, #tpu.memory_space<hbm>>, %arg7: memref<128xi32, #tpu.memory_space<vmem>>, %arg8: memref<128xi32, #tpu.memory_space<vmem>>, %arg9: memref<128xi32, #tpu.memory_space<vmem>>, %arg10: memref<128xi32, #tpu.memory_space<vmem>>, %arg11: memref<128xi32, #tpu.memory_space<vmem>>, %arg12: memref<128xi32, #tpu.memory_space<vmem>>, %arg13: memref<128xi32, #tpu.memory_space<vmem>>, %arg14: memref<128xi32, #tpu.memory_space<vmem>>, %arg15: memref<128x128xf32, #tpu.memory_space<vmem>>, %arg16: memref<128x128xf32, #tpu.memory_space<vmem>>, %arg17: memref<10112x128xf32, #tpu.memory_space<vmem_shared>>, %arg18: memref<!tpu.dma_semaphore, #tpu.memory_space<semaphore_mem>>, %arg19: memref<!tpu.dma_semaphore, #tpu.memory_space<semaphore_mem>>, %arg20: memref<!tpu.dma_semaphore, #tpu.memory_space<semaphore_mem>>) attributes {dimension_semantics = [#tpu.dimension_semantics<core_parallel>, #tpu.dimension_semantics<subcore_parallel>], iteration_bounds = array<i64: 2, 16>, scalar_prefetch = 0 : i64, scratch_operands = 14 : i64, tpu.core_type = #tpu.core_type<sc_vector_subcore>, window_params = [{transform_indices = #map}, {transform_indices = #map}, {transform_indices = #map}, {transform_indices = #map}, {transform_indices = #map}]} {
    %eq3A = arith.constant 0 : i32
    %eq3A_0 = arith.cmpi eq, %arg0, %eq3A : i32
    %mul3A = arith.constant 80 : i32
    %mul3A_1 = arith.muli %arg1, %mul3A : i32
    %mul3A_2 = arith.constant 80 : i32
    %mul3A_3 = arith.muli %arg1, %mul3A_2 : i32
    %add3A = arith.constant 1280 : i32
    %add3A_4 = arith.addi %add3A, %mul3A_3 : i32
    %select_n3A = arith.select %eq3A_0, %mul3A_1, %add3A_4 : i32
    %eq3A_5 = arith.constant 0 : i32
    %eq3A_6 = arith.cmpi eq, %arg0, %eq3A_5 : i32
    %jit3A = arith.constant 80 : i32
    %jit3A_7 = arith.constant 80 : i32
    %select_n3A_8 = arith.select %eq3A_6, %jit3A, %jit3A_7 : i32
    %scan3A = arith.constant 0 : i32
    %scan3A_9 = arith.constant 0 : i32
    %scan3A_10 = arith.constant 128 : i32
    %scan3A_11 = arith.addi %scan3A_9, %scan3A_10 : i32
    %scan3A_12 = arith.constant 1 : i32
    scf.for %scan3A_154 = %scan3A_9 to %scan3A_11 step %scan3A_12  : i32 {
      %scan3A_155 = arith.constant 0 : i32
      %scan3A_156 = arith.constant 0 : i32
      %scan3A_157 = arith.constant 8 : i32
      %scan3A_158 = arith.addi %scan3A_156, %scan3A_157 : i32
      %scan3A_159 = arith.constant 1 : i32
      scf.for %scan3A_161 = %scan3A_156 to %scan3A_158 step %scan3A_159  : i32 {
        %broadcast_in_dim3A = arith.constant 0.000000e+00 : f32
        %broadcast_in_dim3A_162 = vector.broadcast %broadcast_in_dim3A : f32 to vector<16xf32>
        %mul3A_163 = arith.constant 16 : i32
        %mul3A_164 = arith.muli %scan3A_161, %mul3A_163 : i32
        %swap3A = arith.index_cast %scan3A_154 : i32 to index
        %swap3A_165 = arith.index_cast %mul3A_164 : i32 to index
        %swap3A_166 = tpu.vector_load %arg15[%swap3A, %swap3A_165] {strides = array<i32>} : memref<128x128xf32, #tpu.memory_space<vmem>>, vector<1x16xf32>,
        %swap3A_167 = vector.shape_cast %swap3A_166 : vector<1x16xf32> to vector<16xf32>
        %swap3A_168 = vector.shape_cast %broadcast_in_dim3A_162 : vector<16xf32> to vector<1x16xf32>
        tpu.vector_store %arg15[%swap3A, %swap3A_165], %swap3A_168 {strides = array<i32>} : memref<128x128xf32, #tpu.memory_space<vmem>>, vector<1x16xf32>,
      }
      %scan3A_160 = arith.constant 8 : i32
    }
    %scan3A_13 = arith.constant 128 : i32
    %mul3A_14 = arith.constant 632 : i32
    %mul3A_15 = arith.muli %arg1, %mul3A_14 : i32
    %add3A_16 = arith.constant 0 : i32
    %add3A_17 = arith.addi %mul3A_15, %add3A_16 : i32
    "tpu.region"() ({
      %run_scoped3A = tpu.sem_alloc : memref<!tpu.dma_semaphore, #tpu.memory_space<semaphore_mem>>
      %dma_start3A_154 = arith.constant 0 : i32
      %dma_start3A_155 = tpu.memref_slice %arg17[%add3A_17, %dma_start3A_154] : memref<10112x128xf32, #tpu.memory_space<vmem_shared>> -> memref<128x128xf32, #tpu.memory_space<vmem_shared>>
      %dma_start3A_156 = arith.constant 0 : i32
      %dma_start3A_157 = tpu.memref_slice %arg17[%add3A_17, %dma_start3A_156] : memref<10112x128xf32, #tpu.memory_space<vmem_shared>> -> memref<128x128xf32, #tpu.memory_space<vmem_shared>>
      tpu.enqueue_dma source(%arg15 : memref<128x128xf32, #tpu.memory_space<vmem>>) target(%dma_start3A_157 : memref<128x128xf32, #tpu.memory_space<vmem_shared>>) target_semaphore(%run_scoped3A : memref<!tpu.dma_semaphore, #tpu.memory_space<semaphore_mem>>)
      %dma_wait3A_158 = arith.constant 0 : i32
      %dma_wait3A_159 = tpu.memref_slice %arg17[%add3A_17, %dma_wait3A_158] : memref<10112x128xf32, #tpu.memory_space<vmem_shared>> -> memref<128x128xf32, #tpu.memory_space<vmem_shared>>
      %dma_wait3A_160 = arith.constant 0 : i32
      %dma_wait3A_161 = tpu.memref_slice %arg17[%add3A_17, %dma_wait3A_160] : memref<10112x128xf32, #tpu.memory_space<vmem_shared>> -> memref<128x128xf32, #tpu.memory_space<vmem_shared>>
      tpu.wait_dma2 semaphore(%run_scoped3A : memref<!tpu.dma_semaphore, #tpu.memory_space<semaphore_mem>>) src(%arg15 : memref<128x128xf32, #tpu.memory_space<vmem>>) dst(%dma_wait3A_161 : memref<128x128xf32, #tpu.memory_space<vmem_shared>>)
      tpu.yield
    }) : () -> ()
    %mul3A_18 = arith.constant 632 : i32
    %mul3A_19 = arith.muli %arg1, %mul3A_18 : i32
    %add3A_20 = arith.constant 128 : i32
    %add3A_21 = arith.addi %mul3A_19, %add3A_20 : i32
    "tpu.region"() ({
      %run_scoped3A = tpu.sem_alloc : memref<!tpu.dma_semaphore, #tpu.memory_space<semaphore_mem>>
      %dma_start3A_154 = arith.constant 0 : i32
      %dma_start3A_155 = tpu.memref_slice %arg17[%add3A_21, %dma_start3A_154] : memref<10112x128xf32, #tpu.memory_space<vmem_shared>> -> memref<128x128xf32, #tpu.memory_space<vmem_shared>>
      %dma_start3A_156 = arith.constant 0 : i32
      %dma_start3A_157 = tpu.memref_slice %arg17[%add3A_21, %dma_start3A_156] : memref<10112x128xf32, #tpu.memory_space<vmem_shared>> -> memref<128x128xf32, #tpu.memory_space<vmem_shared>>
      tpu.enqueue_dma source(%arg15 : memref<128x128xf32, #tpu.memory_space<vmem>>) target(%dma_start3A_157 : memref<128x128xf32, #tpu.memory_space<vmem_shared>>) target_semaphore(%run_scoped3A : memref<!tpu.dma_semaphore, #tpu.memory_space<semaphore_mem>>)
      %dma_wait3A_158 = arith.constant 0 : i32
      %dma_wait3A_159 = tpu.memref_slice %arg17[%add3A_21, %dma_wait3A_158] : memref<10112x128xf32, #tpu.memory_space<vmem_shared>> -> memref<128x128xf32, #tpu.memory_space<vmem_shared>>
      %dma_wait3A_160 = arith.constant 0 : i32
      %dma_wait3A_161 = tpu.memref_slice %arg17[%add3A_21, %dma_wait3A_160] : memref<10112x128xf32, #tpu.memory_space<vmem_shared>> -> memref<128x128xf32, #tpu.memory_space<vmem_shared>>
      tpu.wait_dma2 semaphore(%run_scoped3A : memref<!tpu.dma_semaphore, #tpu.memory_space<semaphore_mem>>) src(%arg15 : memref<128x128xf32, #tpu.memory_space<vmem>>) dst(%dma_wait3A_161 : memref<128x128xf32, #tpu.memory_space<vmem_shared>>)
      tpu.yield
    }) : () -> ()
    %mul3A_22 = arith.constant 632 : i32
    %mul3A_23 = arith.muli %arg1, %mul3A_22 : i32
    %add3A_24 = arith.constant 256 : i32
    %add3A_25 = arith.addi %mul3A_23, %add3A_24 : i32
    "tpu.region"() ({
      %run_scoped3A = tpu.sem_alloc : memref<!tpu.dma_semaphore, #tpu.memory_space<semaphore_mem>>
      %dma_start3A_154 = arith.constant 0 : i32
      %dma_start3A_155 = tpu.memref_slice %arg17[%add3A_25, %dma_start3A_154] : memref<10112x128xf32, #tpu.memory_space<vmem_shared>> -> memref<128x128xf32, #tpu.memory_space<vmem_shared>>
      %dma_start3A_156 = arith.constant 0 : i32
      %dma_start3A_157 = tpu.memref_slice %arg17[%add3A_25, %dma_start3A_156] : memref<10112x128xf32, #tpu.memory_space<vmem_shared>> -> memref<128x128xf32, #tpu.memory_space<vmem_shared>>
      tpu.enqueue_dma source(%arg15 : memref<128x128xf32, #tpu.memory_space<vmem>>) target(%dma_start3A_157 : memref<128x128xf32, #tpu.memory_space<vmem_shared>>) target_semaphore(%run_scoped3A : memref<!tpu.dma_semaphore, #tpu.memory_space<semaphore_mem>>)
      %dma_wait3A_158 = arith.constant 0 : i32
      %dma_wait3A_159 = tpu.memref_slice %arg17[%add3A_25, %dma_wait3A_158] : memref<10112x128xf32, #tpu.memory_space<vmem_shared>> -> memref<128x128xf32, #tpu.memory_space<vmem_shared>>
      %dma_wait3A_160 = arith.constant 0 : i32
      %dma_wait3A_161 = tpu.memref_slice %arg17[%add3A_25, %dma_wait3A_160] : memref<10112x128xf32, #tpu.memory_space<vmem_shared>> -> memref<128x128xf32, #tpu.memory_space<vmem_shared>>
      tpu.wait_dma2 semaphore(%run_scoped3A : memref<!tpu.dma_semaphore, #tpu.memory_space<semaphore_mem>>) src(%arg15 : memref<128x128xf32, #tpu.memory_space<vmem>>) dst(%dma_wait3A_161 : memref<128x128xf32, #tpu.memory_space<vmem_shared>>)
      tpu.yield
    }) : () -> ()
    %mul3A_26 = arith.constant 632 : i32
    %mul3A_27 = arith.muli %arg1, %mul3A_26 : i32
    %add3A_28 = arith.constant 384 : i32
    %add3A_29 = arith.addi %mul3A_27, %add3A_28 : i32
    "tpu.region"() ({
      %run_scoped3A = tpu.sem_alloc : memref<!tpu.dma_semaphore, #tpu.memory_space<semaphore_mem>>
      %dma_start3A_154 = arith.constant 0 : i32
      %dma_start3A_155 = tpu.memref_slice %arg17[%add3A_29, %dma_start3A_154] : memref<10112x128xf32, #tpu.memory_space<vmem_shared>> -> memref<128x128xf32, #tpu.memory_space<vmem_shared>>
      %dma_start3A_156 = arith.constant 0 : i32
      %dma_start3A_157 = tpu.memref_slice %arg17[%add3A_29, %dma_start3A_156] : memref<10112x128xf32, #tpu.memory_space<vmem_shared>> -> memref<128x128xf32, #tpu.memory_space<vmem_shared>>
      tpu.enqueue_dma source(%arg15 : memref<128x128xf32, #tpu.memory_space<vmem>>) target(%dma_start3A_157 : memref<128x128xf32, #tpu.memory_space<vmem_shared>>) target_semaphore(%run_scoped3A : memref<!tpu.dma_semaphore, #tpu.memory_space<semaphore_mem>>)
      %dma_wait3A_158 = arith.constant 0 : i32
      %dma_wait3A_159 = tpu.memref_slice %arg17[%add3A_29, %dma_wait3A_158] : memref<10112x128xf32, #tpu.memory_space<vmem_shared>> -> memref<128x128xf32, #tpu.memory_space<vmem_shared>>
      %dma_wait3A_160 = arith.constant 0 : i32
      %dma_wait3A_161 = tpu.memref_slice %arg17[%add3A_29, %dma_wait3A_160] : memref<10112x128xf32, #tpu.memory_space<vmem_shared>> -> memref<128x128xf32, #tpu.memory_space<vmem_shared>>
      tpu.wait_dma2 semaphore(%run_scoped3A : memref<!tpu.dma_semaphore, #tpu.memory_space<semaphore_mem>>) src(%arg15 : memref<128x128xf32, #tpu.memory_space<vmem>>) dst(%dma_wait3A_161 : memref<128x128xf32, #tpu.memory_space<vmem_shared>>)
      tpu.yield
    }) : () -> ()
    %mul3A_30 = arith.constant 632 : i32
    %mul3A_31 = arith.muli %arg1, %mul3A_30 : i32
    %add3A_32 = arith.constant 512 : i32
    %add3A_33 = arith.addi %mul3A_31, %add3A_32 : i32
    "tpu.region"() ({
      %run_scoped3A = tpu.sem_alloc : memref<!tpu.dma_semaphore, #tpu.memory_space<semaphore_mem>>
      %dma_start3A_154 = arith.constant 0 : i32
      %dma_start3A_155 = arith.constant 0 : i32
      %dma_start3A_156 = tpu.memref_slice %arg15[%dma_start3A_154, %dma_start3A_155] : memref<128x128xf32, #tpu.memory_space<vmem>> -> memref<120x128xf32, #tpu.memory_space<vmem>>
      %dma_start3A_157 = arith.constant 0 : i32
      %dma_start3A_158 = tpu.memref_slice %arg17[%add3A_33, %dma_start3A_157] : memref<10112x128xf32, #tpu.memory_space<vmem_shared>> -> memref<120x128xf32, #tpu.memory_space<vmem_shared>>
      %dma_start3A_159 = arith.constant 0 : i32
      %dma_start3A_160 = tpu.memref_slice %arg17[%add3A_33, %dma_start3A_159] : memref<10112x128xf32, #tpu.memory_space<vmem_shared>> -> memref<120x128xf32, #tpu.memory_space<vmem_shared>>
      %dma_start3A_161 = arith.constant 0 : i32
      %dma_start3A_162 = arith.constant 0 : i32
      %dma_start3A_163 = tpu.memref_slice %arg15[%dma_start3A_161, %dma_start3A_162] : memref<128x128xf32, #tpu.memory_space<vmem>> -> memref<120x128xf32, #tpu.memory_space<vmem>>
      tpu.enqueue_dma source(%dma_start3A_163 : memref<120x128xf32, #tpu.memory_space<vmem>>) target(%dma_start3A_160 : memref<120x128xf32, #tpu.memory_space<vmem_shared>>) target_semaphore(%run_scoped3A : memref<!tpu.dma_semaphore, #tpu.memory_space<semaphore_mem>>)
      %dma_wait3A_164 = arith.constant 0 : i32
      %dma_wait3A_165 = arith.constant 0 : i32
      %dma_wait3A_166 = tpu.memref_slice %arg15[%dma_wait3A_164, %dma_wait3A_165] : memref<128x128xf32, #tpu.memory_space<vmem>> -> memref<120x128xf32, #tpu.memory_space<vmem>>
      %dma_wait3A_167 = arith.constant 0 : i32
      %dma_wait3A_168 = tpu.memref_slice %arg17[%add3A_33, %dma_wait3A_167] : memref<10112x128xf32, #tpu.memory_space<vmem_shared>> -> memref<120x128xf32, #tpu.memory_space<vmem_shared>>
      %dma_wait3A_169 = arith.constant 0 : i32
      %dma_wait3A_170 = tpu.memref_slice %arg17[%add3A_33, %dma_wait3A_169] : memref<10112x128xf32, #tpu.memory_space<vmem_shared>> -> memref<120x128xf32, #tpu.memory_space<vmem_shared>>
      %dma_wait3A_171 = arith.constant 0 : i32
      %dma_wait3A_172 = arith.constant 0 : i32
      %dma_wait3A_173 = tpu.memref_slice %arg15[%dma_wait3A_171, %dma_wait3A_172] : memref<128x128xf32, #tpu.memory_space<vmem>> -> memref<120x128xf32, #tpu.memory_space<vmem>>
      tpu.wait_dma2 semaphore(%run_scoped3A : memref<!tpu.dma_semaphore, #tpu.memory_space<semaphore_mem>>) src(%dma_wait3A_173 : memref<120x128xf32, #tpu.memory_space<vmem>>) dst(%dma_wait3A_170 : memref<120x128xf32, #tpu.memory_space<vmem_shared>>)
      tpu.yield
    }) : () -> ()
    %barrier3A = arith.constant 0 : index
    tpu.barrier barrier_id(%barrier3A)
    %add3A_34 = arith.constant 0 : i32
    %add3A_35 = arith.addi %select_n3A, %add3A_34 : i32
    %dma_start3A = arith.constant 0 : i32
    %dma_start3A_36 = tpu.memref_slice %arg3[%add3A_35, %dma_start3A] : memref<2560x128xi32, #tpu.memory_space<hbm>> -> memref<1x128xi32, #tpu.memory_space<hbm>>
    %dma_start3A_37 = tpu.memref_squeeze %dma_start3A_36 : memref<1x128xi32, #tpu.memory_space<hbm>> -> memref<128xi32, #tpu.memory_space<hbm>>
    %dma_start3A_38 = arith.constant 0 : i32
    %dma_start3A_39 = tpu.memref_slice %arg3[%add3A_35, %dma_start3A_38] : memref<2560x128xi32, #tpu.memory_space<hbm>> -> memref<1x128xi32, #tpu.memory_space<hbm>>
    %dma_start3A_40 = tpu.memref_squeeze %dma_start3A_39 : memref<1x128xi32, #tpu.memory_space<hbm>> -> memref<128xi32, #tpu.memory_space<hbm>>
    tpu.enqueue_dma source(%dma_start3A_40 : memref<128xi32, #tpu.memory_space<hbm>>) target(%arg7 : memref<128xi32, #tpu.memory_space<vmem>>) target_semaphore(%arg18 : memref<!tpu.dma_semaphore, #tpu.memory_space<semaphore_mem>>)
    %add3A_41 = arith.constant 0 : i32
    %add3A_42 = arith.addi %select_n3A, %add3A_41 : i32
    %dma_start3A_43 = arith.constant 0 : i32
    %dma_start3A_44 = tpu.memref_slice %arg4[%add3A_42, %dma_start3A_43] : memref<2560x128xi32, #tpu.memory_space<hbm>> -> memref<1x128xi32, #tpu.memory_space<hbm>>
    %dma_start3A_45 = tpu.memref_squeeze %dma_start3A_44 : memref<1x128xi32, #tpu.memory_space<hbm>> -> memref<128xi32, #tpu.memory_space<hbm>>
    %dma_start3A_46 = arith.constant 0 : i32
    %dma_start3A_47 = tpu.memref_slice %arg4[%add3A_42, %dma_start3A_46] : memref<2560x128xi32, #tpu.memory_space<hbm>> -> memref<1x128xi32, #tpu.memory_space<hbm>>
    %dma_start3A_48 = tpu.memref_squeeze %dma_start3A_47 : memref<1x128xi32, #tpu.memory_space<hbm>> -> memref<128xi32, #tpu.memory_space<hbm>>
    tpu.enqueue_dma source(%dma_start3A_48 : memref<128xi32, #tpu.memory_space<hbm>>) target(%arg11 : memref<128xi32, #tpu.memory_space<vmem>>) target_semaphore(%arg19 : memref<!tpu.dma_semaphore, #tpu.memory_space<semaphore_mem>>)
    %add3A_49 = arith.constant 1 : i32
    %add3A_50 = arith.addi %select_n3A, %add3A_49 : i32
    %dma_start3A_51 = arith.constant 0 : i32
    %dma_start3A_52 = tpu.memref_slice %arg3[%add3A_50, %dma_start3A_51] : memref<2560x128xi32, #tpu.memory_space<hbm>> -> memref<1x128xi32, #tpu.memory_space<hbm>>
    %dma_start3A_53 = tpu.memref_squeeze %dma_start3A_52 : memref<1x128xi32, #tpu.memory_space<hbm>> -> memref<128xi32, #tpu.memory_space<hbm>>
    %dma_start3A_54 = arith.constant 0 : i32
    %dma_start3A_55 = tpu.memref_slice %arg3[%add3A_50, %dma_start3A_54] : memref<2560x128xi32, #tpu.memory_space<hbm>> -> memref<1x128xi32, #tpu.memory_space<hbm>>
    %dma_start3A_56 = tpu.memref_squeeze %dma_start3A_55 : memref<1x128xi32, #tpu.memory_space<hbm>> -> memref<128xi32, #tpu.memory_space<hbm>>
    tpu.enqueue_dma source(%dma_start3A_56 : memref<128xi32, #tpu.memory_space<hbm>>) target(%arg8 : memref<128xi32, #tpu.memory_space<vmem>>) target_semaphore(%arg18 : memref<!tpu.dma_semaphore, #tpu.memory_space<semaphore_mem>>)
    %add3A_57 = arith.constant 1 : i32
    %add3A_58 = arith.addi %select_n3A, %add3A_57 : i32
    %dma_start3A_59 = arith.constant 0 : i32
    %dma_start3A_60 = tpu.memref_slice %arg4[%add3A_58, %dma_start3A_59] : memref<2560x128xi32, #tpu.memory_space<hbm>> -> memref<1x128xi32, #tpu.memory_space<hbm>>
    %dma_start3A_61 = tpu.memref_squeeze %dma_start3A_60 : memref<1x128xi32, #tpu.memory_space<hbm>> -> memref<128xi32, #tpu.memory_space<hbm>>
    %dma_start3A_62 = arith.constant 0 : i32
    %dma_start3A_63 = tpu.memref_slice %arg4[%add3A_58, %dma_start3A_62] : memref<2560x128xi32, #tpu.memory_space<hbm>> -> memref<1x128xi32, #tpu.memory_space<hbm>>
    %dma_start3A_64 = tpu.memref_squeeze %dma_start3A_63 : memref<1x128xi32, #tpu.memory_space<hbm>> -> memref<128xi32, #tpu.memory_space<hbm>>
    tpu.enqueue_dma source(%dma_start3A_64 : memref<128xi32, #tpu.memory_space<hbm>>) target(%arg12 : memref<128xi32, #tpu.memory_space<vmem>>) target_semaphore(%arg19 : memref<!tpu.dma_semaphore, #tpu.memory_space<semaphore_mem>>)
    %add3A_65 = arith.constant 2 : i32
    %add3A_66 = arith.addi %select_n3A, %add3A_65 : i32
    %dma_start3A_67 = arith.constant 0 : i32
    %dma_start3A_68 = tpu.memref_slice %arg3[%add3A_66, %dma_start3A_67] : memref<2560x128xi32, #tpu.memory_space<hbm>> -> memref<1x128xi32, #tpu.memory_space<hbm>>
    %dma_start3A_69 = tpu.memref_squeeze %dma_start3A_68 : memref<1x128xi32, #tpu.memory_space<hbm>> -> memref<128xi32, #tpu.memory_space<hbm>>
    %dma_start3A_70 = arith.constant 0 : i32
    %dma_start3A_71 = tpu.memref_slice %arg3[%add3A_66, %dma_start3A_70] : memref<2560x128xi32, #tpu.memory_space<hbm>> -> memref<1x128xi32, #tpu.memory_space<hbm>>
    %dma_start3A_72 = tpu.memref_squeeze %dma_start3A_71 : memref<1x128xi32, #tpu.memory_space<hbm>> -> memref<128xi32, #tpu.memory_space<hbm>>
    tpu.enqueue_dma source(%dma_start3A_72 : memref<128xi32, #tpu.memory_space<hbm>>) target(%arg9 : memref<128xi32, #tpu.memory_space<vmem>>) target_semaphore(%arg18 : memref<!tpu.dma_semaphore, #tpu.memory_space<semaphore_mem>>)
    %add3A_73 = arith.constant 2 : i32
    %add3A_74 = arith.addi %select_n3A, %add3A_73 : i32
    %dma_start3A_75 = arith.constant 0 : i32
    %dma_start3A_76 = tpu.memref_slice %arg4[%add3A_74, %dma_start3A_75] : memref<2560x128xi32, #tpu.memory_space<hbm>> -> memref<1x128xi32, #tpu.memory_space<hbm>>
    %dma_start3A_77 = tpu.memref_squeeze %dma_start3A_76 : memref<1x128xi32, #tpu.memory_space<hbm>> -> memref<128xi32, #tpu.memory_space<hbm>>
    %dma_start3A_78 = arith.constant 0 : i32
    %dma_start3A_79 = tpu.memref_slice %arg4[%add3A_74, %dma_start3A_78] : memref<2560x128xi32, #tpu.memory_space<hbm>> -> memref<1x128xi32, #tpu.memory_space<hbm>>
    %dma_start3A_80 = tpu.memref_squeeze %dma_start3A_79 : memref<1x128xi32, #tpu.memory_space<hbm>> -> memref<128xi32, #tpu.memory_space<hbm>>
    tpu.enqueue_dma source(%dma_start3A_80 : memref<128xi32, #tpu.memory_space<hbm>>) target(%arg13 : memref<128xi32, #tpu.memory_space<vmem>>) target_semaphore(%arg19 : memref<!tpu.dma_semaphore, #tpu.memory_space<semaphore_mem>>)
    %add3A_81 = arith.constant 3 : i32
    %add3A_82 = arith.addi %select_n3A, %add3A_81 : i32
    %dma_start3A_83 = arith.constant 0 : i32
    %dma_start3A_84 = tpu.memref_slice %arg3[%add3A_82, %dma_start3A_83] : memref<2560x128xi32, #tpu.memory_space<hbm>> -> memref<1x128xi32, #tpu.memory_space<hbm>>
    %dma_start3A_85 = tpu.memref_squeeze %dma_start3A_84 : memref<1x128xi32, #tpu.memory_space<hbm>> -> memref<128xi32, #tpu.memory_space<hbm>>
    %dma_start3A_86 = arith.constant 0 : i32
    %dma_start3A_87 = tpu.memref_slice %arg3[%add3A_82, %dma_start3A_86] : memref<2560x128xi32, #tpu.memory_space<hbm>> -> memref<1x128xi32, #tpu.memory_space<hbm>>
    %dma_start3A_88 = tpu.memref_squeeze %dma_start3A_87 : memref<1x128xi32, #tpu.memory_space<hbm>> -> memref<128xi32, #tpu.memory_space<hbm>>
    tpu.enqueue_dma source(%dma_start3A_88 : memref<128xi32, #tpu.memory_space<hbm>>) target(%arg10 : memref<128xi32, #tpu.memory_space<vmem>>) target_semaphore(%arg18 : memref<!tpu.dma_semaphore, #tpu.memory_space<semaphore_mem>>)
    %add3A_89 = arith.constant 3 : i32
    %add3A_90 = arith.addi %select_n3A, %add3A_89 : i32
    %dma_start3A_91 = arith.constant 0 : i32
    %dma_start3A_92 = tpu.memref_slice %arg4[%add3A_90, %dma_start3A_91] : memref<2560x128xi32, #tpu.memory_space<hbm>> -> memref<1x128xi32, #tpu.memory_space<hbm>>
    %dma_start3A_93 = tpu.memref_squeeze %dma_start3A_92 : memref<1x128xi32, #tpu.memory_space<hbm>> -> memref<128xi32, #tpu.memory_space<hbm>>
    %dma_start3A_94 = arith.constant 0 : i32
    %dma_start3A_95 = tpu.memref_slice %arg4[%add3A_90, %dma_start3A_94] : memref<2560x128xi32, #tpu.memory_space<hbm>> -> memref<1x128xi32, #tpu.memory_space<hbm>>
    %dma_start3A_96 = tpu.memref_squeeze %dma_start3A_95 : memref<1x128xi32, #tpu.memory_space<hbm>> -> memref<128xi32, #tpu.memory_space<hbm>>
    tpu.enqueue_dma source(%dma_start3A_96 : memref<128xi32, #tpu.memory_space<hbm>>) target(%arg14 : memref<128xi32, #tpu.memory_space<vmem>>) target_semaphore(%arg19 : memref<!tpu.dma_semaphore, #tpu.memory_space<semaphore_mem>>)
    %add3A_97 = arith.constant 0 : i32
    %add3A_98 = arith.addi %select_n3A, %add3A_97 : i32
    %dma_wait3A = arith.constant 0 : i32
    %dma_wait3A_99 = tpu.memref_slice %arg3[%add3A_98, %dma_wait3A] : memref<2560x128xi32, #tpu.memory_space<hbm>> -> memref<1x128xi32, #tpu.memory_space<hbm>>
    %dma_wait3A_100 = tpu.memref_squeeze %dma_wait3A_99 : memref<1x128xi32, #tpu.memory_space<hbm>> -> memref<128xi32, #tpu.memory_space<hbm>>
    %dma_wait3A_101 = arith.constant 0 : i32
    %dma_wait3A_102 = tpu.memref_slice %arg3[%add3A_98, %dma_wait3A_101] : memref<2560x128xi32, #tpu.memory_space<hbm>> -> memref<1x128xi32, #tpu.memory_space<hbm>>
    %dma_wait3A_103 = tpu.memref_squeeze %dma_wait3A_102 : memref<1x128xi32, #tpu.memory_space<hbm>> -> memref<128xi32, #tpu.memory_space<hbm>>
    tpu.wait_dma2 semaphore(%arg18 : memref<!tpu.dma_semaphore, #tpu.memory_space<semaphore_mem>>) src(%dma_wait3A_103 : memref<128xi32, #tpu.memory_space<hbm>>) dst(%arg7 : memref<128xi32, #tpu.memory_space<vmem>>)
    %dma_start3A_104 = arith.constant 0 : i32
    %dma_start3A_105 = arith.constant 0 : i32
    %dma_start3A_106 = tpu.memref_slice %arg2[%dma_start3A_104, %dma_start3A_105] : memref<10112x128xf32, #tpu.memory_space<hbm>> -> memref<10112x128xf32, #tpu.memory_space<hbm>>
    tpu.enqueue_indirect_dma source(%dma_start3A_106 : memref<10112x128xf32, #tpu.memory_space<hbm>>) target(%arg15 : memref<128x128xf32, #tpu.memory_space<vmem>>) offsets(%arg7 : memref<128xi32, #tpu.memory_space<vmem>>) semaphore(%arg20 : memref<!tpu.dma_semaphore, #tpu.memory_space<semaphore_mem>>)
    %add3A_107 = arith.constant 1 : i32
    %add3A_108 = arith.addi %select_n3A, %add3A_107 : i32
    %dma_wait3A_109 = arith.constant 0 : i32
    %dma_wait3A_110 = tpu.memref_slice %arg3[%add3A_108, %dma_wait3A_109] : memref<2560x128xi32, #tpu.memory_space<hbm>> -> memref<1x128xi32, #tpu.memory_space<hbm>>
    %dma_wait3A_111 = tpu.memref_squeeze %dma_wait3A_110 : memref<1x128xi32, #tpu.memory_space<hbm>> -> memref<128xi32, #tpu.memory_space<hbm>>
    %dma_wait3A_112 = arith.constant 0 : i32
    %dma_wait3A_113 = tpu.memref_slice %arg3[%add3A_108, %dma_wait3A_112] : memref<2560x128xi32, #tpu.memory_space<hbm>> -> memref<1x128xi32, #tpu.memory_space<hbm>>
    %dma_wait3A_114 = tpu.memref_squeeze %dma_wait3A_113 : memref<1x128xi32, #tpu.memory_space<hbm>> -> memref<128xi32, #tpu.memory_space<hbm>>
    tpu.wait_dma2 semaphore(%arg18 : memref<!tpu.dma_semaphore, #tpu.memory_space<semaphore_mem>>) src(%dma_wait3A_114 : memref<128xi32, #tpu.memory_space<hbm>>) dst(%arg8 : memref<128xi32, #tpu.memory_space<vmem>>)
    %dma_start3A_115 = arith.constant 0 : i32
    %dma_start3A_116 = arith.constant 0 : i32
    %dma_start3A_117 = tpu.memref_slice %arg2[%dma_start3A_115, %dma_start3A_116] : memref<10112x128xf32, #tpu.memory_space<hbm>> -> memref<10112x128xf32, #tpu.memory_space<hbm>>
    tpu.enqueue_indirect_dma source(%dma_start3A_117 : memref<10112x128xf32, #tpu.memory_space<hbm>>) target(%arg16 : memref<128x128xf32, #tpu.memory_space<vmem>>) offsets(%arg8 : memref<128xi32, #tpu.memory_space<vmem>>) semaphore(%arg20 : memref<!tpu.dma_semaphore, #tpu.memory_space<semaphore_mem>>)
    %jit3A_118 = arith.constant 4 : i32
    %div3A = arith.divsi %select_n3A_8, %jit3A_118 : i32
    %sign3A = arith.constant 0 : i32
    %sign3A_119 = arith.cmpi sgt, %select_n3A_8, %sign3A : i32
    %sign3A_120 = arith.extui %sign3A_119 : i1 to i32
    %sign3A_121 = arith.constant 0 : i32
    %sign3A_122 = arith.cmpi slt, %select_n3A_8, %sign3A_121 : i32
    %sign3A_123 = arith.extui %sign3A_122 : i1 to i32
    %sign3A_124 = arith.subi %sign3A_120, %sign3A_123 : i32
    %sign3A_125 = arith.constant 0 : i32
    %sign3A_126 = arith.cmpi sgt, %jit3A_118, %sign3A_125 : i32
    %sign3A_127 = arith.extui %sign3A_126 : i1 to i32
    %sign3A_128 = arith.constant 0 : i32
    %sign3A_129 = arith.cmpi slt, %jit3A_118, %sign3A_128 : i32
    %sign3A_130 = arith.extui %sign3A_129 : i1 to i32
    %sign3A_131 = arith.subi %sign3A_127, %sign3A_130 : i32
    %ne3A = arith.cmpi ne, %sign3A_124, %sign3A_131 : i32
    %rem3A = arith.remsi %select_n3A_8, %jit3A_118 : i32
    %ne3A_132 = arith.constant 0 : i32
    %ne3A_133 = arith.cmpi ne, %rem3A, %ne3A_132 : i32
    %and3A = arith.andi %ne3A, %ne3A_133 : i1
    %sub3A = arith.constant 1 : i32
    %sub3A_134 = arith.subi %div3A, %sub3A : i32
    %select_n3A_135 = arith.select %and3A, %sub3A_134, %div3A : i32
    %while3A = arith.constant 0 : i32
    %while3A_136 = arith.constant 0 : i32
    %while3A_137 = arith.subi %select_n3A_135, %while3A_136 : i32
    %while3A_138 = arith.addi %while3A_136, %while3A_137 : i32
    %while3A_139 = arith.constant 1 : i32
    %while3A_140 = arith.divsi %while3A_137, %while3A_139 : i32
    %while3A_141 = arith.muli %while3A_140, %while3A_139 : i32
    %while3A_142 = arith.addi %while3A_136, %while3A_141 : i32
    %while3A_143 = arith.constant 1 : i32
    scf.for %while3A_154 = %while3A_136 to %while3A_142 step %while3A_143  : i32 {
      %mul3A_155 = arith.constant 4 : i32
      %mul3A_156 = arith.muli %while3A_154, %mul3A_155 : i32
      %add3A_157 = arith.constant 0 : i32
      %add3A_158 = arith.addi %mul3A_156, %add3A_157 : i32
      %add3A_159 = arith.addi %select_n3A, %add3A_158 : i32
      %dma_wait3A_160 = arith.constant 0 : i32
      %dma_wait3A_161 = tpu.memref_slice %arg4[%add3A_159, %dma_wait3A_160] : memref<2560x128xi32, #tpu.memory_space<hbm>> -> memref<1x128xi32, #tpu.memory_space<hbm>>
      %dma_wait3A_162 = tpu.memref_squeeze %dma_wait3A_161 : memref<1x128xi32, #tpu.memory_space<hbm>> -> memref<128xi32, #tpu.memory_space<hbm>>
      %dma_wait3A_163 = arith.constant 0 : i32
      %dma_wait3A_164 = tpu.memref_slice %arg4[%add3A_159, %dma_wait3A_163] : memref<2560x128xi32, #tpu.memory_space<hbm>> -> memref<1x128xi32, #tpu.memory_space<hbm>>
      %dma_wait3A_165 = tpu.memref_squeeze %dma_wait3A_164 : memref<1x128xi32, #tpu.memory_space<hbm>> -> memref<128xi32, #tpu.memory_space<hbm>>
      tpu.wait_dma2 semaphore(%arg19 : memref<!tpu.dma_semaphore, #tpu.memory_space<semaphore_mem>>) src(%dma_wait3A_165 : memref<128xi32, #tpu.memory_space<hbm>>) dst(%arg11 : memref<128xi32, #tpu.memory_space<vmem>>)
      %dma_wait3A_166 = arith.constant 0 : i32
      %dma_wait3A_167 = arith.constant 0 : i32
      %dma_wait3A_168 = tpu.memref_slice %arg2[%dma_wait3A_166, %dma_wait3A_167] : memref<10112x128xf32, #tpu.memory_space<hbm>> -> memref<10112x128xf32, #tpu.memory_space<hbm>>
      tpu.wait_indirect_dma semaphore(%arg20 : memref<!tpu.dma_semaphore, #tpu.memory_space<semaphore_mem>>) src(%dma_wait3A_168 : memref<10112x128xf32, #tpu.memory_space<hbm>>) dst(%arg15 : memref<128x128xf32, #tpu.memory_space<vmem>>)
      "tpu.region"() ({
        %run_scoped3A = tpu.sem_alloc : memref<!tpu.dma_semaphore, #tpu.memory_space<semaphore_mem>>
        %dma_start3A_258 = arith.constant 0 : i32
        %dma_start3A_259 = arith.constant 0 : i32
        %dma_start3A_260 = tpu.memref_slice %arg17[%dma_start3A_258, %dma_start3A_259] : memref<10112x128xf32, #tpu.memory_space<vmem_shared>> -> memref<10112x128xf32, #tpu.memory_space<vmem_shared>>
        tpu.enqueue_indirect_dma source(%arg15 : memref<128x128xf32, #tpu.memory_space<vmem>>) target(%dma_start3A_260 : memref<10112x128xf32, #tpu.memory_space<vmem_shared>>) offsets(%arg11 : memref<128xi32, #tpu.memory_space<vmem>>) semaphore(%run_scoped3A : memref<!tpu.dma_semaphore, #tpu.memory_space<semaphore_mem>>) {add = true}
        %dma_wait3A_261 = arith.constant 0 : i32
        %dma_wait3A_262 = arith.constant 0 : i32
        %dma_wait3A_263 = tpu.memref_slice %arg17[%dma_wait3A_261, %dma_wait3A_262] : memref<10112x128xf32, #tpu.memory_space<vmem_shared>> -> memref<10112x128xf32, #tpu.memory_space<vmem_shared>>
        tpu.wait_indirect_dma semaphore(%run_scoped3A : memref<!tpu.dma_semaphore, #tpu.memory_space<semaphore_mem>>) src(%arg15 : memref<128x128xf32, #tpu.memory_space<vmem>>) dst(%dma_wait3A_263 : memref<10112x128xf32, #tpu.memory_space<vmem_shared>>)
        tpu.yield
      }) : () -> ()
      %add3A_169 = arith.constant 2 : i32
      %add3A_170 = arith.addi %add3A_158, %add3A_169 : i32
      %lt3A = arith.cmpi slt, %add3A_170, %select_n3A_8 : i32
      %convert_element_type3A_171 = arith.extui %lt3A : i1 to i32
      %cond3A_172 = arith.constant 0 : i32
      %cond3A_173 = arith.cmpi ne, %convert_element_type3A_171, %cond3A_172 : i32
      scf.if %cond3A_173 {
        %add3A_258 = arith.addi %select_n3A, %add3A_158 : i32
        %add3A_259 = arith.constant 2 : i32
        %add3A_260 = arith.addi %add3A_258, %add3A_259 : i32
        %dma_wait3A_261 = arith.constant 0 : i32
        %dma_wait3A_262 = tpu.memref_slice %arg3[%add3A_260, %dma_wait3A_261] : memref<2560x128xi32, #tpu.memory_space<hbm>> -> memref<1x128xi32, #tpu.memory_space<hbm>>
        %dma_wait3A_263 = tpu.memref_squeeze %dma_wait3A_262 : memref<1x128xi32, #tpu.memory_space<hbm>> -> memref<128xi32, #tpu.memory_space<hbm>>
        %dma_wait3A_264 = arith.constant 0 : i32
        %dma_wait3A_265 = tpu.memref_slice %arg3[%add3A_260, %dma_wait3A_264] : memref<2560x128xi32, #tpu.memory_space<hbm>> -> memref<1x128xi32, #tpu.memory_space<hbm>>
        %dma_wait3A_266 = tpu.memref_squeeze %dma_wait3A_265 : memref<1x128xi32, #tpu.memory_space<hbm>> -> memref<128xi32, #tpu.memory_space<hbm>>
        tpu.wait_dma2 semaphore(%arg18 : memref<!tpu.dma_semaphore, #tpu.memory_space<semaphore_mem>>) src(%dma_wait3A_266 : memref<128xi32, #tpu.memory_space<hbm>>) dst(%arg9 : memref<128xi32, #tpu.memory_space<vmem>>)
        %dma_start3A_267 = arith.constant 0 : i32
        %dma_start3A_268 = arith.constant 0 : i32
        %dma_start3A_269 = tpu.memref_slice %arg2[%dma_start3A_267, %dma_start3A_268] : memref<10112x128xf32, #tpu.memory_space<hbm>> -> memref<10112x128xf32, #tpu.memory_space<hbm>>
        tpu.enqueue_indirect_dma source(%dma_start3A_269 : memref<10112x128xf32, #tpu.memory_space<hbm>>) target(%arg15 : memref<128x128xf32, #tpu.memory_space<vmem>>) offsets(%arg9 : memref<128xi32, #tpu.memory_space<vmem>>) semaphore(%arg20 : memref<!tpu.dma_semaphore, #tpu.memory_space<semaphore_mem>>)
      } else {
      }
      %add3A_174 = arith.constant 4 : i32
      %add3A_175 = arith.addi %add3A_158, %add3A_174 : i32
      %lt3A_176 = arith.cmpi slt, %add3A_175, %select_n3A_8 : i32
      %convert_element_type3A_177 = arith.extui %lt3A_176 : i1 to i32
      %cond3A_178 = arith.constant 0 : i32
      %cond3A_179 = arith.cmpi ne, %convert_element_type3A_177, %cond3A_178 : i32
      scf.if %cond3A_179 {
        %add3A_258 = arith.addi %select_n3A, %add3A_158 : i32
        %add3A_259 = arith.constant 4 : i32
        %add3A_260 = arith.addi %add3A_258, %add3A_259 : i32
        %dma_start3A_261 = arith.constant 0 : i32
        %dma_start3A_262 = tpu.memref_slice %arg3[%add3A_260, %dma_start3A_261] : memref<2560x128xi32, #tpu.memory_space<hbm>> -> memref<1x128xi32, #tpu.memory_space<hbm>>
        %dma_start3A_263 = tpu.memref_squeeze %dma_start3A_262 : memref<1x128xi32, #tpu.memory_space<hbm>> -> memref<128xi32, #tpu.memory_space<hbm>>
        %dma_start3A_264 = arith.constant 0 : i32
        %dma_start3A_265 = tpu.memref_slice %arg3[%add3A_260, %dma_start3A_264] : memref<2560x128xi32, #tpu.memory_space<hbm>> -> memref<1x128xi32, #tpu.memory_space<hbm>>
        %dma_start3A_266 = tpu.memref_squeeze %dma_start3A_265 : memref<1x128xi32, #tpu.memory_space<hbm>> -> memref<128xi32, #tpu.memory_space<hbm>>
        tpu.enqueue_dma source(%dma_start3A_266 : memref<128xi32, #tpu.memory_space<hbm>>) target(%arg7 : memref<128xi32, #tpu.memory_space<vmem>>) target_semaphore(%arg18 : memref<!tpu.dma_semaphore, #tpu.memory_space<semaphore_mem>>)
        %add3A_267 = arith.addi %select_n3A, %add3A_158 : i32
        %add3A_268 = arith.constant 4 : i32
        %add3A_269 = arith.addi %add3A_267, %add3A_268 : i32
        %dma_start3A_270 = arith.constant 0 : i32
        %dma_start3A_271 = tpu.memref_slice %arg4[%add3A_269, %dma_start3A_270] : memref<2560x128xi32, #tpu.memory_space<hbm>> -> memref<1x128xi32, #tpu.memory_space<hbm>>
        %dma_start3A_272 = tpu.memref_squeeze %dma_start3A_271 : memref<1x128xi32, #tpu.memory_space<hbm>> -> memref<128xi32, #tpu.memory_space<hbm>>
        %dma_start3A_273 = arith.constant 0 : i32
        %dma_start3A_274 = tpu.memref_slice %arg4[%add3A_269, %dma_start3A_273] : memref<2560x128xi32, #tpu.memory_space<hbm>> -> memref<1x128xi32, #tpu.memory_space<hbm>>
        %dma_start3A_275 = tpu.memref_squeeze %dma_start3A_274 : memref<1x128xi32, #tpu.memory_space<hbm>> -> memref<128xi32, #tpu.memory_space<hbm>>
        tpu.enqueue_dma source(%dma_start3A_275 : memref<128xi32, #tpu.memory_space<hbm>>) target(%arg11 : memref<128xi32, #tpu.memory_space<vmem>>) target_semaphore(%arg19 : memref<!tpu.dma_semaphore, #tpu.memory_space<semaphore_mem>>)
      } else {
      }
      %mul3A_180 = arith.constant 4 : i32
      %mul3A_181 = arith.muli %while3A_154, %mul3A_180 : i32
      %add3A_182 = arith.constant 1 : i32
      %add3A_183 = arith.addi %mul3A_181, %add3A_182 : i32
      %add3A_184 = arith.addi %select_n3A, %add3A_183 : i32
      %dma_wait3A_185 = arith.constant 0 : i32
      %dma_wait3A_186 = tpu.memref_slice %arg4[%add3A_184, %dma_wait3A_185] : memref<2560x128xi32, #tpu.memory_space<hbm>> -> memref<1x128xi32, #tpu.memory_space<hbm>>
      %dma_wait3A_187 = tpu.memref_squeeze %dma_wait3A_186 : memref<1x128xi32, #tpu.memory_space<hbm>> -> memref<128xi32, #tpu.memory_space<hbm>>
      %dma_wait3A_188 = arith.constant 0 : i32
      %dma_wait3A_189 = tpu.memref_slice %arg4[%add3A_184, %dma_wait3A_188] : memref<2560x128xi32, #tpu.memory_space<hbm>> -> memref<1x128xi32, #tpu.memory_space<hbm>>
      %dma_wait3A_190 = tpu.memref_squeeze %dma_wait3A_189 : memref<1x128xi32, #tpu.memory_space<hbm>> -> memref<128xi32, #tpu.memory_space<hbm>>
      tpu.wait_dma2 semaphore(%arg19 : memref<!tpu.dma_semaphore, #tpu.memory_space<semaphore_mem>>) src(%dma_wait3A_190 : memref<128xi32, #tpu.memory_space<hbm>>) dst(%arg12 : memref<128xi32, #tpu.memory_space<vmem>>)
      %dma_wait3A_191 = arith.constant 0 : i32
      %dma_wait3A_192 = arith.constant 0 : i32
      %dma_wait3A_193 = tpu.memref_slice %arg2[%dma_wait3A_191, %dma_wait3A_192] : memref<10112x128xf32, #tpu.memory_space<hbm>> -> memref<10112x128xf32, #tpu.memory_space<hbm>>
      tpu.wait_indirect_dma semaphore(%arg20 : memref<!tpu.dma_semaphore, #tpu.memory_space<semaphore_mem>>) src(%dma_wait3A_193 : memref<10112x128xf32, #tpu.memory_space<hbm>>) dst(%arg16 : memref<128x128xf32, #tpu.memory_space<vmem>>)
      "tpu.region"() ({
        %run_scoped3A = tpu.sem_alloc : memref<!tpu.dma_semaphore, #tpu.memory_space<semaphore_mem>>
        %dma_start3A_258 = arith.constant 0 : i32
        %dma_start3A_259 = arith.constant 0 : i32
        %dma_start3A_260 = tpu.memref_slice %arg17[%dma_start3A_258, %dma_start3A_259] : memref<10112x128xf32, #tpu.memory_space<vmem_shared>> -> memref<10112x128xf32, #tpu.memory_space<vmem_shared>>
        tpu.enqueue_indirect_dma source(%arg16 : memref<128x128xf32, #tpu.memory_space<vmem>>) target(%dma_start3A_260 : memref<10112x128xf32, #tpu.memory_space<vmem_shared>>) offsets(%arg12 : memref<128xi32, #tpu.memory_space<vmem>>) semaphore(%run_scoped3A : memref<!tpu.dma_semaphore, #tpu.memory_space<semaphore_mem>>) {add = true}
        %dma_wait3A_261 = arith.constant 0 : i32
        %dma_wait3A_262 = arith.constant 0 : i32
        %dma_wait3A_263 = tpu.memref_slice %arg17[%dma_wait3A_261, %dma_wait3A_262] : memref<10112x128xf32, #tpu.memory_space<vmem_shared>> -> memref<10112x128xf32, #tpu.memory_space<vmem_shared>>
        tpu.wait_indirect_dma semaphore(%run_scoped3A : memref<!tpu.dma_semaphore, #tpu.memory_space<semaphore_mem>>) src(%arg16 : memref<128x128xf32, #tpu.memory_space<vmem>>) dst(%dma_wait3A_263 : memref<10112x128xf32, #tpu.memory_space<vmem_shared>>)
        tpu.yield
      }) : () -> ()
      %add3A_194 = arith.constant 2 : i32
      %add3A_195 = arith.addi %add3A_183, %add3A_194 : i32
      %lt3A_196 = arith.cmpi slt, %add3A_195, %select_n3A_8 : i32
      %convert_element_type3A_197 = arith.extui %lt3A_196 : i1 to i32
      %cond3A_198 = arith.constant 0 : i32
      %cond3A_199 = arith.cmpi ne, %convert_element_type3A_197, %cond3A_198 : i32
      scf.if %cond3A_199 {
        %add3A_258 = arith.addi %select_n3A, %add3A_183 : i32
        %add3A_259 = arith.constant 2 : i32
        %add3A_260 = arith.addi %add3A_258, %add3A_259 : i32
        %dma_wait3A_261 = arith.constant 0 : i32
        %dma_wait3A_262 = tpu.memref_slice %arg3[%add3A_260, %dma_wait3A_261] : memref<2560x128xi32, #tpu.memory_space<hbm>> -> memref<1x128xi32, #tpu.memory_space<hbm>>
        %dma_wait3A_263 = tpu.memref_squeeze %dma_wait3A_262 : memref<1x128xi32, #tpu.memory_space<hbm>> -> memref<128xi32, #tpu.memory_space<hbm>>
        %dma_wait3A_264 = arith.constant 0 : i32
        %dma_wait3A_265 = tpu.memref_slice %arg3[%add3A_260, %dma_wait3A_264] : memref<2560x128xi32, #tpu.memory_space<hbm>> -> memref<1x128xi32, #tpu.memory_space<hbm>>
        %dma_wait3A_266 = tpu.memref_squeeze %dma_wait3A_265 : memref<1x128xi32, #tpu.memory_space<hbm>> -> memref<128xi32, #tpu.memory_space<hbm>>
        tpu.wait_dma2 semaphore(%arg18 : memref<!tpu.dma_semaphore, #tpu.memory_space<semaphore_mem>>) src(%dma_wait3A_266 : memref<128xi32, #tpu.memory_space<hbm>>) dst(%arg10 : memref<128xi32, #tpu.memory_space<vmem>>)
        %dma_start3A_267 = arith.constant 0 : i32
        %dma_start3A_268 = arith.constant 0 : i32
        %dma_start3A_269 = tpu.memref_slice %arg2[%dma_start3A_267, %dma_start3A_268] : memref<10112x128xf32, #tpu.memory_space<hbm>> -> memref<10112x128xf32, #tpu.memory_space<hbm>>
        tpu.enqueue_indirect_dma source(%dma_start3A_269 : memref<10112x128xf32, #tpu.memory_space<hbm>>) target(%arg16 : memref<128x128xf32, #tpu.memory_space<vmem>>) offsets(%arg10 : memref<128xi32, #tpu.memory_space<vmem>>) semaphore(%arg20 : memref<!tpu.dma_semaphore, #tpu.memory_space<semaphore_mem>>)
      } else {
      }
      %add3A_200 = arith.constant 4 : i32
      %add3A_201 = arith.addi %add3A_183, %add3A_200 : i32
      %lt3A_202 = arith.cmpi slt, %add3A_201, %select_n3A_8 : i32
      %convert_element_type3A_203 = arith.extui %lt3A_202 : i1 to i32
      %cond3A_204 = arith.constant 0 : i32
      %cond3A_205 = arith.cmpi ne, %convert_element_type3A_203, %cond3A_204 : i32
      scf.if %cond3A_205 {
        %add3A_258 = arith.addi %select_n3A, %add3A_183 : i32
        %add3A_259 = arith.constant 4 : i32
        %add3A_260 = arith.addi %add3A_258, %add3A_259 : i32
        %dma_start3A_261 = arith.constant 0 : i32
        %dma_start3A_262 = tpu.memref_slice %arg3[%add3A_260, %dma_start3A_261] : memref<2560x128xi32, #tpu.memory_space<hbm>> -> memref<1x128xi32, #tpu.memory_space<hbm>>
        %dma_start3A_263 = tpu.memref_squeeze %dma_start3A_262 : memref<1x128xi32, #tpu.memory_space<hbm>> -> memref<128xi32, #tpu.memory_space<hbm>>
        %dma_start3A_264 = arith.constant 0 : i32
        %dma_start3A_265 = tpu.memref_slice %arg3[%add3A_260, %dma_start3A_264] : memref<2560x128xi32, #tpu.memory_space<hbm>> -> memref<1x128xi32, #tpu.memory_space<hbm>>
        %dma_start3A_266 = tpu.memref_squeeze %dma_start3A_265 : memref<1x128xi32, #tpu.memory_space<hbm>> -> memref<128xi32, #tpu.memory_space<hbm>>
        tpu.enqueue_dma source(%dma_start3A_266 : memref<128xi32, #tpu.memory_space<hbm>>) target(%arg8 : memref<128xi32, #tpu.memory_space<vmem>>) target_semaphore(%arg18 : memref<!tpu.dma_semaphore, #tpu.memory_space<semaphore_mem>>)
        %add3A_267 = arith.addi %select_n3A, %add3A_183 : i32
        %add3A_268 = arith.constant 4 : i32
        %add3A_269 = arith.addi %add3A_267, %add3A_268 : i32
        %dma_start3A_270 = arith.constant 0 : i32
        %dma_start3A_271 = tpu.memref_slice %arg4[%add3A_269, %dma_start3A_270] : memref<2560x128xi32, #tpu.memory_space<hbm>> -> memref<1x128xi32, #tpu.memory_space<hbm>>
        %dma_start3A_272 = tpu.memref_squeeze %dma_start3A_271 : memref<1x128xi32, #tpu.memory_space<hbm>> -> memref<128xi32, #tpu.memory_space<hbm>>
        %dma_start3A_273 = arith.constant 0 : i32
        %dma_start3A_274 = tpu.memref_slice %arg4[%add3A_269, %dma_start3A_273] : memref<2560x128xi32, #tpu.memory_space<hbm>> -> memref<1x128xi32, #tpu.memory_space<hbm>>
        %dma_start3A_275 = tpu.memref_squeeze %dma_start3A_274 : memref<1x128xi32, #tpu.memory_space<hbm>> -> memref<128xi32, #tpu.memory_space<hbm>>
        tpu.enqueue_dma source(%dma_start3A_275 : memref<128xi32, #tpu.memory_space<hbm>>) target(%arg12 : memref<128xi32, #tpu.memory_space<vmem>>) target_semaphore(%arg19 : memref<!tpu.dma_semaphore, #tpu.memory_space<semaphore_mem>>)
      } else {
      }
      %mul3A_206 = arith.constant 4 : i32
      %mul3A_207 = arith.muli %while3A_154, %mul3A_206 : i32
      %add3A_208 = arith.constant 2 : i32
      %add3A_209 = arith.addi %mul3A_207, %add3A_208 : i32
      %add3A_210 = arith.addi %select_n3A, %add3A_209 : i32
      %dma_wait3A_211 = arith.constant 0 : i32
      %dma_wait3A_212 = tpu.memref_slice %arg4[%add3A_210, %dma_wait3A_211] : memref<2560x128xi32, #tpu.memory_space<hbm>> -> memref<1x128xi32, #tpu.memory_space<hbm>>
      %dma_wait3A_213 = tpu.memref_squeeze %dma_wait3A_212 : memref<1x128xi32, #tpu.memory_space<hbm>> -> memref<128xi32, #tpu.memory_space<hbm>>
      %dma_wait3A_214 = arith.constant 0 : i32
      %dma_wait3A_215 = tpu.memref_slice %arg4[%add3A_210, %dma_wait3A_214] : memref<2560x128xi32, #tpu.memory_space<hbm>> -> memref<1x128xi32, #tpu.memory_space<hbm>>
      %dma_wait3A_216 = tpu.memref_squeeze %dma_wait3A_215 : memref<1x128xi32, #tpu.memory_space<hbm>> -> memref<128xi32, #tpu.memory_space<hbm>>
      tpu.wait_dma2 semaphore(%arg19 : memref<!tpu.dma_semaphore, #tpu.memory_space<semaphore_mem>>) src(%dma_wait3A_216 : memref<128xi32, #tpu.memory_space<hbm>>) dst(%arg13 : memref<128xi32, #tpu.memory_space<vmem>>)
      %dma_wait3A_217 = arith.constant 0 : i32
      %dma_wait3A_218 = arith.constant 0 : i32
      %dma_wait3A_219 = tpu.memref_slice %arg2[%dma_wait3A_217, %dma_wait3A_218] : memref<10112x128xf32, #tpu.memory_space<hbm>> -> memref<10112x128xf32, #tpu.memory_space<hbm>>
      tpu.wait_indirect_dma semaphore(%arg20 : memref<!tpu.dma_semaphore, #tpu.memory_space<semaphore_mem>>) src(%dma_wait3A_219 : memref<10112x128xf32, #tpu.memory_space<hbm>>) dst(%arg15 : memref<128x128xf32, #tpu.memory_space<vmem>>)
      "tpu.region"() ({
        %run_scoped3A = tpu.sem_alloc : memref<!tpu.dma_semaphore, #tpu.memory_space<semaphore_mem>>
        %dma_start3A_258 = arith.constant 0 : i32
        %dma_start3A_259 = arith.constant 0 : i32
        %dma_start3A_260 = tpu.memref_slice %arg17[%dma_start3A_258, %dma_start3A_259] : memref<10112x128xf32, #tpu.memory_space<vmem_shared>> -> memref<10112x128xf32, #tpu.memory_space<vmem_shared>>
        tpu.enqueue_indirect_dma source(%arg15 : memref<128x128xf32, #tpu.memory_space<vmem>>) target(%dma_start3A_260 : memref<10112x128xf32, #tpu.memory_space<vmem_shared>>) offsets(%arg13 : memref<128xi32, #tpu.memory_space<vmem>>) semaphore(%run_scoped3A : memref<!tpu.dma_semaphore, #tpu.memory_space<semaphore_mem>>) {add = true}
        %dma_wait3A_261 = arith.constant 0 : i32
        %dma_wait3A_262 = arith.constant 0 : i32
        %dma_wait3A_263 = tpu.memref_slice %arg17[%dma_wait3A_261, %dma_wait3A_262] : memref<10112x128xf32, #tpu.memory_space<vmem_shared>> -> memref<10112x128xf32, #tpu.memory_space<vmem_shared>>
        tpu.wait_indirect_dma semaphore(%run_scoped3A : memref<!tpu.dma_semaphore, #tpu.memory_space<semaphore_mem>>) src(%arg15 : memref<128x128xf32, #tpu.memory_space<vmem>>) dst(%dma_wait3A_263 : memref<10112x128xf32, #tpu.memory_space<vmem_shared>>)
        tpu.yield
      }) : () -> ()
      %add3A_220 = arith.constant 2 : i32
      %add3A_221 = arith.addi %add3A_209, %add3A_220 : i32
      %lt3A_222 = arith.cmpi slt, %add3A_221, %select_n3A_8 : i32
      %convert_element_type3A_223 = arith.extui %lt3A_222 : i1 to i32
      %cond3A_224 = arith.constant 0 : i32
      %cond3A_225 = arith.cmpi ne, %convert_element_type3A_223, %cond3A_224 : i32
      scf.if %cond3A_225 {
        %add3A_258 = arith.addi %select_n3A, %add3A_209 : i32
        %add3A_259 = arith.constant 2 : i32
        %add3A_260 = arith.addi %add3A_258, %add3A_259 : i32
        %dma_wait3A_261 = arith.constant 0 : i32
        %dma_wait3A_262 = tpu.memref_slice %arg3[%add3A_260, %dma_wait3A_261] : memref<2560x128xi32, #tpu.memory_space<hbm>> -> memref<1x128xi32, #tpu.memory_space<hbm>>
        %dma_wait3A_263 = tpu.memref_squeeze %dma_wait3A_262 : memref<1x128xi32, #tpu.memory_space<hbm>> -> memref<128xi32, #tpu.memory_space<hbm>>
        %dma_wait3A_264 = arith.constant 0 : i32
        %dma_wait3A_265 = tpu.memref_slice %arg3[%add3A_260, %dma_wait3A_264] : memref<2560x128xi32, #tpu.memory_space<hbm>> -> memref<1x128xi32, #tpu.memory_space<hbm>>
        %dma_wait3A_266 = tpu.memref_squeeze %dma_wait3A_265 : memref<1x128xi32, #tpu.memory_space<hbm>> -> memref<128xi32, #tpu.memory_space<hbm>>
        tpu.wait_dma2 semaphore(%arg18 : memref<!tpu.dma_semaphore, #tpu.memory_space<semaphore_mem>>) src(%dma_wait3A_266 : memref<128xi32, #tpu.memory_space<hbm>>) dst(%arg7 : memref<128xi32, #tpu.memory_space<vmem>>)
        %dma_start3A_267 = arith.constant 0 : i32
        %dma_start3A_268 = arith.constant 0 : i32
        %dma_start3A_269 = tpu.memref_slice %arg2[%dma_start3A_267, %dma_start3A_268] : memref<10112x128xf32, #tpu.memory_space<hbm>> -> memref<10112x128xf32, #tpu.memory_space<hbm>>
        tpu.enqueue_indirect_dma source(%dma_start3A_269 : memref<10112x128xf32, #tpu.memory_space<hbm>>) target(%arg15 : memref<128x128xf32, #tpu.memory_space<vmem>>) offsets(%arg7 : memref<128xi32, #tpu.memory_space<vmem>>) semaphore(%arg20 : memref<!tpu.dma_semaphore, #tpu.memory_space<semaphore_mem>>)
      } else {
      }
      %add3A_226 = arith.constant 4 : i32
      %add3A_227 = arith.addi %add3A_209, %add3A_226 : i32
      %lt3A_228 = arith.cmpi slt, %add3A_227, %select_n3A_8 : i32
      %convert_element_type3A_229 = arith.extui %lt3A_228 : i1 to i32
      %cond3A_230 = arith.constant 0 : i32
      %cond3A_231 = arith.cmpi ne, %convert_element_type3A_229, %cond3A_230 : i32
      scf.if %cond3A_231 {
        %add3A_258 = arith.addi %select_n3A, %add3A_209 : i32
        %add3A_259 = arith.constant 4 : i32
        %add3A_260 = arith.addi %add3A_258, %add3A_259 : i32
        %dma_start3A_261 = arith.constant 0 : i32
        %dma_start3A_262 = tpu.memref_slice %arg3[%add3A_260, %dma_start3A_261] : memref<2560x128xi32, #tpu.memory_space<hbm>> -> memref<1x128xi32, #tpu.memory_space<hbm>>
        %dma_start3A_263 = tpu.memref_squeeze %dma_start3A_262 : memref<1x128xi32, #tpu.memory_space<hbm>> -> memref<128xi32, #tpu.memory_space<hbm>>
        %dma_start3A_264 = arith.constant 0 : i32
        %dma_start3A_265 = tpu.memref_slice %arg3[%add3A_260, %dma_start3A_264] : memref<2560x128xi32, #tpu.memory_space<hbm>> -> memref<1x128xi32, #tpu.memory_space<hbm>>
        %dma_start3A_266 = tpu.memref_squeeze %dma_start3A_265 : memref<1x128xi32, #tpu.memory_space<hbm>> -> memref<128xi32, #tpu.memory_space<hbm>>
        tpu.enqueue_dma source(%dma_start3A_266 : memref<128xi32, #tpu.memory_space<hbm>>) target(%arg9 : memref<128xi32, #tpu.memory_space<vmem>>) target_semaphore(%arg18 : memref<!tpu.dma_semaphore, #tpu.memory_space<semaphore_mem>>)
        %add3A_267 = arith.addi %select_n3A, %add3A_209 : i32
        %add3A_268 = arith.constant 4 : i32
        %add3A_269 = arith.addi %add3A_267, %add3A_268 : i32
        %dma_start3A_270 = arith.constant 0 : i32
        %dma_start3A_271 = tpu.memref_slice %arg4[%add3A_269, %dma_start3A_270] : memref<2560x128xi32, #tpu.memory_space<hbm>> -> memref<1x128xi32, #tpu.memory_space<hbm>>
        %dma_start3A_272 = tpu.memref_squeeze %dma_start3A_271 : memref<1x128xi32, #tpu.memory_space<hbm>> -> memref<128xi32, #tpu.memory_space<hbm>>
        %dma_start3A_273 = arith.constant 0 : i32
        %dma_start3A_274 = tpu.memref_slice %arg4[%add3A_269, %dma_start3A_273] : memref<2560x128xi32, #tpu.memory_space<hbm>> -> memref<1x128xi32, #tpu.memory_space<hbm>>
        %dma_start3A_275 = tpu.memref_squeeze %dma_start3A_274 : memref<1x128xi32, #tpu.memory_space<hbm>> -> memref<128xi32, #tpu.memory_space<hbm>>
        tpu.enqueue_dma source(%dma_start3A_275 : memref<128xi32, #tpu.memory_space<hbm>>) target(%arg13 : memref<128xi32, #tpu.memory_space<vmem>>) target_semaphore(%arg19 : memref<!tpu.dma_semaphore, #tpu.memory_space<semaphore_mem>>)
      } else {
      }
      %mul3A_232 = arith.constant 4 : i32
      %mul3A_233 = arith.muli %while3A_154, %mul3A_232 : i32
      %add3A_234 = arith.constant 3 : i32
      %add3A_235 = arith.addi %mul3A_233, %add3A_234 : i32
      %add3A_236 = arith.addi %select_n3A, %add3A_235 : i32
      %dma_wait3A_237 = arith.constant 0 : i32
      %dma_wait3A_238 = tpu.memref_slice %arg4[%add3A_236, %dma_wait3A_237] : memref<2560x128xi32, #tpu.memory_space<hbm>> -> memref<1x128xi32, #tpu.memory_space<hbm>>
      %dma_wait3A_239 = tpu.memref_squeeze %dma_wait3A_238 : memref<1x128xi32, #tpu.memory_space<hbm>> -> memref<128xi32, #tpu.memory_space<hbm>>
      %dma_wait3A_240 = arith.constant 0 : i32
      %dma_wait3A_241 = tpu.memref_slice %arg4[%add3A_236, %dma_wait3A_240] : memref<2560x128xi32, #tpu.memory_space<hbm>> -> memref<1x128xi32, #tpu.memory_space<hbm>>
      %dma_wait3A_242 = tpu.memref_squeeze %dma_wait3A_241 : memref<1x128xi32, #tpu.memory_space<hbm>> -> memref<128xi32, #tpu.memory_space<hbm>>
      tpu.wait_dma2 semaphore(%arg19 : memref<!tpu.dma_semaphore, #tpu.memory_space<semaphore_mem>>) src(%dma_wait3A_242 : memref<128xi32, #tpu.memory_space<hbm>>) dst(%arg14 : memref<128xi32, #tpu.memory_space<vmem>>)
      %dma_wait3A_243 = arith.constant 0 : i32
      %dma_wait3A_244 = arith.constant 0 : i32
      %dma_wait3A_245 = tpu.memref_slice %arg2[%dma_wait3A_243, %dma_wait3A_244] : memref<10112x128xf32, #tpu.memory_space<hbm>> -> memref<10112x128xf32, #tpu.memory_space<hbm>>
      tpu.wait_indirect_dma semaphore(%arg20 : memref<!tpu.dma_semaphore, #tpu.memory_space<semaphore_mem>>) src(%dma_wait3A_245 : memref<10112x128xf32, #tpu.memory_space<hbm>>) dst(%arg16 : memref<128x128xf32, #tpu.memory_space<vmem>>)
      "tpu.region"() ({
        %run_scoped3A = tpu.sem_alloc : memref<!tpu.dma_semaphore, #tpu.memory_space<semaphore_mem>>
        %dma_start3A_258 = arith.constant 0 : i32
        %dma_start3A_259 = arith.constant 0 : i32
        %dma_start3A_260 = tpu.memref_slice %arg17[%dma_start3A_258, %dma_start3A_259] : memref<10112x128xf32, #tpu.memory_space<vmem_shared>> -> memref<10112x128xf32, #tpu.memory_space<vmem_shared>>
        tpu.enqueue_indirect_dma source(%arg16 : memref<128x128xf32, #tpu.memory_space<vmem>>) target(%dma_start3A_260 : memref<10112x128xf32, #tpu.memory_space<vmem_shared>>) offsets(%arg14 : memref<128xi32, #tpu.memory_space<vmem>>) semaphore(%run_scoped3A : memref<!tpu.dma_semaphore, #tpu.memory_space<semaphore_mem>>) {add = true}
        %dma_wait3A_261 = arith.constant 0 : i32
        %dma_wait3A_262 = arith.constant 0 : i32
        %dma_wait3A_263 = tpu.memref_slice %arg17[%dma_wait3A_261, %dma_wait3A_262] : memref<10112x128xf32, #tpu.memory_space<vmem_shared>> -> memref<10112x128xf32, #tpu.memory_space<vmem_shared>>
        tpu.wait_indirect_dma semaphore(%run_scoped3A : memref<!tpu.dma_semaphore, #tpu.memory_space<semaphore_mem>>) src(%arg16 : memref<128x128xf32, #tpu.memory_space<vmem>>) dst(%dma_wait3A_263 : memref<10112x128xf32, #tpu.memory_space<vmem_shared>>)
        tpu.yield
      }) : () -> ()
      %add3A_246 = arith.constant 2 : i32
      %add3A_247 = arith.addi %add3A_235, %add3A_246 : i32
      %lt3A_248 = arith.cmpi slt, %add3A_247, %select_n3A_8 : i32
      %convert_element_type3A_249 = arith.extui %lt3A_248 : i1 to i32
      %cond3A_250 = arith.constant 0 : i32
      %cond3A_251 = arith.cmpi ne, %convert_element_type3A_249, %cond3A_250 : i32
      scf.if %cond3A_251 {
        %add3A_258 = arith.addi %select_n3A, %add3A_235 : i32
        %add3A_259 = arith.constant 2 : i32
        %add3A_260 = arith.addi %add3A_258, %add3A_259 : i32
        %dma_wait3A_261 = arith.constant 0 : i32
        %dma_wait3A_262 = tpu.memref_slice %arg3[%add3A_260, %dma_wait3A_261] : memref<2560x128xi32, #tpu.memory_space<hbm>> -> memref<1x128xi32, #tpu.memory_space<hbm>>
        %dma_wait3A_263 = tpu.memref_squeeze %dma_wait3A_262 : memref<1x128xi32, #tpu.memory_space<hbm>> -> memref<128xi32, #tpu.memory_space<hbm>>
        %dma_wait3A_264 = arith.constant 0 : i32
        %dma_wait3A_265 = tpu.memref_slice %arg3[%add3A_260, %dma_wait3A_264] : memref<2560x128xi32, #tpu.memory_space<hbm>> -> memref<1x128xi32, #tpu.memory_space<hbm>>
        %dma_wait3A_266 = tpu.memref_squeeze %dma_wait3A_265 : memref<1x128xi32, #tpu.memory_space<hbm>> -> memref<128xi32, #tpu.memory_space<hbm>>
        tpu.wait_dma2 semaphore(%arg18 : memref<!tpu.dma_semaphore, #tpu.memory_space<semaphore_mem>>) src(%dma_wait3A_266 : memref<128xi32, #tpu.memory_space<hbm>>) dst(%arg8 : memref<128xi32, #tpu.memory_space<vmem>>)
        %dma_start3A_267 = arith.constant 0 : i32
        %dma_start3A_268 = arith.constant 0 : i32
        %dma_start3A_269 = tpu.memref_slice %arg2[%dma_start3A_267, %dma_start3A_268] : memref<10112x128xf32, #tpu.memory_space<hbm>> -> memref<10112x128xf32, #tpu.memory_space<hbm>>
        tpu.enqueue_indirect_dma source(%dma_start3A_269 : memref<10112x128xf32, #tpu.memory_space<hbm>>) target(%arg16 : memref<128x128xf32, #tpu.memory_space<vmem>>) offsets(%arg8 : memref<128xi32, #tpu.memory_space<vmem>>) semaphore(%arg20 : memref<!tpu.dma_semaphore, #tpu.memory_space<semaphore_mem>>)
      } else {
      }
      %add3A_252 = arith.constant 4 : i32
      %add3A_253 = arith.addi %add3A_235, %add3A_252 : i32
      %lt3A_254 = arith.cmpi slt, %add3A_253, %select_n3A_8 : i32
      %convert_element_type3A_255 = arith.extui %lt3A_254 : i1 to i32
      %cond3A_256 = arith.constant 0 : i32
      %cond3A_257 = arith.cmpi ne, %convert_element_type3A_255, %cond3A_256 : i32
      scf.if %cond3A_257 {
        %add3A_258 = arith.addi %select_n3A, %add3A_235 : i32
        %add3A_259 = arith.constant 4 : i32
        %add3A_260 = arith.addi %add3A_258, %add3A_259 : i32
        %dma_start3A_261 = arith.constant 0 : i32
        %dma_start3A_262 = tpu.memref_slice %arg3[%add3A_260, %dma_start3A_261] : memref<2560x128xi32, #tpu.memory_space<hbm>> -> memref<1x128xi32, #tpu.memory_space<hbm>>
        %dma_start3A_263 = tpu.memref_squeeze %dma_start3A_262 : memref<1x128xi32, #tpu.memory_space<hbm>> -> memref<128xi32, #tpu.memory_space<hbm>>
        %dma_start3A_264 = arith.constant 0 : i32
        %dma_start3A_265 = tpu.memref_slice %arg3[%add3A_260, %dma_start3A_264] : memref<2560x128xi32, #tpu.memory_space<hbm>> -> memref<1x128xi32, #tpu.memory_space<hbm>>
        %dma_start3A_266 = tpu.memref_squeeze %dma_start3A_265 : memref<1x128xi32, #tpu.memory_space<hbm>> -> memref<128xi32, #tpu.memory_space<hbm>>
        tpu.enqueue_dma source(%dma_start3A_266 : memref<128xi32, #tpu.memory_space<hbm>>) target(%arg10 : memref<128xi32, #tpu.memory_space<vmem>>) target_semaphore(%arg18 : memref<!tpu.dma_semaphore, #tpu.memory_space<semaphore_mem>>)
        %add3A_267 = arith.addi %select_n3A, %add3A_235 : i32
        %add3A_268 = arith.constant 4 : i32
        %add3A_269 = arith.addi %add3A_267, %add3A_268 : i32
        %dma_start3A_270 = arith.constant 0 : i32
        %dma_start3A_271 = tpu.memref_slice %arg4[%add3A_269, %dma_start3A_270] : memref<2560x128xi32, #tpu.memory_space<hbm>> -> memref<1x128xi32, #tpu.memory_space<hbm>>
        %dma_start3A_272 = tpu.memref_squeeze %dma_start3A_271 : memref<1x128xi32, #tpu.memory_space<hbm>> -> memref<128xi32, #tpu.memory_space<hbm>>
        %dma_start3A_273 = arith.constant 0 : i32
        %dma_start3A_274 = tpu.memref_slice %arg4[%add3A_269, %dma_start3A_273] : memref<2560x128xi32, #tpu.memory_space<hbm>> -> memref<1x128xi32, #tpu.memory_space<hbm>>
        %dma_start3A_275 = tpu.memref_squeeze %dma_start3A_274 : memref<1x128xi32, #tpu.memory_space<hbm>> -> memref<128xi32, #tpu.memory_space<hbm>>
        tpu.enqueue_dma source(%dma_start3A_275 : memref<128xi32, #tpu.memory_space<hbm>>) target(%arg14 : memref<128xi32, #tpu.memory_space<vmem>>) target_semaphore(%arg19 : memref<!tpu.dma_semaphore, #tpu.memory_space<semaphore_mem>>)
      } else {
      }
    }
    %while3A_144 = arith.constant 1 : i32
    scf.for %while3A_154 = %while3A_142 to %while3A_138 step %while3A_144  : i32 {
      %mul3A_155 = arith.constant 4 : i32
      %mul3A_156 = arith.muli %while3A_154, %mul3A_155 : i32
      %add3A_157 = arith.constant 0 : i32
      %add3A_158 = arith.addi %mul3A_156, %add3A_157 : i32
      %add3A_159 = arith.addi %select_n3A, %add3A_158 : i32
      %dma_wait3A_160 = arith.constant 0 : i32
      %dma_wait3A_161 = tpu.memref_slice %arg4[%add3A_159, %dma_wait3A_160] : memref<2560x128xi32, #tpu.memory_space<hbm>> -> memref<1x128xi32, #tpu.memory_space<hbm>>
      %dma_wait3A_162 = tpu.memref_squeeze %dma_wait3A_161 : memref<1x128xi32, #tpu.memory_space<hbm>> -> memref<128xi32, #tpu.memory_space<hbm>>
      %dma_wait3A_163 = arith.constant 0 : i32
      %dma_wait3A_164 = tpu.memref_slice %arg4[%add3A_159, %dma_wait3A_163] : memref<2560x128xi32, #tpu.memory_space<hbm>> -> memref<1x128xi32, #tpu.memory_space<hbm>>
      %dma_wait3A_165 = tpu.memref_squeeze %dma_wait3A_164 : memref<1x128xi32, #tpu.memory_space<hbm>> -> memref<128xi32, #tpu.memory_space<hbm>>
      tpu.wait_dma2 semaphore(%arg19 : memref<!tpu.dma_semaphore, #tpu.memory_space<semaphore_mem>>) src(%dma_wait3A_165 : memref<128xi32, #tpu.memory_space<hbm>>) dst(%arg11 : memref<128xi32, #tpu.memory_space<vmem>>)
      %dma_wait3A_166 = arith.constant 0 : i32
      %dma_wait3A_167 = arith.constant 0 : i32
      %dma_wait3A_168 = tpu.memref_slice %arg2[%dma_wait3A_166, %dma_wait3A_167] : memref<10112x128xf32, #tpu.memory_space<hbm>> -> memref<10112x128xf32, #tpu.memory_space<hbm>>
      tpu.wait_indirect_dma semaphore(%arg20 : memref<!tpu.dma_semaphore, #tpu.memory_space<semaphore_mem>>) src(%dma_wait3A_168 : memref<10112x128xf32, #tpu.memory_space<hbm>>) dst(%arg15 : memref<128x128xf32, #tpu.memory_space<vmem>>)
      "tpu.region"() ({
        %run_scoped3A = tpu.sem_alloc : memref<!tpu.dma_semaphore, #tpu.memory_space<semaphore_mem>>
        %dma_start3A_258 = arith.constant 0 : i32
        %dma_start3A_259 = arith.constant 0 : i32
        %dma_start3A_260 = tpu.memref_slice %arg17[%dma_start3A_258, %dma_start3A_259] : memref<10112x128xf32, #tpu.memory_space<vmem_shared>> -> memref<10112x128xf32, #tpu.memory_space<vmem_shared>>
        tpu.enqueue_indirect_dma source(%arg15 : memref<128x128xf32, #tpu.memory_space<vmem>>) target(%dma_start3A_260 : memref<10112x128xf32, #tpu.memory_space<vmem_shared>>) offsets(%arg11 : memref<128xi32, #tpu.memory_space<vmem>>) semaphore(%run_scoped3A : memref<!tpu.dma_semaphore, #tpu.memory_space<semaphore_mem>>) {add = true}
        %dma_wait3A_261 = arith.constant 0 : i32
        %dma_wait3A_262 = arith.constant 0 : i32
        %dma_wait3A_263 = tpu.memref_slice %arg17[%dma_wait3A_261, %dma_wait3A_262] : memref<10112x128xf32, #tpu.memory_space<vmem_shared>> -> memref<10112x128xf32, #tpu.memory_space<vmem_shared>>
        tpu.wait_indirect_dma semaphore(%run_scoped3A : memref<!tpu.dma_semaphore, #tpu.memory_space<semaphore_mem>>) src(%arg15 : memref<128x128xf32, #tpu.memory_space<vmem>>) dst(%dma_wait3A_263 : memref<10112x128xf32, #tpu.memory_space<vmem_shared>>)
        tpu.yield
      }) : () -> ()
      %add3A_169 = arith.constant 2 : i32
      %add3A_170 = arith.addi %add3A_158, %add3A_169 : i32
      %lt3A = arith.cmpi slt, %add3A_170, %select_n3A_8 : i32
      %convert_element_type3A_171 = arith.extui %lt3A : i1 to i32
      %cond3A_172 = arith.constant 0 : i32
      %cond3A_173 = arith.cmpi ne, %convert_element_type3A_171, %cond3A_172 : i32
      scf.if %cond3A_173 {
        %add3A_258 = arith.addi %select_n3A, %add3A_158 : i32
        %add3A_259 = arith.constant 2 : i32
        %add3A_260 = arith.addi %add3A_258, %add3A_259 : i32
        %dma_wait3A_261 = arith.constant 0 : i32
        %dma_wait3A_262 = tpu.memref_slice %arg3[%add3A_260, %dma_wait3A_261] : memref<2560x128xi32, #tpu.memory_space<hbm>> -> memref<1x128xi32, #tpu.memory_space<hbm>>
        %dma_wait3A_263 = tpu.memref_squeeze %dma_wait3A_262 : memref<1x128xi32, #tpu.memory_space<hbm>> -> memref<128xi32, #tpu.memory_space<hbm>>
        %dma_wait3A_264 = arith.constant 0 : i32
        %dma_wait3A_265 = tpu.memref_slice %arg3[%add3A_260, %dma_wait3A_264] : memref<2560x128xi32, #tpu.memory_space<hbm>> -> memref<1x128xi32, #tpu.memory_space<hbm>>
        %dma_wait3A_266 = tpu.memref_squeeze %dma_wait3A_265 : memref<1x128xi32, #tpu.memory_space<hbm>> -> memref<128xi32, #tpu.memory_space<hbm>>
        tpu.wait_dma2 semaphore(%arg18 : memref<!tpu.dma_semaphore, #tpu.memory_space<semaphore_mem>>) src(%dma_wait3A_266 : memref<128xi32, #tpu.memory_space<hbm>>) dst(%arg9 : memref<128xi32, #tpu.memory_space<vmem>>)
        %dma_start3A_267 = arith.constant 0 : i32
        %dma_start3A_268 = arith.constant 0 : i32
        %dma_start3A_269 = tpu.memref_slice %arg2[%dma_start3A_267, %dma_start3A_268] : memref<10112x128xf32, #tpu.memory_space<hbm>> -> memref<10112x128xf32, #tpu.memory_space<hbm>>
        tpu.enqueue_indirect_dma source(%dma_start3A_269 : memref<10112x128xf32, #tpu.memory_space<hbm>>) target(%arg15 : memref<128x128xf32, #tpu.memory_space<vmem>>) offsets(%arg9 : memref<128xi32, #tpu.memory_space<vmem>>) semaphore(%arg20 : memref<!tpu.dma_semaphore, #tpu.memory_space<semaphore_mem>>)
      } else {
      }
      %add3A_174 = arith.constant 4 : i32
      %add3A_175 = arith.addi %add3A_158, %add3A_174 : i32
      %lt3A_176 = arith.cmpi slt, %add3A_175, %select_n3A_8 : i32
      %convert_element_type3A_177 = arith.extui %lt3A_176 : i1 to i32
      %cond3A_178 = arith.constant 0 : i32
      %cond3A_179 = arith.cmpi ne, %convert_element_type3A_177, %cond3A_178 : i32
      scf.if %cond3A_179 {
        %add3A_258 = arith.addi %select_n3A, %add3A_158 : i32
        %add3A_259 = arith.constant 4 : i32
        %add3A_260 = arith.addi %add3A_258, %add3A_259 : i32
        %dma_start3A_261 = arith.constant 0 : i32
        %dma_start3A_262 = tpu.memref_slice %arg3[%add3A_260, %dma_start3A_261] : memref<2560x128xi32, #tpu.memory_space<hbm>> -> memref<1x128xi32, #tpu.memory_space<hbm>>
        %dma_start3A_263 = tpu.memref_squeeze %dma_start3A_262 : memref<1x128xi32, #tpu.memory_space<hbm>> -> memref<128xi32, #tpu.memory_space<hbm>>
        %dma_start3A_264 = arith.constant 0 : i32
        %dma_start3A_265 = tpu.memref_slice %arg3[%add3A_260, %dma_start3A_264] : memref<2560x128xi32, #tpu.memory_space<hbm>> -> memref<1x128xi32, #tpu.memory_space<hbm>>
        %dma_start3A_266 = tpu.memref_squeeze %dma_start3A_265 : memref<1x128xi32, #tpu.memory_space<hbm>> -> memref<128xi32, #tpu.memory_space<hbm>>
        tpu.enqueue_dma source(%dma_start3A_266 : memref<128xi32, #tpu.memory_space<hbm>>) target(%arg7 : memref<128xi32, #tpu.memory_space<vmem>>) target_semaphore(%arg18 : memref<!tpu.dma_semaphore, #tpu.memory_space<semaphore_mem>>)
        %add3A_267 = arith.addi %select_n3A, %add3A_158 : i32
        %add3A_268 = arith.constant 4 : i32
        %add3A_269 = arith.addi %add3A_267, %add3A_268 : i32
        %dma_start3A_270 = arith.constant 0 : i32
        %dma_start3A_271 = tpu.memref_slice %arg4[%add3A_269, %dma_start3A_270] : memref<2560x128xi32, #tpu.memory_space<hbm>> -> memref<1x128xi32, #tpu.memory_space<hbm>>
        %dma_start3A_272 = tpu.memref_squeeze %dma_start3A_271 : memref<1x128xi32, #tpu.memory_space<hbm>> -> memref<128xi32, #tpu.memory_space<hbm>>
        %dma_start3A_273 = arith.constant 0 : i32
        %dma_start3A_274 = tpu.memref_slice %arg4[%add3A_269, %dma_start3A_273] : memref<2560x128xi32, #tpu.memory_space<hbm>> -> memref<1x128xi32, #tpu.memory_space<hbm>>
        %dma_start3A_275 = tpu.memref_squeeze %dma_start3A_274 : memref<1x128xi32, #tpu.memory_space<hbm>> -> memref<128xi32, #tpu.memory_space<hbm>>
        tpu.enqueue_dma source(%dma_start3A_275 : memref<128xi32, #tpu.memory_space<hbm>>) target(%arg11 : memref<128xi32, #tpu.memory_space<vmem>>) target_semaphore(%arg19 : memref<!tpu.dma_semaphore, #tpu.memory_space<semaphore_mem>>)
      } else {
      }
      %mul3A_180 = arith.constant 4 : i32
      %mul3A_181 = arith.muli %while3A_154, %mul3A_180 : i32
      %add3A_182 = arith.constant 1 : i32
      %add3A_183 = arith.addi %mul3A_181, %add3A_182 : i32
      %add3A_184 = arith.addi %select_n3A, %add3A_183 : i32
      %dma_wait3A_185 = arith.constant 0 : i32
      %dma_wait3A_186 = tpu.memref_slice %arg4[%add3A_184, %dma_wait3A_185] : memref<2560x128xi32, #tpu.memory_space<hbm>> -> memref<1x128xi32, #tpu.memory_space<hbm>>
      %dma_wait3A_187 = tpu.memref_squeeze %dma_wait3A_186 : memref<1x128xi32, #tpu.memory_space<hbm>> -> memref<128xi32, #tpu.memory_space<hbm>>
      %dma_wait3A_188 = arith.constant 0 : i32
      %dma_wait3A_189 = tpu.memref_slice %arg4[%add3A_184, %dma_wait3A_188] : memref<2560x128xi32, #tpu.memory_space<hbm>> -> memref<1x128xi32, #tpu.memory_space<hbm>>
      %dma_wait3A_190 = tpu.memref_squeeze %dma_wait3A_189 : memref<1x128xi32, #tpu.memory_space<hbm>> -> memref<128xi32, #tpu.memory_space<hbm>>
      tpu.wait_dma2 semaphore(%arg19 : memref<!tpu.dma_semaphore, #tpu.memory_space<semaphore_mem>>) src(%dma_wait3A_190 : memref<128xi32, #tpu.memory_space<hbm>>) dst(%arg12 : memref<128xi32, #tpu.memory_space<vmem>>)
      %dma_wait3A_191 = arith.constant 0 : i32
      %dma_wait3A_192 = arith.constant 0 : i32
      %dma_wait3A_193 = tpu.memref_slice %arg2[%dma_wait3A_191, %dma_wait3A_192] : memref<10112x128xf32, #tpu.memory_space<hbm>> -> memref<10112x128xf32, #tpu.memory_space<hbm>>
      tpu.wait_indirect_dma semaphore(%arg20 : memref<!tpu.dma_semaphore, #tpu.memory_space<semaphore_mem>>) src(%dma_wait3A_193 : memref<10112x128xf32, #tpu.memory_space<hbm>>) dst(%arg16 : memref<128x128xf32, #tpu.memory_space<vmem>>)
      "tpu.region"() ({
        %run_scoped3A = tpu.sem_alloc : memref<!tpu.dma_semaphore, #tpu.memory_space<semaphore_mem>>
        %dma_start3A_258 = arith.constant 0 : i32
        %dma_start3A_259 = arith.constant 0 : i32
        %dma_start3A_260 = tpu.memref_slice %arg17[%dma_start3A_258, %dma_start3A_259] : memref<10112x128xf32, #tpu.memory_space<vmem_shared>> -> memref<10112x128xf32, #tpu.memory_space<vmem_shared>>
        tpu.enqueue_indirect_dma source(%arg16 : memref<128x128xf32, #tpu.memory_space<vmem>>) target(%dma_start3A_260 : memref<10112x128xf32, #tpu.memory_space<vmem_shared>>) offsets(%arg12 : memref<128xi32, #tpu.memory_space<vmem>>) semaphore(%run_scoped3A : memref<!tpu.dma_semaphore, #tpu.memory_space<semaphore_mem>>) {add = true}
        %dma_wait3A_261 = arith.constant 0 : i32
        %dma_wait3A_262 = arith.constant 0 : i32
        %dma_wait3A_263 = tpu.memref_slice %arg17[%dma_wait3A_261, %dma_wait3A_262] : memref<10112x128xf32, #tpu.memory_space<vmem_shared>> -> memref<10112x128xf32, #tpu.memory_space<vmem_shared>>
        tpu.wait_indirect_dma semaphore(%run_scoped3A : memref<!tpu.dma_semaphore, #tpu.memory_space<semaphore_mem>>) src(%arg16 : memref<128x128xf32, #tpu.memory_space<vmem>>) dst(%dma_wait3A_263 : memref<10112x128xf32, #tpu.memory_space<vmem_shared>>)
        tpu.yield
      }) : () -> ()
      %add3A_194 = arith.constant 2 : i32
      %add3A_195 = arith.addi %add3A_183, %add3A_194 : i32
      %lt3A_196 = arith.cmpi slt, %add3A_195, %select_n3A_8 : i32
      %convert_element_type3A_197 = arith.extui %lt3A_196 : i1 to i32
      %cond3A_198 = arith.constant 0 : i32
      %cond3A_199 = arith.cmpi ne, %convert_element_type3A_197, %cond3A_198 : i32
      scf.if %cond3A_199 {
        %add3A_258 = arith.addi %select_n3A, %add3A_183 : i32
        %add3A_259 = arith.constant 2 : i32
        %add3A_260 = arith.addi %add3A_258, %add3A_259 : i32
        %dma_wait3A_261 = arith.constant 0 : i32
        %dma_wait3A_262 = tpu.memref_slice %arg3[%add3A_260, %dma_wait3A_261] : memref<2560x128xi32, #tpu.memory_space<hbm>> -> memref<1x128xi32, #tpu.memory_space<hbm>>
        %dma_wait3A_263 = tpu.memref_squeeze %dma_wait3A_262 : memref<1x128xi32, #tpu.memory_space<hbm>> -> memref<128xi32, #tpu.memory_space<hbm>>
        %dma_wait3A_264 = arith.constant 0 : i32
        %dma_wait3A_265 = tpu.memref_slice %arg3[%add3A_260, %dma_wait3A_264] : memref<2560x128xi32, #tpu.memory_space<hbm>> -> memref<1x128xi32, #tpu.memory_space<hbm>>
        %dma_wait3A_266 = tpu.memref_squeeze %dma_wait3A_265 : memref<1x128xi32, #tpu.memory_space<hbm>> -> memref<128xi32, #tpu.memory_space<hbm>>
        tpu.wait_dma2 semaphore(%arg18 : memref<!tpu.dma_semaphore, #tpu.memory_space<semaphore_mem>>) src(%dma_wait3A_266 : memref<128xi32, #tpu.memory_space<hbm>>) dst(%arg10 : memref<128xi32, #tpu.memory_space<vmem>>)
        %dma_start3A_267 = arith.constant 0 : i32
        %dma_start3A_268 = arith.constant 0 : i32
        %dma_start3A_269 = tpu.memref_slice %arg2[%dma_start3A_267, %dma_start3A_268] : memref<10112x128xf32, #tpu.memory_space<hbm>> -> memref<10112x128xf32, #tpu.memory_space<hbm>>
        tpu.enqueue_indirect_dma source(%dma_start3A_269 : memref<10112x128xf32, #tpu.memory_space<hbm>>) target(%arg16 : memref<128x128xf32, #tpu.memory_space<vmem>>) offsets(%arg10 : memref<128xi32, #tpu.memory_space<vmem>>) semaphore(%arg20 : memref<!tpu.dma_semaphore, #tpu.memory_space<semaphore_mem>>)
      } else {
      }
      %add3A_200 = arith.constant 4 : i32
      %add3A_201 = arith.addi %add3A_183, %add3A_200 : i32
      %lt3A_202 = arith.cmpi slt, %add3A_201, %select_n3A_8 : i32
      %convert_element_type3A_203 = arith.extui %lt3A_202 : i1 to i32
      %cond3A_204 = arith.constant 0 : i32
      %cond3A_205 = arith.cmpi ne, %convert_element_type3A_203, %cond3A_204 : i32
      scf.if %cond3A_205 {
        %add3A_258 = arith.addi %select_n3A, %add3A_183 : i32
        %add3A_259 = arith.constant 4 : i32
        %add3A_260 = arith.addi %add3A_258, %add3A_259 : i32
        %dma_start3A_261 = arith.constant 0 : i32
        %dma_start3A_262 = tpu.memref_slice %arg3[%add3A_260, %dma_start3A_261] : memref<2560x128xi32, #tpu.memory_space<hbm>> -> memref<1x128xi32, #tpu.memory_space<hbm>>
        %dma_start3A_263 = tpu.memref_squeeze %dma_start3A_262 : memref<1x128xi32, #tpu.memory_space<hbm>> -> memref<128xi32, #tpu.memory_space<hbm>>
        %dma_start3A_264 = arith.constant 0 : i32
        %dma_start3A_265 = tpu.memref_slice %arg3[%add3A_260, %dma_start3A_264] : memref<2560x128xi32, #tpu.memory_space<hbm>> -> memref<1x128xi32, #tpu.memory_space<hbm>>
        %dma_start3A_266 = tpu.memref_squeeze %dma_start3A_265 : memref<1x128xi32, #tpu.memory_space<hbm>> -> memref<128xi32, #tpu.memory_space<hbm>>
        tpu.enqueue_dma source(%dma_start3A_266 : memref<128xi32, #tpu.memory_space<hbm>>) target(%arg8 : memref<128xi32, #tpu.memory_space<vmem>>) target_semaphore(%arg18 : memref<!tpu.dma_semaphore, #tpu.memory_space<semaphore_mem>>)
        %add3A_267 = arith.addi %select_n3A, %add3A_183 : i32
        %add3A_268 = arith.constant 4 : i32
        %add3A_269 = arith.addi %add3A_267, %add3A_268 : i32
        %dma_start3A_270 = arith.constant 0 : i32
        %dma_start3A_271 = tpu.memref_slice %arg4[%add3A_269, %dma_start3A_270] : memref<2560x128xi32, #tpu.memory_space<hbm>> -> memref<1x128xi32, #tpu.memory_space<hbm>>
        %dma_start3A_272 = tpu.memref_squeeze %dma_start3A_271 : memref<1x128xi32, #tpu.memory_space<hbm>> -> memref<128xi32, #tpu.memory_space<hbm>>
        %dma_start3A_273 = arith.constant 0 : i32
        %dma_start3A_274 = tpu.memref_slice %arg4[%add3A_269, %dma_start3A_273] : memref<2560x128xi32, #tpu.memory_space<hbm>> -> memref<1x128xi32, #tpu.memory_space<hbm>>
        %dma_start3A_275 = tpu.memref_squeeze %dma_start3A_274 : memref<1x128xi32, #tpu.memory_space<hbm>> -> memref<128xi32, #tpu.memory_space<hbm>>
        tpu.enqueue_dma source(%dma_start3A_275 : memref<128xi32, #tpu.memory_space<hbm>>) target(%arg12 : memref<128xi32, #tpu.memory_space<vmem>>) target_semaphore(%arg19 : memref<!tpu.dma_semaphore, #tpu.memory_space<semaphore_mem>>)
      } else {
      }
      %mul3A_206 = arith.constant 4 : i32
      %mul3A_207 = arith.muli %while3A_154, %mul3A_206 : i32
      %add3A_208 = arith.constant 2 : i32
      %add3A_209 = arith.addi %mul3A_207, %add3A_208 : i32
      %add3A_210 = arith.addi %select_n3A, %add3A_209 : i32
      %dma_wait3A_211 = arith.constant 0 : i32
      %dma_wait3A_212 = tpu.memref_slice %arg4[%add3A_210, %dma_wait3A_211] : memref<2560x128xi32, #tpu.memory_space<hbm>> -> memref<1x128xi32, #tpu.memory_space<hbm>>
      %dma_wait3A_213 = tpu.memref_squeeze %dma_wait3A_212 : memref<1x128xi32, #tpu.memory_space<hbm>> -> memref<128xi32, #tpu.memory_space<hbm>>
      %dma_wait3A_214 = arith.constant 0 : i32
      %dma_wait3A_215 = tpu.memref_slice %arg4[%add3A_210, %dma_wait3A_214] : memref<2560x128xi32, #tpu.memory_space<hbm>> -> memref<1x128xi32, #tpu.memory_space<hbm>>
      %dma_wait3A_216 = tpu.memref_squeeze %dma_wait3A_215 : memref<1x128xi32, #tpu.memory_space<hbm>> -> memref<128xi32, #tpu.memory_space<hbm>>
      tpu.wait_dma2 semaphore(%arg19 : memref<!tpu.dma_semaphore, #tpu.memory_space<semaphore_mem>>) src(%dma_wait3A_216 : memref<128xi32, #tpu.memory_space<hbm>>) dst(%arg13 : memref<128xi32, #tpu.memory_space<vmem>>)
      %dma_wait3A_217 = arith.constant 0 : i32
      %dma_wait3A_218 = arith.constant 0 : i32
      %dma_wait3A_219 = tpu.memref_slice %arg2[%dma_wait3A_217, %dma_wait3A_218] : memref<10112x128xf32, #tpu.memory_space<hbm>> -> memref<10112x128xf32, #tpu.memory_space<hbm>>
      tpu.wait_indirect_dma semaphore(%arg20 : memref<!tpu.dma_semaphore, #tpu.memory_space<semaphore_mem>>) src(%dma_wait3A_219 : memref<10112x128xf32, #tpu.memory_space<hbm>>) dst(%arg15 : memref<128x128xf32, #tpu.memory_space<vmem>>)
      "tpu.region"() ({
        %run_scoped3A = tpu.sem_alloc : memref<!tpu.dma_semaphore, #tpu.memory_space<semaphore_mem>>
        %dma_start3A_258 = arith.constant 0 : i32
        %dma_start3A_259 = arith.constant 0 : i32
        %dma_start3A_260 = tpu.memref_slice %arg17[%dma_start3A_258, %dma_start3A_259] : memref<10112x128xf32, #tpu.memory_space<vmem_shared>> -> memref<10112x128xf32, #tpu.memory_space<vmem_shared>>
        tpu.enqueue_indirect_dma source(%arg15 : memref<128x128xf32, #tpu.memory_space<vmem>>) target(%dma_start3A_260 : memref<10112x128xf32, #tpu.memory_space<vmem_shared>>) offsets(%arg13 : memref<128xi32, #tpu.memory_space<vmem>>) semaphore(%run_scoped3A : memref<!tpu.dma_semaphore, #tpu.memory_space<semaphore_mem>>) {add = true}
        %dma_wait3A_261 = arith.constant 0 : i32
        %dma_wait3A_262 = arith.constant 0 : i32
        %dma_wait3A_263 = tpu.memref_slice %arg17[%dma_wait3A_261, %dma_wait3A_262] : memref<10112x128xf32, #tpu.memory_space<vmem_shared>> -> memref<10112x128xf32, #tpu.memory_space<vmem_shared>>
        tpu.wait_indirect_dma semaphore(%run_scoped3A : memref<!tpu.dma_semaphore, #tpu.memory_space<semaphore_mem>>) src(%arg15 : memref<128x128xf32, #tpu.memory_space<vmem>>) dst(%dma_wait3A_263 : memref<10112x128xf32, #tpu.memory_space<vmem_shared>>)
        tpu.yield
      }) : () -> ()
      %add3A_220 = arith.constant 2 : i32
      %add3A_221 = arith.addi %add3A_209, %add3A_220 : i32
      %lt3A_222 = arith.cmpi slt, %add3A_221, %select_n3A_8 : i32
      %convert_element_type3A_223 = arith.extui %lt3A_222 : i1 to i32
      %cond3A_224 = arith.constant 0 : i32
      %cond3A_225 = arith.cmpi ne, %convert_element_type3A_223, %cond3A_224 : i32
      scf.if %cond3A_225 {
        %add3A_258 = arith.addi %select_n3A, %add3A_209 : i32
        %add3A_259 = arith.constant 2 : i32
        %add3A_260 = arith.addi %add3A_258, %add3A_259 : i32
        %dma_wait3A_261 = arith.constant 0 : i32
        %dma_wait3A_262 = tpu.memref_slice %arg3[%add3A_260, %dma_wait3A_261] : memref<2560x128xi32, #tpu.memory_space<hbm>> -> memref<1x128xi32, #tpu.memory_space<hbm>>
        %dma_wait3A_263 = tpu.memref_squeeze %dma_wait3A_262 : memref<1x128xi32, #tpu.memory_space<hbm>> -> memref<128xi32, #tpu.memory_space<hbm>>
        %dma_wait3A_264 = arith.constant 0 : i32
        %dma_wait3A_265 = tpu.memref_slice %arg3[%add3A_260, %dma_wait3A_264] : memref<2560x128xi32, #tpu.memory_space<hbm>> -> memref<1x128xi32, #tpu.memory_space<hbm>>
        %dma_wait3A_266 = tpu.memref_squeeze %dma_wait3A_265 : memref<1x128xi32, #tpu.memory_space<hbm>> -> memref<128xi32, #tpu.memory_space<hbm>>
        tpu.wait_dma2 semaphore(%arg18 : memref<!tpu.dma_semaphore, #tpu.memory_space<semaphore_mem>>) src(%dma_wait3A_266 : memref<128xi32, #tpu.memory_space<hbm>>) dst(%arg7 : memref<128xi32, #tpu.memory_space<vmem>>)
        %dma_start3A_267 = arith.constant 0 : i32
        %dma_start3A_268 = arith.constant 0 : i32
        %dma_start3A_269 = tpu.memref_slice %arg2[%dma_start3A_267, %dma_start3A_268] : memref<10112x128xf32, #tpu.memory_space<hbm>> -> memref<10112x128xf32, #tpu.memory_space<hbm>>
        tpu.enqueue_indirect_dma source(%dma_start3A_269 : memref<10112x128xf32, #tpu.memory_space<hbm>>) target(%arg15 : memref<128x128xf32, #tpu.memory_space<vmem>>) offsets(%arg7 : memref<128xi32, #tpu.memory_space<vmem>>) semaphore(%arg20 : memref<!tpu.dma_semaphore, #tpu.memory_space<semaphore_mem>>)
      } else {
      }
      %add3A_226 = arith.constant 4 : i32
      %add3A_227 = arith.addi %add3A_209, %add3A_226 : i32
      %lt3A_228 = arith.cmpi slt, %add3A_227, %select_n3A_8 : i32
      %convert_element_type3A_229 = arith.extui %lt3A_228 : i1 to i32
      %cond3A_230 = arith.constant 0 : i32
      %cond3A_231 = arith.cmpi ne, %convert_element_type3A_229, %cond3A_230 : i32
      scf.if %cond3A_231 {
        %add3A_258 = arith.addi %select_n3A, %add3A_209 : i32
        %add3A_259 = arith.constant 4 : i32
        %add3A_260 = arith.addi %add3A_258, %add3A_259 : i32
        %dma_start3A_261 = arith.constant 0 : i32
        %dma_start3A_262 = tpu.memref_slice %arg3[%add3A_260, %dma_start3A_261] : memref<2560x128xi32, #tpu.memory_space<hbm>> -> memref<1x128xi32, #tpu.memory_space<hbm>>
        %dma_start3A_263 = tpu.memref_squeeze %dma_start3A_262 : memref<1x128xi32, #tpu.memory_space<hbm>> -> memref<128xi32, #tpu.memory_space<hbm>>
        %dma_start3A_264 = arith.constant 0 : i32
        %dma_start3A_265 = tpu.memref_slice %arg3[%add3A_260, %dma_start3A_264] : memref<2560x128xi32, #tpu.memory_space<hbm>> -> memref<1x128xi32, #tpu.memory_space<hbm>>
        %dma_start3A_266 = tpu.memref_squeeze %dma_start3A_265 : memref<1x128xi32, #tpu.memory_space<hbm>> -> memref<128xi32, #tpu.memory_space<hbm>>
        tpu.enqueue_dma source(%dma_start3A_266 : memref<128xi32, #tpu.memory_space<hbm>>) target(%arg9 : memref<128xi32, #tpu.memory_space<vmem>>) target_semaphore(%arg18 : memref<!tpu.dma_semaphore, #tpu.memory_space<semaphore_mem>>)
        %add3A_267 = arith.addi %select_n3A, %add3A_209 : i32
        %add3A_268 = arith.constant 4 : i32
        %add3A_269 = arith.addi %add3A_267, %add3A_268 : i32
        %dma_start3A_270 = arith.constant 0 : i32
        %dma_start3A_271 = tpu.memref_slice %arg4[%add3A_269, %dma_start3A_270] : memref<2560x128xi32, #tpu.memory_space<hbm>> -> memref<1x128xi32, #tpu.memory_space<hbm>>
        %dma_start3A_272 = tpu.memref_squeeze %dma_start3A_271 : memref<1x128xi32, #tpu.memory_space<hbm>> -> memref<128xi32, #tpu.memory_space<hbm>>
        %dma_start3A_273 = arith.constant 0 : i32
        %dma_start3A_274 = tpu.memref_slice %arg4[%add3A_269, %dma_start3A_273] : memref<2560x128xi32, #tpu.memory_space<hbm>> -> memref<1x128xi32, #tpu.memory_space<hbm>>
        %dma_start3A_275 = tpu.memref_squeeze %dma_start3A_274 : memref<1x128xi32, #tpu.memory_space<hbm>> -> memref<128xi32, #tpu.memory_space<hbm>>
        tpu.enqueue_dma source(%dma_start3A_275 : memref<128xi32, #tpu.memory_space<hbm>>) target(%arg13 : memref<128xi32, #tpu.memory_space<vmem>>) target_semaphore(%arg19 : memref<!tpu.dma_semaphore, #tpu.memory_space<semaphore_mem>>)
      } else {
      }
      %mul3A_232 = arith.constant 4 : i32
      %mul3A_233 = arith.muli %while3A_154, %mul3A_232 : i32
      %add3A_234 = arith.constant 3 : i32
      %add3A_235 = arith.addi %mul3A_233, %add3A_234 : i32
      %add3A_236 = arith.addi %select_n3A, %add3A_235 : i32
      %dma_wait3A_237 = arith.constant 0 : i32
      %dma_wait3A_238 = tpu.memref_slice %arg4[%add3A_236, %dma_wait3A_237] : memref<2560x128xi32, #tpu.memory_space<hbm>> -> memref<1x128xi32, #tpu.memory_space<hbm>>
      %dma_wait3A_239 = tpu.memref_squeeze %dma_wait3A_238 : memref<1x128xi32, #tpu.memory_space<hbm>> -> memref<128xi32, #tpu.memory_space<hbm>>
      %dma_wait3A_240 = arith.constant 0 : i32
      %dma_wait3A_241 = tpu.memref_slice %arg4[%add3A_236, %dma_wait3A_240] : memref<2560x128xi32, #tpu.memory_space<hbm>> -> memref<1x128xi32, #tpu.memory_space<hbm>>
      %dma_wait3A_242 = tpu.memref_squeeze %dma_wait3A_241 : memref<1x128xi32, #tpu.memory_space<hbm>> -> memref<128xi32, #tpu.memory_space<hbm>>
      tpu.wait_dma2 semaphore(%arg19 : memref<!tpu.dma_semaphore, #tpu.memory_space<semaphore_mem>>) src(%dma_wait3A_242 : memref<128xi32, #tpu.memory_space<hbm>>) dst(%arg14 : memref<128xi32, #tpu.memory_space<vmem>>)
      %dma_wait3A_243 = arith.constant 0 : i32
      %dma_wait3A_244 = arith.constant 0 : i32
      %dma_wait3A_245 = tpu.memref_slice %arg2[%dma_wait3A_243, %dma_wait3A_244] : memref<10112x128xf32, #tpu.memory_space<hbm>> -> memref<10112x128xf32, #tpu.memory_space<hbm>>
      tpu.wait_indirect_dma semaphore(%arg20 : memref<!tpu.dma_semaphore, #tpu.memory_space<semaphore_mem>>) src(%dma_wait3A_245 : memref<10112x128xf32, #tpu.memory_space<hbm>>) dst(%arg16 : memref<128x128xf32, #tpu.memory_space<vmem>>)
      "tpu.region"() ({
        %run_scoped3A = tpu.sem_alloc : memref<!tpu.dma_semaphore, #tpu.memory_space<semaphore_mem>>
        %dma_start3A_258 = arith.constant 0 : i32
        %dma_start3A_259 = arith.constant 0 : i32
        %dma_start3A_260 = tpu.memref_slice %arg17[%dma_start3A_258, %dma_start3A_259] : memref<10112x128xf32, #tpu.memory_space<vmem_shared>> -> memref<10112x128xf32, #tpu.memory_space<vmem_shared>>
        tpu.enqueue_indirect_dma source(%arg16 : memref<128x128xf32, #tpu.memory_space<vmem>>) target(%dma_start3A_260 : memref<10112x128xf32, #tpu.memory_space<vmem_shared>>) offsets(%arg14 : memref<128xi32, #tpu.memory_space<vmem>>) semaphore(%run_scoped3A : memref<!tpu.dma_semaphore, #tpu.memory_space<semaphore_mem>>) {add = true}
        %dma_wait3A_261 = arith.constant 0 : i32
        %dma_wait3A_262 = arith.constant 0 : i32
        %dma_wait3A_263 = tpu.memref_slice %arg17[%dma_wait3A_261, %dma_wait3A_262] : memref<10112x128xf32, #tpu.memory_space<vmem_shared>> -> memref<10112x128xf32, #tpu.memory_space<vmem_shared>>
        tpu.wait_indirect_dma semaphore(%run_scoped3A : memref<!tpu.dma_semaphore, #tpu.memory_space<semaphore_mem>>) src(%arg16 : memref<128x128xf32, #tpu.memory_space<vmem>>) dst(%dma_wait3A_263 : memref<10112x128xf32, #tpu.memory_space<vmem_shared>>)
        tpu.yield
      }) : () -> ()
      %add3A_246 = arith.constant 2 : i32
      %add3A_247 = arith.addi %add3A_235, %add3A_246 : i32
      %lt3A_248 = arith.cmpi slt, %add3A_247, %select_n3A_8 : i32
      %convert_element_type3A_249 = arith.extui %lt3A_248 : i1 to i32
      %cond3A_250 = arith.constant 0 : i32
      %cond3A_251 = arith.cmpi ne, %convert_element_type3A_249, %cond3A_250 : i32
      scf.if %cond3A_251 {
        %add3A_258 = arith.addi %select_n3A, %add3A_235 : i32
        %add3A_259 = arith.constant 2 : i32
        %add3A_260 = arith.addi %add3A_258, %add3A_259 : i32
        %dma_wait3A_261 = arith.constant 0 : i32
        %dma_wait3A_262 = tpu.memref_slice %arg3[%add3A_260, %dma_wait3A_261] : memref<2560x128xi32, #tpu.memory_space<hbm>> -> memref<1x128xi32, #tpu.memory_space<hbm>>
        %dma_wait3A_263 = tpu.memref_squeeze %dma_wait3A_262 : memref<1x128xi32, #tpu.memory_space<hbm>> -> memref<128xi32, #tpu.memory_space<hbm>>
        %dma_wait3A_264 = arith.constant 0 : i32
        %dma_wait3A_265 = tpu.memref_slice %arg3[%add3A_260, %dma_wait3A_264] : memref<2560x128xi32, #tpu.memory_space<hbm>> -> memref<1x128xi32, #tpu.memory_space<hbm>>
        %dma_wait3A_266 = tpu.memref_squeeze %dma_wait3A_265 : memref<1x128xi32, #tpu.memory_space<hbm>> -> memref<128xi32, #tpu.memory_space<hbm>>
        tpu.wait_dma2 semaphore(%arg18 : memref<!tpu.dma_semaphore, #tpu.memory_space<semaphore_mem>>) src(%dma_wait3A_266 : memref<128xi32, #tpu.memory_space<hbm>>) dst(%arg8 : memref<128xi32, #tpu.memory_space<vmem>>)
        %dma_start3A_267 = arith.constant 0 : i32
        %dma_start3A_268 = arith.constant 0 : i32
        %dma_start3A_269 = tpu.memref_slice %arg2[%dma_start3A_267, %dma_start3A_268] : memref<10112x128xf32, #tpu.memory_space<hbm>> -> memref<10112x128xf32, #tpu.memory_space<hbm>>
        tpu.enqueue_indirect_dma source(%dma_start3A_269 : memref<10112x128xf32, #tpu.memory_space<hbm>>) target(%arg16 : memref<128x128xf32, #tpu.memory_space<vmem>>) offsets(%arg8 : memref<128xi32, #tpu.memory_space<vmem>>) semaphore(%arg20 : memref<!tpu.dma_semaphore, #tpu.memory_space<semaphore_mem>>)
      } else {
      }
      %add3A_252 = arith.constant 4 : i32
      %add3A_253 = arith.addi %add3A_235, %add3A_252 : i32
      %lt3A_254 = arith.cmpi slt, %add3A_253, %select_n3A_8 : i32
      %convert_element_type3A_255 = arith.extui %lt3A_254 : i1 to i32
      %cond3A_256 = arith.constant 0 : i32
      %cond3A_257 = arith.cmpi ne, %convert_element_type3A_255, %cond3A_256 : i32
      scf.if %cond3A_257 {
        %add3A_258 = arith.addi %select_n3A, %add3A_235 : i32
        %add3A_259 = arith.constant 4 : i32
        %add3A_260 = arith.addi %add3A_258, %add3A_259 : i32
        %dma_start3A_261 = arith.constant 0 : i32
        %dma_start3A_262 = tpu.memref_slice %arg3[%add3A_260, %dma_start3A_261] : memref<2560x128xi32, #tpu.memory_space<hbm>> -> memref<1x128xi32, #tpu.memory_space<hbm>>
        %dma_start3A_263 = tpu.memref_squeeze %dma_start3A_262 : memref<1x128xi32, #tpu.memory_space<hbm>> -> memref<128xi32, #tpu.memory_space<hbm>>
        %dma_start3A_264 = arith.constant 0 : i32
        %dma_start3A_265 = tpu.memref_slice %arg3[%add3A_260, %dma_start3A_264] : memref<2560x128xi32, #tpu.memory_space<hbm>> -> memref<1x128xi32, #tpu.memory_space<hbm>>
        %dma_start3A_266 = tpu.memref_squeeze %dma_start3A_265 : memref<1x128xi32, #tpu.memory_space<hbm>> -> memref<128xi32, #tpu.memory_space<hbm>>
        tpu.enqueue_dma source(%dma_start3A_266 : memref<128xi32, #tpu.memory_space<hbm>>) target(%arg10 : memref<128xi32, #tpu.memory_space<vmem>>) target_semaphore(%arg18 : memref<!tpu.dma_semaphore, #tpu.memory_space<semaphore_mem>>)
        %add3A_267 = arith.addi %select_n3A, %add3A_235 : i32
        %add3A_268 = arith.constant 4 : i32
        %add3A_269 = arith.addi %add3A_267, %add3A_268 : i32
        %dma_start3A_270 = arith.constant 0 : i32
        %dma_start3A_271 = tpu.memref_slice %arg4[%add3A_269, %dma_start3A_270] : memref<2560x128xi32, #tpu.memory_space<hbm>> -> memref<1x128xi32, #tpu.memory_space<hbm>>
        %dma_start3A_272 = tpu.memref_squeeze %dma_start3A_271 : memref<1x128xi32, #tpu.memory_space<hbm>> -> memref<128xi32, #tpu.memory_space<hbm>>
        %dma_start3A_273 = arith.constant 0 : i32
        %dma_start3A_274 = tpu.memref_slice %arg4[%add3A_269, %dma_start3A_273] : memref<2560x128xi32, #tpu.memory_space<hbm>> -> memref<1x128xi32, #tpu.memory_space<hbm>>
        %dma_start3A_275 = tpu.memref_squeeze %dma_start3A_274 : memref<1x128xi32, #tpu.memory_space<hbm>> -> memref<128xi32, #tpu.memory_space<hbm>>
        tpu.enqueue_dma source(%dma_start3A_275 : memref<128xi32, #tpu.memory_space<hbm>>) target(%arg14 : memref<128xi32, #tpu.memory_space<vmem>>) target_semaphore(%arg19 : memref<!tpu.dma_semaphore, #tpu.memory_space<semaphore_mem>>)
      } else {
      }
    }
    %barrier3A_145 = arith.constant 0 : index
    tpu.barrier barrier_id(%barrier3A_145)
    %eq3A_146 = arith.constant 0 : i32
    %eq3A_147 = arith.cmpi eq, %arg0, %eq3A_146 : i32
    %convert_element_type3A = arith.extui %eq3A_147 : i1 to i32
    %cond3A = arith.constant 0 : i32
    %cond3A_148 = arith.cmpi ne, %convert_element_type3A, %cond3A : i32
    scf.if %cond3A_148 {
      %mul3A_154 = arith.constant 632 : i32
      %mul3A_155 = arith.muli %arg1, %mul3A_154 : i32
      %mul3A_156 = arith.constant 632 : i32
      %mul3A_157 = arith.muli %arg1, %mul3A_156 : i32
      "tpu.region"() ({
        %run_scoped3A = tpu.sem_alloc : memref<!tpu.dma_semaphore, #tpu.memory_space<semaphore_mem>>
        %dma_start3A_158 = arith.constant 0 : i32
        %dma_start3A_159 = tpu.memref_slice %arg5[%mul3A_157, %dma_start3A_158] : memref<10112x128xf32, #tpu.memory_space<hbm>> -> memref<632x128xf32, #tpu.memory_space<hbm>>
        %dma_start3A_160 = arith.constant 0 : i32
        %dma_start3A_161 = tpu.memref_slice %arg17[%mul3A_155, %dma_start3A_160] : memref<10112x128xf32, #tpu.memory_space<vmem_shared>> -> memref<632x128xf32, #tpu.memory_space<vmem_shared>>
        tpu.enqueue_dma source(%dma_start3A_161 : memref<632x128xf32, #tpu.memory_space<vmem_shared>>) target(%dma_start3A_159 : memref<632x128xf32, #tpu.memory_space<hbm>>) target_semaphore(%run_scoped3A : memref<!tpu.dma_semaphore, #tpu.memory_space<semaphore_mem>>)
        %dma_wait3A_162 = arith.constant 0 : i32
        %dma_wait3A_163 = tpu.memref_slice %arg5[%mul3A_157, %dma_wait3A_162] : memref<10112x128xf32, #tpu.memory_space<hbm>> -> memref<632x128xf32, #tpu.memory_space<hbm>>
        %dma_wait3A_164 = arith.constant 0 : i32
        %dma_wait3A_165 = tpu.memref_slice %arg17[%mul3A_155, %dma_wait3A_164] : memref<10112x128xf32, #tpu.memory_space<vmem_shared>> -> memref<632x128xf32, #tpu.memory_space<vmem_shared>>
        tpu.wait_dma2 semaphore(%run_scoped3A : memref<!tpu.dma_semaphore, #tpu.memory_space<semaphore_mem>>) src(%dma_wait3A_165 : memref<632x128xf32, #tpu.memory_space<vmem_shared>>) dst(%dma_wait3A_163 : memref<632x128xf32, #tpu.memory_space<hbm>>)
        tpu.yield
      }) : () -> ()
    } else {
    }
    %eq3A_149 = arith.constant 1 : i32
    %eq3A_150 = arith.cmpi eq, %arg0, %eq3A_149 : i32
    %convert_element_type3A_151 = arith.extui %eq3A_150 : i1 to i32
    %cond3A_152 = arith.constant 0 : i32
    %cond3A_153 = arith.cmpi ne, %convert_element_type3A_151, %cond3A_152 : i32
    scf.if %cond3A_153 {
      %mul3A_154 = arith.constant 632 : i32
      %mul3A_155 = arith.muli %arg1, %mul3A_154 : i32
      %mul3A_156 = arith.constant 632 : i32
      %mul3A_157 = arith.muli %arg1, %mul3A_156 : i32
      "tpu.region"() ({
        %run_scoped3A = tpu.sem_alloc : memref<!tpu.dma_semaphore, #tpu.memory_space<semaphore_mem>>
        %dma_start3A_158 = arith.constant 0 : i32
        %dma_start3A_159 = tpu.memref_slice %arg6[%mul3A_157, %dma_start3A_158] : memref<10112x128xf32, #tpu.memory_space<hbm>> -> memref<632x128xf32, #tpu.memory_space<hbm>>
        %dma_start3A_160 = arith.constant 0 : i32
        %dma_start3A_161 = tpu.memref_slice %arg17[%mul3A_155, %dma_start3A_160] : memref<10112x128xf32, #tpu.memory_space<vmem_shared>> -> memref<632x128xf32, #tpu.memory_space<vmem_shared>>
        tpu.enqueue_dma source(%dma_start3A_161 : memref<632x128xf32, #tpu.memory_space<vmem_shared>>) target(%dma_start3A_159 : memref<632x128xf32, #tpu.memory_space<hbm>>) target_semaphore(%run_scoped3A : memref<!tpu.dma_semaphore, #tpu.memory_space<semaphore_mem>>)
        %dma_wait3A_162 = arith.constant 0 : i32
        %dma_wait3A_163 = tpu.memref_slice %arg6[%mul3A_157, %dma_wait3A_162] : memref<10112x128xf32, #tpu.memory_space<hbm>> -> memref<632x128xf32, #tpu.memory_space<hbm>>
        %dma_wait3A_164 = arith.constant 0 : i32
        %dma_wait3A_165 = tpu.memref_slice %arg17[%mul3A_155, %dma_wait3A_164] : memref<10112x128xf32, #tpu.memory_space<vmem_shared>> -> memref<632x128xf32, #tpu.memory_space<vmem_shared>>
        tpu.wait_dma2 semaphore(%run_scoped3A : memref<!tpu.dma_semaphore, #tpu.memory_space<semaphore_mem>>) src(%dma_wait3A_165 : memref<632x128xf32, #tpu.memory_space<vmem_shared>>) dst(%dma_wait3A_163 : memref<632x128xf32, #tpu.memory_space<hbm>>)
        tpu.yield
      }) : () -> ()
    } else {
    }
    return
  }
}

#map = affine_map<(d0, d1) -> (0, 0)>
module attributes {stable_mosaic.version = 14 : i64} {
  func.func @_agg_kernel(%arg0: i32, %arg1: i32, %arg2: memref<10112x128xf32, #tpu.memory_space<hbm>>, %arg3: memref<2560x128xi32, #tpu.memory_space<hbm>>, %arg4: memref<2560x128xi32, #tpu.memory_space<hbm>>, %arg5: memref<10112x128xf32, #tpu.memory_space<hbm>>, %arg6: memref<10112x128xf32, #tpu.memory_space<hbm>>, %arg7: memref<128xi32, #tpu.memory_space<vmem>>, %arg8: memref<128xi32, #tpu.memory_space<vmem>>, %arg9: memref<128xi32, #tpu.memory_space<vmem>>, %arg10: memref<128xi32, #tpu.memory_space<vmem>>, %arg11: memref<128xi32, #tpu.memory_space<vmem>>, %arg12: memref<128xi32, #tpu.memory_space<vmem>>, %arg13: memref<128xi32, #tpu.memory_space<vmem>>, %arg14: memref<128xi32, #tpu.memory_space<vmem>>, %arg15: memref<128x128xf32, #tpu.memory_space<vmem>>, %arg16: memref<128x128xf32, #tpu.memory_space<vmem>>, %arg17: memref<10112x128xf32, #tpu.memory_space<vmem_shared>>, %arg18: memref<!tpu.dma_semaphore, #tpu.memory_space<semaphore_mem>>, %arg19: memref<!tpu.dma_semaphore, #tpu.memory_space<semaphore_mem>>, %arg20: memref<!tpu.dma_semaphore, #tpu.memory_space<semaphore_mem>>) attributes {dimension_semantics = [#tpu.dimension_semantics<core_parallel>, #tpu.dimension_semantics<subcore_parallel>], iteration_bounds = array<i64: 2, 16>, scalar_prefetch = 0 : i64, scratch_operands = 14 : i64, tpu.core_type = #tpu.core_type<sc_vector_subcore>, window_params = [{transform_indices = #map}, {transform_indices = #map}, {transform_indices = #map}, {transform_indices = #map}, {transform_indices = #map}]} {
    %eq3A = arith.constant 0 : i32
    %eq3A_0 = arith.cmpi eq, %arg0, %eq3A : i32
    %mul3A = arith.constant 80 : i32
    %mul3A_1 = arith.muli %arg1, %mul3A : i32
    %mul3A_2 = arith.constant 80 : i32
    %mul3A_3 = arith.muli %arg1, %mul3A_2 : i32
    %add3A = arith.constant 1280 : i32
    %add3A_4 = arith.addi %add3A, %mul3A_3 : i32
    %select_n3A = arith.select %eq3A_0, %mul3A_1, %add3A_4 : i32
    %eq3A_5 = arith.constant 0 : i32
    %eq3A_6 = arith.cmpi eq, %arg0, %eq3A_5 : i32
    %jit3A = arith.constant 80 : i32
    %jit3A_7 = arith.constant 80 : i32
    %select_n3A_8 = arith.select %eq3A_6, %jit3A, %jit3A_7 : i32
    %scan3A = arith.constant 0 : i32
    %scan3A_9 = arith.constant 0 : i32
    %scan3A_10 = arith.constant 128 : i32
    %scan3A_11 = arith.addi %scan3A_9, %scan3A_10 : i32
    %scan3A_12 = arith.constant 1 : i32
    scf.for %scan3A_154 = %scan3A_9 to %scan3A_11 step %scan3A_12  : i32 {
      %scan3A_155 = arith.constant 0 : i32
      %scan3A_156 = arith.constant 0 : i32
      %scan3A_157 = arith.constant 8 : i32
      %scan3A_158 = arith.addi %scan3A_156, %scan3A_157 : i32
      %scan3A_159 = arith.constant 1 : i32
      scf.for %scan3A_161 = %scan3A_156 to %scan3A_158 step %scan3A_159  : i32 {
        %broadcast_in_dim3A = arith.constant 0.000000e+00 : f32
        %broadcast_in_dim3A_162 = vector.broadcast %broadcast_in_dim3A : f32 to vector<16xf32>
        %mul3A_163 = arith.constant 16 : i32
        %mul3A_164 = arith.muli %scan3A_161, %mul3A_163 : i32
        %swap3A = arith.index_cast %scan3A_154 : i32 to index
        %swap3A_165 = arith.index_cast %mul3A_164 : i32 to index
        %swap3A_166 = tpu.vector_load %arg15[%swap3A, %swap3A_165] {strides = array<i32>} : memref<128x128xf32, #tpu.memory_space<vmem>>, vector<1x16xf32>,
        %swap3A_167 = vector.shape_cast %swap3A_166 : vector<1x16xf32> to vector<16xf32>
        %swap3A_168 = vector.shape_cast %broadcast_in_dim3A_162 : vector<16xf32> to vector<1x16xf32>
        tpu.vector_store %arg15[%swap3A, %swap3A_165], %swap3A_168 {strides = array<i32>} : memref<128x128xf32, #tpu.memory_space<vmem>>, vector<1x16xf32>,
      }
      %scan3A_160 = arith.constant 8 : i32
    }
    %scan3A_13 = arith.constant 128 : i32
    %mul3A_14 = arith.constant 632 : i32
    %mul3A_15 = arith.muli %arg1, %mul3A_14 : i32
    %add3A_16 = arith.constant 0 : i32
    %add3A_17 = arith.addi %mul3A_15, %add3A_16 : i32
    "tpu.region"() ({
      %run_scoped3A = tpu.sem_alloc : memref<!tpu.dma_semaphore, #tpu.memory_space<semaphore_mem>>
      %dma_start3A_154 = arith.constant 0 : i32
      %dma_start3A_155 = tpu.memref_slice %arg17[%add3A_17, %dma_start3A_154] : memref<10112x128xf32, #tpu.memory_space<vmem_shared>> -> memref<128x128xf32, #tpu.memory_space<vmem_shared>>
      %dma_start3A_156 = arith.constant 0 : i32
      %dma_start3A_157 = tpu.memref_slice %arg17[%add3A_17, %dma_start3A_156] : memref<10112x128xf32, #tpu.memory_space<vmem_shared>> -> memref<128x128xf32, #tpu.memory_space<vmem_shared>>
      tpu.enqueue_dma source(%arg15 : memref<128x128xf32, #tpu.memory_space<vmem>>) target(%dma_start3A_157 : memref<128x128xf32, #tpu.memory_space<vmem_shared>>) target_semaphore(%run_scoped3A : memref<!tpu.dma_semaphore, #tpu.memory_space<semaphore_mem>>)
      %dma_wait3A_158 = arith.constant 0 : i32
      %dma_wait3A_159 = tpu.memref_slice %arg17[%add3A_17, %dma_wait3A_158] : memref<10112x128xf32, #tpu.memory_space<vmem_shared>> -> memref<128x128xf32, #tpu.memory_space<vmem_shared>>
      %dma_wait3A_160 = arith.constant 0 : i32
      %dma_wait3A_161 = tpu.memref_slice %arg17[%add3A_17, %dma_wait3A_160] : memref<10112x128xf32, #tpu.memory_space<vmem_shared>> -> memref<128x128xf32, #tpu.memory_space<vmem_shared>>
      tpu.wait_dma2 semaphore(%run_scoped3A : memref<!tpu.dma_semaphore, #tpu.memory_space<semaphore_mem>>) src(%arg15 : memref<128x128xf32, #tpu.memory_space<vmem>>) dst(%dma_wait3A_161 : memref<128x128xf32, #tpu.memory_space<vmem_shared>>)
      tpu.yield
    }) : () -> ()
    %mul3A_18 = arith.constant 632 : i32
    %mul3A_19 = arith.muli %arg1, %mul3A_18 : i32
    %add3A_20 = arith.constant 128 : i32
    %add3A_21 = arith.addi %mul3A_19, %add3A_20 : i32
    "tpu.region"() ({
      %run_scoped3A = tpu.sem_alloc : memref<!tpu.dma_semaphore, #tpu.memory_space<semaphore_mem>>
      %dma_start3A_154 = arith.constant 0 : i32
      %dma_start3A_155 = tpu.memref_slice %arg17[%add3A_21, %dma_start3A_154] : memref<10112x128xf32, #tpu.memory_space<vmem_shared>> -> memref<128x128xf32, #tpu.memory_space<vmem_shared>>
      %dma_start3A_156 = arith.constant 0 : i32
      %dma_start3A_157 = tpu.memref_slice %arg17[%add3A_21, %dma_start3A_156] : memref<10112x128xf32, #tpu.memory_space<vmem_shared>> -> memref<128x128xf32, #tpu.memory_space<vmem_shared>>
      tpu.enqueue_dma source(%arg15 : memref<128x128xf32, #tpu.memory_space<vmem>>) target(%dma_start3A_157 : memref<128x128xf32, #tpu.memory_space<vmem_shared>>) target_semaphore(%run_scoped3A : memref<!tpu.dma_semaphore, #tpu.memory_space<semaphore_mem>>)
      %dma_wait3A_158 = arith.constant 0 : i32
      %dma_wait3A_159 = tpu.memref_slice %arg17[%add3A_21, %dma_wait3A_158] : memref<10112x128xf32, #tpu.memory_space<vmem_shared>> -> memref<128x128xf32, #tpu.memory_space<vmem_shared>>
      %dma_wait3A_160 = arith.constant 0 : i32
      %dma_wait3A_161 = tpu.memref_slice %arg17[%add3A_21, %dma_wait3A_160] : memref<10112x128xf32, #tpu.memory_space<vmem_shared>> -> memref<128x128xf32, #tpu.memory_space<vmem_shared>>
      tpu.wait_dma2 semaphore(%run_scoped3A : memref<!tpu.dma_semaphore, #tpu.memory_space<semaphore_mem>>) src(%arg15 : memref<128x128xf32, #tpu.memory_space<vmem>>) dst(%dma_wait3A_161 : memref<128x128xf32, #tpu.memory_space<vmem_shared>>)
      tpu.yield
    }) : () -> ()
    %mul3A_22 = arith.constant 632 : i32
    %mul3A_23 = arith.muli %arg1, %mul3A_22 : i32
    %add3A_24 = arith.constant 256 : i32
    %add3A_25 = arith.addi %mul3A_23, %add3A_24 : i32
    "tpu.region"() ({
      %run_scoped3A = tpu.sem_alloc : memref<!tpu.dma_semaphore, #tpu.memory_space<semaphore_mem>>
      %dma_start3A_154 = arith.constant 0 : i32
      %dma_start3A_155 = tpu.memref_slice %arg17[%add3A_25, %dma_start3A_154] : memref<10112x128xf32, #tpu.memory_space<vmem_shared>> -> memref<128x128xf32, #tpu.memory_space<vmem_shared>>
      %dma_start3A_156 = arith.constant 0 : i32
      %dma_start3A_157 = tpu.memref_slice %arg17[%add3A_25, %dma_start3A_156] : memref<10112x128xf32, #tpu.memory_space<vmem_shared>> -> memref<128x128xf32, #tpu.memory_space<vmem_shared>>
      tpu.enqueue_dma source(%arg15 : memref<128x128xf32, #tpu.memory_space<vmem>>) target(%dma_start3A_157 : memref<128x128xf32, #tpu.memory_space<vmem_shared>>) target_semaphore(%run_scoped3A : memref<!tpu.dma_semaphore, #tpu.memory_space<semaphore_mem>>)
      %dma_wait3A_158 = arith.constant 0 : i32
      %dma_wait3A_159 = tpu.memref_slice %arg17[%add3A_25, %dma_wait3A_158] : memref<10112x128xf32, #tpu.memory_space<vmem_shared>> -> memref<128x128xf32, #tpu.memory_space<vmem_shared>>
      %dma_wait3A_160 = arith.constant 0 : i32
      %dma_wait3A_161 = tpu.memref_slice %arg17[%add3A_25, %dma_wait3A_160] : memref<10112x128xf32, #tpu.memory_space<vmem_shared>> -> memref<128x128xf32, #tpu.memory_space<vmem_shared>>
      tpu.wait_dma2 semaphore(%run_scoped3A : memref<!tpu.dma_semaphore, #tpu.memory_space<semaphore_mem>>) src(%arg15 : memref<128x128xf32, #tpu.memory_space<vmem>>) dst(%dma_wait3A_161 : memref<128x128xf32, #tpu.memory_space<vmem_shared>>)
      tpu.yield
    }) : () -> ()
    %mul3A_26 = arith.constant 632 : i32
    %mul3A_27 = arith.muli %arg1, %mul3A_26 : i32
    %add3A_28 = arith.constant 384 : i32
    %add3A_29 = arith.addi %mul3A_27, %add3A_28 : i32
    "tpu.region"() ({
      %run_scoped3A = tpu.sem_alloc : memref<!tpu.dma_semaphore, #tpu.memory_space<semaphore_mem>>
      %dma_start3A_154 = arith.constant 0 : i32
      %dma_start3A_155 = tpu.memref_slice %arg17[%add3A_29, %dma_start3A_154] : memref<10112x128xf32, #tpu.memory_space<vmem_shared>> -> memref<128x128xf32, #tpu.memory_space<vmem_shared>>
      %dma_start3A_156 = arith.constant 0 : i32
      %dma_start3A_157 = tpu.memref_slice %arg17[%add3A_29, %dma_start3A_156] : memref<10112x128xf32, #tpu.memory_space<vmem_shared>> -> memref<128x128xf32, #tpu.memory_space<vmem_shared>>
      tpu.enqueue_dma source(%arg15 : memref<128x128xf32, #tpu.memory_space<vmem>>) target(%dma_start3A_157 : memref<128x128xf32, #tpu.memory_space<vmem_shared>>) target_semaphore(%run_scoped3A : memref<!tpu.dma_semaphore, #tpu.memory_space<semaphore_mem>>)
      %dma_wait3A_158 = arith.constant 0 : i32
      %dma_wait3A_159 = tpu.memref_slice %arg17[%add3A_29, %dma_wait3A_158] : memref<10112x128xf32, #tpu.memory_space<vmem_shared>> -> memref<128x128xf32, #tpu.memory_space<vmem_shared>>
      %dma_wait3A_160 = arith.constant 0 : i32
      %dma_wait3A_161 = tpu.memref_slice %arg17[%add3A_29, %dma_wait3A_160] : memref<10112x128xf32, #tpu.memory_space<vmem_shared>> -> memref<128x128xf32, #tpu.memory_space<vmem_shared>>
      tpu.wait_dma2 semaphore(%run_scoped3A : memref<!tpu.dma_semaphore, #tpu.memory_space<semaphore_mem>>) src(%arg15 : memref<128x128xf32, #tpu.memory_space<vmem>>) dst(%dma_wait3A_161 : memref<128x128xf32, #tpu.memory_space<vmem_shared>>)
      tpu.yield
    }) : () -> ()
    %mul3A_30 = arith.constant 632 : i32
    %mul3A_31 = arith.muli %arg1, %mul3A_30 : i32
    %add3A_32 = arith.constant 512 : i32
    %add3A_33 = arith.addi %mul3A_31, %add3A_32 : i32
    "tpu.region"() ({
      %run_scoped3A = tpu.sem_alloc : memref<!tpu.dma_semaphore, #tpu.memory_space<semaphore_mem>>
      %dma_start3A_154 = arith.constant 0 : i32
      %dma_start3A_155 = arith.constant 0 : i32
      %dma_start3A_156 = tpu.memref_slice %arg15[%dma_start3A_154, %dma_start3A_155] : memref<128x128xf32, #tpu.memory_space<vmem>> -> memref<120x128xf32, #tpu.memory_space<vmem>>
      %dma_start3A_157 = arith.constant 0 : i32
      %dma_start3A_158 = tpu.memref_slice %arg17[%add3A_33, %dma_start3A_157] : memref<10112x128xf32, #tpu.memory_space<vmem_shared>> -> memref<120x128xf32, #tpu.memory_space<vmem_shared>>
      %dma_start3A_159 = arith.constant 0 : i32
      %dma_start3A_160 = tpu.memref_slice %arg17[%add3A_33, %dma_start3A_159] : memref<10112x128xf32, #tpu.memory_space<vmem_shared>> -> memref<120x128xf32, #tpu.memory_space<vmem_shared>>
      %dma_start3A_161 = arith.constant 0 : i32
      %dma_start3A_162 = arith.constant 0 : i32
      %dma_start3A_163 = tpu.memref_slice %arg15[%dma_start3A_161, %dma_start3A_162] : memref<128x128xf32, #tpu.memory_space<vmem>> -> memref<120x128xf32, #tpu.memory_space<vmem>>
      tpu.enqueue_dma source(%dma_start3A_163 : memref<120x128xf32, #tpu.memory_space<vmem>>) target(%dma_start3A_160 : memref<120x128xf32, #tpu.memory_space<vmem_shared>>) target_semaphore(%run_scoped3A : memref<!tpu.dma_semaphore, #tpu.memory_space<semaphore_mem>>)
      %dma_wait3A_164 = arith.constant 0 : i32
      %dma_wait3A_165 = arith.constant 0 : i32
      %dma_wait3A_166 = tpu.memref_slice %arg15[%dma_wait3A_164, %dma_wait3A_165] : memref<128x128xf32, #tpu.memory_space<vmem>> -> memref<120x128xf32, #tpu.memory_space<vmem>>
      %dma_wait3A_167 = arith.constant 0 : i32
      %dma_wait3A_168 = tpu.memref_slice %arg17[%add3A_33, %dma_wait3A_167] : memref<10112x128xf32, #tpu.memory_space<vmem_shared>> -> memref<120x128xf32, #tpu.memory_space<vmem_shared>>
      %dma_wait3A_169 = arith.constant 0 : i32
      %dma_wait3A_170 = tpu.memref_slice %arg17[%add3A_33, %dma_wait3A_169] : memref<10112x128xf32, #tpu.memory_space<vmem_shared>> -> memref<120x128xf32, #tpu.memory_space<vmem_shared>>
      %dma_wait3A_171 = arith.constant 0 : i32
      %dma_wait3A_172 = arith.constant 0 : i32
      %dma_wait3A_173 = tpu.memref_slice %arg15[%dma_wait3A_171, %dma_wait3A_172] : memref<128x128xf32, #tpu.memory_space<vmem>> -> memref<120x128xf32, #tpu.memory_space<vmem>>
      tpu.wait_dma2 semaphore(%run_scoped3A : memref<!tpu.dma_semaphore, #tpu.memory_space<semaphore_mem>>) src(%dma_wait3A_173 : memref<120x128xf32, #tpu.memory_space<vmem>>) dst(%dma_wait3A_170 : memref<120x128xf32, #tpu.memory_space<vmem_shared>>)
      tpu.yield
    }) : () -> ()
    %barrier3A = arith.constant 0 : index
    tpu.barrier barrier_id(%barrier3A)
    %add3A_34 = arith.constant 0 : i32
    %add3A_35 = arith.addi %select_n3A, %add3A_34 : i32
    %dma_start3A = arith.constant 0 : i32
    %dma_start3A_36 = tpu.memref_slice %arg3[%add3A_35, %dma_start3A] : memref<2560x128xi32, #tpu.memory_space<hbm>> -> memref<1x128xi32, #tpu.memory_space<hbm>>
    %dma_start3A_37 = tpu.memref_squeeze %dma_start3A_36 : memref<1x128xi32, #tpu.memory_space<hbm>> -> memref<128xi32, #tpu.memory_space<hbm>>
    %dma_start3A_38 = arith.constant 0 : i32
    %dma_start3A_39 = tpu.memref_slice %arg3[%add3A_35, %dma_start3A_38] : memref<2560x128xi32, #tpu.memory_space<hbm>> -> memref<1x128xi32, #tpu.memory_space<hbm>>
    %dma_start3A_40 = tpu.memref_squeeze %dma_start3A_39 : memref<1x128xi32, #tpu.memory_space<hbm>> -> memref<128xi32, #tpu.memory_space<hbm>>
    tpu.enqueue_dma source(%dma_start3A_40 : memref<128xi32, #tpu.memory_space<hbm>>) target(%arg7 : memref<128xi32, #tpu.memory_space<vmem>>) target_semaphore(%arg18 : memref<!tpu.dma_semaphore, #tpu.memory_space<semaphore_mem>>)
    %add3A_41 = arith.constant 0 : i32
    %add3A_42 = arith.addi %select_n3A, %add3A_41 : i32
    %dma_start3A_43 = arith.constant 0 : i32
    %dma_start3A_44 = tpu.memref_slice %arg4[%add3A_42, %dma_start3A_43] : memref<2560x128xi32, #tpu.memory_space<hbm>> -> memref<1x128xi32, #tpu.memory_space<hbm>>
    %dma_start3A_45 = tpu.memref_squeeze %dma_start3A_44 : memref<1x128xi32, #tpu.memory_space<hbm>> -> memref<128xi32, #tpu.memory_space<hbm>>
    %dma_start3A_46 = arith.constant 0 : i32
    %dma_start3A_47 = tpu.memref_slice %arg4[%add3A_42, %dma_start3A_46] : memref<2560x128xi32, #tpu.memory_space<hbm>> -> memref<1x128xi32, #tpu.memory_space<hbm>>
    %dma_start3A_48 = tpu.memref_squeeze %dma_start3A_47 : memref<1x128xi32, #tpu.memory_space<hbm>> -> memref<128xi32, #tpu.memory_space<hbm>>
    tpu.enqueue_dma source(%dma_start3A_48 : memref<128xi32, #tpu.memory_space<hbm>>) target(%arg11 : memref<128xi32, #tpu.memory_space<vmem>>) target_semaphore(%arg19 : memref<!tpu.dma_semaphore, #tpu.memory_space<semaphore_mem>>)
    %add3A_49 = arith.constant 1 : i32
    %add3A_50 = arith.addi %select_n3A, %add3A_49 : i32
    %dma_start3A_51 = arith.constant 0 : i32
    %dma_start3A_52 = tpu.memref_slice %arg3[%add3A_50, %dma_start3A_51] : memref<2560x128xi32, #tpu.memory_space<hbm>> -> memref<1x128xi32, #tpu.memory_space<hbm>>
    %dma_start3A_53 = tpu.memref_squeeze %dma_start3A_52 : memref<1x128xi32, #tpu.memory_space<hbm>> -> memref<128xi32, #tpu.memory_space<hbm>>
    %dma_start3A_54 = arith.constant 0 : i32
    %dma_start3A_55 = tpu.memref_slice %arg3[%add3A_50, %dma_start3A_54] : memref<2560x128xi32, #tpu.memory_space<hbm>> -> memref<1x128xi32, #tpu.memory_space<hbm>>
    %dma_start3A_56 = tpu.memref_squeeze %dma_start3A_55 : memref<1x128xi32, #tpu.memory_space<hbm>> -> memref<128xi32, #tpu.memory_space<hbm>>
    tpu.enqueue_dma source(%dma_start3A_56 : memref<128xi32, #tpu.memory_space<hbm>>) target(%arg8 : memref<128xi32, #tpu.memory_space<vmem>>) target_semaphore(%arg18 : memref<!tpu.dma_semaphore, #tpu.memory_space<semaphore_mem>>)
    %add3A_57 = arith.constant 1 : i32
    %add3A_58 = arith.addi %select_n3A, %add3A_57 : i32
    %dma_start3A_59 = arith.constant 0 : i32
    %dma_start3A_60 = tpu.memref_slice %arg4[%add3A_58, %dma_start3A_59] : memref<2560x128xi32, #tpu.memory_space<hbm>> -> memref<1x128xi32, #tpu.memory_space<hbm>>
    %dma_start3A_61 = tpu.memref_squeeze %dma_start3A_60 : memref<1x128xi32, #tpu.memory_space<hbm>> -> memref<128xi32, #tpu.memory_space<hbm>>
    %dma_start3A_62 = arith.constant 0 : i32
    %dma_start3A_63 = tpu.memref_slice %arg4[%add3A_58, %dma_start3A_62] : memref<2560x128xi32, #tpu.memory_space<hbm>> -> memref<1x128xi32, #tpu.memory_space<hbm>>
    %dma_start3A_64 = tpu.memref_squeeze %dma_start3A_63 : memref<1x128xi32, #tpu.memory_space<hbm>> -> memref<128xi32, #tpu.memory_space<hbm>>
    tpu.enqueue_dma source(%dma_start3A_64 : memref<128xi32, #tpu.memory_space<hbm>>) target(%arg12 : memref<128xi32, #tpu.memory_space<vmem>>) target_semaphore(%arg19 : memref<!tpu.dma_semaphore, #tpu.memory_space<semaphore_mem>>)
    %add3A_65 = arith.constant 2 : i32
    %add3A_66 = arith.addi %select_n3A, %add3A_65 : i32
    %dma_start3A_67 = arith.constant 0 : i32
    %dma_start3A_68 = tpu.memref_slice %arg3[%add3A_66, %dma_start3A_67] : memref<2560x128xi32, #tpu.memory_space<hbm>> -> memref<1x128xi32, #tpu.memory_space<hbm>>
    %dma_start3A_69 = tpu.memref_squeeze %dma_start3A_68 : memref<1x128xi32, #tpu.memory_space<hbm>> -> memref<128xi32, #tpu.memory_space<hbm>>
    %dma_start3A_70 = arith.constant 0 : i32
    %dma_start3A_71 = tpu.memref_slice %arg3[%add3A_66, %dma_start3A_70] : memref<2560x128xi32, #tpu.memory_space<hbm>> -> memref<1x128xi32, #tpu.memory_space<hbm>>
    %dma_start3A_72 = tpu.memref_squeeze %dma_start3A_71 : memref<1x128xi32, #tpu.memory_space<hbm>> -> memref<128xi32, #tpu.memory_space<hbm>>
    tpu.enqueue_dma source(%dma_start3A_72 : memref<128xi32, #tpu.memory_space<hbm>>) target(%arg9 : memref<128xi32, #tpu.memory_space<vmem>>) target_semaphore(%arg18 : memref<!tpu.dma_semaphore, #tpu.memory_space<semaphore_mem>>)
    %add3A_73 = arith.constant 2 : i32
    %add3A_74 = arith.addi %select_n3A, %add3A_73 : i32
    %dma_start3A_75 = arith.constant 0 : i32
    %dma_start3A_76 = tpu.memref_slice %arg4[%add3A_74, %dma_start3A_75] : memref<2560x128xi32, #tpu.memory_space<hbm>> -> memref<1x128xi32, #tpu.memory_space<hbm>>
    %dma_start3A_77 = tpu.memref_squeeze %dma_start3A_76 : memref<1x128xi32, #tpu.memory_space<hbm>> -> memref<128xi32, #tpu.memory_space<hbm>>
    %dma_start3A_78 = arith.constant 0 : i32
    %dma_start3A_79 = tpu.memref_slice %arg4[%add3A_74, %dma_start3A_78] : memref<2560x128xi32, #tpu.memory_space<hbm>> -> memref<1x128xi32, #tpu.memory_space<hbm>>
    %dma_start3A_80 = tpu.memref_squeeze %dma_start3A_79 : memref<1x128xi32, #tpu.memory_space<hbm>> -> memref<128xi32, #tpu.memory_space<hbm>>
    tpu.enqueue_dma source(%dma_start3A_80 : memref<128xi32, #tpu.memory_space<hbm>>) target(%arg13 : memref<128xi32, #tpu.memory_space<vmem>>) target_semaphore(%arg19 : memref<!tpu.dma_semaphore, #tpu.memory_space<semaphore_mem>>)
    %add3A_81 = arith.constant 3 : i32
    %add3A_82 = arith.addi %select_n3A, %add3A_81 : i32
    %dma_start3A_83 = arith.constant 0 : i32
    %dma_start3A_84 = tpu.memref_slice %arg3[%add3A_82, %dma_start3A_83] : memref<2560x128xi32, #tpu.memory_space<hbm>> -> memref<1x128xi32, #tpu.memory_space<hbm>>
    %dma_start3A_85 = tpu.memref_squeeze %dma_start3A_84 : memref<1x128xi32, #tpu.memory_space<hbm>> -> memref<128xi32, #tpu.memory_space<hbm>>
    %dma_start3A_86 = arith.constant 0 : i32
    %dma_start3A_87 = tpu.memref_slice %arg3[%add3A_82, %dma_start3A_86] : memref<2560x128xi32, #tpu.memory_space<hbm>> -> memref<1x128xi32, #tpu.memory_space<hbm>>
    %dma_start3A_88 = tpu.memref_squeeze %dma_start3A_87 : memref<1x128xi32, #tpu.memory_space<hbm>> -> memref<128xi32, #tpu.memory_space<hbm>>
    tpu.enqueue_dma source(%dma_start3A_88 : memref<128xi32, #tpu.memory_space<hbm>>) target(%arg10 : memref<128xi32, #tpu.memory_space<vmem>>) target_semaphore(%arg18 : memref<!tpu.dma_semaphore, #tpu.memory_space<semaphore_mem>>)
    %add3A_89 = arith.constant 3 : i32
    %add3A_90 = arith.addi %select_n3A, %add3A_89 : i32
    %dma_start3A_91 = arith.constant 0 : i32
    %dma_start3A_92 = tpu.memref_slice %arg4[%add3A_90, %dma_start3A_91] : memref<2560x128xi32, #tpu.memory_space<hbm>> -> memref<1x128xi32, #tpu.memory_space<hbm>>
    %dma_start3A_93 = tpu.memref_squeeze %dma_start3A_92 : memref<1x128xi32, #tpu.memory_space<hbm>> -> memref<128xi32, #tpu.memory_space<hbm>>
    %dma_start3A_94 = arith.constant 0 : i32
    %dma_start3A_95 = tpu.memref_slice %arg4[%add3A_90, %dma_start3A_94] : memref<2560x128xi32, #tpu.memory_space<hbm>> -> memref<1x128xi32, #tpu.memory_space<hbm>>
    %dma_start3A_96 = tpu.memref_squeeze %dma_start3A_95 : memref<1x128xi32, #tpu.memory_space<hbm>> -> memref<128xi32, #tpu.memory_space<hbm>>
    tpu.enqueue_dma source(%dma_start3A_96 : memref<128xi32, #tpu.memory_space<hbm>>) target(%arg14 : memref<128xi32, #tpu.memory_space<vmem>>) target_semaphore(%arg19 : memref<!tpu.dma_semaphore, #tpu.memory_space<semaphore_mem>>)
    %add3A_97 = arith.constant 0 : i32
    %add3A_98 = arith.addi %select_n3A, %add3A_97 : i32
    %dma_wait3A = arith.constant 0 : i32
    %dma_wait3A_99 = tpu.memref_slice %arg3[%add3A_98, %dma_wait3A] : memref<2560x128xi32, #tpu.memory_space<hbm>> -> memref<1x128xi32, #tpu.memory_space<hbm>>
    %dma_wait3A_100 = tpu.memref_squeeze %dma_wait3A_99 : memref<1x128xi32, #tpu.memory_space<hbm>> -> memref<128xi32, #tpu.memory_space<hbm>>
    %dma_wait3A_101 = arith.constant 0 : i32
    %dma_wait3A_102 = tpu.memref_slice %arg3[%add3A_98, %dma_wait3A_101] : memref<2560x128xi32, #tpu.memory_space<hbm>> -> memref<1x128xi32, #tpu.memory_space<hbm>>
    %dma_wait3A_103 = tpu.memref_squeeze %dma_wait3A_102 : memref<1x128xi32, #tpu.memory_space<hbm>> -> memref<128xi32, #tpu.memory_space<hbm>>
    tpu.wait_dma2 semaphore(%arg18 : memref<!tpu.dma_semaphore, #tpu.memory_space<semaphore_mem>>) src(%dma_wait3A_103 : memref<128xi32, #tpu.memory_space<hbm>>) dst(%arg7 : memref<128xi32, #tpu.memory_space<vmem>>)
    %dma_start3A_104 = arith.constant 0 : i32
    %dma_start3A_105 = arith.constant 0 : i32
    %dma_start3A_106 = tpu.memref_slice %arg2[%dma_start3A_104, %dma_start3A_105] : memref<10112x128xf32, #tpu.memory_space<hbm>> -> memref<10112x128xf32, #tpu.memory_space<hbm>>
    tpu.enqueue_indirect_dma source(%dma_start3A_106 : memref<10112x128xf32, #tpu.memory_space<hbm>>) target(%arg15 : memref<128x128xf32, #tpu.memory_space<vmem>>) offsets(%arg7 : memref<128xi32, #tpu.memory_space<vmem>>) semaphore(%arg20 : memref<!tpu.dma_semaphore, #tpu.memory_space<semaphore_mem>>)
    %add3A_107 = arith.constant 1 : i32
    %add3A_108 = arith.addi %select_n3A, %add3A_107 : i32
    %dma_wait3A_109 = arith.constant 0 : i32
    %dma_wait3A_110 = tpu.memref_slice %arg3[%add3A_108, %dma_wait3A_109] : memref<2560x128xi32, #tpu.memory_space<hbm>> -> memref<1x128xi32, #tpu.memory_space<hbm>>
    %dma_wait3A_111 = tpu.memref_squeeze %dma_wait3A_110 : memref<1x128xi32, #tpu.memory_space<hbm>> -> memref<128xi32, #tpu.memory_space<hbm>>
    %dma_wait3A_112 = arith.constant 0 : i32
    %dma_wait3A_113 = tpu.memref_slice %arg3[%add3A_108, %dma_wait3A_112] : memref<2560x128xi32, #tpu.memory_space<hbm>> -> memref<1x128xi32, #tpu.memory_space<hbm>>
    %dma_wait3A_114 = tpu.memref_squeeze %dma_wait3A_113 : memref<1x128xi32, #tpu.memory_space<hbm>> -> memref<128xi32, #tpu.memory_space<hbm>>
    tpu.wait_dma2 semaphore(%arg18 : memref<!tpu.dma_semaphore, #tpu.memory_space<semaphore_mem>>) src(%dma_wait3A_114 : memref<128xi32, #tpu.memory_space<hbm>>) dst(%arg8 : memref<128xi32, #tpu.memory_space<vmem>>)
    %dma_start3A_115 = arith.constant 0 : i32
    %dma_start3A_116 = arith.constant 0 : i32
    %dma_start3A_117 = tpu.memref_slice %arg2[%dma_start3A_115, %dma_start3A_116] : memref<10112x128xf32, #tpu.memory_space<hbm>> -> memref<10112x128xf32, #tpu.memory_space<hbm>>
    tpu.enqueue_indirect_dma source(%dma_start3A_117 : memref<10112x128xf32, #tpu.memory_space<hbm>>) target(%arg16 : memref<128x128xf32, #tpu.memory_space<vmem>>) offsets(%arg8 : memref<128xi32, #tpu.memory_space<vmem>>) semaphore(%arg20 : memref<!tpu.dma_semaphore, #tpu.memory_space<semaphore_mem>>)
    %jit3A_118 = arith.constant 4 : i32
    %div3A = arith.divsi %select_n3A_8, %jit3A_118 : i32
    %sign3A = arith.constant 0 : i32
    %sign3A_119 = arith.cmpi sgt, %select_n3A_8, %sign3A : i32
    %sign3A_120 = arith.extui %sign3A_119 : i1 to i32
    %sign3A_121 = arith.constant 0 : i32
    %sign3A_122 = arith.cmpi slt, %select_n3A_8, %sign3A_121 : i32
    %sign3A_123 = arith.extui %sign3A_122 : i1 to i32
    %sign3A_124 = arith.subi %sign3A_120, %sign3A_123 : i32
    %sign3A_125 = arith.constant 0 : i32
    %sign3A_126 = arith.cmpi sgt, %jit3A_118, %sign3A_125 : i32
    %sign3A_127 = arith.extui %sign3A_126 : i1 to i32
    %sign3A_128 = arith.constant 0 : i32
    %sign3A_129 = arith.cmpi slt, %jit3A_118, %sign3A_128 : i32
    %sign3A_130 = arith.extui %sign3A_129 : i1 to i32
    %sign3A_131 = arith.subi %sign3A_127, %sign3A_130 : i32
    %ne3A = arith.cmpi ne, %sign3A_124, %sign3A_131 : i32
    %rem3A = arith.remsi %select_n3A_8, %jit3A_118 : i32
    %ne3A_132 = arith.constant 0 : i32
    %ne3A_133 = arith.cmpi ne, %rem3A, %ne3A_132 : i32
    %and3A = arith.andi %ne3A, %ne3A_133 : i1
    %sub3A = arith.constant 1 : i32
    %sub3A_134 = arith.subi %div3A, %sub3A : i32
    %select_n3A_135 = arith.select %and3A, %sub3A_134, %div3A : i32
    %while3A = arith.constant 0 : i32
    %while3A_136 = arith.constant 0 : i32
    %while3A_137 = arith.subi %select_n3A_135, %while3A_136 : i32
    %while3A_138 = arith.addi %while3A_136, %while3A_137 : i32
    %while3A_139 = arith.constant 1 : i32
    %while3A_140 = arith.divsi %while3A_137, %while3A_139 : i32
    %while3A_141 = arith.muli %while3A_140, %while3A_139 : i32
    %while3A_142 = arith.addi %while3A_136, %while3A_141 : i32
    %while3A_143 = arith.constant 1 : i32
    scf.for %while3A_154 = %while3A_136 to %while3A_142 step %while3A_143  : i32 {
      %mul3A_155 = arith.constant 4 : i32
      %mul3A_156 = arith.muli %while3A_154, %mul3A_155 : i32
      %add3A_157 = arith.constant 0 : i32
      %add3A_158 = arith.addi %mul3A_156, %add3A_157 : i32
      %add3A_159 = arith.addi %select_n3A, %add3A_158 : i32
      %dma_wait3A_160 = arith.constant 0 : i32
      %dma_wait3A_161 = tpu.memref_slice %arg4[%add3A_159, %dma_wait3A_160] : memref<2560x128xi32, #tpu.memory_space<hbm>> -> memref<1x128xi32, #tpu.memory_space<hbm>>
      %dma_wait3A_162 = tpu.memref_squeeze %dma_wait3A_161 : memref<1x128xi32, #tpu.memory_space<hbm>> -> memref<128xi32, #tpu.memory_space<hbm>>
      %dma_wait3A_163 = arith.constant 0 : i32
      %dma_wait3A_164 = tpu.memref_slice %arg4[%add3A_159, %dma_wait3A_163] : memref<2560x128xi32, #tpu.memory_space<hbm>> -> memref<1x128xi32, #tpu.memory_space<hbm>>
      %dma_wait3A_165 = tpu.memref_squeeze %dma_wait3A_164 : memref<1x128xi32, #tpu.memory_space<hbm>> -> memref<128xi32, #tpu.memory_space<hbm>>
      tpu.wait_dma2 semaphore(%arg19 : memref<!tpu.dma_semaphore, #tpu.memory_space<semaphore_mem>>) src(%dma_wait3A_165 : memref<128xi32, #tpu.memory_space<hbm>>) dst(%arg11 : memref<128xi32, #tpu.memory_space<vmem>>)
      %dma_wait3A_166 = arith.constant 0 : i32
      %dma_wait3A_167 = arith.constant 0 : i32
      %dma_wait3A_168 = tpu.memref_slice %arg2[%dma_wait3A_166, %dma_wait3A_167] : memref<10112x128xf32, #tpu.memory_space<hbm>> -> memref<10112x128xf32, #tpu.memory_space<hbm>>
      tpu.wait_indirect_dma semaphore(%arg20 : memref<!tpu.dma_semaphore, #tpu.memory_space<semaphore_mem>>) src(%dma_wait3A_168 : memref<10112x128xf32, #tpu.memory_space<hbm>>) dst(%arg15 : memref<128x128xf32, #tpu.memory_space<vmem>>)
      "tpu.region"() ({
        %run_scoped3A = tpu.sem_alloc : memref<!tpu.dma_semaphore, #tpu.memory_space<semaphore_mem>>
        %dma_start3A_258 = arith.constant 0 : i32
        %dma_start3A_259 = arith.constant 0 : i32
        %dma_start3A_260 = tpu.memref_slice %arg17[%dma_start3A_258, %dma_start3A_259] : memref<10112x128xf32, #tpu.memory_space<vmem_shared>> -> memref<10112x128xf32, #tpu.memory_space<vmem_shared>>
        tpu.enqueue_indirect_dma source(%arg15 : memref<128x128xf32, #tpu.memory_space<vmem>>) target(%dma_start3A_260 : memref<10112x128xf32, #tpu.memory_space<vmem_shared>>) offsets(%arg11 : memref<128xi32, #tpu.memory_space<vmem>>) semaphore(%run_scoped3A : memref<!tpu.dma_semaphore, #tpu.memory_space<semaphore_mem>>) {add = true}
        %dma_wait3A_261 = arith.constant 0 : i32
        %dma_wait3A_262 = arith.constant 0 : i32
        %dma_wait3A_263 = tpu.memref_slice %arg17[%dma_wait3A_261, %dma_wait3A_262] : memref<10112x128xf32, #tpu.memory_space<vmem_shared>> -> memref<10112x128xf32, #tpu.memory_space<vmem_shared>>
        tpu.wait_indirect_dma semaphore(%run_scoped3A : memref<!tpu.dma_semaphore, #tpu.memory_space<semaphore_mem>>) src(%arg15 : memref<128x128xf32, #tpu.memory_space<vmem>>) dst(%dma_wait3A_263 : memref<10112x128xf32, #tpu.memory_space<vmem_shared>>)
        tpu.yield
      }) : () -> ()
      %add3A_169 = arith.constant 2 : i32
      %add3A_170 = arith.addi %add3A_158, %add3A_169 : i32
      %lt3A = arith.cmpi slt, %add3A_170, %select_n3A_8 : i32
      %convert_element_type3A_171 = arith.extui %lt3A : i1 to i32
      %cond3A_172 = arith.constant 0 : i32
      %cond3A_173 = arith.cmpi ne, %convert_element_type3A_171, %cond3A_172 : i32
      scf.if %cond3A_173 {
        %add3A_258 = arith.addi %select_n3A, %add3A_158 : i32
        %add3A_259 = arith.constant 2 : i32
        %add3A_260 = arith.addi %add3A_258, %add3A_259 : i32
        %dma_wait3A_261 = arith.constant 0 : i32
        %dma_wait3A_262 = tpu.memref_slice %arg3[%add3A_260, %dma_wait3A_261] : memref<2560x128xi32, #tpu.memory_space<hbm>> -> memref<1x128xi32, #tpu.memory_space<hbm>>
        %dma_wait3A_263 = tpu.memref_squeeze %dma_wait3A_262 : memref<1x128xi32, #tpu.memory_space<hbm>> -> memref<128xi32, #tpu.memory_space<hbm>>
        %dma_wait3A_264 = arith.constant 0 : i32
        %dma_wait3A_265 = tpu.memref_slice %arg3[%add3A_260, %dma_wait3A_264] : memref<2560x128xi32, #tpu.memory_space<hbm>> -> memref<1x128xi32, #tpu.memory_space<hbm>>
        %dma_wait3A_266 = tpu.memref_squeeze %dma_wait3A_265 : memref<1x128xi32, #tpu.memory_space<hbm>> -> memref<128xi32, #tpu.memory_space<hbm>>
        tpu.wait_dma2 semaphore(%arg18 : memref<!tpu.dma_semaphore, #tpu.memory_space<semaphore_mem>>) src(%dma_wait3A_266 : memref<128xi32, #tpu.memory_space<hbm>>) dst(%arg9 : memref<128xi32, #tpu.memory_space<vmem>>)
        %dma_start3A_267 = arith.constant 0 : i32
        %dma_start3A_268 = arith.constant 0 : i32
        %dma_start3A_269 = tpu.memref_slice %arg2[%dma_start3A_267, %dma_start3A_268] : memref<10112x128xf32, #tpu.memory_space<hbm>> -> memref<10112x128xf32, #tpu.memory_space<hbm>>
        tpu.enqueue_indirect_dma source(%dma_start3A_269 : memref<10112x128xf32, #tpu.memory_space<hbm>>) target(%arg15 : memref<128x128xf32, #tpu.memory_space<vmem>>) offsets(%arg9 : memref<128xi32, #tpu.memory_space<vmem>>) semaphore(%arg20 : memref<!tpu.dma_semaphore, #tpu.memory_space<semaphore_mem>>)
      } else {
      }
      %add3A_174 = arith.constant 4 : i32
      %add3A_175 = arith.addi %add3A_158, %add3A_174 : i32
      %lt3A_176 = arith.cmpi slt, %add3A_175, %select_n3A_8 : i32
      %convert_element_type3A_177 = arith.extui %lt3A_176 : i1 to i32
      %cond3A_178 = arith.constant 0 : i32
      %cond3A_179 = arith.cmpi ne, %convert_element_type3A_177, %cond3A_178 : i32
      scf.if %cond3A_179 {
        %add3A_258 = arith.addi %select_n3A, %add3A_158 : i32
        %add3A_259 = arith.constant 4 : i32
        %add3A_260 = arith.addi %add3A_258, %add3A_259 : i32
        %dma_start3A_261 = arith.constant 0 : i32
        %dma_start3A_262 = tpu.memref_slice %arg3[%add3A_260, %dma_start3A_261] : memref<2560x128xi32, #tpu.memory_space<hbm>> -> memref<1x128xi32, #tpu.memory_space<hbm>>
        %dma_start3A_263 = tpu.memref_squeeze %dma_start3A_262 : memref<1x128xi32, #tpu.memory_space<hbm>> -> memref<128xi32, #tpu.memory_space<hbm>>
        %dma_start3A_264 = arith.constant 0 : i32
        %dma_start3A_265 = tpu.memref_slice %arg3[%add3A_260, %dma_start3A_264] : memref<2560x128xi32, #tpu.memory_space<hbm>> -> memref<1x128xi32, #tpu.memory_space<hbm>>
        %dma_start3A_266 = tpu.memref_squeeze %dma_start3A_265 : memref<1x128xi32, #tpu.memory_space<hbm>> -> memref<128xi32, #tpu.memory_space<hbm>>
        tpu.enqueue_dma source(%dma_start3A_266 : memref<128xi32, #tpu.memory_space<hbm>>) target(%arg7 : memref<128xi32, #tpu.memory_space<vmem>>) target_semaphore(%arg18 : memref<!tpu.dma_semaphore, #tpu.memory_space<semaphore_mem>>)
        %add3A_267 = arith.addi %select_n3A, %add3A_158 : i32
        %add3A_268 = arith.constant 4 : i32
        %add3A_269 = arith.addi %add3A_267, %add3A_268 : i32
        %dma_start3A_270 = arith.constant 0 : i32
        %dma_start3A_271 = tpu.memref_slice %arg4[%add3A_269, %dma_start3A_270] : memref<2560x128xi32, #tpu.memory_space<hbm>> -> memref<1x128xi32, #tpu.memory_space<hbm>>
        %dma_start3A_272 = tpu.memref_squeeze %dma_start3A_271 : memref<1x128xi32, #tpu.memory_space<hbm>> -> memref<128xi32, #tpu.memory_space<hbm>>
        %dma_start3A_273 = arith.constant 0 : i32
        %dma_start3A_274 = tpu.memref_slice %arg4[%add3A_269, %dma_start3A_273] : memref<2560x128xi32, #tpu.memory_space<hbm>> -> memref<1x128xi32, #tpu.memory_space<hbm>>
        %dma_start3A_275 = tpu.memref_squeeze %dma_start3A_274 : memref<1x128xi32, #tpu.memory_space<hbm>> -> memref<128xi32, #tpu.memory_space<hbm>>
        tpu.enqueue_dma source(%dma_start3A_275 : memref<128xi32, #tpu.memory_space<hbm>>) target(%arg11 : memref<128xi32, #tpu.memory_space<vmem>>) target_semaphore(%arg19 : memref<!tpu.dma_semaphore, #tpu.memory_space<semaphore_mem>>)
      } else {
      }
      %mul3A_180 = arith.constant 4 : i32
      %mul3A_181 = arith.muli %while3A_154, %mul3A_180 : i32
      %add3A_182 = arith.constant 1 : i32
      %add3A_183 = arith.addi %mul3A_181, %add3A_182 : i32
      %add3A_184 = arith.addi %select_n3A, %add3A_183 : i32
      %dma_wait3A_185 = arith.constant 0 : i32
      %dma_wait3A_186 = tpu.memref_slice %arg4[%add3A_184, %dma_wait3A_185] : memref<2560x128xi32, #tpu.memory_space<hbm>> -> memref<1x128xi32, #tpu.memory_space<hbm>>
      %dma_wait3A_187 = tpu.memref_squeeze %dma_wait3A_186 : memref<1x128xi32, #tpu.memory_space<hbm>> -> memref<128xi32, #tpu.memory_space<hbm>>
      %dma_wait3A_188 = arith.constant 0 : i32
      %dma_wait3A_189 = tpu.memref_slice %arg4[%add3A_184, %dma_wait3A_188] : memref<2560x128xi32, #tpu.memory_space<hbm>> -> memref<1x128xi32, #tpu.memory_space<hbm>>
      %dma_wait3A_190 = tpu.memref_squeeze %dma_wait3A_189 : memref<1x128xi32, #tpu.memory_space<hbm>> -> memref<128xi32, #tpu.memory_space<hbm>>
      tpu.wait_dma2 semaphore(%arg19 : memref<!tpu.dma_semaphore, #tpu.memory_space<semaphore_mem>>) src(%dma_wait3A_190 : memref<128xi32, #tpu.memory_space<hbm>>) dst(%arg12 : memref<128xi32, #tpu.memory_space<vmem>>)
      %dma_wait3A_191 = arith.constant 0 : i32
      %dma_wait3A_192 = arith.constant 0 : i32
      %dma_wait3A_193 = tpu.memref_slice %arg2[%dma_wait3A_191, %dma_wait3A_192] : memref<10112x128xf32, #tpu.memory_space<hbm>> -> memref<10112x128xf32, #tpu.memory_space<hbm>>
      tpu.wait_indirect_dma semaphore(%arg20 : memref<!tpu.dma_semaphore, #tpu.memory_space<semaphore_mem>>) src(%dma_wait3A_193 : memref<10112x128xf32, #tpu.memory_space<hbm>>) dst(%arg16 : memref<128x128xf32, #tpu.memory_space<vmem>>)
      "tpu.region"() ({
        %run_scoped3A = tpu.sem_alloc : memref<!tpu.dma_semaphore, #tpu.memory_space<semaphore_mem>>
        %dma_start3A_258 = arith.constant 0 : i32
        %dma_start3A_259 = arith.constant 0 : i32
        %dma_start3A_260 = tpu.memref_slice %arg17[%dma_start3A_258, %dma_start3A_259] : memref<10112x128xf32, #tpu.memory_space<vmem_shared>> -> memref<10112x128xf32, #tpu.memory_space<vmem_shared>>
        tpu.enqueue_indirect_dma source(%arg16 : memref<128x128xf32, #tpu.memory_space<vmem>>) target(%dma_start3A_260 : memref<10112x128xf32, #tpu.memory_space<vmem_shared>>) offsets(%arg12 : memref<128xi32, #tpu.memory_space<vmem>>) semaphore(%run_scoped3A : memref<!tpu.dma_semaphore, #tpu.memory_space<semaphore_mem>>) {add = true}
        %dma_wait3A_261 = arith.constant 0 : i32
        %dma_wait3A_262 = arith.constant 0 : i32
        %dma_wait3A_263 = tpu.memref_slice %arg17[%dma_wait3A_261, %dma_wait3A_262] : memref<10112x128xf32, #tpu.memory_space<vmem_shared>> -> memref<10112x128xf32, #tpu.memory_space<vmem_shared>>
        tpu.wait_indirect_dma semaphore(%run_scoped3A : memref<!tpu.dma_semaphore, #tpu.memory_space<semaphore_mem>>) src(%arg16 : memref<128x128xf32, #tpu.memory_space<vmem>>) dst(%dma_wait3A_263 : memref<10112x128xf32, #tpu.memory_space<vmem_shared>>)
        tpu.yield
      }) : () -> ()
      %add3A_194 = arith.constant 2 : i32
      %add3A_195 = arith.addi %add3A_183, %add3A_194 : i32
      %lt3A_196 = arith.cmpi slt, %add3A_195, %select_n3A_8 : i32
      %convert_element_type3A_197 = arith.extui %lt3A_196 : i1 to i32
      %cond3A_198 = arith.constant 0 : i32
      %cond3A_199 = arith.cmpi ne, %convert_element_type3A_197, %cond3A_198 : i32
      scf.if %cond3A_199 {
        %add3A_258 = arith.addi %select_n3A, %add3A_183 : i32
        %add3A_259 = arith.constant 2 : i32
        %add3A_260 = arith.addi %add3A_258, %add3A_259 : i32
        %dma_wait3A_261 = arith.constant 0 : i32
        %dma_wait3A_262 = tpu.memref_slice %arg3[%add3A_260, %dma_wait3A_261] : memref<2560x128xi32, #tpu.memory_space<hbm>> -> memref<1x128xi32, #tpu.memory_space<hbm>>
        %dma_wait3A_263 = tpu.memref_squeeze %dma_wait3A_262 : memref<1x128xi32, #tpu.memory_space<hbm>> -> memref<128xi32, #tpu.memory_space<hbm>>
        %dma_wait3A_264 = arith.constant 0 : i32
        %dma_wait3A_265 = tpu.memref_slice %arg3[%add3A_260, %dma_wait3A_264] : memref<2560x128xi32, #tpu.memory_space<hbm>> -> memref<1x128xi32, #tpu.memory_space<hbm>>
        %dma_wait3A_266 = tpu.memref_squeeze %dma_wait3A_265 : memref<1x128xi32, #tpu.memory_space<hbm>> -> memref<128xi32, #tpu.memory_space<hbm>>
        tpu.wait_dma2 semaphore(%arg18 : memref<!tpu.dma_semaphore, #tpu.memory_space<semaphore_mem>>) src(%dma_wait3A_266 : memref<128xi32, #tpu.memory_space<hbm>>) dst(%arg10 : memref<128xi32, #tpu.memory_space<vmem>>)
        %dma_start3A_267 = arith.constant 0 : i32
        %dma_start3A_268 = arith.constant 0 : i32
        %dma_start3A_269 = tpu.memref_slice %arg2[%dma_start3A_267, %dma_start3A_268] : memref<10112x128xf32, #tpu.memory_space<hbm>> -> memref<10112x128xf32, #tpu.memory_space<hbm>>
        tpu.enqueue_indirect_dma source(%dma_start3A_269 : memref<10112x128xf32, #tpu.memory_space<hbm>>) target(%arg16 : memref<128x128xf32, #tpu.memory_space<vmem>>) offsets(%arg10 : memref<128xi32, #tpu.memory_space<vmem>>) semaphore(%arg20 : memref<!tpu.dma_semaphore, #tpu.memory_space<semaphore_mem>>)
      } else {
      }
      %add3A_200 = arith.constant 4 : i32
      %add3A_201 = arith.addi %add3A_183, %add3A_200 : i32
      %lt3A_202 = arith.cmpi slt, %add3A_201, %select_n3A_8 : i32
      %convert_element_type3A_203 = arith.extui %lt3A_202 : i1 to i32
      %cond3A_204 = arith.constant 0 : i32
      %cond3A_205 = arith.cmpi ne, %convert_element_type3A_203, %cond3A_204 : i32
      scf.if %cond3A_205 {
        %add3A_258 = arith.addi %select_n3A, %add3A_183 : i32
        %add3A_259 = arith.constant 4 : i32
        %add3A_260 = arith.addi %add3A_258, %add3A_259 : i32
        %dma_start3A_261 = arith.constant 0 : i32
        %dma_start3A_262 = tpu.memref_slice %arg3[%add3A_260, %dma_start3A_261] : memref<2560x128xi32, #tpu.memory_space<hbm>> -> memref<1x128xi32, #tpu.memory_space<hbm>>
        %dma_start3A_263 = tpu.memref_squeeze %dma_start3A_262 : memref<1x128xi32, #tpu.memory_space<hbm>> -> memref<128xi32, #tpu.memory_space<hbm>>
        %dma_start3A_264 = arith.constant 0 : i32
        %dma_start3A_265 = tpu.memref_slice %arg3[%add3A_260, %dma_start3A_264] : memref<2560x128xi32, #tpu.memory_space<hbm>> -> memref<1x128xi32, #tpu.memory_space<hbm>>
        %dma_start3A_266 = tpu.memref_squeeze %dma_start3A_265 : memref<1x128xi32, #tpu.memory_space<hbm>> -> memref<128xi32, #tpu.memory_space<hbm>>
        tpu.enqueue_dma source(%dma_start3A_266 : memref<128xi32, #tpu.memory_space<hbm>>) target(%arg8 : memref<128xi32, #tpu.memory_space<vmem>>) target_semaphore(%arg18 : memref<!tpu.dma_semaphore, #tpu.memory_space<semaphore_mem>>)
        %add3A_267 = arith.addi %select_n3A, %add3A_183 : i32
        %add3A_268 = arith.constant 4 : i32
        %add3A_269 = arith.addi %add3A_267, %add3A_268 : i32
        %dma_start3A_270 = arith.constant 0 : i32
        %dma_start3A_271 = tpu.memref_slice %arg4[%add3A_269, %dma_start3A_270] : memref<2560x128xi32, #tpu.memory_space<hbm>> -> memref<1x128xi32, #tpu.memory_space<hbm>>
        %dma_start3A_272 = tpu.memref_squeeze %dma_start3A_271 : memref<1x128xi32, #tpu.memory_space<hbm>> -> memref<128xi32, #tpu.memory_space<hbm>>
        %dma_start3A_273 = arith.constant 0 : i32
        %dma_start3A_274 = tpu.memref_slice %arg4[%add3A_269, %dma_start3A_273] : memref<2560x128xi32, #tpu.memory_space<hbm>> -> memref<1x128xi32, #tpu.memory_space<hbm>>
        %dma_start3A_275 = tpu.memref_squeeze %dma_start3A_274 : memref<1x128xi32, #tpu.memory_space<hbm>> -> memref<128xi32, #tpu.memory_space<hbm>>
        tpu.enqueue_dma source(%dma_start3A_275 : memref<128xi32, #tpu.memory_space<hbm>>) target(%arg12 : memref<128xi32, #tpu.memory_space<vmem>>) target_semaphore(%arg19 : memref<!tpu.dma_semaphore, #tpu.memory_space<semaphore_mem>>)
      } else {
      }
      %mul3A_206 = arith.constant 4 : i32
      %mul3A_207 = arith.muli %while3A_154, %mul3A_206 : i32
      %add3A_208 = arith.constant 2 : i32
      %add3A_209 = arith.addi %mul3A_207, %add3A_208 : i32
      %add3A_210 = arith.addi %select_n3A, %add3A_209 : i32
      %dma_wait3A_211 = arith.constant 0 : i32
      %dma_wait3A_212 = tpu.memref_slice %arg4[%add3A_210, %dma_wait3A_211] : memref<2560x128xi32, #tpu.memory_space<hbm>> -> memref<1x128xi32, #tpu.memory_space<hbm>>
      %dma_wait3A_213 = tpu.memref_squeeze %dma_wait3A_212 : memref<1x128xi32, #tpu.memory_space<hbm>> -> memref<128xi32, #tpu.memory_space<hbm>>
      %dma_wait3A_214 = arith.constant 0 : i32
      %dma_wait3A_215 = tpu.memref_slice %arg4[%add3A_210, %dma_wait3A_214] : memref<2560x128xi32, #tpu.memory_space<hbm>> -> memref<1x128xi32, #tpu.memory_space<hbm>>
      %dma_wait3A_216 = tpu.memref_squeeze %dma_wait3A_215 : memref<1x128xi32, #tpu.memory_space<hbm>> -> memref<128xi32, #tpu.memory_space<hbm>>
      tpu.wait_dma2 semaphore(%arg19 : memref<!tpu.dma_semaphore, #tpu.memory_space<semaphore_mem>>) src(%dma_wait3A_216 : memref<128xi32, #tpu.memory_space<hbm>>) dst(%arg13 : memref<128xi32, #tpu.memory_space<vmem>>)
      %dma_wait3A_217 = arith.constant 0 : i32
      %dma_wait3A_218 = arith.constant 0 : i32
      %dma_wait3A_219 = tpu.memref_slice %arg2[%dma_wait3A_217, %dma_wait3A_218] : memref<10112x128xf32, #tpu.memory_space<hbm>> -> memref<10112x128xf32, #tpu.memory_space<hbm>>
      tpu.wait_indirect_dma semaphore(%arg20 : memref<!tpu.dma_semaphore, #tpu.memory_space<semaphore_mem>>) src(%dma_wait3A_219 : memref<10112x128xf32, #tpu.memory_space<hbm>>) dst(%arg15 : memref<128x128xf32, #tpu.memory_space<vmem>>)
      "tpu.region"() ({
        %run_scoped3A = tpu.sem_alloc : memref<!tpu.dma_semaphore, #tpu.memory_space<semaphore_mem>>
        %dma_start3A_258 = arith.constant 0 : i32
        %dma_start3A_259 = arith.constant 0 : i32
        %dma_start3A_260 = tpu.memref_slice %arg17[%dma_start3A_258, %dma_start3A_259] : memref<10112x128xf32, #tpu.memory_space<vmem_shared>> -> memref<10112x128xf32, #tpu.memory_space<vmem_shared>>
        tpu.enqueue_indirect_dma source(%arg15 : memref<128x128xf32, #tpu.memory_space<vmem>>) target(%dma_start3A_260 : memref<10112x128xf32, #tpu.memory_space<vmem_shared>>) offsets(%arg13 : memref<128xi32, #tpu.memory_space<vmem>>) semaphore(%run_scoped3A : memref<!tpu.dma_semaphore, #tpu.memory_space<semaphore_mem>>) {add = true}
        %dma_wait3A_261 = arith.constant 0 : i32
        %dma_wait3A_262 = arith.constant 0 : i32
        %dma_wait3A_263 = tpu.memref_slice %arg17[%dma_wait3A_261, %dma_wait3A_262] : memref<10112x128xf32, #tpu.memory_space<vmem_shared>> -> memref<10112x128xf32, #tpu.memory_space<vmem_shared>>
        tpu.wait_indirect_dma semaphore(%run_scoped3A : memref<!tpu.dma_semaphore, #tpu.memory_space<semaphore_mem>>) src(%arg15 : memref<128x128xf32, #tpu.memory_space<vmem>>) dst(%dma_wait3A_263 : memref<10112x128xf32, #tpu.memory_space<vmem_shared>>)
        tpu.yield
      }) : () -> ()
      %add3A_220 = arith.constant 2 : i32
      %add3A_221 = arith.addi %add3A_209, %add3A_220 : i32
      %lt3A_222 = arith.cmpi slt, %add3A_221, %select_n3A_8 : i32
      %convert_element_type3A_223 = arith.extui %lt3A_222 : i1 to i32
      %cond3A_224 = arith.constant 0 : i32
      %cond3A_225 = arith.cmpi ne, %convert_element_type3A_223, %cond3A_224 : i32
      scf.if %cond3A_225 {
        %add3A_258 = arith.addi %select_n3A, %add3A_209 : i32
        %add3A_259 = arith.constant 2 : i32
        %add3A_260 = arith.addi %add3A_258, %add3A_259 : i32
        %dma_wait3A_261 = arith.constant 0 : i32
        %dma_wait3A_262 = tpu.memref_slice %arg3[%add3A_260, %dma_wait3A_261] : memref<2560x128xi32, #tpu.memory_space<hbm>> -> memref<1x128xi32, #tpu.memory_space<hbm>>
        %dma_wait3A_263 = tpu.memref_squeeze %dma_wait3A_262 : memref<1x128xi32, #tpu.memory_space<hbm>> -> memref<128xi32, #tpu.memory_space<hbm>>
        %dma_wait3A_264 = arith.constant 0 : i32
        %dma_wait3A_265 = tpu.memref_slice %arg3[%add3A_260, %dma_wait3A_264] : memref<2560x128xi32, #tpu.memory_space<hbm>> -> memref<1x128xi32, #tpu.memory_space<hbm>>
        %dma_wait3A_266 = tpu.memref_squeeze %dma_wait3A_265 : memref<1x128xi32, #tpu.memory_space<hbm>> -> memref<128xi32, #tpu.memory_space<hbm>>
        tpu.wait_dma2 semaphore(%arg18 : memref<!tpu.dma_semaphore, #tpu.memory_space<semaphore_mem>>) src(%dma_wait3A_266 : memref<128xi32, #tpu.memory_space<hbm>>) dst(%arg7 : memref<128xi32, #tpu.memory_space<vmem>>)
        %dma_start3A_267 = arith.constant 0 : i32
        %dma_start3A_268 = arith.constant 0 : i32
        %dma_start3A_269 = tpu.memref_slice %arg2[%dma_start3A_267, %dma_start3A_268] : memref<10112x128xf32, #tpu.memory_space<hbm>> -> memref<10112x128xf32, #tpu.memory_space<hbm>>
        tpu.enqueue_indirect_dma source(%dma_start3A_269 : memref<10112x128xf32, #tpu.memory_space<hbm>>) target(%arg15 : memref<128x128xf32, #tpu.memory_space<vmem>>) offsets(%arg7 : memref<128xi32, #tpu.memory_space<vmem>>) semaphore(%arg20 : memref<!tpu.dma_semaphore, #tpu.memory_space<semaphore_mem>>)
      } else {
      }
      %add3A_226 = arith.constant 4 : i32
      %add3A_227 = arith.addi %add3A_209, %add3A_226 : i32
      %lt3A_228 = arith.cmpi slt, %add3A_227, %select_n3A_8 : i32
      %convert_element_type3A_229 = arith.extui %lt3A_228 : i1 to i32
      %cond3A_230 = arith.constant 0 : i32
      %cond3A_231 = arith.cmpi ne, %convert_element_type3A_229, %cond3A_230 : i32
      scf.if %cond3A_231 {
        %add3A_258 = arith.addi %select_n3A, %add3A_209 : i32
        %add3A_259 = arith.constant 4 : i32
        %add3A_260 = arith.addi %add3A_258, %add3A_259 : i32
        %dma_start3A_261 = arith.constant 0 : i32
        %dma_start3A_262 = tpu.memref_slice %arg3[%add3A_260, %dma_start3A_261] : memref<2560x128xi32, #tpu.memory_space<hbm>> -> memref<1x128xi32, #tpu.memory_space<hbm>>
        %dma_start3A_263 = tpu.memref_squeeze %dma_start3A_262 : memref<1x128xi32, #tpu.memory_space<hbm>> -> memref<128xi32, #tpu.memory_space<hbm>>
        %dma_start3A_264 = arith.constant 0 : i32
        %dma_start3A_265 = tpu.memref_slice %arg3[%add3A_260, %dma_start3A_264] : memref<2560x128xi32, #tpu.memory_space<hbm>> -> memref<1x128xi32, #tpu.memory_space<hbm>>
        %dma_start3A_266 = tpu.memref_squeeze %dma_start3A_265 : memref<1x128xi32, #tpu.memory_space<hbm>> -> memref<128xi32, #tpu.memory_space<hbm>>
        tpu.enqueue_dma source(%dma_start3A_266 : memref<128xi32, #tpu.memory_space<hbm>>) target(%arg9 : memref<128xi32, #tpu.memory_space<vmem>>) target_semaphore(%arg18 : memref<!tpu.dma_semaphore, #tpu.memory_space<semaphore_mem>>)
        %add3A_267 = arith.addi %select_n3A, %add3A_209 : i32
        %add3A_268 = arith.constant 4 : i32
        %add3A_269 = arith.addi %add3A_267, %add3A_268 : i32
        %dma_start3A_270 = arith.constant 0 : i32
        %dma_start3A_271 = tpu.memref_slice %arg4[%add3A_269, %dma_start3A_270] : memref<2560x128xi32, #tpu.memory_space<hbm>> -> memref<1x128xi32, #tpu.memory_space<hbm>>
        %dma_start3A_272 = tpu.memref_squeeze %dma_start3A_271 : memref<1x128xi32, #tpu.memory_space<hbm>> -> memref<128xi32, #tpu.memory_space<hbm>>
        %dma_start3A_273 = arith.constant 0 : i32
        %dma_start3A_274 = tpu.memref_slice %arg4[%add3A_269, %dma_start3A_273] : memref<2560x128xi32, #tpu.memory_space<hbm>> -> memref<1x128xi32, #tpu.memory_space<hbm>>
        %dma_start3A_275 = tpu.memref_squeeze %dma_start3A_274 : memref<1x128xi32, #tpu.memory_space<hbm>> -> memref<128xi32, #tpu.memory_space<hbm>>
        tpu.enqueue_dma source(%dma_start3A_275 : memref<128xi32, #tpu.memory_space<hbm>>) target(%arg13 : memref<128xi32, #tpu.memory_space<vmem>>) target_semaphore(%arg19 : memref<!tpu.dma_semaphore, #tpu.memory_space<semaphore_mem>>)
      } else {
      }
      %mul3A_232 = arith.constant 4 : i32
      %mul3A_233 = arith.muli %while3A_154, %mul3A_232 : i32
      %add3A_234 = arith.constant 3 : i32
      %add3A_235 = arith.addi %mul3A_233, %add3A_234 : i32
      %add3A_236 = arith.addi %select_n3A, %add3A_235 : i32
      %dma_wait3A_237 = arith.constant 0 : i32
      %dma_wait3A_238 = tpu.memref_slice %arg4[%add3A_236, %dma_wait3A_237] : memref<2560x128xi32, #tpu.memory_space<hbm>> -> memref<1x128xi32, #tpu.memory_space<hbm>>
      %dma_wait3A_239 = tpu.memref_squeeze %dma_wait3A_238 : memref<1x128xi32, #tpu.memory_space<hbm>> -> memref<128xi32, #tpu.memory_space<hbm>>
      %dma_wait3A_240 = arith.constant 0 : i32
      %dma_wait3A_241 = tpu.memref_slice %arg4[%add3A_236, %dma_wait3A_240] : memref<2560x128xi32, #tpu.memory_space<hbm>> -> memref<1x128xi32, #tpu.memory_space<hbm>>
      %dma_wait3A_242 = tpu.memref_squeeze %dma_wait3A_241 : memref<1x128xi32, #tpu.memory_space<hbm>> -> memref<128xi32, #tpu.memory_space<hbm>>
      tpu.wait_dma2 semaphore(%arg19 : memref<!tpu.dma_semaphore, #tpu.memory_space<semaphore_mem>>) src(%dma_wait3A_242 : memref<128xi32, #tpu.memory_space<hbm>>) dst(%arg14 : memref<128xi32, #tpu.memory_space<vmem>>)
      %dma_wait3A_243 = arith.constant 0 : i32
      %dma_wait3A_244 = arith.constant 0 : i32
      %dma_wait3A_245 = tpu.memref_slice %arg2[%dma_wait3A_243, %dma_wait3A_244] : memref<10112x128xf32, #tpu.memory_space<hbm>> -> memref<10112x128xf32, #tpu.memory_space<hbm>>
      tpu.wait_indirect_dma semaphore(%arg20 : memref<!tpu.dma_semaphore, #tpu.memory_space<semaphore_mem>>) src(%dma_wait3A_245 : memref<10112x128xf32, #tpu.memory_space<hbm>>) dst(%arg16 : memref<128x128xf32, #tpu.memory_space<vmem>>)
      "tpu.region"() ({
        %run_scoped3A = tpu.sem_alloc : memref<!tpu.dma_semaphore, #tpu.memory_space<semaphore_mem>>
        %dma_start3A_258 = arith.constant 0 : i32
        %dma_start3A_259 = arith.constant 0 : i32
        %dma_start3A_260 = tpu.memref_slice %arg17[%dma_start3A_258, %dma_start3A_259] : memref<10112x128xf32, #tpu.memory_space<vmem_shared>> -> memref<10112x128xf32, #tpu.memory_space<vmem_shared>>
        tpu.enqueue_indirect_dma source(%arg16 : memref<128x128xf32, #tpu.memory_space<vmem>>) target(%dma_start3A_260 : memref<10112x128xf32, #tpu.memory_space<vmem_shared>>) offsets(%arg14 : memref<128xi32, #tpu.memory_space<vmem>>) semaphore(%run_scoped3A : memref<!tpu.dma_semaphore, #tpu.memory_space<semaphore_mem>>) {add = true}
        %dma_wait3A_261 = arith.constant 0 : i32
        %dma_wait3A_262 = arith.constant 0 : i32
        %dma_wait3A_263 = tpu.memref_slice %arg17[%dma_wait3A_261, %dma_wait3A_262] : memref<10112x128xf32, #tpu.memory_space<vmem_shared>> -> memref<10112x128xf32, #tpu.memory_space<vmem_shared>>
        tpu.wait_indirect_dma semaphore(%run_scoped3A : memref<!tpu.dma_semaphore, #tpu.memory_space<semaphore_mem>>) src(%arg16 : memref<128x128xf32, #tpu.memory_space<vmem>>) dst(%dma_wait3A_263 : memref<10112x128xf32, #tpu.memory_space<vmem_shared>>)
        tpu.yield
      }) : () -> ()
      %add3A_246 = arith.constant 2 : i32
      %add3A_247 = arith.addi %add3A_235, %add3A_246 : i32
      %lt3A_248 = arith.cmpi slt, %add3A_247, %select_n3A_8 : i32
      %convert_element_type3A_249 = arith.extui %lt3A_248 : i1 to i32
      %cond3A_250 = arith.constant 0 : i32
      %cond3A_251 = arith.cmpi ne, %convert_element_type3A_249, %cond3A_250 : i32
      scf.if %cond3A_251 {
        %add3A_258 = arith.addi %select_n3A, %add3A_235 : i32
        %add3A_259 = arith.constant 2 : i32
        %add3A_260 = arith.addi %add3A_258, %add3A_259 : i32
        %dma_wait3A_261 = arith.constant 0 : i32
        %dma_wait3A_262 = tpu.memref_slice %arg3[%add3A_260, %dma_wait3A_261] : memref<2560x128xi32, #tpu.memory_space<hbm>> -> memref<1x128xi32, #tpu.memory_space<hbm>>
        %dma_wait3A_263 = tpu.memref_squeeze %dma_wait3A_262 : memref<1x128xi32, #tpu.memory_space<hbm>> -> memref<128xi32, #tpu.memory_space<hbm>>
        %dma_wait3A_264 = arith.constant 0 : i32
        %dma_wait3A_265 = tpu.memref_slice %arg3[%add3A_260, %dma_wait3A_264] : memref<2560x128xi32, #tpu.memory_space<hbm>> -> memref<1x128xi32, #tpu.memory_space<hbm>>
        %dma_wait3A_266 = tpu.memref_squeeze %dma_wait3A_265 : memref<1x128xi32, #tpu.memory_space<hbm>> -> memref<128xi32, #tpu.memory_space<hbm>>
        tpu.wait_dma2 semaphore(%arg18 : memref<!tpu.dma_semaphore, #tpu.memory_space<semaphore_mem>>) src(%dma_wait3A_266 : memref<128xi32, #tpu.memory_space<hbm>>) dst(%arg8 : memref<128xi32, #tpu.memory_space<vmem>>)
        %dma_start3A_267 = arith.constant 0 : i32
        %dma_start3A_268 = arith.constant 0 : i32
        %dma_start3A_269 = tpu.memref_slice %arg2[%dma_start3A_267, %dma_start3A_268] : memref<10112x128xf32, #tpu.memory_space<hbm>> -> memref<10112x128xf32, #tpu.memory_space<hbm>>
        tpu.enqueue_indirect_dma source(%dma_start3A_269 : memref<10112x128xf32, #tpu.memory_space<hbm>>) target(%arg16 : memref<128x128xf32, #tpu.memory_space<vmem>>) offsets(%arg8 : memref<128xi32, #tpu.memory_space<vmem>>) semaphore(%arg20 : memref<!tpu.dma_semaphore, #tpu.memory_space<semaphore_mem>>)
      } else {
      }
      %add3A_252 = arith.constant 4 : i32
      %add3A_253 = arith.addi %add3A_235, %add3A_252 : i32
      %lt3A_254 = arith.cmpi slt, %add3A_253, %select_n3A_8 : i32
      %convert_element_type3A_255 = arith.extui %lt3A_254 : i1 to i32
      %cond3A_256 = arith.constant 0 : i32
      %cond3A_257 = arith.cmpi ne, %convert_element_type3A_255, %cond3A_256 : i32
      scf.if %cond3A_257 {
        %add3A_258 = arith.addi %select_n3A, %add3A_235 : i32
        %add3A_259 = arith.constant 4 : i32
        %add3A_260 = arith.addi %add3A_258, %add3A_259 : i32
        %dma_start3A_261 = arith.constant 0 : i32
        %dma_start3A_262 = tpu.memref_slice %arg3[%add3A_260, %dma_start3A_261] : memref<2560x128xi32, #tpu.memory_space<hbm>> -> memref<1x128xi32, #tpu.memory_space<hbm>>
        %dma_start3A_263 = tpu.memref_squeeze %dma_start3A_262 : memref<1x128xi32, #tpu.memory_space<hbm>> -> memref<128xi32, #tpu.memory_space<hbm>>
        %dma_start3A_264 = arith.constant 0 : i32
        %dma_start3A_265 = tpu.memref_slice %arg3[%add3A_260, %dma_start3A_264] : memref<2560x128xi32, #tpu.memory_space<hbm>> -> memref<1x128xi32, #tpu.memory_space<hbm>>
        %dma_start3A_266 = tpu.memref_squeeze %dma_start3A_265 : memref<1x128xi32, #tpu.memory_space<hbm>> -> memref<128xi32, #tpu.memory_space<hbm>>
        tpu.enqueue_dma source(%dma_start3A_266 : memref<128xi32, #tpu.memory_space<hbm>>) target(%arg10 : memref<128xi32, #tpu.memory_space<vmem>>) target_semaphore(%arg18 : memref<!tpu.dma_semaphore, #tpu.memory_space<semaphore_mem>>)
        %add3A_267 = arith.addi %select_n3A, %add3A_235 : i32
        %add3A_268 = arith.constant 4 : i32
        %add3A_269 = arith.addi %add3A_267, %add3A_268 : i32
        %dma_start3A_270 = arith.constant 0 : i32
        %dma_start3A_271 = tpu.memref_slice %arg4[%add3A_269, %dma_start3A_270] : memref<2560x128xi32, #tpu.memory_space<hbm>> -> memref<1x128xi32, #tpu.memory_space<hbm>>
        %dma_start3A_272 = tpu.memref_squeeze %dma_start3A_271 : memref<1x128xi32, #tpu.memory_space<hbm>> -> memref<128xi32, #tpu.memory_space<hbm>>
        %dma_start3A_273 = arith.constant 0 : i32
        %dma_start3A_274 = tpu.memref_slice %arg4[%add3A_269, %dma_start3A_273] : memref<2560x128xi32, #tpu.memory_space<hbm>> -> memref<1x128xi32, #tpu.memory_space<hbm>>
        %dma_start3A_275 = tpu.memref_squeeze %dma_start3A_274 : memref<1x128xi32, #tpu.memory_space<hbm>> -> memref<128xi32, #tpu.memory_space<hbm>>
        tpu.enqueue_dma source(%dma_start3A_275 : memref<128xi32, #tpu.memory_space<hbm>>) target(%arg14 : memref<128xi32, #tpu.memory_space<vmem>>) target_semaphore(%arg19 : memref<!tpu.dma_semaphore, #tpu.memory_space<semaphore_mem>>)
      } else {
      }
    }
    %while3A_144 = arith.constant 1 : i32
    scf.for %while3A_154 = %while3A_142 to %while3A_138 step %while3A_144  : i32 {
      %mul3A_155 = arith.constant 4 : i32
      %mul3A_156 = arith.muli %while3A_154, %mul3A_155 : i32
      %add3A_157 = arith.constant 0 : i32
      %add3A_158 = arith.addi %mul3A_156, %add3A_157 : i32
      %add3A_159 = arith.addi %select_n3A, %add3A_158 : i32
      %dma_wait3A_160 = arith.constant 0 : i32
      %dma_wait3A_161 = tpu.memref_slice %arg4[%add3A_159, %dma_wait3A_160] : memref<2560x128xi32, #tpu.memory_space<hbm>> -> memref<1x128xi32, #tpu.memory_space<hbm>>
      %dma_wait3A_162 = tpu.memref_squeeze %dma_wait3A_161 : memref<1x128xi32, #tpu.memory_space<hbm>> -> memref<128xi32, #tpu.memory_space<hbm>>
      %dma_wait3A_163 = arith.constant 0 : i32
      %dma_wait3A_164 = tpu.memref_slice %arg4[%add3A_159, %dma_wait3A_163] : memref<2560x128xi32, #tpu.memory_space<hbm>> -> memref<1x128xi32, #tpu.memory_space<hbm>>
      %dma_wait3A_165 = tpu.memref_squeeze %dma_wait3A_164 : memref<1x128xi32, #tpu.memory_space<hbm>> -> memref<128xi32, #tpu.memory_space<hbm>>
      tpu.wait_dma2 semaphore(%arg19 : memref<!tpu.dma_semaphore, #tpu.memory_space<semaphore_mem>>) src(%dma_wait3A_165 : memref<128xi32, #tpu.memory_space<hbm>>) dst(%arg11 : memref<128xi32, #tpu.memory_space<vmem>>)
      %dma_wait3A_166 = arith.constant 0 : i32
      %dma_wait3A_167 = arith.constant 0 : i32
      %dma_wait3A_168 = tpu.memref_slice %arg2[%dma_wait3A_166, %dma_wait3A_167] : memref<10112x128xf32, #tpu.memory_space<hbm>> -> memref<10112x128xf32, #tpu.memory_space<hbm>>
      tpu.wait_indirect_dma semaphore(%arg20 : memref<!tpu.dma_semaphore, #tpu.memory_space<semaphore_mem>>) src(%dma_wait3A_168 : memref<10112x128xf32, #tpu.memory_space<hbm>>) dst(%arg15 : memref<128x128xf32, #tpu.memory_space<vmem>>)
      "tpu.region"() ({
        %run_scoped3A = tpu.sem_alloc : memref<!tpu.dma_semaphore, #tpu.memory_space<semaphore_mem>>
        %dma_start3A_258 = arith.constant 0 : i32
        %dma_start3A_259 = arith.constant 0 : i32
        %dma_start3A_260 = tpu.memref_slice %arg17[%dma_start3A_258, %dma_start3A_259] : memref<10112x128xf32, #tpu.memory_space<vmem_shared>> -> memref<10112x128xf32, #tpu.memory_space<vmem_shared>>
        tpu.enqueue_indirect_dma source(%arg15 : memref<128x128xf32, #tpu.memory_space<vmem>>) target(%dma_start3A_260 : memref<10112x128xf32, #tpu.memory_space<vmem_shared>>) offsets(%arg11 : memref<128xi32, #tpu.memory_space<vmem>>) semaphore(%run_scoped3A : memref<!tpu.dma_semaphore, #tpu.memory_space<semaphore_mem>>) {add = true}
        %dma_wait3A_261 = arith.constant 0 : i32
        %dma_wait3A_262 = arith.constant 0 : i32
        %dma_wait3A_263 = tpu.memref_slice %arg17[%dma_wait3A_261, %dma_wait3A_262] : memref<10112x128xf32, #tpu.memory_space<vmem_shared>> -> memref<10112x128xf32, #tpu.memory_space<vmem_shared>>
        tpu.wait_indirect_dma semaphore(%run_scoped3A : memref<!tpu.dma_semaphore, #tpu.memory_space<semaphore_mem>>) src(%arg15 : memref<128x128xf32, #tpu.memory_space<vmem>>) dst(%dma_wait3A_263 : memref<10112x128xf32, #tpu.memory_space<vmem_shared>>)
        tpu.yield
      }) : () -> ()
      %add3A_169 = arith.constant 2 : i32
      %add3A_170 = arith.addi %add3A_158, %add3A_169 : i32
      %lt3A = arith.cmpi slt, %add3A_170, %select_n3A_8 : i32
      %convert_element_type3A_171 = arith.extui %lt3A : i1 to i32
      %cond3A_172 = arith.constant 0 : i32
      %cond3A_173 = arith.cmpi ne, %convert_element_type3A_171, %cond3A_172 : i32
      scf.if %cond3A_173 {
        %add3A_258 = arith.addi %select_n3A, %add3A_158 : i32
        %add3A_259 = arith.constant 2 : i32
        %add3A_260 = arith.addi %add3A_258, %add3A_259 : i32
        %dma_wait3A_261 = arith.constant 0 : i32
        %dma_wait3A_262 = tpu.memref_slice %arg3[%add3A_260, %dma_wait3A_261] : memref<2560x128xi32, #tpu.memory_space<hbm>> -> memref<1x128xi32, #tpu.memory_space<hbm>>
        %dma_wait3A_263 = tpu.memref_squeeze %dma_wait3A_262 : memref<1x128xi32, #tpu.memory_space<hbm>> -> memref<128xi32, #tpu.memory_space<hbm>>
        %dma_wait3A_264 = arith.constant 0 : i32
        %dma_wait3A_265 = tpu.memref_slice %arg3[%add3A_260, %dma_wait3A_264] : memref<2560x128xi32, #tpu.memory_space<hbm>> -> memref<1x128xi32, #tpu.memory_space<hbm>>
        %dma_wait3A_266 = tpu.memref_squeeze %dma_wait3A_265 : memref<1x128xi32, #tpu.memory_space<hbm>> -> memref<128xi32, #tpu.memory_space<hbm>>
        tpu.wait_dma2 semaphore(%arg18 : memref<!tpu.dma_semaphore, #tpu.memory_space<semaphore_mem>>) src(%dma_wait3A_266 : memref<128xi32, #tpu.memory_space<hbm>>) dst(%arg9 : memref<128xi32, #tpu.memory_space<vmem>>)
        %dma_start3A_267 = arith.constant 0 : i32
        %dma_start3A_268 = arith.constant 0 : i32
        %dma_start3A_269 = tpu.memref_slice %arg2[%dma_start3A_267, %dma_start3A_268] : memref<10112x128xf32, #tpu.memory_space<hbm>> -> memref<10112x128xf32, #tpu.memory_space<hbm>>
        tpu.enqueue_indirect_dma source(%dma_start3A_269 : memref<10112x128xf32, #tpu.memory_space<hbm>>) target(%arg15 : memref<128x128xf32, #tpu.memory_space<vmem>>) offsets(%arg9 : memref<128xi32, #tpu.memory_space<vmem>>) semaphore(%arg20 : memref<!tpu.dma_semaphore, #tpu.memory_space<semaphore_mem>>)
      } else {
      }
      %add3A_174 = arith.constant 4 : i32
      %add3A_175 = arith.addi %add3A_158, %add3A_174 : i32
      %lt3A_176 = arith.cmpi slt, %add3A_175, %select_n3A_8 : i32
      %convert_element_type3A_177 = arith.extui %lt3A_176 : i1 to i32
      %cond3A_178 = arith.constant 0 : i32
      %cond3A_179 = arith.cmpi ne, %convert_element_type3A_177, %cond3A_178 : i32
      scf.if %cond3A_179 {
        %add3A_258 = arith.addi %select_n3A, %add3A_158 : i32
        %add3A_259 = arith.constant 4 : i32
        %add3A_260 = arith.addi %add3A_258, %add3A_259 : i32
        %dma_start3A_261 = arith.constant 0 : i32
        %dma_start3A_262 = tpu.memref_slice %arg3[%add3A_260, %dma_start3A_261] : memref<2560x128xi32, #tpu.memory_space<hbm>> -> memref<1x128xi32, #tpu.memory_space<hbm>>
        %dma_start3A_263 = tpu.memref_squeeze %dma_start3A_262 : memref<1x128xi32, #tpu.memory_space<hbm>> -> memref<128xi32, #tpu.memory_space<hbm>>
        %dma_start3A_264 = arith.constant 0 : i32
        %dma_start3A_265 = tpu.memref_slice %arg3[%add3A_260, %dma_start3A_264] : memref<2560x128xi32, #tpu.memory_space<hbm>> -> memref<1x128xi32, #tpu.memory_space<hbm>>
        %dma_start3A_266 = tpu.memref_squeeze %dma_start3A_265 : memref<1x128xi32, #tpu.memory_space<hbm>> -> memref<128xi32, #tpu.memory_space<hbm>>
        tpu.enqueue_dma source(%dma_start3A_266 : memref<128xi32, #tpu.memory_space<hbm>>) target(%arg7 : memref<128xi32, #tpu.memory_space<vmem>>) target_semaphore(%arg18 : memref<!tpu.dma_semaphore, #tpu.memory_space<semaphore_mem>>)
        %add3A_267 = arith.addi %select_n3A, %add3A_158 : i32
        %add3A_268 = arith.constant 4 : i32
        %add3A_269 = arith.addi %add3A_267, %add3A_268 : i32
        %dma_start3A_270 = arith.constant 0 : i32
        %dma_start3A_271 = tpu.memref_slice %arg4[%add3A_269, %dma_start3A_270] : memref<2560x128xi32, #tpu.memory_space<hbm>> -> memref<1x128xi32, #tpu.memory_space<hbm>>
        %dma_start3A_272 = tpu.memref_squeeze %dma_start3A_271 : memref<1x128xi32, #tpu.memory_space<hbm>> -> memref<128xi32, #tpu.memory_space<hbm>>
        %dma_start3A_273 = arith.constant 0 : i32
        %dma_start3A_274 = tpu.memref_slice %arg4[%add3A_269, %dma_start3A_273] : memref<2560x128xi32, #tpu.memory_space<hbm>> -> memref<1x128xi32, #tpu.memory_space<hbm>>
        %dma_start3A_275 = tpu.memref_squeeze %dma_start3A_274 : memref<1x128xi32, #tpu.memory_space<hbm>> -> memref<128xi32, #tpu.memory_space<hbm>>
        tpu.enqueue_dma source(%dma_start3A_275 : memref<128xi32, #tpu.memory_space<hbm>>) target(%arg11 : memref<128xi32, #tpu.memory_space<vmem>>) target_semaphore(%arg19 : memref<!tpu.dma_semaphore, #tpu.memory_space<semaphore_mem>>)
      } else {
      }
      %mul3A_180 = arith.constant 4 : i32
      %mul3A_181 = arith.muli %while3A_154, %mul3A_180 : i32
      %add3A_182 = arith.constant 1 : i32
      %add3A_183 = arith.addi %mul3A_181, %add3A_182 : i32
      %add3A_184 = arith.addi %select_n3A, %add3A_183 : i32
      %dma_wait3A_185 = arith.constant 0 : i32
      %dma_wait3A_186 = tpu.memref_slice %arg4[%add3A_184, %dma_wait3A_185] : memref<2560x128xi32, #tpu.memory_space<hbm>> -> memref<1x128xi32, #tpu.memory_space<hbm>>
      %dma_wait3A_187 = tpu.memref_squeeze %dma_wait3A_186 : memref<1x128xi32, #tpu.memory_space<hbm>> -> memref<128xi32, #tpu.memory_space<hbm>>
      %dma_wait3A_188 = arith.constant 0 : i32
      %dma_wait3A_189 = tpu.memref_slice %arg4[%add3A_184, %dma_wait3A_188] : memref<2560x128xi32, #tpu.memory_space<hbm>> -> memref<1x128xi32, #tpu.memory_space<hbm>>
      %dma_wait3A_190 = tpu.memref_squeeze %dma_wait3A_189 : memref<1x128xi32, #tpu.memory_space<hbm>> -> memref<128xi32, #tpu.memory_space<hbm>>
      tpu.wait_dma2 semaphore(%arg19 : memref<!tpu.dma_semaphore, #tpu.memory_space<semaphore_mem>>) src(%dma_wait3A_190 : memref<128xi32, #tpu.memory_space<hbm>>) dst(%arg12 : memref<128xi32, #tpu.memory_space<vmem>>)
      %dma_wait3A_191 = arith.constant 0 : i32
      %dma_wait3A_192 = arith.constant 0 : i32
      %dma_wait3A_193 = tpu.memref_slice %arg2[%dma_wait3A_191, %dma_wait3A_192] : memref<10112x128xf32, #tpu.memory_space<hbm>> -> memref<10112x128xf32, #tpu.memory_space<hbm>>
      tpu.wait_indirect_dma semaphore(%arg20 : memref<!tpu.dma_semaphore, #tpu.memory_space<semaphore_mem>>) src(%dma_wait3A_193 : memref<10112x128xf32, #tpu.memory_space<hbm>>) dst(%arg16 : memref<128x128xf32, #tpu.memory_space<vmem>>)
      "tpu.region"() ({
        %run_scoped3A = tpu.sem_alloc : memref<!tpu.dma_semaphore, #tpu.memory_space<semaphore_mem>>
        %dma_start3A_258 = arith.constant 0 : i32
        %dma_start3A_259 = arith.constant 0 : i32
        %dma_start3A_260 = tpu.memref_slice %arg17[%dma_start3A_258, %dma_start3A_259] : memref<10112x128xf32, #tpu.memory_space<vmem_shared>> -> memref<10112x128xf32, #tpu.memory_space<vmem_shared>>
        tpu.enqueue_indirect_dma source(%arg16 : memref<128x128xf32, #tpu.memory_space<vmem>>) target(%dma_start3A_260 : memref<10112x128xf32, #tpu.memory_space<vmem_shared>>) offsets(%arg12 : memref<128xi32, #tpu.memory_space<vmem>>) semaphore(%run_scoped3A : memref<!tpu.dma_semaphore, #tpu.memory_space<semaphore_mem>>) {add = true}
        %dma_wait3A_261 = arith.constant 0 : i32
        %dma_wait3A_262 = arith.constant 0 : i32
        %dma_wait3A_263 = tpu.memref_slice %arg17[%dma_wait3A_261, %dma_wait3A_262] : memref<10112x128xf32, #tpu.memory_space<vmem_shared>> -> memref<10112x128xf32, #tpu.memory_space<vmem_shared>>
        tpu.wait_indirect_dma semaphore(%run_scoped3A : memref<!tpu.dma_semaphore, #tpu.memory_space<semaphore_mem>>) src(%arg16 : memref<128x128xf32, #tpu.memory_space<vmem>>) dst(%dma_wait3A_263 : memref<10112x128xf32, #tpu.memory_space<vmem_shared>>)
        tpu.yield
      }) : () -> ()
      %add3A_194 = arith.constant 2 : i32
      %add3A_195 = arith.addi %add3A_183, %add3A_194 : i32
      %lt3A_196 = arith.cmpi slt, %add3A_195, %select_n3A_8 : i32
      %convert_element_type3A_197 = arith.extui %lt3A_196 : i1 to i32
      %cond3A_198 = arith.constant 0 : i32
      %cond3A_199 = arith.cmpi ne, %convert_element_type3A_197, %cond3A_198 : i32
      scf.if %cond3A_199 {
        %add3A_258 = arith.addi %select_n3A, %add3A_183 : i32
        %add3A_259 = arith.constant 2 : i32
        %add3A_260 = arith.addi %add3A_258, %add3A_259 : i32
        %dma_wait3A_261 = arith.constant 0 : i32
        %dma_wait3A_262 = tpu.memref_slice %arg3[%add3A_260, %dma_wait3A_261] : memref<2560x128xi32, #tpu.memory_space<hbm>> -> memref<1x128xi32, #tpu.memory_space<hbm>>
        %dma_wait3A_263 = tpu.memref_squeeze %dma_wait3A_262 : memref<1x128xi32, #tpu.memory_space<hbm>> -> memref<128xi32, #tpu.memory_space<hbm>>
        %dma_wait3A_264 = arith.constant 0 : i32
        %dma_wait3A_265 = tpu.memref_slice %arg3[%add3A_260, %dma_wait3A_264] : memref<2560x128xi32, #tpu.memory_space<hbm>> -> memref<1x128xi32, #tpu.memory_space<hbm>>
        %dma_wait3A_266 = tpu.memref_squeeze %dma_wait3A_265 : memref<1x128xi32, #tpu.memory_space<hbm>> -> memref<128xi32, #tpu.memory_space<hbm>>
        tpu.wait_dma2 semaphore(%arg18 : memref<!tpu.dma_semaphore, #tpu.memory_space<semaphore_mem>>) src(%dma_wait3A_266 : memref<128xi32, #tpu.memory_space<hbm>>) dst(%arg10 : memref<128xi32, #tpu.memory_space<vmem>>)
        %dma_start3A_267 = arith.constant 0 : i32
        %dma_start3A_268 = arith.constant 0 : i32
        %dma_start3A_269 = tpu.memref_slice %arg2[%dma_start3A_267, %dma_start3A_268] : memref<10112x128xf32, #tpu.memory_space<hbm>> -> memref<10112x128xf32, #tpu.memory_space<hbm>>
        tpu.enqueue_indirect_dma source(%dma_start3A_269 : memref<10112x128xf32, #tpu.memory_space<hbm>>) target(%arg16 : memref<128x128xf32, #tpu.memory_space<vmem>>) offsets(%arg10 : memref<128xi32, #tpu.memory_space<vmem>>) semaphore(%arg20 : memref<!tpu.dma_semaphore, #tpu.memory_space<semaphore_mem>>)
      } else {
      }
      %add3A_200 = arith.constant 4 : i32
      %add3A_201 = arith.addi %add3A_183, %add3A_200 : i32
      %lt3A_202 = arith.cmpi slt, %add3A_201, %select_n3A_8 : i32
      %convert_element_type3A_203 = arith.extui %lt3A_202 : i1 to i32
      %cond3A_204 = arith.constant 0 : i32
      %cond3A_205 = arith.cmpi ne, %convert_element_type3A_203, %cond3A_204 : i32
      scf.if %cond3A_205 {
        %add3A_258 = arith.addi %select_n3A, %add3A_183 : i32
        %add3A_259 = arith.constant 4 : i32
        %add3A_260 = arith.addi %add3A_258, %add3A_259 : i32
        %dma_start3A_261 = arith.constant 0 : i32
        %dma_start3A_262 = tpu.memref_slice %arg3[%add3A_260, %dma_start3A_261] : memref<2560x128xi32, #tpu.memory_space<hbm>> -> memref<1x128xi32, #tpu.memory_space<hbm>>
        %dma_start3A_263 = tpu.memref_squeeze %dma_start3A_262 : memref<1x128xi32, #tpu.memory_space<hbm>> -> memref<128xi32, #tpu.memory_space<hbm>>
        %dma_start3A_264 = arith.constant 0 : i32
        %dma_start3A_265 = tpu.memref_slice %arg3[%add3A_260, %dma_start3A_264] : memref<2560x128xi32, #tpu.memory_space<hbm>> -> memref<1x128xi32, #tpu.memory_space<hbm>>
        %dma_start3A_266 = tpu.memref_squeeze %dma_start3A_265 : memref<1x128xi32, #tpu.memory_space<hbm>> -> memref<128xi32, #tpu.memory_space<hbm>>
        tpu.enqueue_dma source(%dma_start3A_266 : memref<128xi32, #tpu.memory_space<hbm>>) target(%arg8 : memref<128xi32, #tpu.memory_space<vmem>>) target_semaphore(%arg18 : memref<!tpu.dma_semaphore, #tpu.memory_space<semaphore_mem>>)
        %add3A_267 = arith.addi %select_n3A, %add3A_183 : i32
        %add3A_268 = arith.constant 4 : i32
        %add3A_269 = arith.addi %add3A_267, %add3A_268 : i32
        %dma_start3A_270 = arith.constant 0 : i32
        %dma_start3A_271 = tpu.memref_slice %arg4[%add3A_269, %dma_start3A_270] : memref<2560x128xi32, #tpu.memory_space<hbm>> -> memref<1x128xi32, #tpu.memory_space<hbm>>
        %dma_start3A_272 = tpu.memref_squeeze %dma_start3A_271 : memref<1x128xi32, #tpu.memory_space<hbm>> -> memref<128xi32, #tpu.memory_space<hbm>>
        %dma_start3A_273 = arith.constant 0 : i32
        %dma_start3A_274 = tpu.memref_slice %arg4[%add3A_269, %dma_start3A_273] : memref<2560x128xi32, #tpu.memory_space<hbm>> -> memref<1x128xi32, #tpu.memory_space<hbm>>
        %dma_start3A_275 = tpu.memref_squeeze %dma_start3A_274 : memref<1x128xi32, #tpu.memory_space<hbm>> -> memref<128xi32, #tpu.memory_space<hbm>>
        tpu.enqueue_dma source(%dma_start3A_275 : memref<128xi32, #tpu.memory_space<hbm>>) target(%arg12 : memref<128xi32, #tpu.memory_space<vmem>>) target_semaphore(%arg19 : memref<!tpu.dma_semaphore, #tpu.memory_space<semaphore_mem>>)
      } else {
      }
      %mul3A_206 = arith.constant 4 : i32
      %mul3A_207 = arith.muli %while3A_154, %mul3A_206 : i32
      %add3A_208 = arith.constant 2 : i32
      %add3A_209 = arith.addi %mul3A_207, %add3A_208 : i32
      %add3A_210 = arith.addi %select_n3A, %add3A_209 : i32
      %dma_wait3A_211 = arith.constant 0 : i32
      %dma_wait3A_212 = tpu.memref_slice %arg4[%add3A_210, %dma_wait3A_211] : memref<2560x128xi32, #tpu.memory_space<hbm>> -> memref<1x128xi32, #tpu.memory_space<hbm>>
      %dma_wait3A_213 = tpu.memref_squeeze %dma_wait3A_212 : memref<1x128xi32, #tpu.memory_space<hbm>> -> memref<128xi32, #tpu.memory_space<hbm>>
      %dma_wait3A_214 = arith.constant 0 : i32
      %dma_wait3A_215 = tpu.memref_slice %arg4[%add3A_210, %dma_wait3A_214] : memref<2560x128xi32, #tpu.memory_space<hbm>> -> memref<1x128xi32, #tpu.memory_space<hbm>>
      %dma_wait3A_216 = tpu.memref_squeeze %dma_wait3A_215 : memref<1x128xi32, #tpu.memory_space<hbm>> -> memref<128xi32, #tpu.memory_space<hbm>>
      tpu.wait_dma2 semaphore(%arg19 : memref<!tpu.dma_semaphore, #tpu.memory_space<semaphore_mem>>) src(%dma_wait3A_216 : memref<128xi32, #tpu.memory_space<hbm>>) dst(%arg13 : memref<128xi32, #tpu.memory_space<vmem>>)
      %dma_wait3A_217 = arith.constant 0 : i32
      %dma_wait3A_218 = arith.constant 0 : i32
      %dma_wait3A_219 = tpu.memref_slice %arg2[%dma_wait3A_217, %dma_wait3A_218] : memref<10112x128xf32, #tpu.memory_space<hbm>> -> memref<10112x128xf32, #tpu.memory_space<hbm>>
      tpu.wait_indirect_dma semaphore(%arg20 : memref<!tpu.dma_semaphore, #tpu.memory_space<semaphore_mem>>) src(%dma_wait3A_219 : memref<10112x128xf32, #tpu.memory_space<hbm>>) dst(%arg15 : memref<128x128xf32, #tpu.memory_space<vmem>>)
      "tpu.region"() ({
        %run_scoped3A = tpu.sem_alloc : memref<!tpu.dma_semaphore, #tpu.memory_space<semaphore_mem>>
        %dma_start3A_258 = arith.constant 0 : i32
        %dma_start3A_259 = arith.constant 0 : i32
        %dma_start3A_260 = tpu.memref_slice %arg17[%dma_start3A_258, %dma_start3A_259] : memref<10112x128xf32, #tpu.memory_space<vmem_shared>> -> memref<10112x128xf32, #tpu.memory_space<vmem_shared>>
        tpu.enqueue_indirect_dma source(%arg15 : memref<128x128xf32, #tpu.memory_space<vmem>>) target(%dma_start3A_260 : memref<10112x128xf32, #tpu.memory_space<vmem_shared>>) offsets(%arg13 : memref<128xi32, #tpu.memory_space<vmem>>) semaphore(%run_scoped3A : memref<!tpu.dma_semaphore, #tpu.memory_space<semaphore_mem>>) {add = true}
        %dma_wait3A_261 = arith.constant 0 : i32
        %dma_wait3A_262 = arith.constant 0 : i32
        %dma_wait3A_263 = tpu.memref_slice %arg17[%dma_wait3A_261, %dma_wait3A_262] : memref<10112x128xf32, #tpu.memory_space<vmem_shared>> -> memref<10112x128xf32, #tpu.memory_space<vmem_shared>>
        tpu.wait_indirect_dma semaphore(%run_scoped3A : memref<!tpu.dma_semaphore, #tpu.memory_space<semaphore_mem>>) src(%arg15 : memref<128x128xf32, #tpu.memory_space<vmem>>) dst(%dma_wait3A_263 : memref<10112x128xf32, #tpu.memory_space<vmem_shared>>)
        tpu.yield
      }) : () -> ()
      %add3A_220 = arith.constant 2 : i32
      %add3A_221 = arith.addi %add3A_209, %add3A_220 : i32
      %lt3A_222 = arith.cmpi slt, %add3A_221, %select_n3A_8 : i32
      %convert_element_type3A_223 = arith.extui %lt3A_222 : i1 to i32
      %cond3A_224 = arith.constant 0 : i32
      %cond3A_225 = arith.cmpi ne, %convert_element_type3A_223, %cond3A_224 : i32
      scf.if %cond3A_225 {
        %add3A_258 = arith.addi %select_n3A, %add3A_209 : i32
        %add3A_259 = arith.constant 2 : i32
        %add3A_260 = arith.addi %add3A_258, %add3A_259 : i32
        %dma_wait3A_261 = arith.constant 0 : i32
        %dma_wait3A_262 = tpu.memref_slice %arg3[%add3A_260, %dma_wait3A_261] : memref<2560x128xi32, #tpu.memory_space<hbm>> -> memref<1x128xi32, #tpu.memory_space<hbm>>
        %dma_wait3A_263 = tpu.memref_squeeze %dma_wait3A_262 : memref<1x128xi32, #tpu.memory_space<hbm>> -> memref<128xi32, #tpu.memory_space<hbm>>
        %dma_wait3A_264 = arith.constant 0 : i32
        %dma_wait3A_265 = tpu.memref_slice %arg3[%add3A_260, %dma_wait3A_264] : memref<2560x128xi32, #tpu.memory_space<hbm>> -> memref<1x128xi32, #tpu.memory_space<hbm>>
        %dma_wait3A_266 = tpu.memref_squeeze %dma_wait3A_265 : memref<1x128xi32, #tpu.memory_space<hbm>> -> memref<128xi32, #tpu.memory_space<hbm>>
        tpu.wait_dma2 semaphore(%arg18 : memref<!tpu.dma_semaphore, #tpu.memory_space<semaphore_mem>>) src(%dma_wait3A_266 : memref<128xi32, #tpu.memory_space<hbm>>) dst(%arg7 : memref<128xi32, #tpu.memory_space<vmem>>)
        %dma_start3A_267 = arith.constant 0 : i32
        %dma_start3A_268 = arith.constant 0 : i32
        %dma_start3A_269 = tpu.memref_slice %arg2[%dma_start3A_267, %dma_start3A_268] : memref<10112x128xf32, #tpu.memory_space<hbm>> -> memref<10112x128xf32, #tpu.memory_space<hbm>>
        tpu.enqueue_indirect_dma source(%dma_start3A_269 : memref<10112x128xf32, #tpu.memory_space<hbm>>) target(%arg15 : memref<128x128xf32, #tpu.memory_space<vmem>>) offsets(%arg7 : memref<128xi32, #tpu.memory_space<vmem>>) semaphore(%arg20 : memref<!tpu.dma_semaphore, #tpu.memory_space<semaphore_mem>>)
      } else {
      }
      %add3A_226 = arith.constant 4 : i32
      %add3A_227 = arith.addi %add3A_209, %add3A_226 : i32
      %lt3A_228 = arith.cmpi slt, %add3A_227, %select_n3A_8 : i32
      %convert_element_type3A_229 = arith.extui %lt3A_228 : i1 to i32
      %cond3A_230 = arith.constant 0 : i32
      %cond3A_231 = arith.cmpi ne, %convert_element_type3A_229, %cond3A_230 : i32
      scf.if %cond3A_231 {
        %add3A_258 = arith.addi %select_n3A, %add3A_209 : i32
        %add3A_259 = arith.constant 4 : i32
        %add3A_260 = arith.addi %add3A_258, %add3A_259 : i32
        %dma_start3A_261 = arith.constant 0 : i32
        %dma_start3A_262 = tpu.memref_slice %arg3[%add3A_260, %dma_start3A_261] : memref<2560x128xi32, #tpu.memory_space<hbm>> -> memref<1x128xi32, #tpu.memory_space<hbm>>
        %dma_start3A_263 = tpu.memref_squeeze %dma_start3A_262 : memref<1x128xi32, #tpu.memory_space<hbm>> -> memref<128xi32, #tpu.memory_space<hbm>>
        %dma_start3A_264 = arith.constant 0 : i32
        %dma_start3A_265 = tpu.memref_slice %arg3[%add3A_260, %dma_start3A_264] : memref<2560x128xi32, #tpu.memory_space<hbm>> -> memref<1x128xi32, #tpu.memory_space<hbm>>
        %dma_start3A_266 = tpu.memref_squeeze %dma_start3A_265 : memref<1x128xi32, #tpu.memory_space<hbm>> -> memref<128xi32, #tpu.memory_space<hbm>>
        tpu.enqueue_dma source(%dma_start3A_266 : memref<128xi32, #tpu.memory_space<hbm>>) target(%arg9 : memref<128xi32, #tpu.memory_space<vmem>>) target_semaphore(%arg18 : memref<!tpu.dma_semaphore, #tpu.memory_space<semaphore_mem>>)
        %add3A_267 = arith.addi %select_n3A, %add3A_209 : i32
        %add3A_268 = arith.constant 4 : i32
        %add3A_269 = arith.addi %add3A_267, %add3A_268 : i32
        %dma_start3A_270 = arith.constant 0 : i32
        %dma_start3A_271 = tpu.memref_slice %arg4[%add3A_269, %dma_start3A_270] : memref<2560x128xi32, #tpu.memory_space<hbm>> -> memref<1x128xi32, #tpu.memory_space<hbm>>
        %dma_start3A_272 = tpu.memref_squeeze %dma_start3A_271 : memref<1x128xi32, #tpu.memory_space<hbm>> -> memref<128xi32, #tpu.memory_space<hbm>>
        %dma_start3A_273 = arith.constant 0 : i32
        %dma_start3A_274 = tpu.memref_slice %arg4[%add3A_269, %dma_start3A_273] : memref<2560x128xi32, #tpu.memory_space<hbm>> -> memref<1x128xi32, #tpu.memory_space<hbm>>
        %dma_start3A_275 = tpu.memref_squeeze %dma_start3A_274 : memref<1x128xi32, #tpu.memory_space<hbm>> -> memref<128xi32, #tpu.memory_space<hbm>>
        tpu.enqueue_dma source(%dma_start3A_275 : memref<128xi32, #tpu.memory_space<hbm>>) target(%arg13 : memref<128xi32, #tpu.memory_space<vmem>>) target_semaphore(%arg19 : memref<!tpu.dma_semaphore, #tpu.memory_space<semaphore_mem>>)
      } else {
      }
      %mul3A_232 = arith.constant 4 : i32
      %mul3A_233 = arith.muli %while3A_154, %mul3A_232 : i32
      %add3A_234 = arith.constant 3 : i32
      %add3A_235 = arith.addi %mul3A_233, %add3A_234 : i32
      %add3A_236 = arith.addi %select_n3A, %add3A_235 : i32
      %dma_wait3A_237 = arith.constant 0 : i32
      %dma_wait3A_238 = tpu.memref_slice %arg4[%add3A_236, %dma_wait3A_237] : memref<2560x128xi32, #tpu.memory_space<hbm>> -> memref<1x128xi32, #tpu.memory_space<hbm>>
      %dma_wait3A_239 = tpu.memref_squeeze %dma_wait3A_238 : memref<1x128xi32, #tpu.memory_space<hbm>> -> memref<128xi32, #tpu.memory_space<hbm>>
      %dma_wait3A_240 = arith.constant 0 : i32
      %dma_wait3A_241 = tpu.memref_slice %arg4[%add3A_236, %dma_wait3A_240] : memref<2560x128xi32, #tpu.memory_space<hbm>> -> memref<1x128xi32, #tpu.memory_space<hbm>>
      %dma_wait3A_242 = tpu.memref_squeeze %dma_wait3A_241 : memref<1x128xi32, #tpu.memory_space<hbm>> -> memref<128xi32, #tpu.memory_space<hbm>>
      tpu.wait_dma2 semaphore(%arg19 : memref<!tpu.dma_semaphore, #tpu.memory_space<semaphore_mem>>) src(%dma_wait3A_242 : memref<128xi32, #tpu.memory_space<hbm>>) dst(%arg14 : memref<128xi32, #tpu.memory_space<vmem>>)
      %dma_wait3A_243 = arith.constant 0 : i32
      %dma_wait3A_244 = arith.constant 0 : i32
      %dma_wait3A_245 = tpu.memref_slice %arg2[%dma_wait3A_243, %dma_wait3A_244] : memref<10112x128xf32, #tpu.memory_space<hbm>> -> memref<10112x128xf32, #tpu.memory_space<hbm>>
      tpu.wait_indirect_dma semaphore(%arg20 : memref<!tpu.dma_semaphore, #tpu.memory_space<semaphore_mem>>) src(%dma_wait3A_245 : memref<10112x128xf32, #tpu.memory_space<hbm>>) dst(%arg16 : memref<128x128xf32, #tpu.memory_space<vmem>>)
      "tpu.region"() ({
        %run_scoped3A = tpu.sem_alloc : memref<!tpu.dma_semaphore, #tpu.memory_space<semaphore_mem>>
        %dma_start3A_258 = arith.constant 0 : i32
        %dma_start3A_259 = arith.constant 0 : i32
        %dma_start3A_260 = tpu.memref_slice %arg17[%dma_start3A_258, %dma_start3A_259] : memref<10112x128xf32, #tpu.memory_space<vmem_shared>> -> memref<10112x128xf32, #tpu.memory_space<vmem_shared>>
        tpu.enqueue_indirect_dma source(%arg16 : memref<128x128xf32, #tpu.memory_space<vmem>>) target(%dma_start3A_260 : memref<10112x128xf32, #tpu.memory_space<vmem_shared>>) offsets(%arg14 : memref<128xi32, #tpu.memory_space<vmem>>) semaphore(%run_scoped3A : memref<!tpu.dma_semaphore, #tpu.memory_space<semaphore_mem>>) {add = true}
        %dma_wait3A_261 = arith.constant 0 : i32
        %dma_wait3A_262 = arith.constant 0 : i32
        %dma_wait3A_263 = tpu.memref_slice %arg17[%dma_wait3A_261, %dma_wait3A_262] : memref<10112x128xf32, #tpu.memory_space<vmem_shared>> -> memref<10112x128xf32, #tpu.memory_space<vmem_shared>>
        tpu.wait_indirect_dma semaphore(%run_scoped3A : memref<!tpu.dma_semaphore, #tpu.memory_space<semaphore_mem>>) src(%arg16 : memref<128x128xf32, #tpu.memory_space<vmem>>) dst(%dma_wait3A_263 : memref<10112x128xf32, #tpu.memory_space<vmem_shared>>)
        tpu.yield
      }) : () -> ()
      %add3A_246 = arith.constant 2 : i32
      %add3A_247 = arith.addi %add3A_235, %add3A_246 : i32
      %lt3A_248 = arith.cmpi slt, %add3A_247, %select_n3A_8 : i32
      %convert_element_type3A_249 = arith.extui %lt3A_248 : i1 to i32
      %cond3A_250 = arith.constant 0 : i32
      %cond3A_251 = arith.cmpi ne, %convert_element_type3A_249, %cond3A_250 : i32
      scf.if %cond3A_251 {
        %add3A_258 = arith.addi %select_n3A, %add3A_235 : i32
        %add3A_259 = arith.constant 2 : i32
        %add3A_260 = arith.addi %add3A_258, %add3A_259 : i32
        %dma_wait3A_261 = arith.constant 0 : i32
        %dma_wait3A_262 = tpu.memref_slice %arg3[%add3A_260, %dma_wait3A_261] : memref<2560x128xi32, #tpu.memory_space<hbm>> -> memref<1x128xi32, #tpu.memory_space<hbm>>
        %dma_wait3A_263 = tpu.memref_squeeze %dma_wait3A_262 : memref<1x128xi32, #tpu.memory_space<hbm>> -> memref<128xi32, #tpu.memory_space<hbm>>
        %dma_wait3A_264 = arith.constant 0 : i32
        %dma_wait3A_265 = tpu.memref_slice %arg3[%add3A_260, %dma_wait3A_264] : memref<2560x128xi32, #tpu.memory_space<hbm>> -> memref<1x128xi32, #tpu.memory_space<hbm>>
        %dma_wait3A_266 = tpu.memref_squeeze %dma_wait3A_265 : memref<1x128xi32, #tpu.memory_space<hbm>> -> memref<128xi32, #tpu.memory_space<hbm>>
        tpu.wait_dma2 semaphore(%arg18 : memref<!tpu.dma_semaphore, #tpu.memory_space<semaphore_mem>>) src(%dma_wait3A_266 : memref<128xi32, #tpu.memory_space<hbm>>) dst(%arg8 : memref<128xi32, #tpu.memory_space<vmem>>)
        %dma_start3A_267 = arith.constant 0 : i32
        %dma_start3A_268 = arith.constant 0 : i32
        %dma_start3A_269 = tpu.memref_slice %arg2[%dma_start3A_267, %dma_start3A_268] : memref<10112x128xf32, #tpu.memory_space<hbm>> -> memref<10112x128xf32, #tpu.memory_space<hbm>>
        tpu.enqueue_indirect_dma source(%dma_start3A_269 : memref<10112x128xf32, #tpu.memory_space<hbm>>) target(%arg16 : memref<128x128xf32, #tpu.memory_space<vmem>>) offsets(%arg8 : memref<128xi32, #tpu.memory_space<vmem>>) semaphore(%arg20 : memref<!tpu.dma_semaphore, #tpu.memory_space<semaphore_mem>>)
      } else {
      }
      %add3A_252 = arith.constant 4 : i32
      %add3A_253 = arith.addi %add3A_235, %add3A_252 : i32
      %lt3A_254 = arith.cmpi slt, %add3A_253, %select_n3A_8 : i32
      %convert_element_type3A_255 = arith.extui %lt3A_254 : i1 to i32
      %cond3A_256 = arith.constant 0 : i32
      %cond3A_257 = arith.cmpi ne, %convert_element_type3A_255, %cond3A_256 : i32
      scf.if %cond3A_257 {
        %add3A_258 = arith.addi %select_n3A, %add3A_235 : i32
        %add3A_259 = arith.constant 4 : i32
        %add3A_260 = arith.addi %add3A_258, %add3A_259 : i32
        %dma_start3A_261 = arith.constant 0 : i32
        %dma_start3A_262 = tpu.memref_slice %arg3[%add3A_260, %dma_start3A_261] : memref<2560x128xi32, #tpu.memory_space<hbm>> -> memref<1x128xi32, #tpu.memory_space<hbm>>
        %dma_start3A_263 = tpu.memref_squeeze %dma_start3A_262 : memref<1x128xi32, #tpu.memory_space<hbm>> -> memref<128xi32, #tpu.memory_space<hbm>>
        %dma_start3A_264 = arith.constant 0 : i32
        %dma_start3A_265 = tpu.memref_slice %arg3[%add3A_260, %dma_start3A_264] : memref<2560x128xi32, #tpu.memory_space<hbm>> -> memref<1x128xi32, #tpu.memory_space<hbm>>
        %dma_start3A_266 = tpu.memref_squeeze %dma_start3A_265 : memref<1x128xi32, #tpu.memory_space<hbm>> -> memref<128xi32, #tpu.memory_space<hbm>>
        tpu.enqueue_dma source(%dma_start3A_266 : memref<128xi32, #tpu.memory_space<hbm>>) target(%arg10 : memref<128xi32, #tpu.memory_space<vmem>>) target_semaphore(%arg18 : memref<!tpu.dma_semaphore, #tpu.memory_space<semaphore_mem>>)
        %add3A_267 = arith.addi %select_n3A, %add3A_235 : i32
        %add3A_268 = arith.constant 4 : i32
        %add3A_269 = arith.addi %add3A_267, %add3A_268 : i32
        %dma_start3A_270 = arith.constant 0 : i32
        %dma_start3A_271 = tpu.memref_slice %arg4[%add3A_269, %dma_start3A_270] : memref<2560x128xi32, #tpu.memory_space<hbm>> -> memref<1x128xi32, #tpu.memory_space<hbm>>
        %dma_start3A_272 = tpu.memref_squeeze %dma_start3A_271 : memref<1x128xi32, #tpu.memory_space<hbm>> -> memref<128xi32, #tpu.memory_space<hbm>>
        %dma_start3A_273 = arith.constant 0 : i32
        %dma_start3A_274 = tpu.memref_slice %arg4[%add3A_269, %dma_start3A_273] : memref<2560x128xi32, #tpu.memory_space<hbm>> -> memref<1x128xi32, #tpu.memory_space<hbm>>
        %dma_start3A_275 = tpu.memref_squeeze %dma_start3A_274 : memref<1x128xi32, #tpu.memory_space<hbm>> -> memref<128xi32, #tpu.memory_space<hbm>>
        tpu.enqueue_dma source(%dma_start3A_275 : memref<128xi32, #tpu.memory_space<hbm>>) target(%arg14 : memref<128xi32, #tpu.memory_space<vmem>>) target_semaphore(%arg19 : memref<!tpu.dma_semaphore, #tpu.memory_space<semaphore_mem>>)
      } else {
      }
    }
    %barrier3A_145 = arith.constant 0 : index
    tpu.barrier barrier_id(%barrier3A_145)
    %eq3A_146 = arith.constant 0 : i32
    %eq3A_147 = arith.cmpi eq, %arg0, %eq3A_146 : i32
    %convert_element_type3A = arith.extui %eq3A_147 : i1 to i32
    %cond3A = arith.constant 0 : i32
    %cond3A_148 = arith.cmpi ne, %convert_element_type3A, %cond3A : i32
    scf.if %cond3A_148 {
      %mul3A_154 = arith.constant 632 : i32
      %mul3A_155 = arith.muli %arg1, %mul3A_154 : i32
      %mul3A_156 = arith.constant 632 : i32
      %mul3A_157 = arith.muli %arg1, %mul3A_156 : i32
      "tpu.region"() ({
        %run_scoped3A = tpu.sem_alloc : memref<!tpu.dma_semaphore, #tpu.memory_space<semaphore_mem>>
        %dma_start3A_158 = arith.constant 0 : i32
        %dma_start3A_159 = tpu.memref_slice %arg5[%mul3A_157, %dma_start3A_158] : memref<10112x128xf32, #tpu.memory_space<hbm>> -> memref<632x128xf32, #tpu.memory_space<hbm>>
        %dma_start3A_160 = arith.constant 0 : i32
        %dma_start3A_161 = tpu.memref_slice %arg17[%mul3A_155, %dma_start3A_160] : memref<10112x128xf32, #tpu.memory_space<vmem_shared>> -> memref<632x128xf32, #tpu.memory_space<vmem_shared>>
        tpu.enqueue_dma source(%dma_start3A_161 : memref<632x128xf32, #tpu.memory_space<vmem_shared>>) target(%dma_start3A_159 : memref<632x128xf32, #tpu.memory_space<hbm>>) target_semaphore(%run_scoped3A : memref<!tpu.dma_semaphore, #tpu.memory_space<semaphore_mem>>)
        %dma_wait3A_162 = arith.constant 0 : i32
        %dma_wait3A_163 = tpu.memref_slice %arg5[%mul3A_157, %dma_wait3A_162] : memref<10112x128xf32, #tpu.memory_space<hbm>> -> memref<632x128xf32, #tpu.memory_space<hbm>>
        %dma_wait3A_164 = arith.constant 0 : i32
        %dma_wait3A_165 = tpu.memref_slice %arg17[%mul3A_155, %dma_wait3A_164] : memref<10112x128xf32, #tpu.memory_space<vmem_shared>> -> memref<632x128xf32, #tpu.memory_space<vmem_shared>>
        tpu.wait_dma2 semaphore(%run_scoped3A : memref<!tpu.dma_semaphore, #tpu.memory_space<semaphore_mem>>) src(%dma_wait3A_165 : memref<632x128xf32, #tpu.memory_space<vmem_shared>>) dst(%dma_wait3A_163 : memref<632x128xf32, #tpu.memory_space<hbm>>)
        tpu.yield
      }) : () -> ()
    } else {
    }
    %eq3A_149 = arith.constant 1 : i32
    %eq3A_150 = arith.cmpi eq, %arg0, %eq3A_149 : i32
    %convert_element_type3A_151 = arith.extui %eq3A_150 : i1 to i32
    %cond3A_152 = arith.constant 0 : i32
    %cond3A_153 = arith.cmpi ne, %convert_element_type3A_151, %cond3A_152 : i32
    scf.if %cond3A_153 {
      %mul3A_154 = arith.constant 632 : i32
      %mul3A_155 = arith.muli %arg1, %mul3A_154 : i32
      %mul3A_156 = arith.constant 632 : i32
      %mul3A_157 = arith.muli %arg1, %mul3A_156 : i32
      "tpu.region"() ({
        %run_scoped3A = tpu.sem_alloc : memref<!tpu.dma_semaphore, #tpu.memory_space<semaphore_mem>>
        %dma_start3A_158 = arith.constant 0 : i32
        %dma_start3A_159 = tpu.memref_slice %arg6[%mul3A_157, %dma_start3A_158] : memref<10112x128xf32, #tpu.memory_space<hbm>> -> memref<632x128xf32, #tpu.memory_space<hbm>>
        %dma_start3A_160 = arith.constant 0 : i32
        %dma_start3A_161 = tpu.memref_slice %arg17[%mul3A_155, %dma_start3A_160] : memref<10112x128xf32, #tpu.memory_space<vmem_shared>> -> memref<632x128xf32, #tpu.memory_space<vmem_shared>>
        tpu.enqueue_dma source(%dma_start3A_161 : memref<632x128xf32, #tpu.memory_space<vmem_shared>>) target(%dma_start3A_159 : memref<632x128xf32, #tpu.memory_space<hbm>>) target_semaphore(%run_scoped3A : memref<!tpu.dma_semaphore, #tpu.memory_space<semaphore_mem>>)
        %dma_wait3A_162 = arith.constant 0 : i32
        %dma_wait3A_163 = tpu.memref_slice %arg6[%mul3A_157, %dma_wait3A_162] : memref<10112x128xf32, #tpu.memory_space<hbm>> -> memref<632x128xf32, #tpu.memory_space<hbm>>
        %dma_wait3A_164 = arith.constant 0 : i32
        %dma_wait3A_165 = tpu.memref_slice %arg17[%mul3A_155, %dma_wait3A_164] : memref<10112x128xf32, #tpu.memory_space<vmem_shared>> -> memref<632x128xf32, #tpu.memory_space<vmem_shared>>
        tpu.wait_dma2 semaphore(%run_scoped3A : memref<!tpu.dma_semaphore, #tpu.memory_space<semaphore_mem>>) src(%dma_wait3A_165 : memref<632x128xf32, #tpu.memory_space<vmem_shared>>) dst(%dma_wait3A_163 : memref<632x128xf32, #tpu.memory_space<hbm>>)
        tpu.yield
      }) : () -> ()
    } else {
    }
    return
  }
}

module attributes {stable_mosaic.version = 14 : i64} {
  func.func @_tc0_body(%arg0: i32, %arg1: memref<512x128xf32, #tpu.memory_space<vmem>>, %arg2: memref<128x128xf32, #tpu.memory_space<vmem>>, %arg3: memref<512x128xf32, #tpu.memory_space<vmem>>) attributes {dimension_semantics = [#tpu.dimension_semantics<arbitrary>], iteration_bounds = array<i64: 20>, scalar_prefetch = 0 : i64, scratch_operands = 0 : i64, tpu.core_type = #tpu.core_type<tc>, window_params = [{transform_indices = @transform_0, window_bounds = array<i64: 512, 128>}, {pipeline_mode = #tpu.pipeline_mode<synchronous>, transform_indices = @transform_1, window_bounds = array<i64: 128, 128>}, {transform_indices = @transform_2, window_bounds = array<i64: 512, 128>}]} {
    %get3A = arith.constant 0 : index
    %get3A_0 = arith.constant 0 : index
    %get3A_1 = vector.load %arg1[%get3A, %get3A_0] : memref<512x128xf32, #tpu.memory_space<vmem>>, vector<512x128xf32>
    %get3A_2 = arith.constant 0 : index
    %get3A_3 = arith.constant 0 : index
    %get3A_4 = vector.load %arg2[%get3A_2, %get3A_3] : memref<128x128xf32, #tpu.memory_space<vmem>>, vector<128x128xf32>
    %dot_general3A = arith.constant dense<0.000000e+00> : vector<512x128xf32>
    %dot_general3A_5 = tpu.matmul %get3A_1, %get3A_4, %dot_general3A {dimension_numbers = #tpu.dot_dimension_numbers<[1], [0], [0], [1], [0, 0, 1, 1], [], []>, precision = #tpu.contract_precision<fp32>, transpose_lhs_hint = false} : vector<512x128xf32>, vector<128x128xf32>, vector<512x128xf32> -> vector<512x128xf32>
    %swap3A = arith.constant 0 : index
    %swap3A_6 = arith.constant 0 : index
    %swap3A_7 = vector.load %arg3[%swap3A, %swap3A_6] : memref<512x128xf32, #tpu.memory_space<vmem>>, vector<512x128xf32>
    tpu.vector_store %arg3[%swap3A, %swap3A_6], %dot_general3A_5 {strides = array<i32>} : memref<512x128xf32, #tpu.memory_space<vmem>>, vector<512x128xf32>,
    return
  }
  func.func @transform_0(%arg0: i32) -> (i32, i32) {
    %c0_i32 = arith.constant 0 : i32
    %c0_i32_0 = arith.constant 0 : i32
    return %arg0, %c0_i32 : i32, i32
  }
  func.func @transform_1(%arg0: i32) -> (i32, i32) {
    %c0_i32 = arith.constant 0 : i32
    %c0_i32_0 = arith.constant 0 : i32
    %c0_i32_1 = arith.constant 0 : i32
    return %c0_i32, %c0_i32_0 : i32, i32
  }
  func.func @transform_2(%arg0: i32) -> (i32, i32) {
    %c0_i32 = arith.constant 0 : i32
    %c0_i32_0 = arith.constant 0 : i32
    return %arg0, %c0_i32 : i32, i32
  }
}

module attributes {stable_mosaic.version = 14 : i64} {
  func.func @_tc3_body(%arg0: i32, %arg1: memref<512x128xf32, #tpu.memory_space<vmem>>, %arg2: memref<512x128xf32, #tpu.memory_space<vmem>>, %arg3: memref<512x128xf32, #tpu.memory_space<vmem>>, %arg4: memref<512x1xf32, #tpu.memory_space<vmem>>, %arg5: memref<512x128xf32, #tpu.memory_space<vmem>>) attributes {dimension_semantics = [#tpu.dimension_semantics<arbitrary>], iteration_bounds = array<i64: 20>, scalar_prefetch = 0 : i64, scratch_operands = 0 : i64, tpu.core_type = #tpu.core_type<tc>, window_params = [{transform_indices = @transform_0, window_bounds = array<i64: 512, 128>}, {transform_indices = @transform_1, window_bounds = array<i64: 512, 128>}, {transform_indices = @transform_2, window_bounds = array<i64: 512, 128>}, {transform_indices = @transform_3, window_bounds = array<i64: 512, 1>}, {transform_indices = @transform_4, window_bounds = array<i64: 512, 128>}]} {
    %get3A = arith.constant 0 : index
    %get3A_0 = arith.constant 0 : index
    %get3A_1 = vector.load %arg1[%get3A, %get3A_0] : memref<512x128xf32, #tpu.memory_space<vmem>>, vector<512x128xf32>
    %get3A_2 = arith.constant 0 : index
    %get3A_3 = arith.constant 0 : index
    %get3A_4 = vector.load %arg2[%get3A_2, %get3A_3] : memref<512x128xf32, #tpu.memory_space<vmem>>, vector<512x128xf32>
    %add3A = arith.addf %get3A_1, %get3A_4 : vector<512x128xf32>
    %get3A_5 = arith.constant 0 : index
    %get3A_6 = arith.constant 0 : index
    %get3A_7 = vector.load %arg3[%get3A_5, %get3A_6] : memref<512x128xf32, #tpu.memory_space<vmem>>, vector<512x128xf32>
    %add3A_8 = arith.addf %add3A, %get3A_7 : vector<512x128xf32>
    %get3A_9 = arith.constant 0 : index
    %get3A_10 = arith.constant 0 : index
    %get3A_11 = vector.load %arg4[%get3A_9, %get3A_10] : memref<512x1xf32, #tpu.memory_space<vmem>>, vector<512x1xf32>
    %mul3A = vector.broadcast %get3A_11 : vector<512x1xf32> to vector<512x128xf32>
    %mul3A_12 = arith.mulf %add3A_8, %mul3A : vector<512x128xf32>
    %swap3A = arith.constant 0 : index
    %swap3A_13 = arith.constant 0 : index
    %swap3A_14 = vector.load %arg5[%swap3A, %swap3A_13] : memref<512x128xf32, #tpu.memory_space<vmem>>, vector<512x128xf32>
    tpu.vector_store %arg5[%swap3A, %swap3A_13], %mul3A_12 {strides = array<i32>} : memref<512x128xf32, #tpu.memory_space<vmem>>, vector<512x128xf32>,
    return
  }
  func.func @transform_0(%arg0: i32) -> (i32, i32) {
    %c0_i32 = arith.constant 0 : i32
    %c0_i32_0 = arith.constant 0 : i32
    return %arg0, %c0_i32 : i32, i32
  }
  func.func @transform_1(%arg0: i32) -> (i32, i32) {
    %c0_i32 = arith.constant 0 : i32
    %c0_i32_0 = arith.constant 0 : i32
    return %arg0, %c0_i32 : i32, i32
  }
  func.func @transform_2(%arg0: i32) -> (i32, i32) {
    %c0_i32 = arith.constant 0 : i32
    %c0_i32_0 = arith.constant 0 : i32
    return %arg0, %c0_i32 : i32, i32
  }
  func.func @transform_3(%arg0: i32) -> (i32, i32) {
    %c0_i32 = arith.constant 0 : i32
    %c0_i32_0 = arith.constant 0 : i32
    return %arg0, %c0_i32 : i32, i32
  }
  func.func @transform_4(%arg0: i32) -> (i32, i32) {
    %c0_i32 = arith.constant 0 : i32
    %c0_i32_0 = arith.constant 0 : i32
    return %arg0, %c0_i32 : i32, i32
  }
}

module attributes {stable_mosaic.version = 14 : i64} {
  func.func @_tc2_body(%arg0: i32, %arg1: memref<512x128xf32, #tpu.memory_space<vmem>>, %arg2: memref<512x128xf32, #tpu.memory_space<vmem>>, %arg3: memref<512x128xf32, #tpu.memory_space<vmem>>, %arg4: memref<512x1xf32, #tpu.memory_space<vmem>>, %arg5: memref<128x128xf32, #tpu.memory_space<vmem>>, %arg6: memref<512x128xf32, #tpu.memory_space<vmem>>) attributes {dimension_semantics = [#tpu.dimension_semantics<arbitrary>], iteration_bounds = array<i64: 20>, scalar_prefetch = 0 : i64, scratch_operands = 0 : i64, tpu.core_type = #tpu.core_type<tc>, window_params = [{transform_indices = @transform_0, window_bounds = array<i64: 512, 128>}, {transform_indices = @transform_1, window_bounds = array<i64: 512, 128>}, {transform_indices = @transform_2, window_bounds = array<i64: 512, 128>}, {transform_indices = @transform_3, window_bounds = array<i64: 512, 1>}, {pipeline_mode = #tpu.pipeline_mode<synchronous>, transform_indices = @transform_4, window_bounds = array<i64: 128, 128>}, {transform_indices = @transform_5, window_bounds = array<i64: 512, 128>}]} {
    %get3A = arith.constant 0 : index
    %get3A_0 = arith.constant 0 : index
    %get3A_1 = vector.load %arg1[%get3A, %get3A_0] : memref<512x128xf32, #tpu.memory_space<vmem>>, vector<512x128xf32>
    %get3A_2 = arith.constant 0 : index
    %get3A_3 = arith.constant 0 : index
    %get3A_4 = vector.load %arg2[%get3A_2, %get3A_3] : memref<512x128xf32, #tpu.memory_space<vmem>>, vector<512x128xf32>
    %add3A = arith.addf %get3A_1, %get3A_4 : vector<512x128xf32>
    %get3A_5 = arith.constant 0 : index
    %get3A_6 = arith.constant 0 : index
    %get3A_7 = vector.load %arg3[%get3A_5, %get3A_6] : memref<512x128xf32, #tpu.memory_space<vmem>>, vector<512x128xf32>
    %add3A_8 = arith.addf %add3A, %get3A_7 : vector<512x128xf32>
    %get3A_9 = arith.constant 0 : index
    %get3A_10 = arith.constant 0 : index
    %get3A_11 = vector.load %arg4[%get3A_9, %get3A_10] : memref<512x1xf32, #tpu.memory_space<vmem>>, vector<512x1xf32>
    %mul3A = vector.broadcast %get3A_11 : vector<512x1xf32> to vector<512x128xf32>
    %mul3A_12 = arith.mulf %add3A_8, %mul3A : vector<512x128xf32>
    %max3A = arith.constant 0.000000e+00 : f32
    %max3A_13 = vector.broadcast %max3A : f32 to vector<512x128xf32>
    %max3A_14 = arith.maximumf %mul3A_12, %max3A_13 : vector<512x128xf32>
    %get3A_15 = arith.constant 0 : index
    %get3A_16 = arith.constant 0 : index
    %get3A_17 = vector.load %arg5[%get3A_15, %get3A_16] : memref<128x128xf32, #tpu.memory_space<vmem>>, vector<128x128xf32>
    %dot_general3A = arith.constant dense<0.000000e+00> : vector<512x128xf32>
    %dot_general3A_18 = tpu.matmul %max3A_14, %get3A_17, %dot_general3A {dimension_numbers = #tpu.dot_dimension_numbers<[1], [0], [0], [1], [0, 0, 1, 1], [], []>, precision = #tpu.contract_precision<fp32>, transpose_lhs_hint = false} : vector<512x128xf32>, vector<128x128xf32>, vector<512x128xf32> -> vector<512x128xf32>
    %get3A_19 = arith.constant 0 : index
    %get3A_20 = arith.constant 0 : index
    %get3A_21 = vector.load %arg4[%get3A_19, %get3A_20] : memref<512x1xf32, #tpu.memory_space<vmem>>, vector<512x1xf32>
    %mul3A_22 = vector.broadcast %get3A_21 : vector<512x1xf32> to vector<512x128xf32>
    %mul3A_23 = arith.mulf %dot_general3A_18, %mul3A_22 : vector<512x128xf32>
    %swap3A = arith.constant 0 : index
    %swap3A_24 = arith.constant 0 : index
    %swap3A_25 = vector.load %arg6[%swap3A, %swap3A_24] : memref<512x128xf32, #tpu.memory_space<vmem>>, vector<512x128xf32>
    tpu.vector_store %arg6[%swap3A, %swap3A_24], %mul3A_23 {strides = array<i32>} : memref<512x128xf32, #tpu.memory_space<vmem>>, vector<512x128xf32>,
    return
  }
  func.func @transform_0(%arg0: i32) -> (i32, i32) {
    %c0_i32 = arith.constant 0 : i32
    %c0_i32_0 = arith.constant 0 : i32
    return %arg0, %c0_i32 : i32, i32
  }
  func.func @transform_1(%arg0: i32) -> (i32, i32) {
    %c0_i32 = arith.constant 0 : i32
    %c0_i32_0 = arith.constant 0 : i32
    return %arg0, %c0_i32 : i32, i32
  }
  func.func @transform_2(%arg0: i32) -> (i32, i32) {
    %c0_i32 = arith.constant 0 : i32
    %c0_i32_0 = arith.constant 0 : i32
    return %arg0, %c0_i32 : i32, i32
  }
  func.func @transform_3(%arg0: i32) -> (i32, i32) {
    %c0_i32 = arith.constant 0 : i32
    %c0_i32_0 = arith.constant 0 : i32
    return %arg0, %c0_i32 : i32, i32
  }
  func.func @transform_4(%arg0: i32) -> (i32, i32) {
    %c0_i32 = arith.constant 0 : i32
    %c0_i32_0 = arith.constant 0 : i32
    %c0_i32_1 = arith.constant 0 : i32
    return %c0_i32, %c0_i32_0 : i32, i32
  }
  func.func @transform_5(%arg0: i32) -> (i32, i32) {
    %c0_i32 = arith.constant 0 : i32
    %c0_i32_0 = arith.constant 0 : i32
    return %arg0, %c0_i32 : i32, i32
  }
}

module attributes {stable_mosaic.version = 14 : i64} {
  func.func @_tc1_body(%arg0: i32, %arg1: memref<512x128xf32, #tpu.memory_space<vmem>>, %arg2: memref<512x1xf32, #tpu.memory_space<vmem>>, %arg3: memref<512x1xf32, #tpu.memory_space<vmem>>, %arg4: memref<512x128xf32, #tpu.memory_space<vmem>>, %arg5: memref<512x1xf32, #tpu.memory_space<vmem>>) attributes {dimension_semantics = [#tpu.dimension_semantics<arbitrary>], iteration_bounds = array<i64: 20>, scalar_prefetch = 0 : i64, scratch_operands = 0 : i64, tpu.core_type = #tpu.core_type<tc>, window_params = [{transform_indices = @transform_0, window_bounds = array<i64: 512, 128>}, {transform_indices = @transform_1, window_bounds = array<i64: 512, 1>}, {transform_indices = @transform_2, window_bounds = array<i64: 512, 1>}, {transform_indices = @transform_3, window_bounds = array<i64: 512, 128>}, {transform_indices = @transform_4, window_bounds = array<i64: 512, 1>}]} {
    %get3A = arith.constant 0 : index
    %get3A_0 = arith.constant 0 : index
    %get3A_1 = vector.load %arg2[%get3A, %get3A_0] : memref<512x1xf32, #tpu.memory_space<vmem>>, vector<512x1xf32>
    %get3A_2 = arith.constant 0 : index
    %get3A_3 = arith.constant 0 : index
    %get3A_4 = vector.load %arg3[%get3A_2, %get3A_3] : memref<512x1xf32, #tpu.memory_space<vmem>>, vector<512x1xf32>
    %add3A = arith.addf %get3A_1, %get3A_4 : vector<512x1xf32>
    %add3A_5 = arith.constant 1.000000e+00 : f32
    %add3A_6 = vector.broadcast %add3A_5 : f32 to vector<512x1xf32>
    %add3A_7 = arith.addf %add3A, %add3A_6 : vector<512x1xf32>
    %max3A = arith.constant 1.000000e+00 : f32
    %max3A_8 = vector.broadcast %max3A : f32 to vector<512x1xf32>
    %max3A_9 = arith.maximumf %add3A_7, %max3A_8 : vector<512x1xf32>
    %rsqrt3A = math.rsqrt %max3A_9 : vector<512x1xf32>
    %get3A_10 = arith.constant 0 : index
    %get3A_11 = arith.constant 0 : index
    %get3A_12 = vector.load %arg1[%get3A_10, %get3A_11] : memref<512x128xf32, #tpu.memory_space<vmem>>, vector<512x128xf32>
    %mul3A = vector.broadcast %rsqrt3A : vector<512x1xf32> to vector<512x128xf32>
    %mul3A_13 = arith.mulf %get3A_12, %mul3A : vector<512x128xf32>
    %swap3A = arith.constant 0 : index
    %swap3A_14 = arith.constant 0 : index
    %swap3A_15 = vector.load %arg4[%swap3A, %swap3A_14] : memref<512x128xf32, #tpu.memory_space<vmem>>, vector<512x128xf32>
    tpu.vector_store %arg4[%swap3A, %swap3A_14], %mul3A_13 {strides = array<i32>} : memref<512x128xf32, #tpu.memory_space<vmem>>, vector<512x128xf32>,
    %swap3A_16 = arith.constant 0 : index
    %swap3A_17 = arith.constant 0 : index
    %swap3A_18 = vector.load %arg5[%swap3A_16, %swap3A_17] : memref<512x1xf32, #tpu.memory_space<vmem>>, vector<512x1xf32>
    tpu.vector_store %arg5[%swap3A_16, %swap3A_17], %rsqrt3A {strides = array<i32>} : memref<512x1xf32, #tpu.memory_space<vmem>>, vector<512x1xf32>,
    return
  }
  func.func @transform_0(%arg0: i32) -> (i32, i32) {
    %c0_i32 = arith.constant 0 : i32
    %c0_i32_0 = arith.constant 0 : i32
    return %arg0, %c0_i32 : i32, i32
  }
  func.func @transform_1(%arg0: i32) -> (i32, i32) {
    %c0_i32 = arith.constant 0 : i32
    %c0_i32_0 = arith.constant 0 : i32
    return %arg0, %c0_i32 : i32, i32
  }
  func.func @transform_2(%arg0: i32) -> (i32, i32) {
    %c0_i32 = arith.constant 0 : i32
    %c0_i32_0 = arith.constant 0 : i32
    return %arg0, %c0_i32 : i32, i32
  }
  func.func @transform_3(%arg0: i32) -> (i32, i32) {
    %c0_i32 = arith.constant 0 : i32
    %c0_i32_0 = arith.constant 0 : i32
    return %arg0, %c0_i32 : i32, i32
  }
  func.func @transform_4(%arg0: i32) -> (i32, i32) {
    %c0_i32 = arith.constant 0 : i32
    %c0_i32_0 = arith.constant 0 : i32
    return %arg0, %c0_i32 : i32, i32
  }
}

</mosaic_0001>

<sc_bundles>
// kernel: kernel.12.cloned.1.call-start
scs
__scs_entry_jumppad:
0x0: {  	(pc) =	sbr.rel $0x88, $3  }
0x1: {  	(tag) =	ssettag $0x0;
	lr =	simm.s32 $0x1  }
0x2: {  	[smem:$0x3F9D] =	sst lr;
	_ =	strace $0xD0000000  }
0x3: {  	_ = 	snop  }
0x4: {  	_ = 	snop  }
0x5: {  	_ = 	snop  }
0x6: {  	_ = 	snop  }
0x7: {  	_ = 	snop  }
__scs_overlays_trampoline_lowered:
0x8: {  	[smem:$0x3FAC] =	sst s0  }
0x9: {  	[smem:$0x3FAD] =	sst s1  }
0xa: {  	[smem:$0x3FAE] =	sst s2  }
0xb: {  	[smem:$0x3FAF] =	sst s3  }
0xc: {  	[smem:$0x3FB0] =	sst s4  }
0xd: {  	[smem:$0x3FB1] =	sst s5  }
0xe: {  	[smem:$0x3FB2] =	sst s6  }
0xf: {  	[smem:$0x3FB3] =	sst s7  }
0x10: {  	[smem:$0x3FB4] =	sst s8  }
0x11: {  	[smem:$0x3FB5] =	sst s9;
	s0 =	simm.s32 @!p0 $0x0  }
0x12: {  	s1 =	sld [smem:$0x3F9B];
	s0 =	simm.s32 @p0 $0x1  }
0x13: {  	[smem:$0x3FB6] =	sst s0;
	s0 =	simm.s32 @!p1 $0x0  }
0x14: {  	s2 =	sld [smem:$0x3F9A];
	s0 =	simm.s32 @p1 $0x1  }
0x15: {  	[smem:$0x3FB7] =	sst s0;
	s0 =	simm.s32 @!p2 $0x0  }
0x16: {  	s3 =	sld [smem:$0x3FDB];
	s0 =	simm.s32 @p2 $0x1  }
0x17: {  	s4 =	simm.s32 $0x1BF5;
	[smem:$0x3FB9] =	sst s0  }
0x18: {  	s0 =	sld [smem:$0x3F9C];
	_ =	swait.ge [sflag:s4], $0x0  }
0x19: {  	s7 =	sld [smem:$0x3F9D]  }
0x1a: {  	s8 =	sadd.s32 $0xFFFFE003, lr  }
0x1b: {  	s9 =	sadd.s32 $0xFFFFFEF7, lr;
	s5 =	simm.s32 $0xFFFFFFFF;
	p2 =	slt.u32 s8, $0xFFFFF086  }
0x1c: {  	p1 =	slt.u32 s9, $0xF7A;
	s5 =	simm.s32 @!p2 $0x0  }
0x1d: {  	s5 =	simm.s32 @p1 $0x1;
	p0 =	seq.s32 s7, s2  }
0x1e: {  	s7 =	smul.u32 @!p0 $0xF7A, s2;
	p2 =	seq.s32 @!p0 s5, $0x0  }
0x1f: {  	s9 =	smul.u32 $0xF7A, s1;
	s8 =	simm.s32 @!p0 $0x1BF5;
	p2 =	por !p2, p0  }
0x20: {  	[sflag:s8] =	ssyncset.s32 @!p0 $0xFFFFF086;
	s6 =	sadd.s32 @!p0 s3, s7;
	s7 =	simm.s32 @!p0 $0x108  }
0x21: {  	s3 =	sadd.s32 s3, s9;
	s6 =	sadd.s32 @!p0 $0x88, s6;
	s7 =	simm.s32 @p2 $0x1082  }
0x22: {  	[simem:s7], [sflag:s8] =	dma.local @!p0 [hbm:s6], $0xF7A  }
0x23: {  	s9 =	sor.u32 $0xD0000000, s2;
	s6 =	simm.s32 $0x108;
	_ =	swait.ge @!p0 [sflag:s8], $0x0  }
0x24: {  	s3 =	sadd.s32 $0x88, s3;
	s6 =	simm.s32 @!p1 $0x1082;
	[sflag:s4] =	ssyncset.s32 $0xFFFFF086  }
0x25: {  	[simem:s6], [sflag:s4] =	dma.local [hbm:s3], $0xF7A  }
0x26: {  	[smem:$0x3F9D] =	sst s1;
	(tag) =	ssettag s2;
	_ =	strace s9  }
0x27: {  	s1 =	sld [smem:$0x3FAD]  }
0x28: {  	s2 =	sld [smem:$0x3FAE]  }
0x29: {  	s4 =	sld [smem:$0x3FB0]  }
0x2a: {  	p0 =	seq.s32 s5, $0x0;
	s5 =	sld [smem:$0x3FB1]  }
0x2b: {  	s6 =	sld [smem:$0x3FB2]  }
0x2c: {  	s7 =	sld [smem:$0x3FB3]  }
0x2d: {  	s3 =	simm.s32 $0x108;
	s8 =	sld [smem:$0x3FB4]  }
0x2e: {  	s3 =	simm.s32 @!p0 $0x1082;
	s9 =	sld [smem:$0x3FB5]  }
0x2f: {  	lr =	sadd.s32 s0, s3;
	s0 =	sld [smem:$0x3FAC]  }
0x30: {  	s3 =	sld [smem:$0x3FAF]  }
0x31: {  	[smem:$0x3FB8] =	sst s10  }
0x32: {  	s10 =	sld [smem:$0x3FB6];
	_ =	sdelay $0x3  }
0x33: {  	p0 =	seq.s32 s10, $0x1;
	s10 =	sld [smem:$0x3FB8];
	_ =	sdelay $0x3  }
0x34: {  	[smem:$0x3FB8] =	sst s10  }
0x35: {  	s10 =	sld [smem:$0x3FB7];
	_ =	sdelay $0x3  }
0x36: {  	p1 =	seq.s32 s10, $0x1;
	s10 =	sld [smem:$0x3FB8];
	_ =	sdelay $0x3  }
0x37: {  	[smem:$0x3FB8] =	sst s10  }
0x38: {  	s10 =	sld [smem:$0x3FB9]  }
0x39: {  	_ = 	snop;
	(pc) =	sbr.ind lr, $3  }
0x3a: {  	_ = 	snop  }
0x3b: {  	_ = 	snop  }
0x3c: {  	p2 =	seq.s32 s10, $0x1;
	s10 =	sld [smem:$0x3FB8]  }
0x3d: {  	_ =	shalt  }
0x3e: {  	_ =	shalt  }
0x3f: {  	_ =	shalt  }
0x40: {  	_ =	shalt  }
0x41: {  	_ =	shalt  }
0x42: {  	_ =	shalt  }
0x43: {  	_ =	shalt  }
0x44: {  	_ =	shalt  }
0x45: {  	_ =	shalt  }
0x46: {  	_ =	shalt  }
0x47: {  	_ =	shalt  }
0x48: {  	_ =	shalt  }
0x49: {  	_ =	shalt  }
0x4a: {  	_ =	shalt  }
0x4b: {  	_ =	shalt  }
0x4c: {  	_ =	shalt  }
0x4d: {  	_ =	shalt  }
0x4e: {  	_ =	shalt  }
0x4f: {  	_ =	shalt  }
0x50: {  	_ =	shalt  }
0x51: {  	_ =	shalt  }
0x52: {  	_ =	shalt  }
0x53: {  	_ =	shalt  }
0x54: {  	_ =	shalt  }
0x55: {  	_ =	shalt  }
0x56: {  	_ =	shalt  }
0x57: {  	_ =	shalt  }
0x58: {  	_ =	shalt  }
0x59: {  	_ =	shalt  }
0x5a: {  	_ =	shalt  }
0x5b: {  	_ =	shalt  }
0x5c: {  	_ =	shalt  }
0x5d: {  	_ =	shalt  }
0x5e: {  	_ =	shalt  }
0x5f: {  	_ =	shalt  }
0x60: {  	_ =	shalt  }
0x61: {  	_ =	shalt  }
0x62: {  	_ =	shalt  }
0x63: {  	_ =	shalt  }
0x64: {  	_ =	shalt  }
0x65: {  	_ =	shalt  }
0x66: {  	_ =	shalt  }
0x67: {  	_ =	shalt  }
0x68: {  	_ =	shalt  }
0x69: {  	_ =	shalt  }
0x6a: {  	_ =	shalt  }
0x6b: {  	_ =	shalt  }
0x6c: {  	_ =	shalt  }
0x6d: {  	_ =	shalt  }
0x6e: {  	_ =	shalt  }
0x6f: {  	_ =	shalt  }
0x70: {  	_ =	shalt  }
0x71: {  	_ =	shalt  }
0x72: {  	_ =	shalt  }
0x73: {  	_ =	shalt  }
0x74: {  	_ =	shalt  }
0x75: {  	_ =	shalt  }
0x76: {  	_ =	shalt  }
0x77: {  	_ =	shalt  }
0x78: {  	_ =	shalt  }
0x79: {  	_ =	shalt  }
0x7a: {  	_ =	shalt  }
0x7b: {  	_ =	shalt  }
0x7c: {  	_ =	shalt  }
0x7d: {  	_ =	shalt  }
0x7e: {  	_ =	shalt  }
0x7f: {  	_ =	shalt  }
0x80: {  	_ =	shalt  }
0x81: {  	_ =	shalt  }
0x82: {  	_ =	shalt  }
0x83: {  	_ =	shalt  }
0x84: {  	_ =	shalt  }
0x85: {  	_ =	shalt  }
0x86: {  	_ =	shalt  }
0x87: {  	_ =	shalt  }
.Lfunc_end0:
.L_simem_size_0:
called_computation.1_lowered:
.L_overlay_start_0:
0x88: {  	s2 =	sld [smem:$0x3FD9]  }
0x89: {  	s3 =	sld [smem:$0x3FFE];
	_ =	sdelay $0x1  }
0x8a: {  	s1 =	srdreg.scid  }
0x8b: {  	s0 =	sand.u32 $0x1, s1  }
0x8c: {  	s17 =	sshll.u32 s0, $0xA;
	s2 =	sadd.s32 s3, s2  }
0x8d: {  	s2 =	sadd.s32 s2, s17  }
0x8e: {  	[smem:$0x3FC4] =	sst s2  }
0x8f: {  	_ = 	snop  }
0x90: {  	s2 =	sld [smem:$0x3FD0];
	(tm) =	ssettm $0x1  }
0x91: {  	s18 =	sld [smem:$0x3FFB];
	_ =	sdelay $0x3  }
0x92: {  	_ =	strace s18  }
0x93: {  	s3 =	sld [smem:$0x3FFC];
	_ =	sdelay $0x3  }
0x94: {  	_ =	strace s3  }
0x95: {  	s3 =	sld [smem:$0x3FFD];
	_ =	sdelay $0x3  }
0x96: {  	_ =	strace s3  }
0x97: {  	_ =	strace $0x8FFFFFFF  }
0x98: {  	s19 =	sld [smem:$0x3FDB];
	_ =	sdelay $0x1  }
0x99: {  	s4 =	simm.s32 $_scs_section_size  }
0x9a: {  	s5 =	simm.s32 $_size__tile_overlayer_lowered;
	s6 =	simm.s32 $_tile_overlayer_lowered  }
0x9b: {  	s22 =	simm.s32 $0x1BFF;
	s21 =	sshll.u32 s6, $0x1;
	s3 =	sadd.s32 s4, s19  }
0x9c: {  	s7 =	simm.s32 $0x0;
	s20 =	sshll.u32 s5, $0x1;
	s5 =	sadd.s32 s21, s3  }
0x9d: {  	[timem:s7], [sflag:s22] =	dma.local [hbm:s5], s20  }
0x9e: {  	_ =	swait.ge [sflag:s22], s20  }
0x9f: {  	s4 =	ssub.s32 $0x0, s20;
	[sflag:s22] =	ssyncset.done $0x0  }
0xa0: {  	[sflag:s22] =	ssyncadd.s32 s4;
	_ =	sdelay $0x1  }
0xa1: {  	s23 =	simm.s32 $0x1B8B  }
0xa2: {  	_ =	swait.ge [sflag:s23], $0x1  }
0xa3: {  	[sflag:s23] =	ssyncset.done $0x0  }
0xa4: {  	s25 =	simm.s32 $0x1B8E;
	s24 =	sld [smem:$0x3FFE];
	[sflag:s23] =	ssyncadd.s32 $0xFFFFFFFF  }
0xa5: {  	s26 =	simm.s32 $execute0_lowered;
	[smem:$0x3FD2] =	sst s25  }
0xa6: {  	s5 =	sshll.u32 s26, $0x1;
	_ =	strace $0x80000049;
	[dreg:$0x1] =	wrdreg $0xFFFFFFFF  }
0xa7: {  	s28 =	simm.s32 $_size_execute0_lowered;
	s3 =	sadd.s32 s3, s5;
	[dreg:$0x0] =	wrdreg $0x0  }
0xa8: {  	s5 =	sshll.u32 s28, $0x1;
	[dreg:$0x2] =	wrdreg s3  }
0xa9: {  	[dreg:$0x3] =	wrdreg s5  }
0xaa: {  	[dreg:$0x4] =	wrdreg $0xC0  }
0xab: {  	_ =	task [dreg:s7], $0x5FFFF  }
0xac: {  	[dreg:$0x1] =	wrdreg $0xFFFFFFFF  }
0xad: {  	[dreg:$0x0] =	wrdreg $0x60  }
0xae: {  	[dreg:$0x2] =	wrdreg s24  }
0xaf: {  	[dreg:$0x3] =	wrdreg s2  }
0xb0: {  	[dreg:$0x4] =	wrdreg $0x84000  }
0xb1: {  	[dreg:$0x5] =	wrdreg $0x9  }
0xb2: {  	_ =	task.clear_ibuf [dreg:s7], $0x6FFFF;
	_ =	strace $0x90000049  }
0xb3: {  	s29 =	simm.s32 $0x9;
	_ =	strace $0x8000004B  }
0xb4: {  	_ =	swait.ge [sflag:s29], $0x1  }
0xb5: {  	[sflag:s29] =	ssyncadd.s32 $0xFFFFFFFF  }
0xb6: {  	_ =	strace $0x9000004B  }
0xb7: {  	_ =	sfence  }
0xb8: {  	s30 =	sld [smem:$0x0];
	_ =	sdelay $0x2  }
0xb9: {  	s31 =	sshll.u32 s1, $0xD;
	s1 =	sshrl.u32 s1, $0x2  }
0xba: {  	s3 =	sand.u32 $0x4000, s31;
	s1 =	sadd.s32 s1, s30  }
0xbb: {  	s0 =	sor.u32 s3, s0;
	s1 =	sshll.u32 s1, $0x11  }
0xbc: {  	s0 =	sor.u32 s1, s0  }
0xbd: {  	s0 =	sadd.s32 $0x8F2B, s0  }
0xbe: {  	[sflag:s0] =	ssyncadd.remote.s32 $0x1  }
0xbf: {  	_ =	sfence.sel $0xFFFF  }
0xc0: {  	[dreg:$0x0] =	wrdreg $0xFFFFFFFF;
	(pc) =	sbr.abs _section_cstart, $3  }
0xc1: {  	[dreg:$0x1] =	wrdreg $0xFFFFFFFF  }
0xc2: {  	_ =	task.clear_ibuf [dreg:s7], $0x2FFFF;
	_ =	strace $0x9FFFFFFF  }
0xc3: {  	(tm) =	ssettm $0x7FFFFFFF  }
tec
execute0_lowered:
.L_overlay_start_1:
0x0: {  	(tag) =	ssettag $0x1  }
0x1: {  	s0 =	rddreg [dreg:$0x0]  }
0x2: {  	s1 =	rddreg [dreg:$0x1]  }
0x3: {  	s2 =	rddreg [dreg:$0x2];
	s3 =	simm.s32 $0x0;
	s4 =	srdreg.scid  }
0x4: {  	s12 =	stileid.u32;
	s28 =	simm.s32 $0x280;
	s29 =	simm.s32 $0x100  }
0x5: {  	s31 =	simm.s32 $0x180;
	s30 =	simm.s32 $0x4400;
	[smem:$0x7FF] =	sst s3  }
0x6: {  	s5 =	sadd.s32 $0xDE00, s0;
	s6 =	sadd.s32 $0x3E00, s0;
	s7 =	smul.u32 $0x4F000, s12  }
0x7: {  	s4 =	sand.u32 $0x1, s4;
	s8 =	sadd.s32 $0x5CE00, s0;
	s10 =	smul.u32 $0x50, s12  }
0x8: {  	s0 =	sadd.s32 $0x84600, s0;
	s25 =	smul.u32 $0x2780, s12;
	_ =	strace $0x8000004A  }
0x9: {  	s9 =	ssub.s32 $0x2, s4;
	p0 =	seq.s32 s4, $0x0;
	s7 =	sshrl.u32 s7, $0x2  }
0xa: {  	s11 =	sshrl.u32 s9, $0x1;
	s4 =	sadd.s32 $0x500, s10;
	s7 =	sadd.s32 s7, s2  }
0xb: {  	s0 =	smov.u32 @p0 s8;
	s8 =	simm.s32 $0x2;
	s15 =	sadd.s32 $0x4000, s7  }
0xc: {  	s9 =	ssub.s32 s9, s11;
	s16 =	sadd.s32 $0x8000, s7;
	[dreg:$0x4] =	wrdreg s15  }
0xd: {  	s4 =	smov.u32 @p0 s10;
	s17 =	sadd.s32 $0xC000, s7;
	[dreg:$0x5] =	wrdreg s16  }
0xe: {  	s11 =	sshll.u32 s4, $0x4;
	s18 =	sadd.s32 $0x10000, s7;
	[dreg:$0x6] =	wrdreg s17  }
0xf: {  	s26 =	smax.u32 s9, $0x1;
	[dreg:$0x7] =	wrdreg s18;
	s19 =	sor.u32 $0x10, s11  }
0x10: {  	s9 =	simm.s32 $0x3;
	[dreg:$0xe] =	wrdreg s26;
	s20 =	sadd.s32 s1, s19  }
0x11: {  	s21 =	sor.u32 $0x20, s11;
	s4 =	sadd.s32 s6, s19;
	[dreg:$0x8] =	wrdreg s20  }
0x12: {  	s13 =	sadd.s32 s1, s11;
	s22 =	sadd.s32 s1, s21;
	[dreg:$0x9] =	wrdreg s4  }
0x13: {  	s23 =	sor.u32 $0x30, s11;
	s10 =	sadd.s32 s6, s21;
	[dreg:$0xa] =	wrdreg s22  }
.Ltmp0:
0x14: {  	s24 =	sadd.s32 s1, s23;
	[dreg:$0xb] =	wrdreg s10;
	(pc) =	sbr.rel .LBB2_1-.Ltmp0, $4  }
0x15: {  	s14 =	sadd.s32 s6, s11;
	s26 =	simm.s32 $0x80;
	[dreg:$0xc] =	wrdreg s24  }
0x16: {  	s4 =	sadd.s32 s6, s23;
	s22 =	sadd.s32 s0, s25;
	s23 =	simm.s32 $0x400  }
0x17: {  	s24 =	simm.s32 $0x4;
	s25 =	simm.s32 $0x200;
	s0 =	simm.s32 $0x380  }
0x18: {  	v0 =	vimm.f32 $0.0e+00;
	s10 =	simm.s32 $0x0;
	[dreg:$0xd] =	wrdreg s4;
	s4 =	simm.s32 $0x1  }
.LBB2_6:
0x19: {  	s12 =	stileid.u32  }
0x1a: {  	s12 =	sshll.u32 s12, $0x6  }
0x1b: {  	[bflag:$0x0] =	sbarrier.arrive $0xFFFF;
	s15 =	sshrl.u32 s7, $0x3;
	s12 =	sor.u32 $0x1C04, s12  }
0x1c: {  	[hbm:s22], [sflag:s12] =	dma.local [spmem:s15], $0x2780  }
0x1d: {  	_ =	swait.ge [sflag:s24], $0x2780  }
0x1e: {  	s10 =	sadd.s32 $0x1, s10;
	s21 =	rddreg [dreg:$0xe]  }
0x1f: {  	p0 =	sne.s32 s10, s21  }
.Ltmp1:
0x20: {  	_ = 	snop;
	(pc) =	sbr.rel @!p0 .LBB2_7-.Ltmp1, $3  }
0x21: {  	_ =	sdelay $0x1  }
0x22: {  	[sflag:s24] =	ssyncset.done $0x0  }
0x23: {  	[sflag:s24] =	ssyncadd.s32 $0xFFFFD880  }
.LBB2_1:
0x24: {  	s12 =	simm.s32 $0x0;
	s15 =	simm.s32 $0x200  }
.LBB2_2:
0x25: {  	p0 =	sne.s32 s15, $0xFE00;
	[tilespmem:s12+$0x470] =	vst v0  }
0x26: {  	[tilespmem:s12+$0x400] =	vst v0  }
0x27: {  	[tilespmem:s12+$0x410] =	vst v0  }
.Ltmp2:
0x28: {  	[tilespmem:s12+$0x420] =	vst v0;
	(pc) =	sbr.rel @p0 .LBB2_2-.Ltmp2, $4  }
0x29: {  	[tilespmem:s12+$0x430] =	vst v0  }
0x2a: {  	[tilespmem:s12+$0x440] =	vst v0  }
0x2b: {  	[tilespmem:s12+$0x450] =	vst v0  }
0x2c: {  	[tilespmem:s12+$0x460] =	vst v0;
	s12 =	sshra.s32 s15, $0x2;
	s15 =	sadd.s32 $0x200, s15  }
0x2d: {  	[tilespmem:s12+$0x470] =	vst v0  }
0x2e: {  	[tilespmem:s12+$0x400] =	vst v0  }
0x2f: {  	[tilespmem:s12+$0x410] =	vst v0  }
0x30: {  	[tilespmem:s12+$0x420] =	vst v0  }
0x31: {  	[tilespmem:s12+$0x430] =	vst v0  }
0x32: {  	[tilespmem:s12+$0x440] =	vst v0  }
0x33: {  	[tilespmem:s12+$0x450] =	vst v0  }
0x34: {  	[tilespmem:s12+$0x460] =	vst v0  }
0x35: {  	[spmem:s7] =	stream.linear.scatter [tilespmem:s23], [sflag:$0x4], $0x4000, $0x38;
	[tilespmem:$0x1C000] =	vst v63  }
0x36: {  	_ =	swait.ge [sflag:s24], $0x4000  }
0x37: {  	[sflag:s24] =	ssyncset.done $0x0  }
0x38: {  	s20 =	rddreg [dreg:$0x4];
	[sflag:s24] =	ssyncadd.s32 $0xFFFFC000  }
0x39: {  	[spmem:s20] =	stream.linear.scatter [tilespmem:s23], [sflag:$0x4], $0x4000, $0x38;
	[tilespmem:$0x1C000] =	vst v63  }
0x3a: {  	_ =	swait.ge [sflag:s24], $0x4000  }
0x3b: {  	[sflag:s24] =	ssyncset.done $0x0  }
0x3c: {  	s21 =	rddreg [dreg:$0x5];
	[sflag:s24] =	ssyncadd.s32 $0xFFFFC000  }
0x3d: {  	[spmem:s21] =	stream.linear.scatter [tilespmem:s23], [sflag:$0x4], $0x4000, $0x38;
	[tilespmem:$0x1C000] =	vst v63  }
0x3e: {  	_ =	swait.ge [sflag:s24], $0x4000  }
0x3f: {  	[sflag:s24] =	ssyncset.done $0x0  }
0x40: {  	s15 =	rddreg [dreg:$0x6];
	[sflag:s24] =	ssyncadd.s32 $0xFFFFC000  }
0x41: {  	[spmem:s15] =	stream.linear.scatter [tilespmem:s23], [sflag:$0x4], $0x4000, $0x38;
	[tilespmem:$0x1C000] =	vst v63  }
0x42: {  	_ =	swait.ge [sflag:s24], $0x4000  }
0x43: {  	[sflag:s24] =	ssyncset.done $0x0  }
0x44: {  	s16 =	rddreg [dreg:$0x7];
	[sflag:s24] =	ssyncadd.s32 $0xFFFFC000  }
0x45: {  	[spmem:s16] =	stream.linear.scatter [tilespmem:s23], [sflag:$0x4], $0x3C00, $0x38;
	[tilespmem:$0x1C000] =	vst v63  }
0x46: {  	_ =	swait.ge [sflag:s24], $0x3C00  }
0x47: {  	[sflag:s24] =	ssyncset.done $0x0  }
0x48: {  	[sflag:s24] =	ssyncadd.s32 $0xFFFFC400  }
0x49: {  	s12 =	simm.s32 $0x0;
	[bflag:$0x0] =	sbarrier.arrive $0xFFFF  }
0x4a: {  	[tilespmem:s12], [sflag:$0x1] =	stream.linear.gather [hbm4b:s13+s12], $0x80, $0x38;
	[tilespmem:$0x1C000] =	vst v63  }
0x4b: {  	_ = 	snop  }
0x4c: {  	[tilespmem:s25], [sflag:$0x2] =	stream.linear.gather [hbm4b:s14+s12], $0x80, $0x38;
	[tilespmem:$0x1C000] =	vst v63  }
0x4d: {  	s15 =	rddreg [dreg:$0x8]  }
0x4e: {  	[tilespmem:s26], [sflag:$0x1] =	stream.linear.gather [hbm4b:s15+s12], $0x80, $0x38;
	[tilespmem:$0x1C000] =	vst v63  }
0x4f: {  	s17 =	rddreg [dreg:$0x9]  }
0x50: {  	[tilespmem:s28], [sflag:$0x2] =	stream.linear.gather [hbm4b:s17+s12], $0x80, $0x38;
	[tilespmem:$0x1C000] =	vst v63  }
0x51: {  	s18 =	rddreg [dreg:$0xa]  }
0x52: {  	[tilespmem:s29], [sflag:$0x1] =	stream.linear.gather [hbm4b:s18+s12], $0x80, $0x38;
	[tilespmem:$0x1C000] =	vst v63  }
0x53: {  	s16 =	simm.s32 $0x300;
	s19 =	rddreg [dreg:$0xb]  }
0x54: {  	[tilespmem:s16], [sflag:$0x2] =	stream.linear.gather [hbm4b:s19+s12], $0x80, $0x38;
	[tilespmem:$0x1C000] =	vst v63  }
0x55: {  	s20 =	rddreg [dreg:$0xc]  }
0x56: {  	[tilespmem:s31], [sflag:$0x1] =	stream.linear.gather [hbm4b:s20+s12], $0x80, $0x38;
	[tilespmem:$0x1C000] =	vst v63  }
0x57: {  	s21 =	rddreg [dreg:$0xd]  }
0x58: {  	[tilespmem:s0], [sflag:$0x2] =	stream.linear.gather [hbm4b:s21+s12], $0x80, $0x38;
	[tilespmem:$0x1C000] =	vst v63  }
0x59: {  	_ =	swait.ge [sflag:s4], $0x80  }
0x5a: {  	[sflag:s4] =	ssyncset.done $0x0  }
0x5b: {  	[sflag:s4] =	ssyncadd.s32 $0xFFFFFF80  }
0x5c: {  	[tilespmem:s23], [sflag:$0x3] =	stream.indirect.gather [hbm4b:s5+s26], $0x80, s12, s26, $0xb8;
	[tilespmem:$0x1C000] =	vst v63  }
0x5d: {  	_ =	swait.ge [sflag:s4], $0x80  }
0x5e: {  	[sflag:s4] =	ssyncset.done $0x0  }
0x5f: {  	[sflag:s4] =	ssyncadd.s32 $0xFFFFFF80  }
0x60: {  	[tilespmem:s30], [sflag:$0x3] =	stream.indirect.gather [hbm4b:s5+s26], $0x80, s26, s26, $0xb8;
	[tilespmem:$0x1C000] =	vst v63  }
.LBB2_4:
0x61: {  	_ =	swait.ge [sflag:s8], $0x80  }
0x62: {  	[sflag:s8] =	ssyncset.done $0x0  }
0x63: {  	[sflag:s8] =	ssyncadd.s32 $0xFFFFFF80  }
0x64: {  	_ =	swait.ge [sflag:s9], $0x4000  }
0x65: {  	[sflag:s9] =	ssyncset.done $0x0  }
0x66: {  	[sflag:s9] =	ssyncadd.s32 $0xFFFFC000  }
0x67: {  	[spmem:s2] =	stream.indirect.scatter.add.f32 [tilespmem:s23], [sflag:$0x4], $0x80, s25, s26, $0xb8;
	[tilespmem:$0x1C000] =	vst v63  }
0x68: {  	_ =	swait.ge [sflag:s24], $0x4000  }
0x69: {  	[sflag:s24] =	ssyncset.done $0x0  }
0x6a: {  	[sflag:s24] =	ssyncadd.s32 $0xFFFFC000  }
0x6b: {  	_ =	swait.ge [sflag:s4], $0x80  }
0x6c: {  	p0 =	seq.s32 s12, $0x4C0;
	[sflag:s4] =	ssyncset.done $0x0  }
0x6d: {  	s16 =	sadd.s32 @!p0 s12, s13;
	[sflag:s4] =	ssyncadd.s32 $0xFFFFFF80  }
0x6e: {  	[tilespmem:s23], [sflag:$0x3] =	stream.indirect.gather [hbm4b:s5+s26], $0x80, s29, s26, $0xb8;
	[tilespmem:$0x1C000] =	vst v63  }
0x6f: {  	s15 =	simm.s32 @!p0 $0x0;
	s17 =	sadd.s32 @!p0 $0x40, s16  }
0x70: {  	[tilespmem:s15], [sflag:$0x1] =	stream.linear.gather @!p0 [hbm4b:s17+s15], $0x80, $0x38;
	[tilespmem:$0x1C000] =	vst v63  }
0x71: {  	s17 =	sadd.s32 @!p0 s12, s14  }
0x72: {  	s19 =	simm.s32 @!p0 $0x200;
	s18 =	sadd.s32 @!p0 $0x40, s17  }
0x73: {  	[tilespmem:s19], [sflag:$0x2] =	stream.linear.gather @!p0 [hbm4b:s18+s15], $0x80, $0x38;
	[tilespmem:$0x1C000] =	vst v63  }
0x74: {  	_ =	swait.ge [sflag:s8], $0x80  }
0x75: {  	[sflag:s8] =	ssyncset.done $0x0  }
0x76: {  	[sflag:s8] =	ssyncadd.s32 $0xFFFFFF80  }
0x77: {  	_ =	swait.ge [sflag:s9], $0x4000  }
0x78: {  	[sflag:s9] =	ssyncset.done $0x0  }
0x79: {  	[sflag:s9] =	ssyncadd.s32 $0xFFFFC000  }
0x7a: {  	[spmem:s2] =	stream.indirect.scatter.add.f32 [tilespmem:s30], [sflag:$0x4], $0x80, s28, s26, $0xb8;
	[tilespmem:$0x1C000] =	vst v63  }
0x7b: {  	_ =	swait.ge [sflag:s24], $0x4000  }
0x7c: {  	[sflag:s24] =	ssyncset.done $0x0  }
0x7d: {  	[sflag:s24] =	ssyncadd.s32 $0xFFFFC000  }
0x7e: {  	_ =	swait.ge [sflag:s4], $0x80  }
0x7f: {  	[sflag:s4] =	ssyncset.done $0x0  }
0x80: {  	s18 =	simm.s32 @p0 $0x2;
	[sflag:s4] =	ssyncadd.s32 $0xFFFFFF80  }
0x81: {  	[tilespmem:s30], [sflag:$0x3] =	stream.indirect.gather [hbm4b:s5+s26], $0x80, s31, s26, $0xb8;
	[tilespmem:$0x1C000] =	vst v63  }
0x82: {  	_ =	swait.ge @p0 [sflag:s18], $0x80  }
0x83: {  	[sflag:s18] =	ssyncset.done @p0 $0x0  }
0x84: {  	[sflag:s18] =	ssyncadd.s32 @p0 $0xFFFFFF80;
	s18 =	simm.s32 @p0 $0x3  }
0x85: {  	_ =	swait.ge @p0 [sflag:s18], $0x4000  }
0x86: {  	s20 =	simm.s32 @p0 $0x400;
	[sflag:s18] =	ssyncset.done @p0 $0x0  }
0x87: {  	s19 =	simm.s32 @p0 $0x300;
	[sflag:s18] =	ssyncadd.s32 @p0 $0xFFFFC000;
	s18 =	simm.s32 @p0 $0x80  }
0x88: {  	[spmem:s2] =	stream.indirect.scatter.add.f32 @p0 [tilespmem:s20], [sflag:$0x4], $0x80, s19, s18, $0xb8;
	[tilespmem:$0x1C000] =	vst v63  }
0x89: {  	s18 =	simm.s32 @p0 $0x4;
	s19 =	sadd.s32 @!p0 s12, s11  }
0x8a: {  	_ =	swait.ge @p0 [sflag:s18], $0x4000;
	s19 =	sadd.s32 @!p0 $0x50, s19  }
0x8b: {  	[sflag:s18] =	ssyncset.done @p0 $0x0;
	s19 =	sand.u32 @!p0 $0xFFFFFD0, s19  }
0x8c: {  	s20 =	simm.s32 @!p0 $0x80;
	[sflag:s18] =	ssyncadd.s32 @p0 $0xFFFFC000;
	s18 =	sadd.s32 @!p0 s1, s19  }
0x8d: {  	[tilespmem:s20], [sflag:$0x1] =	stream.linear.gather @!p0 [hbm4b:s18+s15], $0x80, $0x38;
	[tilespmem:$0x1C000] =	vst v63  }
0x8e: {  	s18 =	sadd.s32 @!p0 s6, s19;
	s19 =	simm.s32 @!p0 $0x280  }
0x8f: {  	[tilespmem:s19], [sflag:$0x2] =	stream.linear.gather @!p0 [hbm4b:s18+s15], $0x80, $0x38;
	[tilespmem:$0x1C000] =	vst v63  }
0x90: {  	s18 =	simm.s32 @!p0 $0x2  }
0x91: {  	_ =	swait.ge @!p0 [sflag:s18], $0x80  }
0x92: {  	[sflag:s18] =	ssyncset.done @!p0 $0x0  }
0x93: {  	[sflag:s18] =	ssyncadd.s32 @!p0 $0xFFFFFF80;
	s18 =	simm.s32 @!p0 $0x3  }
0x94: {  	_ =	swait.ge @!p0 [sflag:s18], $0x4000  }
0x95: {  	s21 =	simm.s32 @!p0 $0x4;
	[sflag:s18] =	ssyncset.done @!p0 $0x0  }
0x96: {  	s19 =	simm.s32 @!p0 $0x400;
	[sflag:s18] =	ssyncadd.s32 @!p0 $0xFFFFC000;
	s18 =	simm.s32 @!p0 $0x300  }
0x97: {  	[spmem:s2] =	stream.indirect.scatter.add.f32 @!p0 [tilespmem:s19], [sflag:$0x4], $0x80, s18, s20, $0xb8;
	[tilespmem:$0x1C000] =	vst v63  }
0x98: {  	_ =	swait.ge @!p0 [sflag:s21], $0x4000  }
0x99: {  	[sflag:s21] =	ssyncset.done @!p0 $0x0  }
0x9a: {  	[sflag:s21] =	ssyncadd.s32 @!p0 $0xFFFFC000;
	s21 =	simm.s32 @!p0 $0x1  }
0x9b: {  	_ =	swait.ge @!p0 [sflag:s21], $0x80  }
0x9c: {  	[sflag:s21] =	ssyncset.done @!p0 $0x0  }
0x9d: {  	[sflag:s21] =	ssyncadd.s32 @!p0 $0xFFFFFF80  }
0x9e: {  	[tilespmem:s19], [sflag:$0x3] =	stream.indirect.gather @!p0 [hbm4b:s5+s20], $0x80, s15, s20, $0xb8;
	[tilespmem:$0x1C000] =	vst v63  }
0x9f: {  	s16 =	sadd.s32 @!p0 $0x60, s16;
	s19 =	simm.s32 @!p0 $0x100  }
0xa0: {  	[tilespmem:s19], [sflag:$0x1] =	stream.linear.gather @!p0 [hbm4b:s16+s15], $0x80, $0x38;
	[tilespmem:$0x1C000] =	vst v63  }
0xa1: {  	s16 =	sadd.s32 @!p0 $0x60, s17  }
0xa2: {  	[tilespmem:s18], [sflag:$0x2] =	stream.linear.gather @!p0 [hbm4b:s16+s15], $0x80, $0x38;
	[tilespmem:$0x1C000] =	vst v63  }
0xa3: {  	_ =	swait.ge [sflag:s8], $0x80  }
0xa4: {  	[sflag:s8] =	ssyncset.done $0x0  }
0xa5: {  	[sflag:s8] =	ssyncadd.s32 $0xFFFFFF80  }
0xa6: {  	_ =	swait.ge [sflag:s9], $0x4000  }
0xa7: {  	[sflag:s9] =	ssyncset.done $0x0  }
.Ltmp3:
0xa8: {  	[sflag:s9] =	ssyncadd.s32 $0xFFFFC000;
	(pc) =	sbr.rel @p0 .LBB2_6-.Ltmp3, $4  }
0xa9: {  	[spmem:s2] =	stream.indirect.scatter.add.f32 [tilespmem:s30], [sflag:$0x4], $0x80, s0, s26, $0xb8;
	[tilespmem:$0x1C000] =	vst v63  }
0xaa: {  	_ =	swait.ge [sflag:s24], $0x4000  }
0xab: {  	[sflag:s24] =	ssyncset.done $0x0  }
0xac: {  	[sflag:s24] =	ssyncadd.s32 $0xFFFFC000  }
0xad: {  	_ =	swait.ge [sflag:s4], $0x80  }
0xae: {  	[sflag:s4] =	ssyncset.done $0x0  }
0xaf: {  	[sflag:s4] =	ssyncadd.s32 $0xFFFFFF80  }
0xb0: {  	[tilespmem:s30], [sflag:$0x3] =	stream.indirect.gather [hbm4b:s5+s26], $0x80, s26, s26, $0xb8;
	[tilespmem:$0x1C000] =	vst v63  }
.Ltmp4:
0xb1: {  	s15 =	sadd.s32 s12, s13;
	(pc) =	sbr.rel .LBB2_4-.Ltmp4, $4  }
0xb2: {  	s21 =	sadd.s32 s12, s14;
	s15 =	sadd.s32 $0x70, s15  }
0xb3: {  	[tilespmem:s31], [sflag:$0x1] =	stream.linear.gather [hbm4b:s15+s3], $0x80, $0x38;
	[tilespmem:$0x1C000] =	vst v63  }
0xb4: {  	s12 =	sadd.s32 $0x40, s12;
	s15 =	sadd.s32 $0x70, s21  }
0xb5: {  	[tilespmem:s0], [sflag:$0x2] =	stream.linear.gather [hbm4b:s15+s3], $0x80, $0x38;
	[tilespmem:$0x1C000] =	vst v63  }
.LBB2_7:
0xb6: {  	_ =	sfence.sel $0x180000  }
0xb7: {  	[bflag:$0x0] =	sbarrier.arrive $0xFFFF  }
0xb8: {  	_ =	strace $0x9000004A  }
0xb9: {  	s0 =	stileid.u32;
	[bflag:$0x2] =	sbarrier.arrive $0xFFFF  }
0xba: {  	p0 =	sne.s32 s0, $0x0;
	s0 =	rddreg [dreg:$0x3]  }
0xbb: {  	s0 =	sadd.s32 @!p0 $0x100000, s0  }
0xbc: {  	[sflag:s0] =	ssyncadd.tile.s32 @!p0 $0x1;
	_ =	shalt  }
.Lfunc_end2:
_tile_overlayer_lowered:
.L_overlay_start_2:
0xbd: {  	(tag) =	ssettag $0x2  }
0xbe: {  	s0 =	rddreg [dreg:$0x0];
	s2 =	stileid.u32  }
0xbf: {  	s1 =	rddreg [dreg:$0x1];
	p0 =	sne.s32 s2, $0x0  }
0xc0: {  	s3 =	rddreg [dreg:$0x2];
	[bflag:$0x3] =	sbarrier.arrive $0xFFFF;
	s2 =	simm.s32 @!p0 $0x1C04  }
0xc1: {  	[timem:s3], [sflag:s2] =	dma.local @!p0 [hbm:s0], s1  }
0xc2: {  	s0 =	simm.s32 @!p0 $0x4  }
0xc3: {  	_ =	swait.ge @!p0 [sflag:s0], s1  }
0xc4: {  	s1 =	ssub.s32 @!p0 $0x0, s1;
	[sflag:s0] =	ssyncset.done @!p0 $0x0  }
0xc5: {  	[sflag:s0] =	ssyncadd.s32 @!p0 s1  }
0xc6: {  	[bflag:$0x3] =	sbarrier.arrive $0xFFFF  }
0xc7: {  	_ =	shalt  }

// kernel: kernel.15.cloned.1.call-start
scs
__scs_entry_jumppad:
0x0: {  	(pc) =	sbr.rel $0x88, $3  }
0x1: {  	(tag) =	ssettag $0x0;
	lr =	simm.s32 $0x1  }
0x2: {  	[smem:$0x3F9D] =	sst lr;
	_ =	strace $0xD0000000  }
0x3: {  	_ = 	snop  }
0x4: {  	_ = 	snop  }
0x5: {  	_ = 	snop  }
0x6: {  	_ = 	snop  }
0x7: {  	_ = 	snop  }
__scs_overlays_trampoline_lowered:
0x8: {  	[smem:$0x3FAC] =	sst s0  }
0x9: {  	[smem:$0x3FAD] =	sst s1  }
0xa: {  	[smem:$0x3FAE] =	sst s2  }
0xb: {  	[smem:$0x3FAF] =	sst s3  }
0xc: {  	[smem:$0x3FB0] =	sst s4  }
0xd: {  	[smem:$0x3FB1] =	sst s5  }
0xe: {  	[smem:$0x3FB2] =	sst s6  }
0xf: {  	[smem:$0x3FB3] =	sst s7  }
0x10: {  	[smem:$0x3FB4] =	sst s8  }
0x11: {  	[smem:$0x3FB5] =	sst s9;
	s0 =	simm.s32 @!p0 $0x0  }
0x12: {  	s1 =	sld [smem:$0x3F9B];
	s0 =	simm.s32 @p0 $0x1  }
0x13: {  	[smem:$0x3FB6] =	sst s0;
	s0 =	simm.s32 @!p1 $0x0  }
0x14: {  	s2 =	sld [smem:$0x3F9A];
	s0 =	simm.s32 @p1 $0x1  }
0x15: {  	[smem:$0x3FB7] =	sst s0;
	s0 =	simm.s32 @!p2 $0x0  }
0x16: {  	s3 =	sld [smem:$0x3FDB];
	s0 =	simm.s32 @p2 $0x1  }
0x17: {  	s4 =	simm.s32 $0x1BF5;
	[smem:$0x3FB9] =	sst s0  }
0x18: {  	s0 =	sld [smem:$0x3F9C];
	_ =	swait.ge [sflag:s4], $0x0  }
0x19: {  	s7 =	sld [smem:$0x3F9D]  }
0x1a: {  	s8 =	sadd.s32 $0xFFFFE003, lr  }
0x1b: {  	s9 =	sadd.s32 $0xFFFFFEF7, lr;
	s5 =	simm.s32 $0xFFFFFFFF;
	p2 =	slt.u32 s8, $0xFFFFF086  }
0x1c: {  	p1 =	slt.u32 s9, $0xF7A;
	s5 =	simm.s32 @!p2 $0x0  }
0x1d: {  	s5 =	simm.s32 @p1 $0x1;
	p0 =	seq.s32 s7, s2  }
0x1e: {  	s7 =	smul.u32 @!p0 $0xF7A, s2;
	p2 =	seq.s32 @!p0 s5, $0x0  }
0x1f: {  	s9 =	smul.u32 $0xF7A, s1;
	s8 =	simm.s32 @!p0 $0x1BF5;
	p2 =	por !p2, p0  }
0x20: {  	[sflag:s8] =	ssyncset.s32 @!p0 $0xFFFFF086;
	s6 =	sadd.s32 @!p0 s3, s7;
	s7 =	simm.s32 @!p0 $0x108  }
0x21: {  	s3 =	sadd.s32 s3, s9;
	s6 =	sadd.s32 @!p0 $0x88, s6;
	s7 =	simm.s32 @p2 $0x1082  }
0x22: {  	[simem:s7], [sflag:s8] =	dma.local @!p0 [hbm:s6], $0xF7A  }
0x23: {  	s9 =	sor.u32 $0xD0000000, s2;
	s6 =	simm.s32 $0x108;
	_ =	swait.ge @!p0 [sflag:s8], $0x0  }
0x24: {  	s3 =	sadd.s32 $0x88, s3;
	s6 =	simm.s32 @!p1 $0x1082;
	[sflag:s4] =	ssyncset.s32 $0xFFFFF086  }
0x25: {  	[simem:s6], [sflag:s4] =	dma.local [hbm:s3], $0xF7A  }
0x26: {  	[smem:$0x3F9D] =	sst s1;
	(tag) =	ssettag s2;
	_ =	strace s9  }
0x27: {  	s1 =	sld [smem:$0x3FAD]  }
0x28: {  	s2 =	sld [smem:$0x3FAE]  }
0x29: {  	s4 =	sld [smem:$0x3FB0]  }
0x2a: {  	p0 =	seq.s32 s5, $0x0;
	s5 =	sld [smem:$0x3FB1]  }
0x2b: {  	s6 =	sld [smem:$0x3FB2]  }
0x2c: {  	s7 =	sld [smem:$0x3FB3]  }
0x2d: {  	s3 =	simm.s32 $0x108;
	s8 =	sld [smem:$0x3FB4]  }
0x2e: {  	s3 =	simm.s32 @!p0 $0x1082;
	s9 =	sld [smem:$0x3FB5]  }
0x2f: {  	lr =	sadd.s32 s0, s3;
	s0 =	sld [smem:$0x3FAC]  }
0x30: {  	s3 =	sld [smem:$0x3FAF]  }
0x31: {  	[smem:$0x3FB8] =	sst s10  }
0x32: {  	s10 =	sld [smem:$0x3FB6];
	_ =	sdelay $0x3  }
0x33: {  	p0 =	seq.s32 s10, $0x1;
	s10 =	sld [smem:$0x3FB8];
	_ =	sdelay $0x3  }
0x34: {  	[smem:$0x3FB8] =	sst s10  }
0x35: {  	s10 =	sld [smem:$0x3FB7];
	_ =	sdelay $0x3  }
0x36: {  	p1 =	seq.s32 s10, $0x1;
	s10 =	sld [smem:$0x3FB8];
	_ =	sdelay $0x3  }
0x37: {  	[smem:$0x3FB8] =	sst s10  }
0x38: {  	s10 =	sld [smem:$0x3FB9]  }
0x39: {  	_ = 	snop;
	(pc) =	sbr.ind lr, $3  }
0x3a: {  	_ = 	snop  }
0x3b: {  	_ = 	snop  }
0x3c: {  	p2 =	seq.s32 s10, $0x1;
	s10 =	sld [smem:$0x3FB8]  }
0x3d: {  	_ =	shalt  }
0x3e: {  	_ =	shalt  }
0x3f: {  	_ =	shalt  }
0x40: {  	_ =	shalt  }
0x41: {  	_ =	shalt  }
0x42: {  	_ =	shalt  }
0x43: {  	_ =	shalt  }
0x44: {  	_ =	shalt  }
0x45: {  	_ =	shalt  }
0x46: {  	_ =	shalt  }
0x47: {  	_ =	shalt  }
0x48: {  	_ =	shalt  }
0x49: {  	_ =	shalt  }
0x4a: {  	_ =	shalt  }
0x4b: {  	_ =	shalt  }
0x4c: {  	_ =	shalt  }
0x4d: {  	_ =	shalt  }
0x4e: {  	_ =	shalt  }
0x4f: {  	_ =	shalt  }
0x50: {  	_ =	shalt  }
0x51: {  	_ =	shalt  }
0x52: {  	_ =	shalt  }
0x53: {  	_ =	shalt  }
0x54: {  	_ =	shalt  }
0x55: {  	_ =	shalt  }
0x56: {  	_ =	shalt  }
0x57: {  	_ =	shalt  }
0x58: {  	_ =	shalt  }
0x59: {  	_ =	shalt  }
0x5a: {  	_ =	shalt  }
0x5b: {  	_ =	shalt  }
0x5c: {  	_ =	shalt  }
0x5d: {  	_ =	shalt  }
0x5e: {  	_ =	shalt  }
0x5f: {  	_ =	shalt  }
0x60: {  	_ =	shalt  }
0x61: {  	_ =	shalt  }
0x62: {  	_ =	shalt  }
0x63: {  	_ =	shalt  }
0x64: {  	_ =	shalt  }
0x65: {  	_ =	shalt  }
0x66: {  	_ =	shalt  }
0x67: {  	_ =	shalt  }
0x68: {  	_ =	shalt  }
0x69: {  	_ =	shalt  }
0x6a: {  	_ =	shalt  }
0x6b: {  	_ =	shalt  }
0x6c: {  	_ =	shalt  }
0x6d: {  	_ =	shalt  }
0x6e: {  	_ =	shalt  }
0x6f: {  	_ =	shalt  }
0x70: {  	_ =	shalt  }
0x71: {  	_ =	shalt  }
0x72: {  	_ =	shalt  }
0x73: {  	_ =	shalt  }
0x74: {  	_ =	shalt  }
0x75: {  	_ =	shalt  }
0x76: {  	_ =	shalt  }
0x77: {  	_ =	shalt  }
0x78: {  	_ =	shalt  }
0x79: {  	_ =	shalt  }
0x7a: {  	_ =	shalt  }
0x7b: {  	_ =	shalt  }
0x7c: {  	_ =	shalt  }
0x7d: {  	_ =	shalt  }
0x7e: {  	_ =	shalt  }
0x7f: {  	_ =	shalt  }
0x80: {  	_ =	shalt  }
0x81: {  	_ =	shalt  }
0x82: {  	_ =	shalt  }
0x83: {  	_ =	shalt  }
0x84: {  	_ =	shalt  }
0x85: {  	_ =	shalt  }
0x86: {  	_ =	shalt  }
0x87: {  	_ =	shalt  }
.Lfunc_end0:
.L_simem_size_0:
called_computation.2_lowered:
.L_overlay_start_0:
0x88: {  	s2 =	sld [smem:$0x3FD9]  }
0x89: {  	s3 =	sld [smem:$0x3FFE];
	_ =	sdelay $0x1  }
0x8a: {  	s1 =	srdreg.scid  }
0x8b: {  	s0 =	sand.u32 $0x1, s1  }
0x8c: {  	s17 =	sshll.u32 s0, $0xA;
	s2 =	sadd.s32 s3, s2  }
0x8d: {  	s2 =	sadd.s32 s2, s17  }
0x8e: {  	[smem:$0x3FC4] =	sst s2  }
0x8f: {  	_ = 	snop  }
0x90: {  	s2 =	sld [smem:$0x3FD0];
	(tm) =	ssettm $0x1  }
0x91: {  	s18 =	sld [smem:$0x3FFB];
	_ =	sdelay $0x3  }
0x92: {  	_ =	strace s18  }
0x93: {  	s3 =	sld [smem:$0x3FFC];
	_ =	sdelay $0x3  }
0x94: {  	_ =	strace s3  }
0x95: {  	s3 =	sld [smem:$0x3FFD];
	_ =	sdelay $0x3  }
0x96: {  	_ =	strace s3  }
0x97: {  	_ =	strace $0x8FFFFFFF  }
0x98: {  	s19 =	sld [smem:$0x3FDB];
	_ =	sdelay $0x1  }
0x99: {  	s4 =	simm.s32 $_scs_section_size  }
0x9a: {  	s5 =	simm.s32 $_size__tile_overlayer_lowered;
	s6 =	simm.s32 $_tile_overlayer_lowered  }
0x9b: {  	s22 =	simm.s32 $0x1BFF;
	s21 =	sshll.u32 s6, $0x1;
	s3 =	sadd.s32 s4, s19  }
0x9c: {  	s7 =	simm.s32 $0x0;
	s20 =	sshll.u32 s5, $0x1;
	s5 =	sadd.s32 s21, s3  }
0x9d: {  	[timem:s7], [sflag:s22] =	dma.local [hbm:s5], s20  }
0x9e: {  	_ =	swait.ge [sflag:s22], s20  }
0x9f: {  	s4 =	ssub.s32 $0x0, s20;
	[sflag:s22] =	ssyncset.done $0x0  }
0xa0: {  	[sflag:s22] =	ssyncadd.s32 s4;
	_ =	sdelay $0x1  }
0xa1: {  	s23 =	simm.s32 $0x1B8B  }
0xa2: {  	_ =	swait.ge [sflag:s23], $0x1  }
0xa3: {  	[sflag:s23] =	ssyncset.done $0x0  }
0xa4: {  	s25 =	simm.s32 $0x1B8E;
	s24 =	sld [smem:$0x3FFE];
	[sflag:s23] =	ssyncadd.s32 $0xFFFFFFFF  }
0xa5: {  	s26 =	simm.s32 $execute0_lowered;
	[smem:$0x3FD2] =	sst s25  }
0xa6: {  	s5 =	sshll.u32 s26, $0x1;
	_ =	strace $0x8000004C;
	[dreg:$0x1] =	wrdreg $0xFFFFFFFF  }
0xa7: {  	s28 =	simm.s32 $_size_execute0_lowered;
	s3 =	sadd.s32 s3, s5;
	[dreg:$0x0] =	wrdreg $0x0  }
0xa8: {  	s5 =	sshll.u32 s28, $0x1;
	[dreg:$0x2] =	wrdreg s3  }
0xa9: {  	[dreg:$0x3] =	wrdreg s5  }
0xaa: {  	[dreg:$0x4] =	wrdreg $0xC0  }
0xab: {  	_ =	task [dreg:s7], $0x5FFFF  }
0xac: {  	[dreg:$0x1] =	wrdreg $0xFFFFFFFF  }
0xad: {  	[dreg:$0x0] =	wrdreg $0x60  }
0xae: {  	[dreg:$0x2] =	wrdreg s24  }
0xaf: {  	[dreg:$0x3] =	wrdreg s2  }
0xb0: {  	[dreg:$0x4] =	wrdreg $0x84000  }
0xb1: {  	[dreg:$0x5] =	wrdreg $0x9  }
0xb2: {  	_ =	task.clear_ibuf [dreg:s7], $0x6FFFF;
	_ =	strace $0x9000004C  }
0xb3: {  	s29 =	simm.s32 $0x9;
	_ =	strace $0x8000004E  }
0xb4: {  	_ =	swait.ge [sflag:s29], $0x1  }
0xb5: {  	[sflag:s29] =	ssyncadd.s32 $0xFFFFFFFF  }
0xb6: {  	_ =	strace $0x9000004E  }
0xb7: {  	_ =	sfence  }
0xb8: {  	s30 =	sld [smem:$0x0];
	_ =	sdelay $0x2  }
0xb9: {  	s31 =	sshll.u32 s1, $0xD;
	s1 =	sshrl.u32 s1, $0x2  }
0xba: {  	s3 =	sand.u32 $0x4000, s31;
	s1 =	sadd.s32 s1, s30  }
0xbb: {  	s0 =	sor.u32 s3, s0;
	s1 =	sshll.u32 s1, $0x11  }
0xbc: {  	s0 =	sor.u32 s1, s0  }
0xbd: {  	s0 =	sadd.s32 $0x8F2B, s0  }
0xbe: {  	[sflag:s0] =	ssyncadd.remote.s32 $0x1  }
0xbf: {  	_ =	sfence.sel $0xFFFF  }
0xc0: {  	[dreg:$0x0] =	wrdreg $0xFFFFFFFF;
	(pc) =	sbr.abs _section_cstart, $3  }
0xc1: {  	[dreg:$0x1] =	wrdreg $0xFFFFFFFF  }
0xc2: {  	_ =	task.clear_ibuf [dreg:s7], $0x2FFFF;
	_ =	strace $0x9FFFFFFF  }
0xc3: {  	(tm) =	ssettm $0x7FFFFFFF  }
tec
execute0_lowered:
.L_overlay_start_1:
0x0: {  	(tag) =	ssettag $0x1  }
0x1: {  	s0 =	rddreg [dreg:$0x0]  }
0x2: {  	s1 =	rddreg [dreg:$0x1]  }
0x3: {  	s2 =	rddreg [dreg:$0x2];
	s3 =	simm.s32 $0x0;
	s4 =	srdreg.scid  }
0x4: {  	s12 =	stileid.u32;
	s28 =	simm.s32 $0x280;
	s29 =	simm.s32 $0x100  }
0x5: {  	s31 =	simm.s32 $0x180;
	s30 =	simm.s32 $0x4400;
	[smem:$0x7FF] =	sst s3  }
0x6: {  	s5 =	sadd.s32 $0xDE00, s0;
	s6 =	sadd.s32 $0x3E00, s0;
	s7 =	smul.u32 $0x4F000, s12  }
0x7: {  	s4 =	sand.u32 $0x1, s4;
	s8 =	sadd.s32 $0x5CE00, s0;
	s10 =	smul.u32 $0x50, s12  }
0x8: {  	s0 =	sadd.s32 $0x84600, s0;
	s25 =	smul.u32 $0x2780, s12;
	_ =	strace $0x8000004D  }
0x9: {  	s9 =	ssub.s32 $0x2, s4;
	p0 =	seq.s32 s4, $0x0;
	s7 =	sshrl.u32 s7, $0x2  }
0xa: {  	s11 =	sshrl.u32 s9, $0x1;
	s4 =	sadd.s32 $0x500, s10;
	s7 =	sadd.s32 s7, s2  }
0xb: {  	s0 =	smov.u32 @p0 s8;
	s8 =	simm.s32 $0x2;
	s15 =	sadd.s32 $0x4000, s7  }
0xc: {  	s9 =	ssub.s32 s9, s11;
	s16 =	sadd.s32 $0x8000, s7;
	[dreg:$0x4] =	wrdreg s15  }
0xd: {  	s4 =	smov.u32 @p0 s10;
	s17 =	sadd.s32 $0xC000, s7;
	[dreg:$0x5] =	wrdreg s16  }
0xe: {  	s11 =	sshll.u32 s4, $0x4;
	s18 =	sadd.s32 $0x10000, s7;
	[dreg:$0x6] =	wrdreg s17  }
0xf: {  	s26 =	smax.u32 s9, $0x1;
	[dreg:$0x7] =	wrdreg s18;
	s19 =	sor.u32 $0x10, s11  }
0x10: {  	s9 =	simm.s32 $0x3;
	[dreg:$0xe] =	wrdreg s26;
	s20 =	sadd.s32 s1, s19  }
0x11: {  	s21 =	sor.u32 $0x20, s11;
	s4 =	sadd.s32 s6, s19;
	[dreg:$0x8] =	wrdreg s20  }
0x12: {  	s13 =	sadd.s32 s1, s11;
	s22 =	sadd.s32 s1, s21;
	[dreg:$0x9] =	wrdreg s4  }
0x13: {  	s23 =	sor.u32 $0x30, s11;
	s10 =	sadd.s32 s6, s21;
	[dreg:$0xa] =	wrdreg s22  }
.Ltmp0:
0x14: {  	s24 =	sadd.s32 s1, s23;
	[dreg:$0xb] =	wrdreg s10;
	(pc) =	sbr.rel .LBB2_1-.Ltmp0, $4  }
0x15: {  	s14 =	sadd.s32 s6, s11;
	s26 =	simm.s32 $0x80;
	[dreg:$0xc] =	wrdreg s24  }
0x16: {  	s4 =	sadd.s32 s6, s23;
	s22 =	sadd.s32 s0, s25;
	s23 =	simm.s32 $0x400  }
0x17: {  	s24 =	simm.s32 $0x4;
	s25 =	simm.s32 $0x200;
	s0 =	simm.s32 $0x380  }
0x18: {  	v0 =	vimm.f32 $0.0e+00;
	s10 =	simm.s32 $0x0;
	[dreg:$0xd] =	wrdreg s4;
	s4 =	simm.s32 $0x1  }
.LBB2_6:
0x19: {  	s12 =	stileid.u32  }
0x1a: {  	s12 =	sshll.u32 s12, $0x6  }
0x1b: {  	[bflag:$0x0] =	sbarrier.arrive $0xFFFF;
	s15 =	sshrl.u32 s7, $0x3;
	s12 =	sor.u32 $0x1C04, s12  }
0x1c: {  	[hbm:s22], [sflag:s12] =	dma.local [spmem:s15], $0x2780  }
0x1d: {  	_ =	swait.ge [sflag:s24], $0x2780  }
0x1e: {  	s10 =	sadd.s32 $0x1, s10;
	s21 =	rddreg [dreg:$0xe]  }
0x1f: {  	p0 =	sne.s32 s10, s21  }
.Ltmp1:
0x20: {  	_ = 	snop;
	(pc) =	sbr.rel @!p0 .LBB2_7-.Ltmp1, $3  }
0x21: {  	_ =	sdelay $0x1  }
0x22: {  	[sflag:s24] =	ssyncset.done $0x0  }
0x23: {  	[sflag:s24] =	ssyncadd.s32 $0xFFFFD880  }
.LBB2_1:
0x24: {  	s12 =	simm.s32 $0x0;
	s15 =	simm.s32 $0x200  }
.LBB2_2:
0x25: {  	p0 =	sne.s32 s15, $0xFE00;
	[tilespmem:s12+$0x470] =	vst v0  }
0x26: {  	[tilespmem:s12+$0x400] =	vst v0  }
0x27: {  	[tilespmem:s12+$0x410] =	vst v0  }
.Ltmp2:
0x28: {  	[tilespmem:s12+$0x420] =	vst v0;
	(pc) =	sbr.rel @p0 .LBB2_2-.Ltmp2, $4  }
0x29: {  	[tilespmem:s12+$0x430] =	vst v0  }
0x2a: {  	[tilespmem:s12+$0x440] =	vst v0  }
0x2b: {  	[tilespmem:s12+$0x450] =	vst v0  }
0x2c: {  	[tilespmem:s12+$0x460] =	vst v0;
	s12 =	sshra.s32 s15, $0x2;
	s15 =	sadd.s32 $0x200, s15  }
0x2d: {  	[tilespmem:s12+$0x470] =	vst v0  }
0x2e: {  	[tilespmem:s12+$0x400] =	vst v0  }
0x2f: {  	[tilespmem:s12+$0x410] =	vst v0  }
0x30: {  	[tilespmem:s12+$0x420] =	vst v0  }
0x31: {  	[tilespmem:s12+$0x430] =	vst v0  }
0x32: {  	[tilespmem:s12+$0x440] =	vst v0  }
0x33: {  	[tilespmem:s12+$0x450] =	vst v0  }
0x34: {  	[tilespmem:s12+$0x460] =	vst v0  }
0x35: {  	[spmem:s7] =	stream.linear.scatter [tilespmem:s23], [sflag:$0x4], $0x4000, $0x38;
	[tilespmem:$0x1C000] =	vst v63  }
0x36: {  	_ =	swait.ge [sflag:s24], $0x4000  }
0x37: {  	[sflag:s24] =	ssyncset.done $0x0  }
0x38: {  	s20 =	rddreg [dreg:$0x4];
	[sflag:s24] =	ssyncadd.s32 $0xFFFFC000  }
0x39: {  	[spmem:s20] =	stream.linear.scatter [tilespmem:s23], [sflag:$0x4], $0x4000, $0x38;
	[tilespmem:$0x1C000] =	vst v63  }
0x3a: {  	_ =	swait.ge [sflag:s24], $0x4000  }
0x3b: {  	[sflag:s24] =	ssyncset.done $0x0  }
0x3c: {  	s21 =	rddreg [dreg:$0x5];
	[sflag:s24] =	ssyncadd.s32 $0xFFFFC000  }
0x3d: {  	[spmem:s21] =	stream.linear.scatter [tilespmem:s23], [sflag:$0x4], $0x4000, $0x38;
	[tilespmem:$0x1C000] =	vst v63  }
0x3e: {  	_ =	swait.ge [sflag:s24], $0x4000  }
0x3f: {  	[sflag:s24] =	ssyncset.done $0x0  }
0x40: {  	s15 =	rddreg [dreg:$0x6];
	[sflag:s24] =	ssyncadd.s32 $0xFFFFC000  }
0x41: {  	[spmem:s15] =	stream.linear.scatter [tilespmem:s23], [sflag:$0x4], $0x4000, $0x38;
	[tilespmem:$0x1C000] =	vst v63  }
0x42: {  	_ =	swait.ge [sflag:s24], $0x4000  }
0x43: {  	[sflag:s24] =	ssyncset.done $0x0  }
0x44: {  	s16 =	rddreg [dreg:$0x7];
	[sflag:s24] =	ssyncadd.s32 $0xFFFFC000  }
0x45: {  	[spmem:s16] =	stream.linear.scatter [tilespmem:s23], [sflag:$0x4], $0x3C00, $0x38;
	[tilespmem:$0x1C000] =	vst v63  }
0x46: {  	_ =	swait.ge [sflag:s24], $0x3C00  }
0x47: {  	[sflag:s24] =	ssyncset.done $0x0  }
0x48: {  	[sflag:s24] =	ssyncadd.s32 $0xFFFFC400  }
0x49: {  	s12 =	simm.s32 $0x0;
	[bflag:$0x0] =	sbarrier.arrive $0xFFFF  }
0x4a: {  	[tilespmem:s12], [sflag:$0x1] =	stream.linear.gather [hbm4b:s13+s12], $0x80, $0x38;
	[tilespmem:$0x1C000] =	vst v63  }
0x4b: {  	_ = 	snop  }
0x4c: {  	[tilespmem:s25], [sflag:$0x2] =	stream.linear.gather [hbm4b:s14+s12], $0x80, $0x38;
	[tilespmem:$0x1C000] =	vst v63  }
0x4d: {  	s15 =	rddreg [dreg:$0x8]  }
0x4e: {  	[tilespmem:s26], [sflag:$0x1] =	stream.linear.gather [hbm4b:s15+s12], $0x80, $0x38;
	[tilespmem:$0x1C000] =	vst v63  }
0x4f: {  	s17 =	rddreg [dreg:$0x9]  }
0x50: {  	[tilespmem:s28], [sflag:$0x2] =	stream.linear.gather [hbm4b:s17+s12], $0x80, $0x38;
	[tilespmem:$0x1C000] =	vst v63  }
0x51: {  	s18 =	rddreg [dreg:$0xa]  }
0x52: {  	[tilespmem:s29], [sflag:$0x1] =	stream.linear.gather [hbm4b:s18+s12], $0x80, $0x38;
	[tilespmem:$0x1C000] =	vst v63  }
0x53: {  	s16 =	simm.s32 $0x300;
	s19 =	rddreg [dreg:$0xb]  }
0x54: {  	[tilespmem:s16], [sflag:$0x2] =	stream.linear.gather [hbm4b:s19+s12], $0x80, $0x38;
	[tilespmem:$0x1C000] =	vst v63  }
0x55: {  	s20 =	rddreg [dreg:$0xc]  }
0x56: {  	[tilespmem:s31], [sflag:$0x1] =	stream.linear.gather [hbm4b:s20+s12], $0x80, $0x38;
	[tilespmem:$0x1C000] =	vst v63  }
0x57: {  	s21 =	rddreg [dreg:$0xd]  }
0x58: {  	[tilespmem:s0], [sflag:$0x2] =	stream.linear.gather [hbm4b:s21+s12], $0x80, $0x38;
	[tilespmem:$0x1C000] =	vst v63  }
0x59: {  	_ =	swait.ge [sflag:s4], $0x80  }
0x5a: {  	[sflag:s4] =	ssyncset.done $0x0  }
0x5b: {  	[sflag:s4] =	ssyncadd.s32 $0xFFFFFF80  }
0x5c: {  	[tilespmem:s23], [sflag:$0x3] =	stream.indirect.gather [hbm4b:s5+s26], $0x80, s12, s26, $0xb8;
	[tilespmem:$0x1C000] =	vst v63  }
0x5d: {  	_ =	swait.ge [sflag:s4], $0x80  }
0x5e: {  	[sflag:s4] =	ssyncset.done $0x0  }
0x5f: {  	[sflag:s4] =	ssyncadd.s32 $0xFFFFFF80  }
0x60: {  	[tilespmem:s30], [sflag:$0x3] =	stream.indirect.gather [hbm4b:s5+s26], $0x80, s26, s26, $0xb8;
	[tilespmem:$0x1C000] =	vst v63  }
.LBB2_4:
0x61: {  	_ =	swait.ge [sflag:s8], $0x80  }
0x62: {  	[sflag:s8] =	ssyncset.done $0x0  }
0x63: {  	[sflag:s8] =	ssyncadd.s32 $0xFFFFFF80  }
0x64: {  	_ =	swait.ge [sflag:s9], $0x4000  }
0x65: {  	[sflag:s9] =	ssyncset.done $0x0  }
0x66: {  	[sflag:s9] =	ssyncadd.s32 $0xFFFFC000  }
0x67: {  	[spmem:s2] =	stream.indirect.scatter.add.f32 [tilespmem:s23], [sflag:$0x4], $0x80, s25, s26, $0xb8;
	[tilespmem:$0x1C000] =	vst v63  }
0x68: {  	_ =	swait.ge [sflag:s24], $0x4000  }
0x69: {  	[sflag:s24] =	ssyncset.done $0x0  }
0x6a: {  	[sflag:s24] =	ssyncadd.s32 $0xFFFFC000  }
0x6b: {  	_ =	swait.ge [sflag:s4], $0x80  }
0x6c: {  	p0 =	seq.s32 s12, $0x4C0;
	[sflag:s4] =	ssyncset.done $0x0  }
0x6d: {  	s16 =	sadd.s32 @!p0 s12, s13;
	[sflag:s4] =	ssyncadd.s32 $0xFFFFFF80  }
0x6e: {  	[tilespmem:s23], [sflag:$0x3] =	stream.indirect.gather [hbm4b:s5+s26], $0x80, s29, s26, $0xb8;
	[tilespmem:$0x1C000] =	vst v63  }
0x6f: {  	s15 =	simm.s32 @!p0 $0x0;
	s17 =	sadd.s32 @!p0 $0x40, s16  }
0x70: {  	[tilespmem:s15], [sflag:$0x1] =	stream.linear.gather @!p0 [hbm4b:s17+s15], $0x80, $0x38;
	[tilespmem:$0x1C000] =	vst v63  }
0x71: {  	s17 =	sadd.s32 @!p0 s12, s14  }
0x72: {  	s19 =	simm.s32 @!p0 $0x200;
	s18 =	sadd.s32 @!p0 $0x40, s17  }
0x73: {  	[tilespmem:s19], [sflag:$0x2] =	stream.linear.gather @!p0 [hbm4b:s18+s15], $0x80, $0x38;
	[tilespmem:$0x1C000] =	vst v63  }
0x74: {  	_ =	swait.ge [sflag:s8], $0x80  }
0x75: {  	[sflag:s8] =	ssyncset.done $0x0  }
0x76: {  	[sflag:s8] =	ssyncadd.s32 $0xFFFFFF80  }
0x77: {  	_ =	swait.ge [sflag:s9], $0x4000  }
0x78: {  	[sflag:s9] =	ssyncset.done $0x0  }
0x79: {  	[sflag:s9] =	ssyncadd.s32 $0xFFFFC000  }
0x7a: {  	[spmem:s2] =	stream.indirect.scatter.add.f32 [tilespmem:s30], [sflag:$0x4], $0x80, s28, s26, $0xb8;
	[tilespmem:$0x1C000] =	vst v63  }
0x7b: {  	_ =	swait.ge [sflag:s24], $0x4000  }
0x7c: {  	[sflag:s24] =	ssyncset.done $0x0  }
0x7d: {  	[sflag:s24] =	ssyncadd.s32 $0xFFFFC000  }
0x7e: {  	_ =	swait.ge [sflag:s4], $0x80  }
0x7f: {  	[sflag:s4] =	ssyncset.done $0x0  }
0x80: {  	s18 =	simm.s32 @p0 $0x2;
	[sflag:s4] =	ssyncadd.s32 $0xFFFFFF80  }
0x81: {  	[tilespmem:s30], [sflag:$0x3] =	stream.indirect.gather [hbm4b:s5+s26], $0x80, s31, s26, $0xb8;
	[tilespmem:$0x1C000] =	vst v63  }
0x82: {  	_ =	swait.ge @p0 [sflag:s18], $0x80  }
0x83: {  	[sflag:s18] =	ssyncset.done @p0 $0x0  }
0x84: {  	[sflag:s18] =	ssyncadd.s32 @p0 $0xFFFFFF80;
	s18 =	simm.s32 @p0 $0x3  }
0x85: {  	_ =	swait.ge @p0 [sflag:s18], $0x4000  }
0x86: {  	s20 =	simm.s32 @p0 $0x400;
	[sflag:s18] =	ssyncset.done @p0 $0x0  }
0x87: {  	s19 =	simm.s32 @p0 $0x300;
	[sflag:s18] =	ssyncadd.s32 @p0 $0xFFFFC000;
	s18 =	simm.s32 @p0 $0x80  }
0x88: {  	[spmem:s2] =	stream.indirect.scatter.add.f32 @p0 [tilespmem:s20], [sflag:$0x4], $0x80, s19, s18, $0xb8;
	[tilespmem:$0x1C000] =	vst v63  }
0x89: {  	s18 =	simm.s32 @p0 $0x4;
	s19 =	sadd.s32 @!p0 s12, s11  }
0x8a: {  	_ =	swait.ge @p0 [sflag:s18], $0x4000;
	s19 =	sadd.s32 @!p0 $0x50, s19  }
0x8b: {  	[sflag:s18] =	ssyncset.done @p0 $0x0;
	s19 =	sand.u32 @!p0 $0xFFFFFD0, s19  }
0x8c: {  	s20 =	simm.s32 @!p0 $0x80;
	[sflag:s18] =	ssyncadd.s32 @p0 $0xFFFFC000;
	s18 =	sadd.s32 @!p0 s1, s19  }
0x8d: {  	[tilespmem:s20], [sflag:$0x1] =	stream.linear.gather @!p0 [hbm4b:s18+s15], $0x80, $0x38;
	[tilespmem:$0x1C000] =	vst v63  }
0x8e: {  	s18 =	sadd.s32 @!p0 s6, s19;
	s19 =	simm.s32 @!p0 $0x280  }
0x8f: {  	[tilespmem:s19], [sflag:$0x2] =	stream.linear.gather @!p0 [hbm4b:s18+s15], $0x80, $0x38;
	[tilespmem:$0x1C000] =	vst v63  }
0x90: {  	s18 =	simm.s32 @!p0 $0x2  }
0x91: {  	_ =	swait.ge @!p0 [sflag:s18], $0x80  }
0x92: {  	[sflag:s18] =	ssyncset.done @!p0 $0x0  }
0x93: {  	[sflag:s18] =	ssyncadd.s32 @!p0 $0xFFFFFF80;
	s18 =	simm.s32 @!p0 $0x3  }
0x94: {  	_ =	swait.ge @!p0 [sflag:s18], $0x4000  }
0x95: {  	s21 =	simm.s32 @!p0 $0x4;
	[sflag:s18] =	ssyncset.done @!p0 $0x0  }
0x96: {  	s19 =	simm.s32 @!p0 $0x400;
	[sflag:s18] =	ssyncadd.s32 @!p0 $0xFFFFC000;
	s18 =	simm.s32 @!p0 $0x300  }
0x97: {  	[spmem:s2] =	stream.indirect.scatter.add.f32 @!p0 [tilespmem:s19], [sflag:$0x4], $0x80, s18, s20, $0xb8;
	[tilespmem:$0x1C000] =	vst v63  }
0x98: {  	_ =	swait.ge @!p0 [sflag:s21], $0x4000  }
0x99: {  	[sflag:s21] =	ssyncset.done @!p0 $0x0  }
0x9a: {  	[sflag:s21] =	ssyncadd.s32 @!p0 $0xFFFFC000;
	s21 =	simm.s32 @!p0 $0x1  }
0x9b: {  	_ =	swait.ge @!p0 [sflag:s21], $0x80  }
0x9c: {  	[sflag:s21] =	ssyncset.done @!p0 $0x0  }
0x9d: {  	[sflag:s21] =	ssyncadd.s32 @!p0 $0xFFFFFF80  }
0x9e: {  	[tilespmem:s19], [sflag:$0x3] =	stream.indirect.gather @!p0 [hbm4b:s5+s20], $0x80, s15, s20, $0xb8;
	[tilespmem:$0x1C000] =	vst v63  }
0x9f: {  	s16 =	sadd.s32 @!p0 $0x60, s16;
	s19 =	simm.s32 @!p0 $0x100  }
0xa0: {  	[tilespmem:s19], [sflag:$0x1] =	stream.linear.gather @!p0 [hbm4b:s16+s15], $0x80, $0x38;
	[tilespmem:$0x1C000] =	vst v63  }
0xa1: {  	s16 =	sadd.s32 @!p0 $0x60, s17  }
0xa2: {  	[tilespmem:s18], [sflag:$0x2] =	stream.linear.gather @!p0 [hbm4b:s16+s15], $0x80, $0x38;
	[tilespmem:$0x1C000] =	vst v63  }
0xa3: {  	_ =	swait.ge [sflag:s8], $0x80  }
0xa4: {  	[sflag:s8] =	ssyncset.done $0x0  }
0xa5: {  	[sflag:s8] =	ssyncadd.s32 $0xFFFFFF80  }
0xa6: {  	_ =	swait.ge [sflag:s9], $0x4000  }
0xa7: {  	[sflag:s9] =	ssyncset.done $0x0  }
.Ltmp3:
0xa8: {  	[sflag:s9] =	ssyncadd.s32 $0xFFFFC000;
	(pc) =	sbr.rel @p0 .LBB2_6-.Ltmp3, $4  }
0xa9: {  	[spmem:s2] =	stream.indirect.scatter.add.f32 [tilespmem:s30], [sflag:$0x4], $0x80, s0, s26, $0xb8;
	[tilespmem:$0x1C000] =	vst v63  }
0xaa: {  	_ =	swait.ge [sflag:s24], $0x4000  }
0xab: {  	[sflag:s24] =	ssyncset.done $0x0  }
0xac: {  	[sflag:s24] =	ssyncadd.s32 $0xFFFFC000  }
0xad: {  	_ =	swait.ge [sflag:s4], $0x80  }
0xae: {  	[sflag:s4] =	ssyncset.done $0x0  }
0xaf: {  	[sflag:s4] =	ssyncadd.s32 $0xFFFFFF80  }
0xb0: {  	[tilespmem:s30], [sflag:$0x3] =	stream.indirect.gather [hbm4b:s5+s26], $0x80, s26, s26, $0xb8;
	[tilespmem:$0x1C000] =	vst v63  }
.Ltmp4:
0xb1: {  	s15 =	sadd.s32 s12, s13;
	(pc) =	sbr.rel .LBB2_4-.Ltmp4, $4  }
0xb2: {  	s21 =	sadd.s32 s12, s14;
	s15 =	sadd.s32 $0x70, s15  }
0xb3: {  	[tilespmem:s31], [sflag:$0x1] =	stream.linear.gather [hbm4b:s15+s3], $0x80, $0x38;
	[tilespmem:$0x1C000] =	vst v63  }
0xb4: {  	s12 =	sadd.s32 $0x40, s12;
	s15 =	sadd.s32 $0x70, s21  }
0xb5: {  	[tilespmem:s0], [sflag:$0x2] =	stream.linear.gather [hbm4b:s15+s3], $0x80, $0x38;
	[tilespmem:$0x1C000] =	vst v63  }
.LBB2_7:
0xb6: {  	_ =	sfence.sel $0x180000  }
0xb7: {  	[bflag:$0x0] =	sbarrier.arrive $0xFFFF  }
0xb8: {  	_ =	strace $0x9000004D  }
0xb9: {  	s0 =	stileid.u32;
	[bflag:$0x2] =	sbarrier.arrive $0xFFFF  }
0xba: {  	p0 =	sne.s32 s0, $0x0;
	s0 =	rddreg [dreg:$0x3]  }
0xbb: {  	s0 =	sadd.s32 @!p0 $0x100000, s0  }
0xbc: {  	[sflag:s0] =	ssyncadd.tile.s32 @!p0 $0x1;
	_ =	shalt  }
.Lfunc_end2:
_tile_overlayer_lowered:
.L_overlay_start_2:
0xbd: {  	(tag) =	ssettag $0x2  }
0xbe: {  	s0 =	rddreg [dreg:$0x0];
	s2 =	stileid.u32  }
0xbf: {  	s1 =	rddreg [dreg:$0x1];
	p0 =	sne.s32 s2, $0x0  }
0xc0: {  	s3 =	rddreg [dreg:$0x2];
	[bflag:$0x3] =	sbarrier.arrive $0xFFFF;
	s2 =	simm.s32 @!p0 $0x1C04  }
0xc1: {  	[timem:s3], [sflag:s2] =	dma.local @!p0 [hbm:s0], s1  }
0xc2: {  	s0 =	simm.s32 @!p0 $0x4  }
0xc3: {  	_ =	swait.ge @!p0 [sflag:s0], s1  }
0xc4: {  	s1 =	ssub.s32 @!p0 $0x0, s1;
	[sflag:s0] =	ssyncset.done @!p0 $0x0  }
0xc5: {  	[sflag:s0] =	ssyncadd.s32 @!p0 s1  }
0xc6: {  	[bflag:$0x3] =	sbarrier.arrive $0xFFFF  }
0xc7: {  	_ =	shalt  }

// kernel: kernel.9.cloned.1.call-start
scs
__scs_entry_jumppad:
0x0: {  	(pc) =	sbr.rel $0x88, $3  }
0x1: {  	(tag) =	ssettag $0x0;
	lr =	simm.s32 $0x1  }
0x2: {  	[smem:$0x3F9D] =	sst lr;
	_ =	strace $0xD0000000  }
0x3: {  	_ = 	snop  }
0x4: {  	_ = 	snop  }
0x5: {  	_ = 	snop  }
0x6: {  	_ = 	snop  }
0x7: {  	_ = 	snop  }
__scs_overlays_trampoline_lowered:
0x8: {  	[smem:$0x3FAC] =	sst s0  }
0x9: {  	[smem:$0x3FAD] =	sst s1  }
0xa: {  	[smem:$0x3FAE] =	sst s2  }
0xb: {  	[smem:$0x3FAF] =	sst s3  }
0xc: {  	[smem:$0x3FB0] =	sst s4  }
0xd: {  	[smem:$0x3FB1] =	sst s5  }
0xe: {  	[smem:$0x3FB2] =	sst s6  }
0xf: {  	[smem:$0x3FB3] =	sst s7  }
0x10: {  	[smem:$0x3FB4] =	sst s8  }
0x11: {  	[smem:$0x3FB5] =	sst s9;
	s0 =	simm.s32 @!p0 $0x0  }
0x12: {  	s1 =	sld [smem:$0x3F9B];
	s0 =	simm.s32 @p0 $0x1  }
0x13: {  	[smem:$0x3FB6] =	sst s0;
	s0 =	simm.s32 @!p1 $0x0  }
0x14: {  	s2 =	sld [smem:$0x3F9A];
	s0 =	simm.s32 @p1 $0x1  }
0x15: {  	[smem:$0x3FB7] =	sst s0;
	s0 =	simm.s32 @!p2 $0x0  }
0x16: {  	s3 =	sld [smem:$0x3FDB];
	s0 =	simm.s32 @p2 $0x1  }
0x17: {  	s4 =	simm.s32 $0x1BF5;
	[smem:$0x3FB9] =	sst s0  }
0x18: {  	s0 =	sld [smem:$0x3F9C];
	_ =	swait.ge [sflag:s4], $0x0  }
0x19: {  	s7 =	sld [smem:$0x3F9D]  }
0x1a: {  	s8 =	sadd.s32 $0xFFFFE003, lr  }
0x1b: {  	s9 =	sadd.s32 $0xFFFFFEF7, lr;
	s5 =	simm.s32 $0xFFFFFFFF;
	p2 =	slt.u32 s8, $0xFFFFF086  }
0x1c: {  	p1 =	slt.u32 s9, $0xF7A;
	s5 =	simm.s32 @!p2 $0x0  }
0x1d: {  	s5 =	simm.s32 @p1 $0x1;
	p0 =	seq.s32 s7, s2  }
0x1e: {  	s7 =	smul.u32 @!p0 $0xF7A, s2;
	p2 =	seq.s32 @!p0 s5, $0x0  }
0x1f: {  	s9 =	smul.u32 $0xF7A, s1;
	s8 =	simm.s32 @!p0 $0x1BF5;
	p2 =	por !p2, p0  }
0x20: {  	[sflag:s8] =	ssyncset.s32 @!p0 $0xFFFFF086;
	s6 =	sadd.s32 @!p0 s3, s7;
	s7 =	simm.s32 @!p0 $0x108  }
0x21: {  	s3 =	sadd.s32 s3, s9;
	s6 =	sadd.s32 @!p0 $0x88, s6;
	s7 =	simm.s32 @p2 $0x1082  }
0x22: {  	[simem:s7], [sflag:s8] =	dma.local @!p0 [hbm:s6], $0xF7A  }
0x23: {  	s9 =	sor.u32 $0xD0000000, s2;
	s6 =	simm.s32 $0x108;
	_ =	swait.ge @!p0 [sflag:s8], $0x0  }
0x24: {  	s3 =	sadd.s32 $0x88, s3;
	s6 =	simm.s32 @!p1 $0x1082;
	[sflag:s4] =	ssyncset.s32 $0xFFFFF086  }
0x25: {  	[simem:s6], [sflag:s4] =	dma.local [hbm:s3], $0xF7A  }
0x26: {  	[smem:$0x3F9D] =	sst s1;
	(tag) =	ssettag s2;
	_ =	strace s9  }
0x27: {  	s1 =	sld [smem:$0x3FAD]  }
0x28: {  	s2 =	sld [smem:$0x3FAE]  }
0x29: {  	s4 =	sld [smem:$0x3FB0]  }
0x2a: {  	p0 =	seq.s32 s5, $0x0;
	s5 =	sld [smem:$0x3FB1]  }
0x2b: {  	s6 =	sld [smem:$0x3FB2]  }
0x2c: {  	s7 =	sld [smem:$0x3FB3]  }
0x2d: {  	s3 =	simm.s32 $0x108;
	s8 =	sld [smem:$0x3FB4]  }
0x2e: {  	s3 =	simm.s32 @!p0 $0x1082;
	s9 =	sld [smem:$0x3FB5]  }
0x2f: {  	lr =	sadd.s32 s0, s3;
	s0 =	sld [smem:$0x3FAC]  }
0x30: {  	s3 =	sld [smem:$0x3FAF]  }
0x31: {  	[smem:$0x3FB8] =	sst s10  }
0x32: {  	s10 =	sld [smem:$0x3FB6];
	_ =	sdelay $0x3  }
0x33: {  	p0 =	seq.s32 s10, $0x1;
	s10 =	sld [smem:$0x3FB8];
	_ =	sdelay $0x3  }
0x34: {  	[smem:$0x3FB8] =	sst s10  }
0x35: {  	s10 =	sld [smem:$0x3FB7];
	_ =	sdelay $0x3  }
0x36: {  	p1 =	seq.s32 s10, $0x1;
	s10 =	sld [smem:$0x3FB8];
	_ =	sdelay $0x3  }
0x37: {  	[smem:$0x3FB8] =	sst s10  }
0x38: {  	s10 =	sld [smem:$0x3FB9]  }
0x39: {  	_ = 	snop;
	(pc) =	sbr.ind lr, $3  }
0x3a: {  	_ = 	snop  }
0x3b: {  	_ = 	snop  }
0x3c: {  	p2 =	seq.s32 s10, $0x1;
	s10 =	sld [smem:$0x3FB8]  }
0x3d: {  	_ =	shalt  }
0x3e: {  	_ =	shalt  }
0x3f: {  	_ =	shalt  }
0x40: {  	_ =	shalt  }
0x41: {  	_ =	shalt  }
0x42: {  	_ =	shalt  }
0x43: {  	_ =	shalt  }
0x44: {  	_ =	shalt  }
0x45: {  	_ =	shalt  }
0x46: {  	_ =	shalt  }
0x47: {  	_ =	shalt  }
0x48: {  	_ =	shalt  }
0x49: {  	_ =	shalt  }
0x4a: {  	_ =	shalt  }
0x4b: {  	_ =	shalt  }
0x4c: {  	_ =	shalt  }
0x4d: {  	_ =	shalt  }
0x4e: {  	_ =	shalt  }
0x4f: {  	_ =	shalt  }
0x50: {  	_ =	shalt  }
0x51: {  	_ =	shalt  }
0x52: {  	_ =	shalt  }
0x53: {  	_ =	shalt  }
0x54: {  	_ =	shalt  }
0x55: {  	_ =	shalt  }
0x56: {  	_ =	shalt  }
0x57: {  	_ =	shalt  }
0x58: {  	_ =	shalt  }
0x59: {  	_ =	shalt  }
0x5a: {  	_ =	shalt  }
0x5b: {  	_ =	shalt  }
0x5c: {  	_ =	shalt  }
0x5d: {  	_ =	shalt  }
0x5e: {  	_ =	shalt  }
0x5f: {  	_ =	shalt  }
0x60: {  	_ =	shalt  }
0x61: {  	_ =	shalt  }
0x62: {  	_ =	shalt  }
0x63: {  	_ =	shalt  }
0x64: {  	_ =	shalt  }
0x65: {  	_ =	shalt  }
0x66: {  	_ =	shalt  }
0x67: {  	_ =	shalt  }
0x68: {  	_ =	shalt  }
0x69: {  	_ =	shalt  }
0x6a: {  	_ =	shalt  }
0x6b: {  	_ =	shalt  }
0x6c: {  	_ =	shalt  }
0x6d: {  	_ =	shalt  }
0x6e: {  	_ =	shalt  }
0x6f: {  	_ =	shalt  }
0x70: {  	_ =	shalt  }
0x71: {  	_ =	shalt  }
0x72: {  	_ =	shalt  }
0x73: {  	_ =	shalt  }
0x74: {  	_ =	shalt  }
0x75: {  	_ =	shalt  }
0x76: {  	_ =	shalt  }
0x77: {  	_ =	shalt  }
0x78: {  	_ =	shalt  }
0x79: {  	_ =	shalt  }
0x7a: {  	_ =	shalt  }
0x7b: {  	_ =	shalt  }
0x7c: {  	_ =	shalt  }
0x7d: {  	_ =	shalt  }
0x7e: {  	_ =	shalt  }
0x7f: {  	_ =	shalt  }
0x80: {  	_ =	shalt  }
0x81: {  	_ =	shalt  }
0x82: {  	_ =	shalt  }
0x83: {  	_ =	shalt  }
0x84: {  	_ =	shalt  }
0x85: {  	_ =	shalt  }
0x86: {  	_ =	shalt  }
0x87: {  	_ =	shalt  }
.Lfunc_end0:
.L_simem_size_0:
called_computation_lowered:
.L_overlay_start_0:
0x88: {  	s2 =	sld [smem:$0x3FD9]  }
0x89: {  	s3 =	sld [smem:$0x3FFE];
	_ =	sdelay $0x1  }
0x8a: {  	s1 =	srdreg.scid  }
0x8b: {  	s0 =	sand.u32 $0x1, s1  }
0x8c: {  	s16 =	sshll.u32 s0, $0xA;
	s2 =	sadd.s32 s3, s2  }
0x8d: {  	s2 =	sadd.s32 s2, s16  }
0x8e: {  	[smem:$0x3FC4] =	sst s2  }
0x8f: {  	_ = 	snop  }
0x90: {  	(tm) =	ssettm $0x1  }
0x91: {  	s17 =	sld [smem:$0x3FFB];
	_ =	sdelay $0x3  }
0x92: {  	_ =	strace s17  }
0x93: {  	s2 =	sld [smem:$0x3FFC];
	_ =	sdelay $0x3  }
0x94: {  	_ =	strace s2  }
0x95: {  	s2 =	sld [smem:$0x3FFD];
	_ =	sdelay $0x3  }
0x96: {  	_ =	strace s2  }
0x97: {  	_ =	strace $0x8FFFFFFF  }
0x98: {  	s18 =	sld [smem:$0x3FDB];
	_ =	sdelay $0x1  }
0x99: {  	s19 =	simm.s32 $_scs_section_size  }
0x9a: {  	s4 =	simm.s32 $_size__tile_overlayer_lowered;
	s5 =	simm.s32 $_tile_overlayer_lowered  }
0x9b: {  	s22 =	simm.s32 $0x1BFF;
	s21 =	sshll.u32 s5, $0x1;
	s2 =	sadd.s32 s19, s18  }
0x9c: {  	s6 =	simm.s32 $0x0;
	s20 =	sshll.u32 s4, $0x1;
	s4 =	sadd.s32 s21, s2  }
0x9d: {  	[timem:s6], [sflag:s22] =	dma.local [hbm:s4], s20  }
0x9e: {  	_ =	swait.ge [sflag:s22], s20  }
0x9f: {  	s3 =	ssub.s32 $0x0, s20;
	[sflag:s22] =	ssyncset.done $0x0  }
0xa0: {  	[sflag:s22] =	ssyncadd.s32 s3;
	_ =	sdelay $0x1  }
0xa1: {  	s23 =	simm.s32 $0x1B8B  }
0xa2: {  	_ =	swait.ge [sflag:s23], $0x1  }
0xa3: {  	[sflag:s23] =	ssyncset.done $0x0  }
0xa4: {  	s25 =	simm.s32 $0x1B8E;
	s24 =	sld [smem:$0x3FFE];
	[sflag:s23] =	ssyncadd.s32 $0xFFFFFFFF  }
0xa5: {  	s26 =	simm.s32 $execute0_lowered;
	[smem:$0x3FD2] =	sst s25  }
0xa6: {  	s4 =	sshll.u32 s26, $0x1;
	_ =	strace $0x80000046;
	[dreg:$0x1] =	wrdreg $0xFFFFFFFF  }
0xa7: {  	s28 =	simm.s32 $_size_execute0_lowered;
	s2 =	sadd.s32 s2, s4;
	[dreg:$0x0] =	wrdreg $0x0  }
0xa8: {  	s4 =	sshll.u32 s28, $0x1;
	[dreg:$0x2] =	wrdreg s2  }
0xa9: {  	[dreg:$0x3] =	wrdreg s4  }
0xaa: {  	[dreg:$0x4] =	wrdreg $0xC0  }
0xab: {  	_ =	task [dreg:s6], $0x5FFFF  }
0xac: {  	[dreg:$0x1] =	wrdreg $0xFFFFFFFF  }
0xad: {  	[dreg:$0x0] =	wrdreg $0x60  }
0xae: {  	[dreg:$0x2] =	wrdreg s24  }
0xaf: {  	[dreg:$0x3] =	wrdreg $0x5000  }
0xb0: {  	[dreg:$0x4] =	wrdreg $0x9  }
0xb1: {  	_ =	task.clear_ibuf [dreg:s6], $0x5FFFF;
	_ =	strace $0x90000046  }
0xb2: {  	s29 =	simm.s32 $0x9;
	_ =	strace $0x80000048  }
0xb3: {  	_ =	swait.ge [sflag:s29], $0x1  }
0xb4: {  	[sflag:s29] =	ssyncadd.s32 $0xFFFFFFFF  }
0xb5: {  	_ =	strace $0x90000048  }
0xb6: {  	_ =	sfence  }
0xb7: {  	s30 =	sld [smem:$0x0];
	_ =	sdelay $0x2  }
0xb8: {  	s31 =	sshll.u32 s1, $0xD;
	s1 =	sshrl.u32 s1, $0x2  }
0xb9: {  	s3 =	sand.u32 $0x4000, s31;
	s1 =	sadd.s32 s1, s30  }
0xba: {  	s0 =	sor.u32 s3, s0;
	s1 =	sshll.u32 s1, $0x11  }
0xbb: {  	s0 =	sor.u32 s1, s0  }
0xbc: {  	s0 =	sadd.s32 $0x8F2B, s0  }
0xbd: {  	[sflag:s0] =	ssyncadd.remote.s32 $0x1  }
0xbe: {  	_ =	sfence.sel $0xFFFF  }
0xbf: {  	[dreg:$0x0] =	wrdreg $0xFFFFFFFF;
	(pc) =	sbr.abs _section_cstart, $3  }
0xc0: {  	[dreg:$0x1] =	wrdreg $0xFFFFFFFF  }
0xc1: {  	_ =	task.clear_ibuf [dreg:s6], $0x2FFFF;
	_ =	strace $0x9FFFFFFF  }
0xc2: {  	(tm) =	ssettm $0x7FFFFFFF  }
0xc3: {  	_ =	shalt  }
tec
execute0_lowered:
.L_overlay_start_1:
0x0: {  	(tag) =	ssettag $0x1  }
0x1: {  	s5 =	rddreg [dreg:$0x0]  }
0x2: {  	s2 =	rddreg [dreg:$0x1];
	s1 =	stileid.u32;
	s3 =	simm.s32 $0x0  }
0x3: {  	s4 =	srdreg.scid;
	s13 =	simm.s32 $0x280;
	s14 =	simm.s32 $0x3  }
0x4: {  	s15 =	simm.s32 $0x80;
	s16 =	simm.s32 $0x100;
	s17 =	simm.s32 $0x180  }
0x5: {  	s18 =	simm.s32 $0x1;
	s19 =	simm.s32 $0x200;
	s20 =	simm.s32 $0x2  }
0x6: {  	s23 =	simm.s32 $0x20;
	s24 =	simm.s32 $0x10;
	s6 =	smul.u32 $0x500, s1  }
0x7: {  	s25 =	simm.s32 $0x0;
	[smem:$0x7FF] =	sst s3;
	s8 =	smul.u32 $0x50, s1  }
0x8: {  	s7 =	sand.u32 $0x1, s4;
	s4 =	sadd.s32 $0x3E00, s5;
	s30 =	smul.u32 $0xA00, s1  }
0x9: {  	s21 =	sshll.u32 s1, $0x6;
	_ =	strace $0x80000047;
	s9 =	sshll.u32 s7, $0x7  }
0xa: {  	p0 =	seq.s32 s7, $0x0;
	s7 =	ssub.s32 $0x2, s7;
	s21 =	sor.u32 $0x1C03, s21  }
0xb: {  	s6 =	sor.u32 s9, s6;
	s9 =	sadd.s32 $0x500, s8;
	s31 =	sshrl.u32 s7, $0x1  }
.Ltmp0:
0xc: {  	s6 =	sshrl.u32 s6, $0x3;
	s9 =	smov.u32 @p0 s8;
	(pc) =	sbr.rel .LBB2_1-.Ltmp0, $4  }
0xd: {  	s8 =	sshrl.u32 s30, $0x2;
	s12 =	ssub.s32 s7, s31;
	s11 =	sadd.s32 s6, s5  }
0xe: {  	s5 =	sshll.u32 s9, $0x4;
	s7 =	sadd.s32 s8, s2;
	s12 =	smax.u32 s12, $0x1  }
0xf: {  	s6 =	sadd.s32 s4, s5;
	s11 =	sadd.s32 $0xDE00, s11;
	s22 =	sshrl.u32 s7, $0x3  }
0x10: {  	v0 =	vimm.f32 $1.000000000e+00;
	v1 =	vimm.f32 $0.0e+00;
	s8 =	sadd.s32 $0x10, s6;
	s9 =	sadd.s32 $0x20, s6;
	s10 =	sadd.s32 $0x30, s6  }
.LBB2_4:
0x11: {  	_ =	swait.ge [sflag:s20], $0x80  }
0x12: {  	[sflag:s20] =	ssyncset.done $0x0  }
0x13: {  	[sflag:s20] =	ssyncadd.s32 $0xFFFFFF80  }
0x14: {  	_ =	swait.ge [sflag:s20], $0x80  }
0x15: {  	[sflag:s20] =	ssyncset.done $0x0  }
0x16: {  	[sflag:s20] =	ssyncadd.s32 $0xFFFFFF80  }
0x17: {  	_ =	swait.ge [sflag:s20], $0x80  }
0x18: {  	s25 =	sadd.s32 $0x1, s25;
	[sflag:s20] =	ssyncset.done $0x0  }
0x19: {  	p0 =	sne.s32 s25, s12;
	[sflag:s20] =	ssyncadd.s32 $0xFFFFFF80  }
.Ltmp1:
0x1a: {  	[bflag:$0x0] =	sbarrier.arrive $0xFFFF;
	(pc) =	sbr.rel @!p0 .LBB2_5-.Ltmp1, $4  }
0x1b: {  	[hbm:s11@s23], [sflag:s21] =	dma.strided [spmem:s22@s24], $0x50, s18, $0x10   }
0x1c: {  	_ =	swait.ge [sflag:s14], $0x50  }
0x1d: {  	[sflag:s14] =	ssyncset.done $0x0  }
0x1e: {  	[sflag:s14] =	ssyncadd.s32 $0xFFFFFFB0  }
.LBB2_1:
0x1f: {  	[tilespmem:$0x200] =	vst v0  }
0x20: {  	[tilespmem:$0x210] =	vst v0  }
0x21: {  	[tilespmem:$0x220] =	vst v0  }
0x22: {  	[tilespmem:$0x230] =	vst v0  }
0x23: {  	[tilespmem:$0x240] =	vst v0  }
0x24: {  	[tilespmem:$0x250] =	vst v0  }
0x25: {  	[tilespmem:$0x260] =	vst v0  }
0x26: {  	[tilespmem:$0x270] =	vst v0  }
0x27: {  	[tilespmem:$0x280] =	vst v1  }
0x28: {  	[tilespmem:$0x290] =	vst v1  }
0x29: {  	[tilespmem:$0x2A0] =	vst v1  }
0x2a: {  	[tilespmem:$0x2B0] =	vst v1  }
0x2b: {  	[tilespmem:$0x2C0] =	vst v1  }
0x2c: {  	[tilespmem:$0x2D0] =	vst v1  }
0x2d: {  	[tilespmem:$0x2E0] =	vst v1  }
0x2e: {  	[tilespmem:$0x2F0] =	vst v1  }
0x2f: {  	[tilespmem:$0x300] =	vst v1  }
0x30: {  	[tilespmem:$0x310] =	vst v1  }
0x31: {  	[tilespmem:$0x320] =	vst v1  }
0x32: {  	[tilespmem:$0x330] =	vst v1  }
0x33: {  	[tilespmem:$0x340] =	vst v1  }
0x34: {  	[tilespmem:$0x350] =	vst v1  }
0x35: {  	[tilespmem:$0x360] =	vst v1  }
0x36: {  	[tilespmem:$0x370] =	vst v1  }
0x37: {  	[tilespmem:$0x380] =	vst v1  }
0x38: {  	[tilespmem:$0x390] =	vst v1  }
0x39: {  	[tilespmem:$0x3A0] =	vst v1  }
0x3a: {  	[tilespmem:$0x3B0] =	vst v1  }
0x3b: {  	[tilespmem:$0x3C0] =	vst v1  }
0x3c: {  	[tilespmem:$0x3D0] =	vst v1  }
0x3d: {  	[tilespmem:$0x3E0] =	vst v1  }
0x3e: {  	[tilespmem:$0x3F0] =	vst v1  }
0x3f: {  	[tilespmem:$0x400] =	vst v1  }
0x40: {  	[tilespmem:$0x410] =	vst v1  }
0x41: {  	[tilespmem:$0x420] =	vst v1  }
0x42: {  	[tilespmem:$0x430] =	vst v1  }
0x43: {  	[tilespmem:$0x440] =	vst v1  }
0x44: {  	[tilespmem:$0x450] =	vst v1  }
0x45: {  	[tilespmem:$0x460] =	vst v1  }
0x46: {  	[tilespmem:$0x470] =	vst v1  }
0x47: {  	[tilespmem:$0x480] =	vst v1  }
0x48: {  	[tilespmem:$0x490] =	vst v1  }
0x49: {  	[tilespmem:$0x4A0] =	vst v1  }
0x4a: {  	[tilespmem:$0x4B0] =	vst v1  }
0x4b: {  	[tilespmem:$0x4C0] =	vst v1  }
0x4c: {  	[tilespmem:$0x4D0] =	vst v1  }
0x4d: {  	[tilespmem:$0x4E0] =	vst v1  }
0x4e: {  	[tilespmem:$0x4F0] =	vst v1  }
0x4f: {  	[spmem:s7] =	stream.linear.scatter [tilespmem:s13], [sflag:$0x3], $0x280, $0x38;
	[tilespmem:$0x780] =	vst v63  }
0x50: {  	_ =	swait.ge [sflag:s14], $0x280  }
0x51: {  	[sflag:s14] =	ssyncset.done $0x0  }
0x52: {  	[sflag:s14] =	ssyncadd.s32 $0xFFFFFD80  }
0x53: {  	[bflag:$0x0] =	sbarrier.arrive $0xFFFF  }
0x54: {  	[tilespmem:s3], [sflag:$0x1] =	stream.linear.gather [hbm4b:s6+s3], $0x80, $0x38;
	[tilespmem:$0x780] =	vst v63  }
0x55: {  	_ = 	snop  }
0x56: {  	[tilespmem:s15], [sflag:$0x1] =	stream.linear.gather [hbm4b:s8+s3], $0x80, $0x38;
	[tilespmem:$0x780] =	vst v63  }
0x57: {  	_ = 	snop  }
0x58: {  	[tilespmem:s16], [sflag:$0x1] =	stream.linear.gather [hbm4b:s9+s3], $0x80, $0x38;
	[tilespmem:$0x780] =	vst v63  }
0x59: {  	s26 =	simm.s32 $0x0  }
0x5a: {  	[tilespmem:s17], [sflag:$0x1] =	stream.linear.gather [hbm4b:s10+s3], $0x80, $0x38;
	[tilespmem:$0x780] =	vst v63  }
.LBB2_2:
0x5b: {  	_ =	swait.ge [sflag:s18], $0x80  }
0x5c: {  	p0 =	seq.s32 s26, $0x0;
	[sflag:s18] =	ssyncset.done $0x0  }
0x5d: {  	s28 =	simm.s32 @p0 $0x1;
	[sflag:s18] =	ssyncadd.s32 $0xFFFFFF80  }
0x5e: {  	[spmem:s2] =	stream.indirect.scatter.add.f32 [tilespmem:s19], [sflag:$0x2], $0x1, s3, s15, $0xb8;
	[tilespmem:$0x780] =	vst v63  }
0x5f: {  	_ =	swait.ge @p0 [sflag:s28], $0x80  }
0x60: {  	[sflag:s28] =	ssyncset.done @p0 $0x0  }
0x61: {  	s29 =	simm.s32 @p0 $0x200;
	[sflag:s28] =	ssyncadd.s32 @p0 $0xFFFFFF80;
	s28 =	simm.s32 @p0 $0x80  }
0x62: {  	[spmem:s2] =	stream.indirect.scatter.add.f32 @p0 [tilespmem:s29], [sflag:$0x2], $0x1, s28, s28, $0xb8;
	[tilespmem:$0x780] =	vst v63  }
0x63: {  	s30 =	sand.u32 @!p0 $0x40, s26;
	s28 =	simm.s32 @!p0 $0x2;
	s29 =	sadd.s32 @!p0 s26, s5  }
0x64: {  	s30 =	sadd.s32 @!p0 s30, s4;
	_ =	swait.ge @!p0 [sflag:s28], $0x80;
	s29 =	sand.u32 @!p0 $0xFFFFF80, s29  }
0x65: {  	s31 =	simm.s32 @!p0 $0x0;
	[sflag:s28] =	ssyncset.done @!p0 $0x0;
	s29 =	sadd.s32 @!p0 s29, s30  }
0x66: {  	s0 =	simm.s32 @!p0 $0x80;
	[sflag:s28] =	ssyncadd.s32 @!p0 $0xFFFFFF80;
	s30 =	sadd.s32 @!p0 $0x10, s29  }
0x67: {  	[tilespmem:s0], [sflag:$0x1] =	stream.linear.gather @!p0 [hbm4b:s30+s31], $0x80, $0x38;
	[tilespmem:$0x780] =	vst v63  }
0x68: {  	s30 =	simm.s32 @!p0 $0x1  }
0x69: {  	_ =	swait.ge @!p0 [sflag:s30], $0x80  }
0x6a: {  	[sflag:s30] =	ssyncset.done @!p0 $0x0  }
0x6b: {  	[sflag:s30] =	ssyncadd.s32 @!p0 $0xFFFFFF80;
	s30 =	simm.s32 @!p0 $0x200  }
0x6c: {  	[spmem:s2] =	stream.indirect.scatter.add.f32 @!p0 [tilespmem:s30], [sflag:$0x2], $0x1, s0, s0, $0xb8;
	[tilespmem:$0x780] =	vst v63  }
0x6d: {  	_ =	swait.ge @!p0 [sflag:s28], $0x80  }
0x6e: {  	s0 =	sadd.s32 @!p0 s26, s6;
	[sflag:s28] =	ssyncset.done @!p0 $0x0  }
0x6f: {  	s30 =	simm.s32 @!p0 $0x100;
	s0 =	sadd.s32 @!p0 $0x20, s0;
	[sflag:s28] =	ssyncadd.s32 @!p0 $0xFFFFFF80  }
0x70: {  	[tilespmem:s30], [sflag:$0x1] =	stream.linear.gather @!p0 [hbm4b:s0+s31], $0x80, $0x38;
	[tilespmem:$0x780] =	vst v63  }
0x71: {  	_ =	swait.ge [sflag:s18], $0x80  }
0x72: {  	[sflag:s18] =	ssyncset.done $0x0  }
0x73: {  	[sflag:s18] =	ssyncadd.s32 $0xFFFFFF80  }
0x74: {  	[spmem:s2] =	stream.indirect.scatter.add.f32 [tilespmem:s19], [sflag:$0x2], $0x1, s16, s15, $0xb8;
	[tilespmem:$0x780] =	vst v63  }
0x75: {  	_ =	swait.ge @!p0 [sflag:s28], $0x80  }
0x76: {  	[sflag:s28] =	ssyncset.done @!p0 $0x0  }
0x77: {  	s0 =	sadd.s32 @!p0 $0x30, s29;
	[sflag:s28] =	ssyncadd.s32 @!p0 $0xFFFFFF80;
	s28 =	simm.s32 @!p0 $0x180  }
0x78: {  	[tilespmem:s28], [sflag:$0x1] =	stream.linear.gather @!p0 [hbm4b:s0+s31], $0x80, $0x38;
	[tilespmem:$0x780] =	vst v63  }
0x79: {  	_ =	swait.ge [sflag:s18], $0x80  }
0x7a: {  	p0 =	seq.s32 s26, $0x4C0;
	[sflag:s18] =	ssyncset.done $0x0  }
.Ltmp2:
0x7b: {  	[sflag:s18] =	ssyncadd.s32 $0xFFFFFF80;
	(pc) =	sbr.rel @p0 .LBB2_4-.Ltmp2, $4  }
0x7c: {  	[spmem:s2] =	stream.indirect.scatter.add.f32 [tilespmem:s19], [sflag:$0x2], $0x1, s17, s15, $0xb8;
	[tilespmem:$0x780] =	vst v63  }
0x7d: {  	_ =	swait.ge [sflag:s20], $0x80  }
0x7e: {  	[sflag:s20] =	ssyncset.done $0x0  }
0x7f: {  	[sflag:s20] =	ssyncadd.s32 $0xFFFFFF80  }
.Ltmp3:
0x80: {  	(pc) =	sbr.rel .LBB2_2-.Ltmp3, $4  }
0x81: {  	_ = 	snop  }
0x82: {  	s0 =	sadd.s32 s26, s6  }
0x83: {  	s26 =	sadd.s32 $0x40, s26;
	s0 =	sadd.s32 $0x40, s0  }
0x84: {  	[tilespmem:s3], [sflag:$0x1] =	stream.linear.gather [hbm4b:s0+s3], $0x80, $0x38;
	[tilespmem:$0x780] =	vst v63  }
.LBB2_5:
0x85: {  	_ =	sfence.sel $0x180000  }
0x86: {  	[bflag:$0x0] =	sbarrier.arrive $0xFFFF  }
0x87: {  	_ =	strace $0x90000047  }
0x88: {  	[bflag:$0x2] =	sbarrier.arrive $0xFFFF  }
0x89: {  	p0 =	sne.s32 s1, $0x0;
	s0 =	rddreg [dreg:$0x2]  }
0x8a: {  	s0 =	sadd.s32 @!p0 $0x100000, s0  }
0x8b: {  	[sflag:s0] =	ssyncadd.tile.s32 @!p0 $0x1;
	_ =	shalt  }
.Lfunc_end2:
_tile_overlayer_lowered:
.L_overlay_start_2:
0x8c: {  	(tag) =	ssettag $0x2  }
0x8d: {  	s0 =	rddreg [dreg:$0x0];
	s2 =	stileid.u32  }
0x8e: {  	s1 =	rddreg [dreg:$0x1];
	p0 =	sne.s32 s2, $0x0  }
0x8f: {  	s3 =	rddreg [dreg:$0x2];
	[bflag:$0x3] =	sbarrier.arrive $0xFFFF;
	s2 =	simm.s32 @!p0 $0x1C03  }
0x90: {  	[timem:s3], [sflag:s2] =	dma.local @!p0 [hbm:s0], s1  }
0x91: {  	s0 =	simm.s32 @!p0 $0x3  }
0x92: {  	_ =	swait.ge @!p0 [sflag:s0], s1  }
0x93: {  	s1 =	ssub.s32 @!p0 $0x0, s1;
	[sflag:s0] =	ssyncset.done @!p0 $0x0  }
0x94: {  	[sflag:s0] =	ssyncadd.s32 @!p0 s1  }
0x95: {  	[bflag:$0x3] =	sbarrier.arrive $0xFFFF  }
0x96: {  	_ =	shalt  }

</sc_bundles>
